<compile_context>
chip_gen: v7x
topology: tpu7x:2x2x1
jax: 0.10.2.dev20260603
libtpu: 0.0.44.dev20260713+nightly
codegen_flags: <defaults>
</compile_context>

<pallas_src>
import functools
import jax
import jax.numpy as jnp
from jax import lax
from jax.experimental import pallas as pl
from jax.experimental.pallas import tpu as pltpu
from jax.experimental.pallas import tpu_sc as plsc

SCORE_THR = 0.05
IOU_THR = 0.3
MAX_OUT = 100
N = 5000
C = 21
B = 2
NC = 2
NS = 16
L = 16
NPAD = 5120
PT = NPAD // NS
G = PT // L
OUTP = 112
ZROW = B * NPAD


def _sc_body(del_h, prop_h, log_h, ltab_h, orow_h, gath_h,
             dl, pr, lg, by1, bx1, by2, bx2, bcl, bsc,
             orow, lrow, idxb, tvec, rbuf, shared, sem):
    c = lax.axis_index("c")
    s = lax.axis_index("s")
    base = s * PT
    c_off = c * NPAD

    iota = lax.iota(jnp.int32, L)
    iotaf = iota.astype(jnp.float32)
    zv = jnp.zeros((L,), jnp.float32)
    zi = jnp.zeros((L,), jnp.int32)

    copies = []
    for k in range(4):
        copies.append(pltpu.make_async_copy(
            del_h.at[c * 4 + k, pl.ds(base, PT)], dl.at[k], sem))
        copies.append(pltpu.make_async_copy(
            prop_h.at[c * 4 + k, pl.ds(base, PT)], pr.at[k], sem))
    for k in range(C):
        copies.append(pltpu.make_async_copy(
            log_h.at[c * C + k, pl.ds(base, PT)], lg.at[k], sem))
    for cp in copies:
        cp.start()
    for cp in copies:
        cp.wait()

    def init(j, _):
        orow[pl.ds(j * L, L)] = zv
        return 0
    lax.fori_loop(0, (OUTP * L) // L, init, 0)

    def init2(j, _):
        idxb[pl.ds(j * L, L)] = zi + ZROW
        return 0
    lax.fori_loop(0, OUTP // L, init2, 0)

    def prep(g, _):
        sl = pl.ds(g * L, L)
        d0 = dl[0, sl]; d1 = dl[1, sl]; d2 = dl[2, sl]; d3 = dl[3, sl]
        p0 = pr[0, sl]; p1 = pr[1, sl]; p2 = pr[2, sl]; p3 = pr[3, sl]
        h = p2 - p0
        w = p3 - p1
        cy = p0 + 0.5 * h + d0 * h
        cx = p1 + 0.5 * w + d1 * w
        h2 = h * jnp.exp(d2)
        w2 = w * jnp.exp(d3)
        y1 = cy - 0.5 * h2
        x1 = cx - 0.5 * w2
        y2 = cy + 0.5 * h2
        x2 = cx + 0.5 * w2
        m1 = lg[1, sl]
        cls = zi + 1
        for cc in range(2, C):
            v = lg[cc, sl]
            upd = v > m1
            m1 = jnp.where(upd, v, m1)
            cls = jnp.where(upd, cc, cls)
        m_all = jnp.maximum(lg[0, sl], m1)
        z = zv
        for cc in range(C):
            z = z + jnp.exp(lg[cc, sl] - m_all)
        sc = jnp.exp(m1 - m_all) / z
        gi = base + g * L + iota
        ok = (sc > SCORE_THR) & (gi < N)
        by1[sl] = y1
        bx1[sl] = x1
        by2[sl] = y2
        bx2[sl] = x2
        bcl[sl] = cls * 8192 + gi
        bsc[sl] = jnp.where(ok, sc, -1.0)
        return 0

    lax.fori_loop(0, G, prep, 0)

    BIGK = 2 ** 28

    def nms_it(it, carry):
        wy1, wx1, wy2, wx2, wclv, warea, wkeyv = carry

        NACC = 4
        accs = [(zv - 2.0, zi + BIGK) for _ in range(NACC)]
        for g in range(G):
            sl = pl.ds(g * L, L)
            y1 = by1[sl]; x1 = bx1[sl]; y2 = by2[sl]; x2 = bx2[sl]
            yy1 = jnp.maximum(wy1, y1)
            xx1 = jnp.maximum(wx1, x1)
            yy2 = jnp.minimum(wy2, y2)
            xx2 = jnp.minimum(wx2, x2)
            inter = jnp.maximum(yy2 - yy1, 0.0) * jnp.maximum(xx2 - xx1, 0.0)
            ar = (y2 - y1) * (x2 - x1)
            iou = inter / (warea + ar - inter + 1e-8)
            kv = bcl[sl]
            kill = (((kv >> 13) == wclv) & (iou > IOU_THR)) | (kv == wkeyv)
            sc2 = jnp.where(kill, -1.0, bsc[sl])
            bsc[sl] = sc2
            bv, bk = accs[g % NACC]
            upd = (sc2 > bv) | ((sc2 == bv) & (kv < bk))
            accs[g % NACC] = (jnp.where(upd, sc2, bv), jnp.where(upd, kv, bk))
        while len(accs) > 1:
            (v1, k1), (v2, k2) = accs[0], accs[1]
            upd = (v2 > v1) | ((v2 == v1) & (k2 < k1))
            accs = accs[2:] + [(jnp.where(upd, v2, v1), jnp.where(upd, k2, k1))]
        bv, bk = accs[0]
        m = jnp.max(bv)
        lkey = zi + jnp.min(jnp.where(bv == m, bk, BIGK))
        liv = (lkey & 8191) - base
        slot = jnp.where(iota == 0, zv + m,
               jnp.where(iota == 1, plsc.bitcast(lkey, jnp.float32),
               jnp.where(iota == 2, plsc.load_gather(by1, [liv]),
               jnp.where(iota == 3, plsc.load_gather(bx1, [liv]),
               jnp.where(iota == 4, plsc.load_gather(by2, [liv]),
                         plsc.load_gather(bx2, [liv]))))))
        tvec[...] = slot
        par = it & 1
        pltpu.sync_copy(tvec, shared.at[par, pl.ds(s * L, L)])
        plsc.subcore_barrier()
        pltpu.sync_copy(shared.at[par], rbuf)

        vals = plsc.load_gather(rbuf, [iota * L])
        keys = plsc.bitcast(plsc.load_gather(rbuf, [iota * L + 1]), jnp.int32)
        gm = jnp.max(vals)
        nkey = zi + jnp.min(jnp.where(vals == gm, keys, BIGK))
        wlane = zi + plsc.all_reduce_ffs(keys == nkey)

        def fw(f):
            return plsc.load_gather(rbuf, [wlane * L + f])

        ny1 = fw(2); nx1 = fw(3); ny2 = fw(4); nx2 = fw(5)
        ncl = nkey >> 13
        nwidx = nkey & 8191
        gmv = zv + gm
        validv = gmv > 0.0
        narea = (ny2 - ny1) * (nx2 - nx1)

        tagv = jnp.where(validv, zv + 1.0, zv)
        gidxf = jnp.where(validv, nwidx + c_off, zi + ZROW).astype(jnp.float32)
        nclf = ncl.astype(jnp.float32)
        mk = [jnp.where(iota == j, zv + 1.0, zv) for j in range(10)]
        row = (((mk[0] * ny1 + mk[1] * nx1) + (mk[2] * ny2 + mk[3] * nx2))
               + ((mk[5] * gmv + mk[7] * nclf) * 1.0)) * tagv
        row = row + (mk[4] + mk[6] + mk[8]) * tagv + mk[9] * gidxf
        orow[pl.ds(it * L, L)] = row
        return ny1, nx1, ny2, nx2, ncl, narea, nkey

    lax.fori_loop(0, MAX_OUT, nms_it,
                  (zv, zv, zv, zv, zi - 1, zv, zi - 1))

    @pl.when(s == 0)
    def _():
        for j in range(OUTP // L):
            gidx = plsc.load_gather(orow, [(j * L + iota) * L + 9])
            idxb[pl.ds(j * L, L)] = gidx.astype(jnp.int32)
        pltpu.async_copy(ltab_h.at[idxb], lrow, sem).wait()
        pltpu.sync_copy(orow, orow_h.at[c])
        pltpu.sync_copy(lrow, gath_h.at[c])


@functools.cache
def _build_sc_nms():
  mesh = plsc.VectorSubcoreMesh(core_axis_name="c", subcore_axis_name="s",
                                num_cores=NC, num_subcores=NS)
  return functools.partial(
    pl.kernel,
    out_type=(jax.ShapeDtypeStruct((B, OUTP * L), jnp.float32),
              jax.ShapeDtypeStruct((B, OUTP, 32), jnp.float32)),
    mesh=mesh,
    compiler_params=pltpu.CompilerParams(use_tc_tiling_on_sc=False,
                                         needs_layout_passes=False),
    scratch_types=[
        pltpu.VMEM((4, PT), jnp.float32),
        pltpu.VMEM((4, PT), jnp.float32),
        pltpu.VMEM((C, PT), jnp.float32),
        pltpu.VMEM((PT,), jnp.float32),
        pltpu.VMEM((PT,), jnp.float32),
        pltpu.VMEM((PT,), jnp.float32),
        pltpu.VMEM((PT,), jnp.float32),
        pltpu.VMEM((PT,), jnp.int32),
        pltpu.VMEM((PT,), jnp.float32),
        pltpu.VMEM((OUTP * L,), jnp.float32),
        pltpu.VMEM((OUTP, 32), jnp.float32),
        pltpu.VMEM((OUTP,), jnp.int32),
        pltpu.VMEM((L,), jnp.float32),
        pltpu.VMEM((NS * L,), jnp.float32),
        pltpu.VMEM_SHARED((2, NS * L), jnp.float32),
        pltpu.SemaphoreType.DMA,
    ],
  )(_sc_body)


@jax.jit
def kernel(deltas, class_logits, proposals):
    pad_n = ((0, 0), (0, 0), (0, NPAD - N))
    d_t = jnp.pad(jnp.transpose(deltas, (0, 2, 1)), pad_n).reshape(B * 4, NPAD)
    p_t = jnp.pad(jnp.transpose(proposals[..., :4], (0, 2, 1)), pad_n).reshape(B * 4, NPAD)
    l_t = jnp.pad(jnp.transpose(class_logits, (0, 2, 1)), pad_n).reshape(B * C, NPAD)
    ltab = jnp.zeros((B * NPAD + 8, 32), jnp.float32)
    ltab = ltab.at[:B * NPAD, :C].set(
        jnp.pad(class_logits, ((0, 0), (0, NPAD - N), (0, 0))).reshape(B * NPAD, C))

    orow_o, gath_o = _build_sc_nms()(d_t, p_t, l_t, ltab)
    orow = orow_o.reshape(B, OUTP, L)
    boxes_out = orow[:, :MAX_OUT, 0:5]
    scores_out = orow[:, :MAX_OUT, 5:7]
    ids_out = orow[:, :MAX_OUT, 7:9].astype(jnp.int32)
    logits_out = jnp.concatenate(
        [gath_o[:, :MAX_OUT, :C], orow[:, :MAX_OUT, 4:5]], axis=-1)
    return boxes_out, scores_out, ids_out, logits_out

# --- scband reference (transcript-rebuilt; emitter-appended) ---
"""Pipeline reference for scband-proposal-to-detect-box-26800595927042 (READ-ONLY COPY).

The authoritative reference and input builder live on the scoring server;
editing this copy changes nothing except your own understanding.
"""

import jax, jax.numpy as jnp
import numpy as np
from jax import lax

SCORE_THRESHOLD = 0.05
OUTPUT_BOX_NUM = 100
IOU_THRESHOLD = 0.3


def setup_inputs(seed: int = 0) -> dict:
    key = jax.random.key(seed)
    k1, k2, k3, k4 = jax.random.split(key, 4)
    B, N, C = 2, 5000, 21
    deltas = jax.random.normal(k1, (B, N, 4), dtype=jnp.float32) * 0.1
    class_logits = jax.random.normal(k2, (B, N, C), dtype=jnp.float32) * 2.0
    centers = jax.random.uniform(k3, (B, N, 2), minval=50.0, maxval=450.0)
    wh = jax.random.uniform(k4, (B, N, 2), minval=10.0, maxval=120.0)
    y1x1 = centers - wh / 2.0
    y2x2 = centers + wh / 2.0
    tag = jnp.ones((B, N, 1), dtype=jnp.float32)
    proposals = jnp.concatenate([y1x1[..., 0:1], y1x1[..., 1:2], y2x2[..., 0:1], y2x2[..., 1:2], tag], axis=-1).astype(jnp.float32)
    return {"deltas": deltas, "class_logits": class_logits, "proposals": proposals}


def apply_regress(deltas, boxes):
    h = boxes[:, 2] - boxes[:, 0]
    w = boxes[:, 3] - boxes[:, 1]
    cy = boxes[:, 0] + 0.5 * h
    cx = boxes[:, 1] + 0.5 * w
    cy = cy + deltas[:, 0] * h
    cx = cx + deltas[:, 1] * w
    h = h * jnp.exp(deltas[:, 2])
    w = w * jnp.exp(deltas[:, 3])
    return jnp.stack([cy - 0.5 * h, cx - 0.5 * w, cy + 0.5 * h, cx + 0.5 * w], axis=1)


def nms_single(boxes, scores, max_out, iou_thr):
    # fixed-shape iterative NMS: returns int32[max_out] indices, -1 padded
    areas = (boxes[:, 2] - boxes[:, 0]) * (boxes[:, 3] - boxes[:, 1])

    def body(scores_c, _):
        i = jnp.argmax(scores_c)
        sel = scores_c[i] > -jnp.inf
        box = boxes[i]
        yy1 = jnp.maximum(box[0], boxes[:, 0])
        xx1 = jnp.maximum(box[1], boxes[:, 1])
        yy2 = jnp.minimum(box[2], boxes[:, 2])
        xx2 = jnp.minimum(box[3], boxes[:, 3])
        inter = jnp.maximum(yy2 - yy1, 0.0) * jnp.maximum(xx2 - xx1, 0.0)
        area_i = (box[2] - box[0]) * (box[3] - box[1])
        iou = inter / (area_i + areas - inter + 1e-8)
        suppress = iou > iou_thr
        new_scores = jnp.where(suppress, -jnp.inf, scores_c).at[i].set(-jnp.inf)
        idx = jnp.where(sel, i, -1).astype(jnp.int32)
        return new_scores, idx

    _, idxs = lax.scan(body, scores, None, length=max_out)
    return idxs


def detect_boxes_single(boxes, logits, max_out, iou_thr, score_thr):
    probs = jax.nn.softmax(logits, axis=-1)
    class_scores = jnp.max(probs[:, 1:], axis=-1)
    class_ids = jnp.argmax(logits[:, 1:], axis=-1) + 1
    C = logits.shape[-1]
    all_idx = []
    for c in range(1, C):
        mask = (class_ids == c) & (class_scores > score_thr)
        sc = jnp.where(mask, class_scores, -jnp.inf)
        all_idx.append(nms_single(boxes, sc, max_out, iou_thr))
    all_idx = jnp.concatenate(all_idx)
    valid = all_idx >= 0
    safe = jnp.maximum(all_idx, 0)
    cand = jnp.where(valid, class_scores[safe], -jnp.inf)
    top_vals, top_pos = lax.top_k(cand, max_out)
    fsel = safe[top_pos]
    fvalid = top_vals > -jnp.inf
    tagf = fvalid.astype(jnp.float32)[:, None]
    ob = jnp.where(fvalid[:, None], boxes[fsel], 0.0)
    osc = jnp.where(fvalid, class_scores[fsel], 0.0)[:, None]
    oid = jnp.where(fvalid, class_ids[fsel], 0).astype(jnp.int32)[:, None]
    olog = jnp.where(fvalid[:, None], logits[fsel], 0.0)
    boxes_out = jnp.concatenate([ob, tagf], axis=1)
    scores_out = jnp.concatenate([osc, tagf], axis=1)
    ids_out = jnp.concatenate([oid, fvalid.astype(jnp.int32)[:, None]], axis=1)
    logits_out = jnp.concatenate([olog, tagf], axis=1)
    return boxes_out, scores_out, ids_out, logits_out


def reference(deltas, class_logits, proposals):
    boxes = jax.vmap(apply_regress)(deltas, proposals[..., :4])
    f = lambda b, l: detect_boxes_single(b, l, OUTPUT_BOX_NUM, IOU_THRESHOLD, SCORE_THRESHOLD)
    return jax.vmap(f)(boxes, class_logits)

if __name__ == "__main__":
    import jax
    _d = setup_inputs()
    print(jax.jit(kernel)(*tuple(_d.values())))

</pallas_src>

<mosaic_0001>
#map = affine_map<(d0, d1) -> (0, 0)>
#map1 = affine_map<(d0, d1) -> (0, 0, 0)>
module attributes {stable_mosaic.version = 14 : i64} {
  func.func @_sc_body(%arg0: i32, %arg1: i32, %arg2: memref<8x5120xf32, #tpu.memory_space<hbm>>, %arg3: memref<8x5120xf32, #tpu.memory_space<hbm>>, %arg4: memref<42x5120xf32, #tpu.memory_space<hbm>>, %arg5: memref<10248x32xf32, #tpu.memory_space<hbm>>, %arg6: memref<2x1792xf32, #tpu.memory_space<hbm>>, %arg7: memref<2x112x32xf32, #tpu.memory_space<hbm>>, %arg8: memref<4x320xf32, #tpu.memory_space<vmem>>, %arg9: memref<4x320xf32, #tpu.memory_space<vmem>>, %arg10: memref<21x320xf32, #tpu.memory_space<vmem>>, %arg11: memref<320xf32, #tpu.memory_space<vmem>>, %arg12: memref<320xf32, #tpu.memory_space<vmem>>, %arg13: memref<320xf32, #tpu.memory_space<vmem>>, %arg14: memref<320xf32, #tpu.memory_space<vmem>>, %arg15: memref<320xi32, #tpu.memory_space<vmem>>, %arg16: memref<320xf32, #tpu.memory_space<vmem>>, %arg17: memref<1792xf32, #tpu.memory_space<vmem>>, %arg18: memref<112x32xf32, #tpu.memory_space<vmem>>, %arg19: memref<112xi32, #tpu.memory_space<vmem>>, %arg20: memref<16xf32, #tpu.memory_space<vmem>>, %arg21: memref<256xf32, #tpu.memory_space<vmem>>, %arg22: memref<2x256xf32, #tpu.memory_space<vmem_shared>>, %arg23: memref<!tpu.dma_semaphore, #tpu.memory_space<semaphore_mem>>) attributes {dimension_semantics = [#tpu.dimension_semantics<core_parallel>, #tpu.dimension_semantics<subcore_parallel>], iteration_bounds = array<i64: 2, 16>, scalar_prefetch = 0 : i64, scratch_operands = 16 : i64, tpu.core_type = #tpu.core_type<sc_vector_subcore>, window_params = [{transform_indices = #map}, {transform_indices = #map}, {transform_indices = #map}, {transform_indices = #map}, {transform_indices = #map}, {transform_indices = #map1}]} {
    %mul3A = arith.constant 320 : i32
    %mul3A_0 = arith.muli %arg1, %mul3A : i32
    %mul3A_1 = arith.constant 5120 : i32
    %mul3A_2 = arith.muli %arg0, %mul3A_1 : i32
    %iota3A = tpu.iota {dimensions = array<i32: 0>} : vector<16xi32>
    %convert_element_type3A = arith.sitofp %iota3A : vector<16xi32> to vector<16xf32>
    %broadcast_in_dim3A = arith.constant 0.000000e+00 : f32
    %broadcast_in_dim3A_3 = vector.broadcast %broadcast_in_dim3A : f32 to vector<16xf32>
    %broadcast_in_dim3A_4 = arith.constant 0 : i32
    %broadcast_in_dim3A_5 = vector.broadcast %broadcast_in_dim3A_4 : i32 to vector<16xi32>
    %mul3A_6 = arith.constant 4 : i32
    %mul3A_7 = arith.muli %arg0, %mul3A_6 : i32
    %add3A = arith.constant 0 : i32
    %add3A_8 = arith.addi %mul3A_7, %add3A : i32
    %mul3A_9 = arith.constant 4 : i32
    %mul3A_10 = arith.muli %arg0, %mul3A_9 : i32
    %add3A_11 = arith.constant 0 : i32
    %add3A_12 = arith.addi %mul3A_10, %add3A_11 : i32
    %mul3A_13 = arith.constant 4 : i32
    %mul3A_14 = arith.muli %arg0, %mul3A_13 : i32
    %add3A_15 = arith.constant 1 : i32
    %add3A_16 = arith.addi %mul3A_14, %add3A_15 : i32
    %mul3A_17 = arith.constant 4 : i32
    %mul3A_18 = arith.muli %arg0, %mul3A_17 : i32
    %add3A_19 = arith.constant 1 : i32
    %add3A_20 = arith.addi %mul3A_18, %add3A_19 : i32
    %mul3A_21 = arith.constant 4 : i32
    %mul3A_22 = arith.muli %arg0, %mul3A_21 : i32
    %add3A_23 = arith.constant 2 : i32
    %add3A_24 = arith.addi %mul3A_22, %add3A_23 : i32
    %mul3A_25 = arith.constant 4 : i32
    %mul3A_26 = arith.muli %arg0, %mul3A_25 : i32
    %add3A_27 = arith.constant 2 : i32
    %add3A_28 = arith.addi %mul3A_26, %add3A_27 : i32
    %mul3A_29 = arith.constant 4 : i32
    %mul3A_30 = arith.muli %arg0, %mul3A_29 : i32
    %add3A_31 = arith.constant 3 : i32
    %add3A_32 = arith.addi %mul3A_30, %add3A_31 : i32
    %mul3A_33 = arith.constant 4 : i32
    %mul3A_34 = arith.muli %arg0, %mul3A_33 : i32
    %add3A_35 = arith.constant 3 : i32
    %add3A_36 = arith.addi %mul3A_34, %add3A_35 : i32
    %mul3A_37 = arith.constant 21 : i32
    %mul3A_38 = arith.muli %arg0, %mul3A_37 : i32
    %add3A_39 = arith.constant 0 : i32
    %add3A_40 = arith.addi %mul3A_38, %add3A_39 : i32
    %mul3A_41 = arith.constant 21 : i32
    %mul3A_42 = arith.muli %arg0, %mul3A_41 : i32
    %add3A_43 = arith.constant 1 : i32
    %add3A_44 = arith.addi %mul3A_42, %add3A_43 : i32
    %mul3A_45 = arith.constant 21 : i32
    %mul3A_46 = arith.muli %arg0, %mul3A_45 : i32
    %add3A_47 = arith.constant 2 : i32
    %add3A_48 = arith.addi %mul3A_46, %add3A_47 : i32
    %mul3A_49 = arith.constant 21 : i32
    %mul3A_50 = arith.muli %arg0, %mul3A_49 : i32
    %add3A_51 = arith.constant 3 : i32
    %add3A_52 = arith.addi %mul3A_50, %add3A_51 : i32
    %mul3A_53 = arith.constant 21 : i32
    %mul3A_54 = arith.muli %arg0, %mul3A_53 : i32
    %add3A_55 = arith.constant 4 : i32
    %add3A_56 = arith.addi %mul3A_54, %add3A_55 : i32
    %mul3A_57 = arith.constant 21 : i32
    %mul3A_58 = arith.muli %arg0, %mul3A_57 : i32
    %add3A_59 = arith.constant 5 : i32
    %add3A_60 = arith.addi %mul3A_58, %add3A_59 : i32
    %mul3A_61 = arith.constant 21 : i32
    %mul3A_62 = arith.muli %arg0, %mul3A_61 : i32
    %add3A_63 = arith.constant 6 : i32
    %add3A_64 = arith.addi %mul3A_62, %add3A_63 : i32
    %mul3A_65 = arith.constant 21 : i32
    %mul3A_66 = arith.muli %arg0, %mul3A_65 : i32
    %add3A_67 = arith.constant 7 : i32
    %add3A_68 = arith.addi %mul3A_66, %add3A_67 : i32
    %mul3A_69 = arith.constant 21 : i32
    %mul3A_70 = arith.muli %arg0, %mul3A_69 : i32
    %add3A_71 = arith.constant 8 : i32
    %add3A_72 = arith.addi %mul3A_70, %add3A_71 : i32
    %mul3A_73 = arith.constant 21 : i32
    %mul3A_74 = arith.muli %arg0, %mul3A_73 : i32
    %add3A_75 = arith.constant 9 : i32
    %add3A_76 = arith.addi %mul3A_74, %add3A_75 : i32
    %mul3A_77 = arith.constant 21 : i32
    %mul3A_78 = arith.muli %arg0, %mul3A_77 : i32
    %add3A_79 = arith.constant 10 : i32
    %add3A_80 = arith.addi %mul3A_78, %add3A_79 : i32
    %mul3A_81 = arith.constant 21 : i32
    %mul3A_82 = arith.muli %arg0, %mul3A_81 : i32
    %add3A_83 = arith.constant 11 : i32
    %add3A_84 = arith.addi %mul3A_82, %add3A_83 : i32
    %mul3A_85 = arith.constant 21 : i32
    %mul3A_86 = arith.muli %arg0, %mul3A_85 : i32
    %add3A_87 = arith.constant 12 : i32
    %add3A_88 = arith.addi %mul3A_86, %add3A_87 : i32
    %mul3A_89 = arith.constant 21 : i32
    %mul3A_90 = arith.muli %arg0, %mul3A_89 : i32
    %add3A_91 = arith.constant 13 : i32
    %add3A_92 = arith.addi %mul3A_90, %add3A_91 : i32
    %mul3A_93 = arith.constant 21 : i32
    %mul3A_94 = arith.muli %arg0, %mul3A_93 : i32
    %add3A_95 = arith.constant 14 : i32
    %add3A_96 = arith.addi %mul3A_94, %add3A_95 : i32
    %mul3A_97 = arith.constant 21 : i32
    %mul3A_98 = arith.muli %arg0, %mul3A_97 : i32
    %add3A_99 = arith.constant 15 : i32
    %add3A_100 = arith.addi %mul3A_98, %add3A_99 : i32
    %mul3A_101 = arith.constant 21 : i32
    %mul3A_102 = arith.muli %arg0, %mul3A_101 : i32
    %add3A_103 = arith.constant 16 : i32
    %add3A_104 = arith.addi %mul3A_102, %add3A_103 : i32
    %mul3A_105 = arith.constant 21 : i32
    %mul3A_106 = arith.muli %arg0, %mul3A_105 : i32
    %add3A_107 = arith.constant 17 : i32
    %add3A_108 = arith.addi %mul3A_106, %add3A_107 : i32
    %mul3A_109 = arith.constant 21 : i32
    %mul3A_110 = arith.muli %arg0, %mul3A_109 : i32
    %add3A_111 = arith.constant 18 : i32
    %add3A_112 = arith.addi %mul3A_110, %add3A_111 : i32
    %mul3A_113 = arith.constant 21 : i32
    %mul3A_114 = arith.muli %arg0, %mul3A_113 : i32
    %add3A_115 = arith.constant 19 : i32
    %add3A_116 = arith.addi %mul3A_114, %add3A_115 : i32
    %mul3A_117 = arith.constant 21 : i32
    %mul3A_118 = arith.muli %arg0, %mul3A_117 : i32
    %add3A_119 = arith.constant 20 : i32
    %add3A_120 = arith.addi %mul3A_118, %add3A_119 : i32
    %dma_start3A = arith.constant 0 : i32
    %dma_start3A_121 = arith.constant 0 : i32
    %dma_start3A_122 = tpu.memref_slice %arg8[%dma_start3A, %dma_start3A_121] : memref<4x320xf32, #tpu.memory_space<vmem>> -> memref<1x320xf32, #tpu.memory_space<vmem>>
    %dma_start3A_123 = tpu.memref_squeeze %dma_start3A_122 : memref<1x320xf32, #tpu.memory_space<vmem>> -> memref<320xf32, #tpu.memory_space<vmem>>
    %dma_start3A_124 = tpu.memref_slice %arg2[%add3A_8, %mul3A_0] : memref<8x5120xf32, #tpu.memory_space<hbm>> -> memref<1x320xf32, #tpu.memory_space<hbm>>
    %dma_start3A_125 = tpu.memref_squeeze %dma_start3A_124 : memref<1x320xf32, #tpu.memory_space<hbm>> -> memref<320xf32, #tpu.memory_space<hbm>>
    %dma_start3A_126 = arith.constant 0 : i32
    %dma_start3A_127 = tpu.memref_slice %arg8[%dma_start3A, %dma_start3A_126] : memref<4x320xf32, #tpu.memory_space<vmem>> -> memref<1x320xf32, #tpu.memory_space<vmem>>
    %dma_start3A_128 = tpu.memref_squeeze %dma_start3A_127 : memref<1x320xf32, #tpu.memory_space<vmem>> -> memref<320xf32, #tpu.memory_space<vmem>>
    %dma_start3A_129 = tpu.memref_slice %arg2[%add3A_8, %mul3A_0] : memref<8x5120xf32, #tpu.memory_space<hbm>> -> memref<1x320xf32, #tpu.memory_space<hbm>>
    %dma_start3A_130 = tpu.memref_squeeze %dma_start3A_129 : memref<1x320xf32, #tpu.memory_space<hbm>> -> memref<320xf32, #tpu.memory_space<hbm>>
    tpu.enqueue_dma source(%dma_start3A_130 : memref<320xf32, #tpu.memory_space<hbm>>) target(%dma_start3A_128 : memref<320xf32, #tpu.memory_space<vmem>>) target_semaphore(%arg23 : memref<!tpu.dma_semaphore, #tpu.memory_space<semaphore_mem>>)
    %dma_start3A_131 = arith.constant 0 : i32
    %dma_start3A_132 = arith.constant 0 : i32
    %dma_start3A_133 = tpu.memref_slice %arg9[%dma_start3A_131, %dma_start3A_132] : memref<4x320xf32, #tpu.memory_space<vmem>> -> memref<1x320xf32, #tpu.memory_space<vmem>>
    %dma_start3A_134 = tpu.memref_squeeze %dma_start3A_133 : memref<1x320xf32, #tpu.memory_space<vmem>> -> memref<320xf32, #tpu.memory_space<vmem>>
    %dma_start3A_135 = tpu.memref_slice %arg3[%add3A_12, %mul3A_0] : memref<8x5120xf32, #tpu.memory_space<hbm>> -> memref<1x320xf32, #tpu.memory_space<hbm>>
    %dma_start3A_136 = tpu.memref_squeeze %dma_start3A_135 : memref<1x320xf32, #tpu.memory_space<hbm>> -> memref<320xf32, #tpu.memory_space<hbm>>
    %dma_start3A_137 = arith.constant 0 : i32
    %dma_start3A_138 = tpu.memref_slice %arg9[%dma_start3A_131, %dma_start3A_137] : memref<4x320xf32, #tpu.memory_space<vmem>> -> memref<1x320xf32, #tpu.memory_space<vmem>>
    %dma_start3A_139 = tpu.memref_squeeze %dma_start3A_138 : memref<1x320xf32, #tpu.memory_space<vmem>> -> memref<320xf32, #tpu.memory_space<vmem>>
    %dma_start3A_140 = tpu.memref_slice %arg3[%add3A_12, %mul3A_0] : memref<8x5120xf32, #tpu.memory_space<hbm>> -> memref<1x320xf32, #tpu.memory_space<hbm>>
    %dma_start3A_141 = tpu.memref_squeeze %dma_start3A_140 : memref<1x320xf32, #tpu.memory_space<hbm>> -> memref<320xf32, #tpu.memory_space<hbm>>
    tpu.enqueue_dma source(%dma_start3A_141 : memref<320xf32, #tpu.memory_space<hbm>>) target(%dma_start3A_139 : memref<320xf32, #tpu.memory_space<vmem>>) target_semaphore(%arg23 : memref<!tpu.dma_semaphore, #tpu.memory_space<semaphore_mem>>)
    %dma_start3A_142 = arith.constant 1 : i32
    %dma_start3A_143 = arith.constant 0 : i32
    %dma_start3A_144 = tpu.memref_slice %arg8[%dma_start3A_142, %dma_start3A_143] : memref<4x320xf32, #tpu.memory_space<vmem>> -> memref<1x320xf32, #tpu.memory_space<vmem>>
    %dma_start3A_145 = tpu.memref_squeeze %dma_start3A_144 : memref<1x320xf32, #tpu.memory_space<vmem>> -> memref<320xf32, #tpu.memory_space<vmem>>
    %dma_start3A_146 = tpu.memref_slice %arg2[%add3A_16, %mul3A_0] : memref<8x5120xf32, #tpu.memory_space<hbm>> -> memref<1x320xf32, #tpu.memory_space<hbm>>
    %dma_start3A_147 = tpu.memref_squeeze %dma_start3A_146 : memref<1x320xf32, #tpu.memory_space<hbm>> -> memref<320xf32, #tpu.memory_space<hbm>>
    %dma_start3A_148 = arith.constant 0 : i32
    %dma_start3A_149 = tpu.memref_slice %arg8[%dma_start3A_142, %dma_start3A_148] : memref<4x320xf32, #tpu.memory_space<vmem>> -> memref<1x320xf32, #tpu.memory_space<vmem>>
    %dma_start3A_150 = tpu.memref_squeeze %dma_start3A_149 : memref<1x320xf32, #tpu.memory_space<vmem>> -> memref<320xf32, #tpu.memory_space<vmem>>
    %dma_start3A_151 = tpu.memref_slice %arg2[%add3A_16, %mul3A_0] : memref<8x5120xf32, #tpu.memory_space<hbm>> -> memref<1x320xf32, #tpu.memory_space<hbm>>
    %dma_start3A_152 = tpu.memref_squeeze %dma_start3A_151 : memref<1x320xf32, #tpu.memory_space<hbm>> -> memref<320xf32, #tpu.memory_space<hbm>>
    tpu.enqueue_dma source(%dma_start3A_152 : memref<320xf32, #tpu.memory_space<hbm>>) target(%dma_start3A_150 : memref<320xf32, #tpu.memory_space<vmem>>) target_semaphore(%arg23 : memref<!tpu.dma_semaphore, #tpu.memory_space<semaphore_mem>>)
    %dma_start3A_153 = arith.constant 1 : i32
    %dma_start3A_154 = arith.constant 0 : i32
    %dma_start3A_155 = tpu.memref_slice %arg9[%dma_start3A_153, %dma_start3A_154] : memref<4x320xf32, #tpu.memory_space<vmem>> -> memref<1x320xf32, #tpu.memory_space<vmem>>
    %dma_start3A_156 = tpu.memref_squeeze %dma_start3A_155 : memref<1x320xf32, #tpu.memory_space<vmem>> -> memref<320xf32, #tpu.memory_space<vmem>>
    %dma_start3A_157 = tpu.memref_slice %arg3[%add3A_20, %mul3A_0] : memref<8x5120xf32, #tpu.memory_space<hbm>> -> memref<1x320xf32, #tpu.memory_space<hbm>>
    %dma_start3A_158 = tpu.memref_squeeze %dma_start3A_157 : memref<1x320xf32, #tpu.memory_space<hbm>> -> memref<320xf32, #tpu.memory_space<hbm>>
    %dma_start3A_159 = arith.constant 0 : i32
    %dma_start3A_160 = tpu.memref_slice %arg9[%dma_start3A_153, %dma_start3A_159] : memref<4x320xf32, #tpu.memory_space<vmem>> -> memref<1x320xf32, #tpu.memory_space<vmem>>
    %dma_start3A_161 = tpu.memref_squeeze %dma_start3A_160 : memref<1x320xf32, #tpu.memory_space<vmem>> -> memref<320xf32, #tpu.memory_space<vmem>>
    %dma_start3A_162 = tpu.memref_slice %arg3[%add3A_20, %mul3A_0] : memref<8x5120xf32, #tpu.memory_space<hbm>> -> memref<1x320xf32, #tpu.memory_space<hbm>>
    %dma_start3A_163 = tpu.memref_squeeze %dma_start3A_162 : memref<1x320xf32, #tpu.memory_space<hbm>> -> memref<320xf32, #tpu.memory_space<hbm>>
    tpu.enqueue_dma source(%dma_start3A_163 : memref<320xf32, #tpu.memory_space<hbm>>) target(%dma_start3A_161 : memref<320xf32, #tpu.memory_space<vmem>>) target_semaphore(%arg23 : memref<!tpu.dma_semaphore, #tpu.memory_space<semaphore_mem>>)
    %dma_start3A_164 = arith.constant 2 : i32
    %dma_start3A_165 = arith.constant 0 : i32
    %dma_start3A_166 = tpu.memref_slice %arg8[%dma_start3A_164, %dma_start3A_165] : memref<4x320xf32, #tpu.memory_space<vmem>> -> memref<1x320xf32, #tpu.memory_space<vmem>>
    %dma_start3A_167 = tpu.memref_squeeze %dma_start3A_166 : memref<1x320xf32, #tpu.memory_space<vmem>> -> memref<320xf32, #tpu.memory_space<vmem>>
    %dma_start3A_168 = tpu.memref_slice %arg2[%add3A_24, %mul3A_0] : memref<8x5120xf32, #tpu.memory_space<hbm>> -> memref<1x320xf32, #tpu.memory_space<hbm>>
    %dma_start3A_169 = tpu.memref_squeeze %dma_start3A_168 : memref<1x320xf32, #tpu.memory_space<hbm>> -> memref<320xf32, #tpu.memory_space<hbm>>
    %dma_start3A_170 = arith.constant 0 : i32
    %dma_start3A_171 = tpu.memref_slice %arg8[%dma_start3A_164, %dma_start3A_170] : memref<4x320xf32, #tpu.memory_space<vmem>> -> memref<1x320xf32, #tpu.memory_space<vmem>>
    %dma_start3A_172 = tpu.memref_squeeze %dma_start3A_171 : memref<1x320xf32, #tpu.memory_space<vmem>> -> memref<320xf32, #tpu.memory_space<vmem>>
    %dma_start3A_173 = tpu.memref_slice %arg2[%add3A_24, %mul3A_0] : memref<8x5120xf32, #tpu.memory_space<hbm>> -> memref<1x320xf32, #tpu.memory_space<hbm>>
    %dma_start3A_174 = tpu.memref_squeeze %dma_start3A_173 : memref<1x320xf32, #tpu.memory_space<hbm>> -> memref<320xf32, #tpu.memory_space<hbm>>
    tpu.enqueue_dma source(%dma_start3A_174 : memref<320xf32, #tpu.memory_space<hbm>>) target(%dma_start3A_172 : memref<320xf32, #tpu.memory_space<vmem>>) target_semaphore(%arg23 : memref<!tpu.dma_semaphore, #tpu.memory_space<semaphore_mem>>)
    %dma_start3A_175 = arith.constant 2 : i32
    %dma_start3A_176 = arith.constant 0 : i32
    %dma_start3A_177 = tpu.memref_slice %arg9[%dma_start3A_175, %dma_start3A_176] : memref<4x320xf32, #tpu.memory_space<vmem>> -> memref<1x320xf32, #tpu.memory_space<vmem>>
    %dma_start3A_178 = tpu.memref_squeeze %dma_start3A_177 : memref<1x320xf32, #tpu.memory_space<vmem>> -> memref<320xf32, #tpu.memory_space<vmem>>
    %dma_start3A_179 = tpu.memref_slice %arg3[%add3A_28, %mul3A_0] : memref<8x5120xf32, #tpu.memory_space<hbm>> -> memref<1x320xf32, #tpu.memory_space<hbm>>
    %dma_start3A_180 = tpu.memref_squeeze %dma_start3A_179 : memref<1x320xf32, #tpu.memory_space<hbm>> -> memref<320xf32, #tpu.memory_space<hbm>>
    %dma_start3A_181 = arith.constant 0 : i32
    %dma_start3A_182 = tpu.memref_slice %arg9[%dma_start3A_175, %dma_start3A_181] : memref<4x320xf32, #tpu.memory_space<vmem>> -> memref<1x320xf32, #tpu.memory_space<vmem>>
    %dma_start3A_183 = tpu.memref_squeeze %dma_start3A_182 : memref<1x320xf32, #tpu.memory_space<vmem>> -> memref<320xf32, #tpu.memory_space<vmem>>
    %dma_start3A_184 = tpu.memref_slice %arg3[%add3A_28, %mul3A_0] : memref<8x5120xf32, #tpu.memory_space<hbm>> -> memref<1x320xf32, #tpu.memory_space<hbm>>
    %dma_start3A_185 = tpu.memref_squeeze %dma_start3A_184 : memref<1x320xf32, #tpu.memory_space<hbm>> -> memref<320xf32, #tpu.memory_space<hbm>>
    tpu.enqueue_dma source(%dma_start3A_185 : memref<320xf32, #tpu.memory_space<hbm>>) target(%dma_start3A_183 : memref<320xf32, #tpu.memory_space<vmem>>) target_semaphore(%arg23 : memref<!tpu.dma_semaphore, #tpu.memory_space<semaphore_mem>>)
    %dma_start3A_186 = arith.constant 3 : i32
    %dma_start3A_187 = arith.constant 0 : i32
    %dma_start3A_188 = tpu.memref_slice %arg8[%dma_start3A_186, %dma_start3A_187] : memref<4x320xf32, #tpu.memory_space<vmem>> -> memref<1x320xf32, #tpu.memory_space<vmem>>
    %dma_start3A_189 = tpu.memref_squeeze %dma_start3A_188 : memref<1x320xf32, #tpu.memory_space<vmem>> -> memref<320xf32, #tpu.memory_space<vmem>>
    %dma_start3A_190 = tpu.memref_slice %arg2[%add3A_32, %mul3A_0] : memref<8x5120xf32, #tpu.memory_space<hbm>> -> memref<1x320xf32, #tpu.memory_space<hbm>>
    %dma_start3A_191 = tpu.memref_squeeze %dma_start3A_190 : memref<1x320xf32, #tpu.memory_space<hbm>> -> memref<320xf32, #tpu.memory_space<hbm>>
    %dma_start3A_192 = arith.constant 0 : i32
    %dma_start3A_193 = tpu.memref_slice %arg8[%dma_start3A_186, %dma_start3A_192] : memref<4x320xf32, #tpu.memory_space<vmem>> -> memref<1x320xf32, #tpu.memory_space<vmem>>
    %dma_start3A_194 = tpu.memref_squeeze %dma_start3A_193 : memref<1x320xf32, #tpu.memory_space<vmem>> -> memref<320xf32, #tpu.memory_space<vmem>>
    %dma_start3A_195 = tpu.memref_slice %arg2[%add3A_32, %mul3A_0] : memref<8x5120xf32, #tpu.memory_space<hbm>> -> memref<1x320xf32, #tpu.memory_space<hbm>>
    %dma_start3A_196 = tpu.memref_squeeze %dma_start3A_195 : memref<1x320xf32, #tpu.memory_space<hbm>> -> memref<320xf32, #tpu.memory_space<hbm>>
    tpu.enqueue_dma source(%dma_start3A_196 : memref<320xf32, #tpu.memory_space<hbm>>) target(%dma_start3A_194 : memref<320xf32, #tpu.memory_space<vmem>>) target_semaphore(%arg23 : memref<!tpu.dma_semaphore, #tpu.memory_space<semaphore_mem>>)
    %dma_start3A_197 = arith.constant 3 : i32
    %dma_start3A_198 = arith.constant 0 : i32
    %dma_start3A_199 = tpu.memref_slice %arg9[%dma_start3A_197, %dma_start3A_198] : memref<4x320xf32, #tpu.memory_space<vmem>> -> memref<1x320xf32, #tpu.memory_space<vmem>>
    %dma_start3A_200 = tpu.memref_squeeze %dma_start3A_199 : memref<1x320xf32, #tpu.memory_space<vmem>> -> memref<320xf32, #tpu.memory_space<vmem>>
    %dma_start3A_201 = tpu.memref_slice %arg3[%add3A_36, %mul3A_0] : memref<8x5120xf32, #tpu.memory_space<hbm>> -> memref<1x320xf32, #tpu.memory_space<hbm>>
    %dma_start3A_202 = tpu.memref_squeeze %dma_start3A_201 : memref<1x320xf32, #tpu.memory_space<hbm>> -> memref<320xf32, #tpu.memory_space<hbm>>
    %dma_start3A_203 = arith.constant 0 : i32
    %dma_start3A_204 = tpu.memref_slice %arg9[%dma_start3A_197, %dma_start3A_203] : memref<4x320xf32, #tpu.memory_space<vmem>> -> memref<1x320xf32, #tpu.memory_space<vmem>>
    %dma_start3A_205 = tpu.memref_squeeze %dma_start3A_204 : memref<1x320xf32, #tpu.memory_space<vmem>> -> memref<320xf32, #tpu.memory_space<vmem>>
    %dma_start3A_206 = tpu.memref_slice %arg3[%add3A_36, %mul3A_0] : memref<8x5120xf32, #tpu.memory_space<hbm>> -> memref<1x320xf32, #tpu.memory_space<hbm>>
    %dma_start3A_207 = tpu.memref_squeeze %dma_start3A_206 : memref<1x320xf32, #tpu.memory_space<hbm>> -> memref<320xf32, #tpu.memory_space<hbm>>
    tpu.enqueue_dma source(%dma_start3A_207 : memref<320xf32, #tpu.memory_space<hbm>>) target(%dma_start3A_205 : memref<320xf32, #tpu.memory_space<vmem>>) target_semaphore(%arg23 : memref<!tpu.dma_semaphore, #tpu.memory_space<semaphore_mem>>)
    %dma_start3A_208 = arith.constant 0 : i32
    %dma_start3A_209 = arith.constant 0 : i32
    %dma_start3A_210 = tpu.memref_slice %arg10[%dma_start3A_208, %dma_start3A_209] : memref<21x320xf32, #tpu.memory_space<vmem>> -> memref<1x320xf32, #tpu.memory_space<vmem>>
    %dma_start3A_211 = tpu.memref_squeeze %dma_start3A_210 : memref<1x320xf32, #tpu.memory_space<vmem>> -> memref<320xf32, #tpu.memory_space<vmem>>
    %dma_start3A_212 = tpu.memref_slice %arg4[%add3A_40, %mul3A_0] : memref<42x5120xf32, #tpu.memory_space<hbm>> -> memref<1x320xf32, #tpu.memory_space<hbm>>
    %dma_start3A_213 = tpu.memref_squeeze %dma_start3A_212 : memref<1x320xf32, #tpu.memory_space<hbm>> -> memref<320xf32, #tpu.memory_space<hbm>>
    %dma_start3A_214 = arith.constant 0 : i32
    %dma_start3A_215 = tpu.memref_slice %arg10[%dma_start3A_208, %dma_start3A_214] : memref<21x320xf32, #tpu.memory_space<vmem>> -> memref<1x320xf32, #tpu.memory_space<vmem>>
    %dma_start3A_216 = tpu.memref_squeeze %dma_start3A_215 : memref<1x320xf32, #tpu.memory_space<vmem>> -> memref<320xf32, #tpu.memory_space<vmem>>
    %dma_start3A_217 = tpu.memref_slice %arg4[%add3A_40, %mul3A_0] : memref<42x5120xf32, #tpu.memory_space<hbm>> -> memref<1x320xf32, #tpu.memory_space<hbm>>
    %dma_start3A_218 = tpu.memref_squeeze %dma_start3A_217 : memref<1x320xf32, #tpu.memory_space<hbm>> -> memref<320xf32, #tpu.memory_space<hbm>>
    tpu.enqueue_dma source(%dma_start3A_218 : memref<320xf32, #tpu.memory_space<hbm>>) target(%dma_start3A_216 : memref<320xf32, #tpu.memory_space<vmem>>) target_semaphore(%arg23 : memref<!tpu.dma_semaphore, #tpu.memory_space<semaphore_mem>>)
    %dma_start3A_219 = arith.constant 1 : i32
    %dma_start3A_220 = arith.constant 0 : i32
    %dma_start3A_221 = tpu.memref_slice %arg10[%dma_start3A_219, %dma_start3A_220] : memref<21x320xf32, #tpu.memory_space<vmem>> -> memref<1x320xf32, #tpu.memory_space<vmem>>
    %dma_start3A_222 = tpu.memref_squeeze %dma_start3A_221 : memref<1x320xf32, #tpu.memory_space<vmem>> -> memref<320xf32, #tpu.memory_space<vmem>>
    %dma_start3A_223 = tpu.memref_slice %arg4[%add3A_44, %mul3A_0] : memref<42x5120xf32, #tpu.memory_space<hbm>> -> memref<1x320xf32, #tpu.memory_space<hbm>>
    %dma_start3A_224 = tpu.memref_squeeze %dma_start3A_223 : memref<1x320xf32, #tpu.memory_space<hbm>> -> memref<320xf32, #tpu.memory_space<hbm>>
    %dma_start3A_225 = arith.constant 0 : i32
    %dma_start3A_226 = tpu.memref_slice %arg10[%dma_start3A_219, %dma_start3A_225] : memref<21x320xf32, #tpu.memory_space<vmem>> -> memref<1x320xf32, #tpu.memory_space<vmem>>
    %dma_start3A_227 = tpu.memref_squeeze %dma_start3A_226 : memref<1x320xf32, #tpu.memory_space<vmem>> -> memref<320xf32, #tpu.memory_space<vmem>>
    %dma_start3A_228 = tpu.memref_slice %arg4[%add3A_44, %mul3A_0] : memref<42x5120xf32, #tpu.memory_space<hbm>> -> memref<1x320xf32, #tpu.memory_space<hbm>>
    %dma_start3A_229 = tpu.memref_squeeze %dma_start3A_228 : memref<1x320xf32, #tpu.memory_space<hbm>> -> memref<320xf32, #tpu.memory_space<hbm>>
    tpu.enqueue_dma source(%dma_start3A_229 : memref<320xf32, #tpu.memory_space<hbm>>) target(%dma_start3A_227 : memref<320xf32, #tpu.memory_space<vmem>>) target_semaphore(%arg23 : memref<!tpu.dma_semaphore, #tpu.memory_space<semaphore_mem>>)
    %dma_start3A_230 = arith.constant 2 : i32
    %dma_start3A_231 = arith.constant 0 : i32
    %dma_start3A_232 = tpu.memref_slice %arg10[%dma_start3A_230, %dma_start3A_231] : memref<21x320xf32, #tpu.memory_space<vmem>> -> memref<1x320xf32, #tpu.memory_space<vmem>>
    %dma_start3A_233 = tpu.memref_squeeze %dma_start3A_232 : memref<1x320xf32, #tpu.memory_space<vmem>> -> memref<320xf32, #tpu.memory_space<vmem>>
    %dma_start3A_234 = tpu.memref_slice %arg4[%add3A_48, %mul3A_0] : memref<42x5120xf32, #tpu.memory_space<hbm>> -> memref<1x320xf32, #tpu.memory_space<hbm>>
    %dma_start3A_235 = tpu.memref_squeeze %dma_start3A_234 : memref<1x320xf32, #tpu.memory_space<hbm>> -> memref<320xf32, #tpu.memory_space<hbm>>
    %dma_start3A_236 = arith.constant 0 : i32
    %dma_start3A_237 = tpu.memref_slice %arg10[%dma_start3A_230, %dma_start3A_236] : memref<21x320xf32, #tpu.memory_space<vmem>> -> memref<1x320xf32, #tpu.memory_space<vmem>>
    %dma_start3A_238 = tpu.memref_squeeze %dma_start3A_237 : memref<1x320xf32, #tpu.memory_space<vmem>> -> memref<320xf32, #tpu.memory_space<vmem>>
    %dma_start3A_239 = tpu.memref_slice %arg4[%add3A_48, %mul3A_0] : memref<42x5120xf32, #tpu.memory_space<hbm>> -> memref<1x320xf32, #tpu.memory_space<hbm>>
    %dma_start3A_240 = tpu.memref_squeeze %dma_start3A_239 : memref<1x320xf32, #tpu.memory_space<hbm>> -> memref<320xf32, #tpu.memory_space<hbm>>
    tpu.enqueue_dma source(%dma_start3A_240 : memref<320xf32, #tpu.memory_space<hbm>>) target(%dma_start3A_238 : memref<320xf32, #tpu.memory_space<vmem>>) target_semaphore(%arg23 : memref<!tpu.dma_semaphore, #tpu.memory_space<semaphore_mem>>)
    %dma_start3A_241 = arith.constant 3 : i32
    %dma_start3A_242 = arith.constant 0 : i32
    %dma_start3A_243 = tpu.memref_slice %arg10[%dma_start3A_241, %dma_start3A_242] : memref<21x320xf32, #tpu.memory_space<vmem>> -> memref<1x320xf32, #tpu.memory_space<vmem>>
    %dma_start3A_244 = tpu.memref_squeeze %dma_start3A_243 : memref<1x320xf32, #tpu.memory_space<vmem>> -> memref<320xf32, #tpu.memory_space<vmem>>
    %dma_start3A_245 = tpu.memref_slice %arg4[%add3A_52, %mul3A_0] : memref<42x5120xf32, #tpu.memory_space<hbm>> -> memref<1x320xf32, #tpu.memory_space<hbm>>
    %dma_start3A_246 = tpu.memref_squeeze %dma_start3A_245 : memref<1x320xf32, #tpu.memory_space<hbm>> -> memref<320xf32, #tpu.memory_space<hbm>>
    %dma_start3A_247 = arith.constant 0 : i32
    %dma_start3A_248 = tpu.memref_slice %arg10[%dma_start3A_241, %dma_start3A_247] : memref<21x320xf32, #tpu.memory_space<vmem>> -> memref<1x320xf32, #tpu.memory_space<vmem>>
    %dma_start3A_249 = tpu.memref_squeeze %dma_start3A_248 : memref<1x320xf32, #tpu.memory_space<vmem>> -> memref<320xf32, #tpu.memory_space<vmem>>
    %dma_start3A_250 = tpu.memref_slice %arg4[%add3A_52, %mul3A_0] : memref<42x5120xf32, #tpu.memory_space<hbm>> -> memref<1x320xf32, #tpu.memory_space<hbm>>
    %dma_start3A_251 = tpu.memref_squeeze %dma_start3A_250 : memref<1x320xf32, #tpu.memory_space<hbm>> -> memref<320xf32, #tpu.memory_space<hbm>>
    tpu.enqueue_dma source(%dma_start3A_251 : memref<320xf32, #tpu.memory_space<hbm>>) target(%dma_start3A_249 : memref<320xf32, #tpu.memory_space<vmem>>) target_semaphore(%arg23 : memref<!tpu.dma_semaphore, #tpu.memory_space<semaphore_mem>>)
    %dma_start3A_252 = arith.constant 4 : i32
    %dma_start3A_253 = arith.constant 0 : i32
    %dma_start3A_254 = tpu.memref_slice %arg10[%dma_start3A_252, %dma_start3A_253] : memref<21x320xf32, #tpu.memory_space<vmem>> -> memref<1x320xf32, #tpu.memory_space<vmem>>
    %dma_start3A_255 = tpu.memref_squeeze %dma_start3A_254 : memref<1x320xf32, #tpu.memory_space<vmem>> -> memref<320xf32, #tpu.memory_space<vmem>>
    %dma_start3A_256 = tpu.memref_slice %arg4[%add3A_56, %mul3A_0] : memref<42x5120xf32, #tpu.memory_space<hbm>> -> memref<1x320xf32, #tpu.memory_space<hbm>>
    %dma_start3A_257 = tpu.memref_squeeze %dma_start3A_256 : memref<1x320xf32, #tpu.memory_space<hbm>> -> memref<320xf32, #tpu.memory_space<hbm>>
    %dma_start3A_258 = arith.constant 0 : i32
    %dma_start3A_259 = tpu.memref_slice %arg10[%dma_start3A_252, %dma_start3A_258] : memref<21x320xf32, #tpu.memory_space<vmem>> -> memref<1x320xf32, #tpu.memory_space<vmem>>
    %dma_start3A_260 = tpu.memref_squeeze %dma_start3A_259 : memref<1x320xf32, #tpu.memory_space<vmem>> -> memref<320xf32, #tpu.memory_space<vmem>>
    %dma_start3A_261 = tpu.memref_slice %arg4[%add3A_56, %mul3A_0] : memref<42x5120xf32, #tpu.memory_space<hbm>> -> memref<1x320xf32, #tpu.memory_space<hbm>>
    %dma_start3A_262 = tpu.memref_squeeze %dma_start3A_261 : memref<1x320xf32, #tpu.memory_space<hbm>> -> memref<320xf32, #tpu.memory_space<hbm>>
    tpu.enqueue_dma source(%dma_start3A_262 : memref<320xf32, #tpu.memory_space<hbm>>) target(%dma_start3A_260 : memref<320xf32, #tpu.memory_space<vmem>>) target_semaphore(%arg23 : memref<!tpu.dma_semaphore, #tpu.memory_space<semaphore_mem>>)
    %dma_start3A_263 = arith.constant 5 : i32
    %dma_start3A_264 = arith.constant 0 : i32
    %dma_start3A_265 = tpu.memref_slice %arg10[%dma_start3A_263, %dma_start3A_264] : memref<21x320xf32, #tpu.memory_space<vmem>> -> memref<1x320xf32, #tpu.memory_space<vmem>>
    %dma_start3A_266 = tpu.memref_squeeze %dma_start3A_265 : memref<1x320xf32, #tpu.memory_space<vmem>> -> memref<320xf32, #tpu.memory_space<vmem>>
    %dma_start3A_267 = tpu.memref_slice %arg4[%add3A_60, %mul3A_0] : memref<42x5120xf32, #tpu.memory_space<hbm>> -> memref<1x320xf32, #tpu.memory_space<hbm>>
    %dma_start3A_268 = tpu.memref_squeeze %dma_start3A_267 : memref<1x320xf32, #tpu.memory_space<hbm>> -> memref<320xf32, #tpu.memory_space<hbm>>
    %dma_start3A_269 = arith.constant 0 : i32
    %dma_start3A_270 = tpu.memref_slice %arg10[%dma_start3A_263, %dma_start3A_269] : memref<21x320xf32, #tpu.memory_space<vmem>> -> memref<1x320xf32, #tpu.memory_space<vmem>>
    %dma_start3A_271 = tpu.memref_squeeze %dma_start3A_270 : memref<1x320xf32, #tpu.memory_space<vmem>> -> memref<320xf32, #tpu.memory_space<vmem>>
    %dma_start3A_272 = tpu.memref_slice %arg4[%add3A_60, %mul3A_0] : memref<42x5120xf32, #tpu.memory_space<hbm>> -> memref<1x320xf32, #tpu.memory_space<hbm>>
    %dma_start3A_273 = tpu.memref_squeeze %dma_start3A_272 : memref<1x320xf32, #tpu.memory_space<hbm>> -> memref<320xf32, #tpu.memory_space<hbm>>
    tpu.enqueue_dma source(%dma_start3A_273 : memref<320xf32, #tpu.memory_space<hbm>>) target(%dma_start3A_271 : memref<320xf32, #tpu.memory_space<vmem>>) target_semaphore(%arg23 : memref<!tpu.dma_semaphore, #tpu.memory_space<semaphore_mem>>)
    %dma_start3A_274 = arith.constant 6 : i32
    %dma_start3A_275 = arith.constant 0 : i32
    %dma_start3A_276 = tpu.memref_slice %arg10[%dma_start3A_274, %dma_start3A_275] : memref<21x320xf32, #tpu.memory_space<vmem>> -> memref<1x320xf32, #tpu.memory_space<vmem>>
    %dma_start3A_277 = tpu.memref_squeeze %dma_start3A_276 : memref<1x320xf32, #tpu.memory_space<vmem>> -> memref<320xf32, #tpu.memory_space<vmem>>
    %dma_start3A_278 = tpu.memref_slice %arg4[%add3A_64, %mul3A_0] : memref<42x5120xf32, #tpu.memory_space<hbm>> -> memref<1x320xf32, #tpu.memory_space<hbm>>
    %dma_start3A_279 = tpu.memref_squeeze %dma_start3A_278 : memref<1x320xf32, #tpu.memory_space<hbm>> -> memref<320xf32, #tpu.memory_space<hbm>>
    %dma_start3A_280 = arith.constant 0 : i32
    %dma_start3A_281 = tpu.memref_slice %arg10[%dma_start3A_274, %dma_start3A_280] : memref<21x320xf32, #tpu.memory_space<vmem>> -> memref<1x320xf32, #tpu.memory_space<vmem>>
    %dma_start3A_282 = tpu.memref_squeeze %dma_start3A_281 : memref<1x320xf32, #tpu.memory_space<vmem>> -> memref<320xf32, #tpu.memory_space<vmem>>
    %dma_start3A_283 = tpu.memref_slice %arg4[%add3A_64, %mul3A_0] : memref<42x5120xf32, #tpu.memory_space<hbm>> -> memref<1x320xf32, #tpu.memory_space<hbm>>
    %dma_start3A_284 = tpu.memref_squeeze %dma_start3A_283 : memref<1x320xf32, #tpu.memory_space<hbm>> -> memref<320xf32, #tpu.memory_space<hbm>>
    tpu.enqueue_dma source(%dma_start3A_284 : memref<320xf32, #tpu.memory_space<hbm>>) target(%dma_start3A_282 : memref<320xf32, #tpu.memory_space<vmem>>) target_semaphore(%arg23 : memref<!tpu.dma_semaphore, #tpu.memory_space<semaphore_mem>>)
    %dma_start3A_285 = arith.constant 7 : i32
    %dma_start3A_286 = arith.constant 0 : i32
    %dma_start3A_287 = tpu.memref_slice %arg10[%dma_start3A_285, %dma_start3A_286] : memref<21x320xf32, #tpu.memory_space<vmem>> -> memref<1x320xf32, #tpu.memory_space<vmem>>
    %dma_start3A_288 = tpu.memref_squeeze %dma_start3A_287 : memref<1x320xf32, #tpu.memory_space<vmem>> -> memref<320xf32, #tpu.memory_space<vmem>>
    %dma_start3A_289 = tpu.memref_slice %arg4[%add3A_68, %mul3A_0] : memref<42x5120xf32, #tpu.memory_space<hbm>> -> memref<1x320xf32, #tpu.memory_space<hbm>>
    %dma_start3A_290 = tpu.memref_squeeze %dma_start3A_289 : memref<1x320xf32, #tpu.memory_space<hbm>> -> memref<320xf32, #tpu.memory_space<hbm>>
    %dma_start3A_291 = arith.constant 0 : i32
    %dma_start3A_292 = tpu.memref_slice %arg10[%dma_start3A_285, %dma_start3A_291] : memref<21x320xf32, #tpu.memory_space<vmem>> -> memref<1x320xf32, #tpu.memory_space<vmem>>
    %dma_start3A_293 = tpu.memref_squeeze %dma_start3A_292 : memref<1x320xf32, #tpu.memory_space<vmem>> -> memref<320xf32, #tpu.memory_space<vmem>>
    %dma_start3A_294 = tpu.memref_slice %arg4[%add3A_68, %mul3A_0] : memref<42x5120xf32, #tpu.memory_space<hbm>> -> memref<1x320xf32, #tpu.memory_space<hbm>>
    %dma_start3A_295 = tpu.memref_squeeze %dma_start3A_294 : memref<1x320xf32, #tpu.memory_space<hbm>> -> memref<320xf32, #tpu.memory_space<hbm>>
    tpu.enqueue_dma source(%dma_start3A_295 : memref<320xf32, #tpu.memory_space<hbm>>) target(%dma_start3A_293 : memref<320xf32, #tpu.memory_space<vmem>>) target_semaphore(%arg23 : memref<!tpu.dma_semaphore, #tpu.memory_space<semaphore_mem>>)
    %dma_start3A_296 = arith.constant 8 : i32
    %dma_start3A_297 = arith.constant 0 : i32
    %dma_start3A_298 = tpu.memref_slice %arg10[%dma_start3A_296, %dma_start3A_297] : memref<21x320xf32, #tpu.memory_space<vmem>> -> memref<1x320xf32, #tpu.memory_space<vmem>>
    %dma_start3A_299 = tpu.memref_squeeze %dma_start3A_298 : memref<1x320xf32, #tpu.memory_space<vmem>> -> memref<320xf32, #tpu.memory_space<vmem>>
    %dma_start3A_300 = tpu.memref_slice %arg4[%add3A_72, %mul3A_0] : memref<42x5120xf32, #tpu.memory_space<hbm>> -> memref<1x320xf32, #tpu.memory_space<hbm>>
    %dma_start3A_301 = tpu.memref_squeeze %dma_start3A_300 : memref<1x320xf32, #tpu.memory_space<hbm>> -> memref<320xf32, #tpu.memory_space<hbm>>
    %dma_start3A_302 = arith.constant 0 : i32
    %dma_start3A_303 = tpu.memref_slice %arg10[%dma_start3A_296, %dma_start3A_302] : memref<21x320xf32, #tpu.memory_space<vmem>> -> memref<1x320xf32, #tpu.memory_space<vmem>>
    %dma_start3A_304 = tpu.memref_squeeze %dma_start3A_303 : memref<1x320xf32, #tpu.memory_space<vmem>> -> memref<320xf32, #tpu.memory_space<vmem>>
    %dma_start3A_305 = tpu.memref_slice %arg4[%add3A_72, %mul3A_0] : memref<42x5120xf32, #tpu.memory_space<hbm>> -> memref<1x320xf32, #tpu.memory_space<hbm>>
    %dma_start3A_306 = tpu.memref_squeeze %dma_start3A_305 : memref<1x320xf32, #tpu.memory_space<hbm>> -> memref<320xf32, #tpu.memory_space<hbm>>
    tpu.enqueue_dma source(%dma_start3A_306 : memref<320xf32, #tpu.memory_space<hbm>>) target(%dma_start3A_304 : memref<320xf32, #tpu.memory_space<vmem>>) target_semaphore(%arg23 : memref<!tpu.dma_semaphore, #tpu.memory_space<semaphore_mem>>)
    %dma_start3A_307 = arith.constant 9 : i32
    %dma_start3A_308 = arith.constant 0 : i32
    %dma_start3A_309 = tpu.memref_slice %arg10[%dma_start3A_307, %dma_start3A_308] : memref<21x320xf32, #tpu.memory_space<vmem>> -> memref<1x320xf32, #tpu.memory_space<vmem>>
    %dma_start3A_310 = tpu.memref_squeeze %dma_start3A_309 : memref<1x320xf32, #tpu.memory_space<vmem>> -> memref<320xf32, #tpu.memory_space<vmem>>
    %dma_start3A_311 = tpu.memref_slice %arg4[%add3A_76, %mul3A_0] : memref<42x5120xf32, #tpu.memory_space<hbm>> -> memref<1x320xf32, #tpu.memory_space<hbm>>
    %dma_start3A_312 = tpu.memref_squeeze %dma_start3A_311 : memref<1x320xf32, #tpu.memory_space<hbm>> -> memref<320xf32, #tpu.memory_space<hbm>>
    %dma_start3A_313 = arith.constant 0 : i32
    %dma_start3A_314 = tpu.memref_slice %arg10[%dma_start3A_307, %dma_start3A_313] : memref<21x320xf32, #tpu.memory_space<vmem>> -> memref<1x320xf32, #tpu.memory_space<vmem>>
    %dma_start3A_315 = tpu.memref_squeeze %dma_start3A_314 : memref<1x320xf32, #tpu.memory_space<vmem>> -> memref<320xf32, #tpu.memory_space<vmem>>
    %dma_start3A_316 = tpu.memref_slice %arg4[%add3A_76, %mul3A_0] : memref<42x5120xf32, #tpu.memory_space<hbm>> -> memref<1x320xf32, #tpu.memory_space<hbm>>
    %dma_start3A_317 = tpu.memref_squeeze %dma_start3A_316 : memref<1x320xf32, #tpu.memory_space<hbm>> -> memref<320xf32, #tpu.memory_space<hbm>>
    tpu.enqueue_dma source(%dma_start3A_317 : memref<320xf32, #tpu.memory_space<hbm>>) target(%dma_start3A_315 : memref<320xf32, #tpu.memory_space<vmem>>) target_semaphore(%arg23 : memref<!tpu.dma_semaphore, #tpu.memory_space<semaphore_mem>>)
    %dma_start3A_318 = arith.constant 10 : i32
    %dma_start3A_319 = arith.constant 0 : i32
    %dma_start3A_320 = tpu.memref_slice %arg10[%dma_start3A_318, %dma_start3A_319] : memref<21x320xf32, #tpu.memory_space<vmem>> -> memref<1x320xf32, #tpu.memory_space<vmem>>
    %dma_start3A_321 = tpu.memref_squeeze %dma_start3A_320 : memref<1x320xf32, #tpu.memory_space<vmem>> -> memref<320xf32, #tpu.memory_space<vmem>>
    %dma_start3A_322 = tpu.memref_slice %arg4[%add3A_80, %mul3A_0] : memref<42x5120xf32, #tpu.memory_space<hbm>> -> memref<1x320xf32, #tpu.memory_space<hbm>>
    %dma_start3A_323 = tpu.memref_squeeze %dma_start3A_322 : memref<1x320xf32, #tpu.memory_space<hbm>> -> memref<320xf32, #tpu.memory_space<hbm>>
    %dma_start3A_324 = arith.constant 0 : i32
    %dma_start3A_325 = tpu.memref_slice %arg10[%dma_start3A_318, %dma_start3A_324] : memref<21x320xf32, #tpu.memory_space<vmem>> -> memref<1x320xf32, #tpu.memory_space<vmem>>
    %dma_start3A_326 = tpu.memref_squeeze %dma_start3A_325 : memref<1x320xf32, #tpu.memory_space<vmem>> -> memref<320xf32, #tpu.memory_space<vmem>>
    %dma_start3A_327 = tpu.memref_slice %arg4[%add3A_80, %mul3A_0] : memref<42x5120xf32, #tpu.memory_space<hbm>> -> memref<1x320xf32, #tpu.memory_space<hbm>>
    %dma_start3A_328 = tpu.memref_squeeze %dma_start3A_327 : memref<1x320xf32, #tpu.memory_space<hbm>> -> memref<320xf32, #tpu.memory_space<hbm>>
    tpu.enqueue_dma source(%dma_start3A_328 : memref<320xf32, #tpu.memory_space<hbm>>) target(%dma_start3A_326 : memref<320xf32, #tpu.memory_space<vmem>>) target_semaphore(%arg23 : memref<!tpu.dma_semaphore, #tpu.memory_space<semaphore_mem>>)
    %dma_start3A_329 = arith.constant 11 : i32
    %dma_start3A_330 = arith.constant 0 : i32
    %dma_start3A_331 = tpu.memref_slice %arg10[%dma_start3A_329, %dma_start3A_330] : memref<21x320xf32, #tpu.memory_space<vmem>> -> memref<1x320xf32, #tpu.memory_space<vmem>>
    %dma_start3A_332 = tpu.memref_squeeze %dma_start3A_331 : memref<1x320xf32, #tpu.memory_space<vmem>> -> memref<320xf32, #tpu.memory_space<vmem>>
    %dma_start3A_333 = tpu.memref_slice %arg4[%add3A_84, %mul3A_0] : memref<42x5120xf32, #tpu.memory_space<hbm>> -> memref<1x320xf32, #tpu.memory_space<hbm>>
    %dma_start3A_334 = tpu.memref_squeeze %dma_start3A_333 : memref<1x320xf32, #tpu.memory_space<hbm>> -> memref<320xf32, #tpu.memory_space<hbm>>
    %dma_start3A_335 = arith.constant 0 : i32
    %dma_start3A_336 = tpu.memref_slice %arg10[%dma_start3A_329, %dma_start3A_335] : memref<21x320xf32, #tpu.memory_space<vmem>> -> memref<1x320xf32, #tpu.memory_space<vmem>>
    %dma_start3A_337 = tpu.memref_squeeze %dma_start3A_336 : memref<1x320xf32, #tpu.memory_space<vmem>> -> memref<320xf32, #tpu.memory_space<vmem>>
    %dma_start3A_338 = tpu.memref_slice %arg4[%add3A_84, %mul3A_0] : memref<42x5120xf32, #tpu.memory_space<hbm>> -> memref<1x320xf32, #tpu.memory_space<hbm>>
    %dma_start3A_339 = tpu.memref_squeeze %dma_start3A_338 : memref<1x320xf32, #tpu.memory_space<hbm>> -> memref<320xf32, #tpu.memory_space<hbm>>
    tpu.enqueue_dma source(%dma_start3A_339 : memref<320xf32, #tpu.memory_space<hbm>>) target(%dma_start3A_337 : memref<320xf32, #tpu.memory_space<vmem>>) target_semaphore(%arg23 : memref<!tpu.dma_semaphore, #tpu.memory_space<semaphore_mem>>)
    %dma_start3A_340 = arith.constant 12 : i32
    %dma_start3A_341 = arith.constant 0 : i32
    %dma_start3A_342 = tpu.memref_slice %arg10[%dma_start3A_340, %dma_start3A_341] : memref<21x320xf32, #tpu.memory_space<vmem>> -> memref<1x320xf32, #tpu.memory_space<vmem>>
    %dma_start3A_343 = tpu.memref_squeeze %dma_start3A_342 : memref<1x320xf32, #tpu.memory_space<vmem>> -> memref<320xf32, #tpu.memory_space<vmem>>
    %dma_start3A_344 = tpu.memref_slice %arg4[%add3A_88, %mul3A_0] : memref<42x5120xf32, #tpu.memory_space<hbm>> -> memref<1x320xf32, #tpu.memory_space<hbm>>
    %dma_start3A_345 = tpu.memref_squeeze %dma_start3A_344 : memref<1x320xf32, #tpu.memory_space<hbm>> -> memref<320xf32, #tpu.memory_space<hbm>>
    %dma_start3A_346 = arith.constant 0 : i32
    %dma_start3A_347 = tpu.memref_slice %arg10[%dma_start3A_340, %dma_start3A_346] : memref<21x320xf32, #tpu.memory_space<vmem>> -> memref<1x320xf32, #tpu.memory_space<vmem>>
    %dma_start3A_348 = tpu.memref_squeeze %dma_start3A_347 : memref<1x320xf32, #tpu.memory_space<vmem>> -> memref<320xf32, #tpu.memory_space<vmem>>
    %dma_start3A_349 = tpu.memref_slice %arg4[%add3A_88, %mul3A_0] : memref<42x5120xf32, #tpu.memory_space<hbm>> -> memref<1x320xf32, #tpu.memory_space<hbm>>
    %dma_start3A_350 = tpu.memref_squeeze %dma_start3A_349 : memref<1x320xf32, #tpu.memory_space<hbm>> -> memref<320xf32, #tpu.memory_space<hbm>>
    tpu.enqueue_dma source(%dma_start3A_350 : memref<320xf32, #tpu.memory_space<hbm>>) target(%dma_start3A_348 : memref<320xf32, #tpu.memory_space<vmem>>) target_semaphore(%arg23 : memref<!tpu.dma_semaphore, #tpu.memory_space<semaphore_mem>>)
    %dma_start3A_351 = arith.constant 13 : i32
    %dma_start3A_352 = arith.constant 0 : i32
    %dma_start3A_353 = tpu.memref_slice %arg10[%dma_start3A_351, %dma_start3A_352] : memref<21x320xf32, #tpu.memory_space<vmem>> -> memref<1x320xf32, #tpu.memory_space<vmem>>
    %dma_start3A_354 = tpu.memref_squeeze %dma_start3A_353 : memref<1x320xf32, #tpu.memory_space<vmem>> -> memref<320xf32, #tpu.memory_space<vmem>>
    %dma_start3A_355 = tpu.memref_slice %arg4[%add3A_92, %mul3A_0] : memref<42x5120xf32, #tpu.memory_space<hbm>> -> memref<1x320xf32, #tpu.memory_space<hbm>>
    %dma_start3A_356 = tpu.memref_squeeze %dma_start3A_355 : memref<1x320xf32, #tpu.memory_space<hbm>> -> memref<320xf32, #tpu.memory_space<hbm>>
    %dma_start3A_357 = arith.constant 0 : i32
    %dma_start3A_358 = tpu.memref_slice %arg10[%dma_start3A_351, %dma_start3A_357] : memref<21x320xf32, #tpu.memory_space<vmem>> -> memref<1x320xf32, #tpu.memory_space<vmem>>
    %dma_start3A_359 = tpu.memref_squeeze %dma_start3A_358 : memref<1x320xf32, #tpu.memory_space<vmem>> -> memref<320xf32, #tpu.memory_space<vmem>>
    %dma_start3A_360 = tpu.memref_slice %arg4[%add3A_92, %mul3A_0] : memref<42x5120xf32, #tpu.memory_space<hbm>> -> memref<1x320xf32, #tpu.memory_space<hbm>>
    %dma_start3A_361 = tpu.memref_squeeze %dma_start3A_360 : memref<1x320xf32, #tpu.memory_space<hbm>> -> memref<320xf32, #tpu.memory_space<hbm>>
    tpu.enqueue_dma source(%dma_start3A_361 : memref<320xf32, #tpu.memory_space<hbm>>) target(%dma_start3A_359 : memref<320xf32, #tpu.memory_space<vmem>>) target_semaphore(%arg23 : memref<!tpu.dma_semaphore, #tpu.memory_space<semaphore_mem>>)
    %dma_start3A_362 = arith.constant 14 : i32
    %dma_start3A_363 = arith.constant 0 : i32
    %dma_start3A_364 = tpu.memref_slice %arg10[%dma_start3A_362, %dma_start3A_363] : memref<21x320xf32, #tpu.memory_space<vmem>> -> memref<1x320xf32, #tpu.memory_space<vmem>>
    %dma_start3A_365 = tpu.memref_squeeze %dma_start3A_364 : memref<1x320xf32, #tpu.memory_space<vmem>> -> memref<320xf32, #tpu.memory_space<vmem>>
    %dma_start3A_366 = tpu.memref_slice %arg4[%add3A_96, %mul3A_0] : memref<42x5120xf32, #tpu.memory_space<hbm>> -> memref<1x320xf32, #tpu.memory_space<hbm>>
    %dma_start3A_367 = tpu.memref_squeeze %dma_start3A_366 : memref<1x320xf32, #tpu.memory_space<hbm>> -> memref<320xf32, #tpu.memory_space<hbm>>
    %dma_start3A_368 = arith.constant 0 : i32
    %dma_start3A_369 = tpu.memref_slice %arg10[%dma_start3A_362, %dma_start3A_368] : memref<21x320xf32, #tpu.memory_space<vmem>> -> memref<1x320xf32, #tpu.memory_space<vmem>>
    %dma_start3A_370 = tpu.memref_squeeze %dma_start3A_369 : memref<1x320xf32, #tpu.memory_space<vmem>> -> memref<320xf32, #tpu.memory_space<vmem>>
    %dma_start3A_371 = tpu.memref_slice %arg4[%add3A_96, %mul3A_0] : memref<42x5120xf32, #tpu.memory_space<hbm>> -> memref<1x320xf32, #tpu.memory_space<hbm>>
    %dma_start3A_372 = tpu.memref_squeeze %dma_start3A_371 : memref<1x320xf32, #tpu.memory_space<hbm>> -> memref<320xf32, #tpu.memory_space<hbm>>
    tpu.enqueue_dma source(%dma_start3A_372 : memref<320xf32, #tpu.memory_space<hbm>>) target(%dma_start3A_370 : memref<320xf32, #tpu.memory_space<vmem>>) target_semaphore(%arg23 : memref<!tpu.dma_semaphore, #tpu.memory_space<semaphore_mem>>)
    %dma_start3A_373 = arith.constant 15 : i32
    %dma_start3A_374 = arith.constant 0 : i32
    %dma_start3A_375 = tpu.memref_slice %arg10[%dma_start3A_373, %dma_start3A_374] : memref<21x320xf32, #tpu.memory_space<vmem>> -> memref<1x320xf32, #tpu.memory_space<vmem>>
    %dma_start3A_376 = tpu.memref_squeeze %dma_start3A_375 : memref<1x320xf32, #tpu.memory_space<vmem>> -> memref<320xf32, #tpu.memory_space<vmem>>
    %dma_start3A_377 = tpu.memref_slice %arg4[%add3A_100, %mul3A_0] : memref<42x5120xf32, #tpu.memory_space<hbm>> -> memref<1x320xf32, #tpu.memory_space<hbm>>
    %dma_start3A_378 = tpu.memref_squeeze %dma_start3A_377 : memref<1x320xf32, #tpu.memory_space<hbm>> -> memref<320xf32, #tpu.memory_space<hbm>>
    %dma_start3A_379 = arith.constant 0 : i32
    %dma_start3A_380 = tpu.memref_slice %arg10[%dma_start3A_373, %dma_start3A_379] : memref<21x320xf32, #tpu.memory_space<vmem>> -> memref<1x320xf32, #tpu.memory_space<vmem>>
    %dma_start3A_381 = tpu.memref_squeeze %dma_start3A_380 : memref<1x320xf32, #tpu.memory_space<vmem>> -> memref<320xf32, #tpu.memory_space<vmem>>
    %dma_start3A_382 = tpu.memref_slice %arg4[%add3A_100, %mul3A_0] : memref<42x5120xf32, #tpu.memory_space<hbm>> -> memref<1x320xf32, #tpu.memory_space<hbm>>
    %dma_start3A_383 = tpu.memref_squeeze %dma_start3A_382 : memref<1x320xf32, #tpu.memory_space<hbm>> -> memref<320xf32, #tpu.memory_space<hbm>>
    tpu.enqueue_dma source(%dma_start3A_383 : memref<320xf32, #tpu.memory_space<hbm>>) target(%dma_start3A_381 : memref<320xf32, #tpu.memory_space<vmem>>) target_semaphore(%arg23 : memref<!tpu.dma_semaphore, #tpu.memory_space<semaphore_mem>>)
    %dma_start3A_384 = arith.constant 16 : i32
    %dma_start3A_385 = arith.constant 0 : i32
    %dma_start3A_386 = tpu.memref_slice %arg10[%dma_start3A_384, %dma_start3A_385] : memref<21x320xf32, #tpu.memory_space<vmem>> -> memref<1x320xf32, #tpu.memory_space<vmem>>
    %dma_start3A_387 = tpu.memref_squeeze %dma_start3A_386 : memref<1x320xf32, #tpu.memory_space<vmem>> -> memref<320xf32, #tpu.memory_space<vmem>>
    %dma_start3A_388 = tpu.memref_slice %arg4[%add3A_104, %mul3A_0] : memref<42x5120xf32, #tpu.memory_space<hbm>> -> memref<1x320xf32, #tpu.memory_space<hbm>>
    %dma_start3A_389 = tpu.memref_squeeze %dma_start3A_388 : memref<1x320xf32, #tpu.memory_space<hbm>> -> memref<320xf32, #tpu.memory_space<hbm>>
    %dma_start3A_390 = arith.constant 0 : i32
    %dma_start3A_391 = tpu.memref_slice %arg10[%dma_start3A_384, %dma_start3A_390] : memref<21x320xf32, #tpu.memory_space<vmem>> -> memref<1x320xf32, #tpu.memory_space<vmem>>
    %dma_start3A_392 = tpu.memref_squeeze %dma_start3A_391 : memref<1x320xf32, #tpu.memory_space<vmem>> -> memref<320xf32, #tpu.memory_space<vmem>>
    %dma_start3A_393 = tpu.memref_slice %arg4[%add3A_104, %mul3A_0] : memref<42x5120xf32, #tpu.memory_space<hbm>> -> memref<1x320xf32, #tpu.memory_space<hbm>>
    %dma_start3A_394 = tpu.memref_squeeze %dma_start3A_393 : memref<1x320xf32, #tpu.memory_space<hbm>> -> memref<320xf32, #tpu.memory_space<hbm>>
    tpu.enqueue_dma source(%dma_start3A_394 : memref<320xf32, #tpu.memory_space<hbm>>) target(%dma_start3A_392 : memref<320xf32, #tpu.memory_space<vmem>>) target_semaphore(%arg23 : memref<!tpu.dma_semaphore, #tpu.memory_space<semaphore_mem>>)
    %dma_start3A_395 = arith.constant 17 : i32
    %dma_start3A_396 = arith.constant 0 : i32
    %dma_start3A_397 = tpu.memref_slice %arg10[%dma_start3A_395, %dma_start3A_396] : memref<21x320xf32, #tpu.memory_space<vmem>> -> memref<1x320xf32, #tpu.memory_space<vmem>>
    %dma_start3A_398 = tpu.memref_squeeze %dma_start3A_397 : memref<1x320xf32, #tpu.memory_space<vmem>> -> memref<320xf32, #tpu.memory_space<vmem>>
    %dma_start3A_399 = tpu.memref_slice %arg4[%add3A_108, %mul3A_0] : memref<42x5120xf32, #tpu.memory_space<hbm>> -> memref<1x320xf32, #tpu.memory_space<hbm>>
    %dma_start3A_400 = tpu.memref_squeeze %dma_start3A_399 : memref<1x320xf32, #tpu.memory_space<hbm>> -> memref<320xf32, #tpu.memory_space<hbm>>
    %dma_start3A_401 = arith.constant 0 : i32
    %dma_start3A_402 = tpu.memref_slice %arg10[%dma_start3A_395, %dma_start3A_401] : memref<21x320xf32, #tpu.memory_space<vmem>> -> memref<1x320xf32, #tpu.memory_space<vmem>>
    %dma_start3A_403 = tpu.memref_squeeze %dma_start3A_402 : memref<1x320xf32, #tpu.memory_space<vmem>> -> memref<320xf32, #tpu.memory_space<vmem>>
    %dma_start3A_404 = tpu.memref_slice %arg4[%add3A_108, %mul3A_0] : memref<42x5120xf32, #tpu.memory_space<hbm>> -> memref<1x320xf32, #tpu.memory_space<hbm>>
    %dma_start3A_405 = tpu.memref_squeeze %dma_start3A_404 : memref<1x320xf32, #tpu.memory_space<hbm>> -> memref<320xf32, #tpu.memory_space<hbm>>
    tpu.enqueue_dma source(%dma_start3A_405 : memref<320xf32, #tpu.memory_space<hbm>>) target(%dma_start3A_403 : memref<320xf32, #tpu.memory_space<vmem>>) target_semaphore(%arg23 : memref<!tpu.dma_semaphore, #tpu.memory_space<semaphore_mem>>)
    %dma_start3A_406 = arith.constant 18 : i32
    %dma_start3A_407 = arith.constant 0 : i32
    %dma_start3A_408 = tpu.memref_slice %arg10[%dma_start3A_406, %dma_start3A_407] : memref<21x320xf32, #tpu.memory_space<vmem>> -> memref<1x320xf32, #tpu.memory_space<vmem>>
    %dma_start3A_409 = tpu.memref_squeeze %dma_start3A_408 : memref<1x320xf32, #tpu.memory_space<vmem>> -> memref<320xf32, #tpu.memory_space<vmem>>
    %dma_start3A_410 = tpu.memref_slice %arg4[%add3A_112, %mul3A_0] : memref<42x5120xf32, #tpu.memory_space<hbm>> -> memref<1x320xf32, #tpu.memory_space<hbm>>
    %dma_start3A_411 = tpu.memref_squeeze %dma_start3A_410 : memref<1x320xf32, #tpu.memory_space<hbm>> -> memref<320xf32, #tpu.memory_space<hbm>>
    %dma_start3A_412 = arith.constant 0 : i32
    %dma_start3A_413 = tpu.memref_slice %arg10[%dma_start3A_406, %dma_start3A_412] : memref<21x320xf32, #tpu.memory_space<vmem>> -> memref<1x320xf32, #tpu.memory_space<vmem>>
    %dma_start3A_414 = tpu.memref_squeeze %dma_start3A_413 : memref<1x320xf32, #tpu.memory_space<vmem>> -> memref<320xf32, #tpu.memory_space<vmem>>
    %dma_start3A_415 = tpu.memref_slice %arg4[%add3A_112, %mul3A_0] : memref<42x5120xf32, #tpu.memory_space<hbm>> -> memref<1x320xf32, #tpu.memory_space<hbm>>
    %dma_start3A_416 = tpu.memref_squeeze %dma_start3A_415 : memref<1x320xf32, #tpu.memory_space<hbm>> -> memref<320xf32, #tpu.memory_space<hbm>>
    tpu.enqueue_dma source(%dma_start3A_416 : memref<320xf32, #tpu.memory_space<hbm>>) target(%dma_start3A_414 : memref<320xf32, #tpu.memory_space<vmem>>) target_semaphore(%arg23 : memref<!tpu.dma_semaphore, #tpu.memory_space<semaphore_mem>>)
    %dma_start3A_417 = arith.constant 19 : i32
    %dma_start3A_418 = arith.constant 0 : i32
    %dma_start3A_419 = tpu.memref_slice %arg10[%dma_start3A_417, %dma_start3A_418] : memref<21x320xf32, #tpu.memory_space<vmem>> -> memref<1x320xf32, #tpu.memory_space<vmem>>
    %dma_start3A_420 = tpu.memref_squeeze %dma_start3A_419 : memref<1x320xf32, #tpu.memory_space<vmem>> -> memref<320xf32, #tpu.memory_space<vmem>>
    %dma_start3A_421 = tpu.memref_slice %arg4[%add3A_116, %mul3A_0] : memref<42x5120xf32, #tpu.memory_space<hbm>> -> memref<1x320xf32, #tpu.memory_space<hbm>>
    %dma_start3A_422 = tpu.memref_squeeze %dma_start3A_421 : memref<1x320xf32, #tpu.memory_space<hbm>> -> memref<320xf32, #tpu.memory_space<hbm>>
    %dma_start3A_423 = arith.constant 0 : i32
    %dma_start3A_424 = tpu.memref_slice %arg10[%dma_start3A_417, %dma_start3A_423] : memref<21x320xf32, #tpu.memory_space<vmem>> -> memref<1x320xf32, #tpu.memory_space<vmem>>
    %dma_start3A_425 = tpu.memref_squeeze %dma_start3A_424 : memref<1x320xf32, #tpu.memory_space<vmem>> -> memref<320xf32, #tpu.memory_space<vmem>>
    %dma_start3A_426 = tpu.memref_slice %arg4[%add3A_116, %mul3A_0] : memref<42x5120xf32, #tpu.memory_space<hbm>> -> memref<1x320xf32, #tpu.memory_space<hbm>>
    %dma_start3A_427 = tpu.memref_squeeze %dma_start3A_426 : memref<1x320xf32, #tpu.memory_space<hbm>> -> memref<320xf32, #tpu.memory_space<hbm>>
    tpu.enqueue_dma source(%dma_start3A_427 : memref<320xf32, #tpu.memory_space<hbm>>) target(%dma_start3A_425 : memref<320xf32, #tpu.memory_space<vmem>>) target_semaphore(%arg23 : memref<!tpu.dma_semaphore, #tpu.memory_space<semaphore_mem>>)
    %dma_start3A_428 = arith.constant 20 : i32
    %dma_start3A_429 = arith.constant 0 : i32
    %dma_start3A_430 = tpu.memref_slice %arg10[%dma_start3A_428, %dma_start3A_429] : memref<21x320xf32, #tpu.memory_space<vmem>> -> memref<1x320xf32, #tpu.memory_space<vmem>>
    %dma_start3A_431 = tpu.memref_squeeze %dma_start3A_430 : memref<1x320xf32, #tpu.memory_space<vmem>> -> memref<320xf32, #tpu.memory_space<vmem>>
    %dma_start3A_432 = tpu.memref_slice %arg4[%add3A_120, %mul3A_0] : memref<42x5120xf32, #tpu.memory_space<hbm>> -> memref<1x320xf32, #tpu.memory_space<hbm>>
    %dma_start3A_433 = tpu.memref_squeeze %dma_start3A_432 : memref<1x320xf32, #tpu.memory_space<hbm>> -> memref<320xf32, #tpu.memory_space<hbm>>
    %dma_start3A_434 = arith.constant 0 : i32
    %dma_start3A_435 = tpu.memref_slice %arg10[%dma_start3A_428, %dma_start3A_434] : memref<21x320xf32, #tpu.memory_space<vmem>> -> memref<1x320xf32, #tpu.memory_space<vmem>>
    %dma_start3A_436 = tpu.memref_squeeze %dma_start3A_435 : memref<1x320xf32, #tpu.memory_space<vmem>> -> memref<320xf32, #tpu.memory_space<vmem>>
    %dma_start3A_437 = tpu.memref_slice %arg4[%add3A_120, %mul3A_0] : memref<42x5120xf32, #tpu.memory_space<hbm>> -> memref<1x320xf32, #tpu.memory_space<hbm>>
    %dma_start3A_438 = tpu.memref_squeeze %dma_start3A_437 : memref<1x320xf32, #tpu.memory_space<hbm>> -> memref<320xf32, #tpu.memory_space<hbm>>
    tpu.enqueue_dma source(%dma_start3A_438 : memref<320xf32, #tpu.memory_space<hbm>>) target(%dma_start3A_436 : memref<320xf32, #tpu.memory_space<vmem>>) target_semaphore(%arg23 : memref<!tpu.dma_semaphore, #tpu.memory_space<semaphore_mem>>)
    %dma_wait3A = arith.constant 0 : i32
    %dma_wait3A_439 = arith.constant 0 : i32
    %dma_wait3A_440 = tpu.memref_slice %arg8[%dma_wait3A, %dma_wait3A_439] : memref<4x320xf32, #tpu.memory_space<vmem>> -> memref<1x320xf32, #tpu.memory_space<vmem>>
    %dma_wait3A_441 = tpu.memref_squeeze %dma_wait3A_440 : memref<1x320xf32, #tpu.memory_space<vmem>> -> memref<320xf32, #tpu.memory_space<vmem>>
    %dma_wait3A_442 = tpu.memref_slice %arg2[%add3A_8, %mul3A_0] : memref<8x5120xf32, #tpu.memory_space<hbm>> -> memref<1x320xf32, #tpu.memory_space<hbm>>
    %dma_wait3A_443 = tpu.memref_squeeze %dma_wait3A_442 : memref<1x320xf32, #tpu.memory_space<hbm>> -> memref<320xf32, #tpu.memory_space<hbm>>
    %dma_wait3A_444 = arith.constant 0 : i32
    %dma_wait3A_445 = tpu.memref_slice %arg8[%dma_wait3A, %dma_wait3A_444] : memref<4x320xf32, #tpu.memory_space<vmem>> -> memref<1x320xf32, #tpu.memory_space<vmem>>
    %dma_wait3A_446 = tpu.memref_squeeze %dma_wait3A_445 : memref<1x320xf32, #tpu.memory_space<vmem>> -> memref<320xf32, #tpu.memory_space<vmem>>
    %dma_wait3A_447 = tpu.memref_slice %arg2[%add3A_8, %mul3A_0] : memref<8x5120xf32, #tpu.memory_space<hbm>> -> memref<1x320xf32, #tpu.memory_space<hbm>>
    %dma_wait3A_448 = tpu.memref_squeeze %dma_wait3A_447 : memref<1x320xf32, #tpu.memory_space<hbm>> -> memref<320xf32, #tpu.memory_space<hbm>>
    tpu.wait_dma2 semaphore(%arg23 : memref<!tpu.dma_semaphore, #tpu.memory_space<semaphore_mem>>) src(%dma_wait3A_448 : memref<320xf32, #tpu.memory_space<hbm>>) dst(%dma_wait3A_446 : memref<320xf32, #tpu.memory_space<vmem>>)
    %dma_wait3A_449 = arith.constant 0 : i32
    %dma_wait3A_450 = arith.constant 0 : i32
    %dma_wait3A_451 = tpu.memref_slice %arg9[%dma_wait3A_449, %dma_wait3A_450] : memref<4x320xf32, #tpu.memory_space<vmem>> -> memref<1x320xf32, #tpu.memory_space<vmem>>
    %dma_wait3A_452 = tpu.memref_squeeze %dma_wait3A_451 : memref<1x320xf32, #tpu.memory_space<vmem>> -> memref<320xf32, #tpu.memory_space<vmem>>
    %dma_wait3A_453 = tpu.memref_slice %arg3[%add3A_12, %mul3A_0] : memref<8x5120xf32, #tpu.memory_space<hbm>> -> memref<1x320xf32, #tpu.memory_space<hbm>>
    %dma_wait3A_454 = tpu.memref_squeeze %dma_wait3A_453 : memref<1x320xf32, #tpu.memory_space<hbm>> -> memref<320xf32, #tpu.memory_space<hbm>>
    %dma_wait3A_455 = arith.constant 0 : i32
    %dma_wait3A_456 = tpu.memref_slice %arg9[%dma_wait3A_449, %dma_wait3A_455] : memref<4x320xf32, #tpu.memory_space<vmem>> -> memref<1x320xf32, #tpu.memory_space<vmem>>
    %dma_wait3A_457 = tpu.memref_squeeze %dma_wait3A_456 : memref<1x320xf32, #tpu.memory_space<vmem>> -> memref<320xf32, #tpu.memory_space<vmem>>
    %dma_wait3A_458 = tpu.memref_slice %arg3[%add3A_12, %mul3A_0] : memref<8x5120xf32, #tpu.memory_space<hbm>> -> memref<1x320xf32, #tpu.memory_space<hbm>>
    %dma_wait3A_459 = tpu.memref_squeeze %dma_wait3A_458 : memref<1x320xf32, #tpu.memory_space<hbm>> -> memref<320xf32, #tpu.memory_space<hbm>>
    tpu.wait_dma2 semaphore(%arg23 : memref<!tpu.dma_semaphore, #tpu.memory_space<semaphore_mem>>) src(%dma_wait3A_459 : memref<320xf32, #tpu.memory_space<hbm>>) dst(%dma_wait3A_457 : memref<320xf32, #tpu.memory_space<vmem>>)
    %dma_wait3A_460 = arith.constant 1 : i32
    %dma_wait3A_461 = arith.constant 0 : i32
    %dma_wait3A_462 = tpu.memref_slice %arg8[%dma_wait3A_460, %dma_wait3A_461] : memref<4x320xf32, #tpu.memory_space<vmem>> -> memref<1x320xf32, #tpu.memory_space<vmem>>
    %dma_wait3A_463 = tpu.memref_squeeze %dma_wait3A_462 : memref<1x320xf32, #tpu.memory_space<vmem>> -> memref<320xf32, #tpu.memory_space<vmem>>
    %dma_wait3A_464 = tpu.memref_slice %arg2[%add3A_16, %mul3A_0] : memref<8x5120xf32, #tpu.memory_space<hbm>> -> memref<1x320xf32, #tpu.memory_space<hbm>>
    %dma_wait3A_465 = tpu.memref_squeeze %dma_wait3A_464 : memref<1x320xf32, #tpu.memory_space<hbm>> -> memref<320xf32, #tpu.memory_space<hbm>>
    %dma_wait3A_466 = arith.constant 0 : i32
    %dma_wait3A_467 = tpu.memref_slice %arg8[%dma_wait3A_460, %dma_wait3A_466] : memref<4x320xf32, #tpu.memory_space<vmem>> -> memref<1x320xf32, #tpu.memory_space<vmem>>
    %dma_wait3A_468 = tpu.memref_squeeze %dma_wait3A_467 : memref<1x320xf32, #tpu.memory_space<vmem>> -> memref<320xf32, #tpu.memory_space<vmem>>
    %dma_wait3A_469 = tpu.memref_slice %arg2[%add3A_16, %mul3A_0] : memref<8x5120xf32, #tpu.memory_space<hbm>> -> memref<1x320xf32, #tpu.memory_space<hbm>>
    %dma_wait3A_470 = tpu.memref_squeeze %dma_wait3A_469 : memref<1x320xf32, #tpu.memory_space<hbm>> -> memref<320xf32, #tpu.memory_space<hbm>>
    tpu.wait_dma2 semaphore(%arg23 : memref<!tpu.dma_semaphore, #tpu.memory_space<semaphore_mem>>) src(%dma_wait3A_470 : memref<320xf32, #tpu.memory_space<hbm>>) dst(%dma_wait3A_468 : memref<320xf32, #tpu.memory_space<vmem>>)
    %dma_wait3A_471 = arith.constant 1 : i32
    %dma_wait3A_472 = arith.constant 0 : i32
    %dma_wait3A_473 = tpu.memref_slice %arg9[%dma_wait3A_471, %dma_wait3A_472] : memref<4x320xf32, #tpu.memory_space<vmem>> -> memref<1x320xf32, #tpu.memory_space<vmem>>
    %dma_wait3A_474 = tpu.memref_squeeze %dma_wait3A_473 : memref<1x320xf32, #tpu.memory_space<vmem>> -> memref<320xf32, #tpu.memory_space<vmem>>
    %dma_wait3A_475 = tpu.memref_slice %arg3[%add3A_20, %mul3A_0] : memref<8x5120xf32, #tpu.memory_space<hbm>> -> memref<1x320xf32, #tpu.memory_space<hbm>>
    %dma_wait3A_476 = tpu.memref_squeeze %dma_wait3A_475 : memref<1x320xf32, #tpu.memory_space<hbm>> -> memref<320xf32, #tpu.memory_space<hbm>>
    %dma_wait3A_477 = arith.constant 0 : i32
    %dma_wait3A_478 = tpu.memref_slice %arg9[%dma_wait3A_471, %dma_wait3A_477] : memref<4x320xf32, #tpu.memory_space<vmem>> -> memref<1x320xf32, #tpu.memory_space<vmem>>
    %dma_wait3A_479 = tpu.memref_squeeze %dma_wait3A_478 : memref<1x320xf32, #tpu.memory_space<vmem>> -> memref<320xf32, #tpu.memory_space<vmem>>
    %dma_wait3A_480 = tpu.memref_slice %arg3[%add3A_20, %mul3A_0] : memref<8x5120xf32, #tpu.memory_space<hbm>> -> memref<1x320xf32, #tpu.memory_space<hbm>>
    %dma_wait3A_481 = tpu.memref_squeeze %dma_wait3A_480 : memref<1x320xf32, #tpu.memory_space<hbm>> -> memref<320xf32, #tpu.memory_space<hbm>>
    tpu.wait_dma2 semaphore(%arg23 : memref<!tpu.dma_semaphore, #tpu.memory_space<semaphore_mem>>) src(%dma_wait3A_481 : memref<320xf32, #tpu.memory_space<hbm>>) dst(%dma_wait3A_479 : memref<320xf32, #tpu.memory_space<vmem>>)
    %dma_wait3A_482 = arith.constant 2 : i32
    %dma_wait3A_483 = arith.constant 0 : i32
    %dma_wait3A_484 = tpu.memref_slice %arg8[%dma_wait3A_482, %dma_wait3A_483] : memref<4x320xf32, #tpu.memory_space<vmem>> -> memref<1x320xf32, #tpu.memory_space<vmem>>
    %dma_wait3A_485 = tpu.memref_squeeze %dma_wait3A_484 : memref<1x320xf32, #tpu.memory_space<vmem>> -> memref<320xf32, #tpu.memory_space<vmem>>
    %dma_wait3A_486 = tpu.memref_slice %arg2[%add3A_24, %mul3A_0] : memref<8x5120xf32, #tpu.memory_space<hbm>> -> memref<1x320xf32, #tpu.memory_space<hbm>>
    %dma_wait3A_487 = tpu.memref_squeeze %dma_wait3A_486 : memref<1x320xf32, #tpu.memory_space<hbm>> -> memref<320xf32, #tpu.memory_space<hbm>>
    %dma_wait3A_488 = arith.constant 0 : i32
    %dma_wait3A_489 = tpu.memref_slice %arg8[%dma_wait3A_482, %dma_wait3A_488] : memref<4x320xf32, #tpu.memory_space<vmem>> -> memref<1x320xf32, #tpu.memory_space<vmem>>
    %dma_wait3A_490 = tpu.memref_squeeze %dma_wait3A_489 : memref<1x320xf32, #tpu.memory_space<vmem>> -> memref<320xf32, #tpu.memory_space<vmem>>
    %dma_wait3A_491 = tpu.memref_slice %arg2[%add3A_24, %mul3A_0] : memref<8x5120xf32, #tpu.memory_space<hbm>> -> memref<1x320xf32, #tpu.memory_space<hbm>>
    %dma_wait3A_492 = tpu.memref_squeeze %dma_wait3A_491 : memref<1x320xf32, #tpu.memory_space<hbm>> -> memref<320xf32, #tpu.memory_space<hbm>>
    tpu.wait_dma2 semaphore(%arg23 : memref<!tpu.dma_semaphore, #tpu.memory_space<semaphore_mem>>) src(%dma_wait3A_492 : memref<320xf32, #tpu.memory_space<hbm>>) dst(%dma_wait3A_490 : memref<320xf32, #tpu.memory_space<vmem>>)
    %dma_wait3A_493 = arith.constant 2 : i32
    %dma_wait3A_494 = arith.constant 0 : i32
    %dma_wait3A_495 = tpu.memref_slice %arg9[%dma_wait3A_493, %dma_wait3A_494] : memref<4x320xf32, #tpu.memory_space<vmem>> -> memref<1x320xf32, #tpu.memory_space<vmem>>
    %dma_wait3A_496 = tpu.memref_squeeze %dma_wait3A_495 : memref<1x320xf32, #tpu.memory_space<vmem>> -> memref<320xf32, #tpu.memory_space<vmem>>
    %dma_wait3A_497 = tpu.memref_slice %arg3[%add3A_28, %mul3A_0] : memref<8x5120xf32, #tpu.memory_space<hbm>> -> memref<1x320xf32, #tpu.memory_space<hbm>>
    %dma_wait3A_498 = tpu.memref_squeeze %dma_wait3A_497 : memref<1x320xf32, #tpu.memory_space<hbm>> -> memref<320xf32, #tpu.memory_space<hbm>>
    %dma_wait3A_499 = arith.constant 0 : i32
    %dma_wait3A_500 = tpu.memref_slice %arg9[%dma_wait3A_493, %dma_wait3A_499] : memref<4x320xf32, #tpu.memory_space<vmem>> -> memref<1x320xf32, #tpu.memory_space<vmem>>
    %dma_wait3A_501 = tpu.memref_squeeze %dma_wait3A_500 : memref<1x320xf32, #tpu.memory_space<vmem>> -> memref<320xf32, #tpu.memory_space<vmem>>
    %dma_wait3A_502 = tpu.memref_slice %arg3[%add3A_28, %mul3A_0] : memref<8x5120xf32, #tpu.memory_space<hbm>> -> memref<1x320xf32, #tpu.memory_space<hbm>>
    %dma_wait3A_503 = tpu.memref_squeeze %dma_wait3A_502 : memref<1x320xf32, #tpu.memory_space<hbm>> -> memref<320xf32, #tpu.memory_space<hbm>>
    tpu.wait_dma2 semaphore(%arg23 : memref<!tpu.dma_semaphore, #tpu.memory_space<semaphore_mem>>) src(%dma_wait3A_503 : memref<320xf32, #tpu.memory_space<hbm>>) dst(%dma_wait3A_501 : memref<320xf32, #tpu.memory_space<vmem>>)
    %dma_wait3A_504 = arith.constant 3 : i32
    %dma_wait3A_505 = arith.constant 0 : i32
    %dma_wait3A_506 = tpu.memref_slice %arg8[%dma_wait3A_504, %dma_wait3A_505] : memref<4x320xf32, #tpu.memory_space<vmem>> -> memref<1x320xf32, #tpu.memory_space<vmem>>
    %dma_wait3A_507 = tpu.memref_squeeze %dma_wait3A_506 : memref<1x320xf32, #tpu.memory_space<vmem>> -> memref<320xf32, #tpu.memory_space<vmem>>
    %dma_wait3A_508 = tpu.memref_slice %arg2[%add3A_32, %mul3A_0] : memref<8x5120xf32, #tpu.memory_space<hbm>> -> memref<1x320xf32, #tpu.memory_space<hbm>>
    %dma_wait3A_509 = tpu.memref_squeeze %dma_wait3A_508 : memref<1x320xf32, #tpu.memory_space<hbm>> -> memref<320xf32, #tpu.memory_space<hbm>>
    %dma_wait3A_510 = arith.constant 0 : i32
    %dma_wait3A_511 = tpu.memref_slice %arg8[%dma_wait3A_504, %dma_wait3A_510] : memref<4x320xf32, #tpu.memory_space<vmem>> -> memref<1x320xf32, #tpu.memory_space<vmem>>
    %dma_wait3A_512 = tpu.memref_squeeze %dma_wait3A_511 : memref<1x320xf32, #tpu.memory_space<vmem>> -> memref<320xf32, #tpu.memory_space<vmem>>
    %dma_wait3A_513 = tpu.memref_slice %arg2[%add3A_32, %mul3A_0] : memref<8x5120xf32, #tpu.memory_space<hbm>> -> memref<1x320xf32, #tpu.memory_space<hbm>>
    %dma_wait3A_514 = tpu.memref_squeeze %dma_wait3A_513 : memref<1x320xf32, #tpu.memory_space<hbm>> -> memref<320xf32, #tpu.memory_space<hbm>>
    tpu.wait_dma2 semaphore(%arg23 : memref<!tpu.dma_semaphore, #tpu.memory_space<semaphore_mem>>) src(%dma_wait3A_514 : memref<320xf32, #tpu.memory_space<hbm>>) dst(%dma_wait3A_512 : memref<320xf32, #tpu.memory_space<vmem>>)
    %dma_wait3A_515 = arith.constant 3 : i32
    %dma_wait3A_516 = arith.constant 0 : i32
    %dma_wait3A_517 = tpu.memref_slice %arg9[%dma_wait3A_515, %dma_wait3A_516] : memref<4x320xf32, #tpu.memory_space<vmem>> -> memref<1x320xf32, #tpu.memory_space<vmem>>
    %dma_wait3A_518 = tpu.memref_squeeze %dma_wait3A_517 : memref<1x320xf32, #tpu.memory_space<vmem>> -> memref<320xf32, #tpu.memory_space<vmem>>
    %dma_wait3A_519 = tpu.memref_slice %arg3[%add3A_36, %mul3A_0] : memref<8x5120xf32, #tpu.memory_space<hbm>> -> memref<1x320xf32, #tpu.memory_space<hbm>>
    %dma_wait3A_520 = tpu.memref_squeeze %dma_wait3A_519 : memref<1x320xf32, #tpu.memory_space<hbm>> -> memref<320xf32, #tpu.memory_space<hbm>>
    %dma_wait3A_521 = arith.constant 0 : i32
    %dma_wait3A_522 = tpu.memref_slice %arg9[%dma_wait3A_515, %dma_wait3A_521] : memref<4x320xf32, #tpu.memory_space<vmem>> -> memref<1x320xf32, #tpu.memory_space<vmem>>
    %dma_wait3A_523 = tpu.memref_squeeze %dma_wait3A_522 : memref<1x320xf32, #tpu.memory_space<vmem>> -> memref<320xf32, #tpu.memory_space<vmem>>
    %dma_wait3A_524 = tpu.memref_slice %arg3[%add3A_36, %mul3A_0] : memref<8x5120xf32, #tpu.memory_space<hbm>> -> memref<1x320xf32, #tpu.memory_space<hbm>>
    %dma_wait3A_525 = tpu.memref_squeeze %dma_wait3A_524 : memref<1x320xf32, #tpu.memory_space<hbm>> -> memref<320xf32, #tpu.memory_space<hbm>>
    tpu.wait_dma2 semaphore(%arg23 : memref<!tpu.dma_semaphore, #tpu.memory_space<semaphore_mem>>) src(%dma_wait3A_525 : memref<320xf32, #tpu.memory_space<hbm>>) dst(%dma_wait3A_523 : memref<320xf32, #tpu.memory_space<vmem>>)
    %dma_wait3A_526 = arith.constant 0 : i32
    %dma_wait3A_527 = arith.constant 0 : i32
    %dma_wait3A_528 = tpu.memref_slice %arg10[%dma_wait3A_526, %dma_wait3A_527] : memref<21x320xf32, #tpu.memory_space<vmem>> -> memref<1x320xf32, #tpu.memory_space<vmem>>
    %dma_wait3A_529 = tpu.memref_squeeze %dma_wait3A_528 : memref<1x320xf32, #tpu.memory_space<vmem>> -> memref<320xf32, #tpu.memory_space<vmem>>
    %dma_wait3A_530 = tpu.memref_slice %arg4[%add3A_40, %mul3A_0] : memref<42x5120xf32, #tpu.memory_space<hbm>> -> memref<1x320xf32, #tpu.memory_space<hbm>>
    %dma_wait3A_531 = tpu.memref_squeeze %dma_wait3A_530 : memref<1x320xf32, #tpu.memory_space<hbm>> -> memref<320xf32, #tpu.memory_space<hbm>>
    %dma_wait3A_532 = arith.constant 0 : i32
    %dma_wait3A_533 = tpu.memref_slice %arg10[%dma_wait3A_526, %dma_wait3A_532] : memref<21x320xf32, #tpu.memory_space<vmem>> -> memref<1x320xf32, #tpu.memory_space<vmem>>
    %dma_wait3A_534 = tpu.memref_squeeze %dma_wait3A_533 : memref<1x320xf32, #tpu.memory_space<vmem>> -> memref<320xf32, #tpu.memory_space<vmem>>
    %dma_wait3A_535 = tpu.memref_slice %arg4[%add3A_40, %mul3A_0] : memref<42x5120xf32, #tpu.memory_space<hbm>> -> memref<1x320xf32, #tpu.memory_space<hbm>>
    %dma_wait3A_536 = tpu.memref_squeeze %dma_wait3A_535 : memref<1x320xf32, #tpu.memory_space<hbm>> -> memref<320xf32, #tpu.memory_space<hbm>>
    tpu.wait_dma2 semaphore(%arg23 : memref<!tpu.dma_semaphore, #tpu.memory_space<semaphore_mem>>) src(%dma_wait3A_536 : memref<320xf32, #tpu.memory_space<hbm>>) dst(%dma_wait3A_534 : memref<320xf32, #tpu.memory_space<vmem>>)
    %dma_wait3A_537 = arith.constant 1 : i32
    %dma_wait3A_538 = arith.constant 0 : i32
    %dma_wait3A_539 = tpu.memref_slice %arg10[%dma_wait3A_537, %dma_wait3A_538] : memref<21x320xf32, #tpu.memory_space<vmem>> -> memref<1x320xf32, #tpu.memory_space<vmem>>
    %dma_wait3A_540 = tpu.memref_squeeze %dma_wait3A_539 : memref<1x320xf32, #tpu.memory_space<vmem>> -> memref<320xf32, #tpu.memory_space<vmem>>
    %dma_wait3A_541 = tpu.memref_slice %arg4[%add3A_44, %mul3A_0] : memref<42x5120xf32, #tpu.memory_space<hbm>> -> memref<1x320xf32, #tpu.memory_space<hbm>>
    %dma_wait3A_542 = tpu.memref_squeeze %dma_wait3A_541 : memref<1x320xf32, #tpu.memory_space<hbm>> -> memref<320xf32, #tpu.memory_space<hbm>>
    %dma_wait3A_543 = arith.constant 0 : i32
    %dma_wait3A_544 = tpu.memref_slice %arg10[%dma_wait3A_537, %dma_wait3A_543] : memref<21x320xf32, #tpu.memory_space<vmem>> -> memref<1x320xf32, #tpu.memory_space<vmem>>
    %dma_wait3A_545 = tpu.memref_squeeze %dma_wait3A_544 : memref<1x320xf32, #tpu.memory_space<vmem>> -> memref<320xf32, #tpu.memory_space<vmem>>
    %dma_wait3A_546 = tpu.memref_slice %arg4[%add3A_44, %mul3A_0] : memref<42x5120xf32, #tpu.memory_space<hbm>> -> memref<1x320xf32, #tpu.memory_space<hbm>>
    %dma_wait3A_547 = tpu.memref_squeeze %dma_wait3A_546 : memref<1x320xf32, #tpu.memory_space<hbm>> -> memref<320xf32, #tpu.memory_space<hbm>>
    tpu.wait_dma2 semaphore(%arg23 : memref<!tpu.dma_semaphore, #tpu.memory_space<semaphore_mem>>) src(%dma_wait3A_547 : memref<320xf32, #tpu.memory_space<hbm>>) dst(%dma_wait3A_545 : memref<320xf32, #tpu.memory_space<vmem>>)
    %dma_wait3A_548 = arith.constant 2 : i32
    %dma_wait3A_549 = arith.constant 0 : i32
    %dma_wait3A_550 = tpu.memref_slice %arg10[%dma_wait3A_548, %dma_wait3A_549] : memref<21x320xf32, #tpu.memory_space<vmem>> -> memref<1x320xf32, #tpu.memory_space<vmem>>
    %dma_wait3A_551 = tpu.memref_squeeze %dma_wait3A_550 : memref<1x320xf32, #tpu.memory_space<vmem>> -> memref<320xf32, #tpu.memory_space<vmem>>
    %dma_wait3A_552 = tpu.memref_slice %arg4[%add3A_48, %mul3A_0] : memref<42x5120xf32, #tpu.memory_space<hbm>> -> memref<1x320xf32, #tpu.memory_space<hbm>>
    %dma_wait3A_553 = tpu.memref_squeeze %dma_wait3A_552 : memref<1x320xf32, #tpu.memory_space<hbm>> -> memref<320xf32, #tpu.memory_space<hbm>>
    %dma_wait3A_554 = arith.constant 0 : i32
    %dma_wait3A_555 = tpu.memref_slice %arg10[%dma_wait3A_548, %dma_wait3A_554] : memref<21x320xf32, #tpu.memory_space<vmem>> -> memref<1x320xf32, #tpu.memory_space<vmem>>
    %dma_wait3A_556 = tpu.memref_squeeze %dma_wait3A_555 : memref<1x320xf32, #tpu.memory_space<vmem>> -> memref<320xf32, #tpu.memory_space<vmem>>
    %dma_wait3A_557 = tpu.memref_slice %arg4[%add3A_48, %mul3A_0] : memref<42x5120xf32, #tpu.memory_space<hbm>> -> memref<1x320xf32, #tpu.memory_space<hbm>>
    %dma_wait3A_558 = tpu.memref_squeeze %dma_wait3A_557 : memref<1x320xf32, #tpu.memory_space<hbm>> -> memref<320xf32, #tpu.memory_space<hbm>>
    tpu.wait_dma2 semaphore(%arg23 : memref<!tpu.dma_semaphore, #tpu.memory_space<semaphore_mem>>) src(%dma_wait3A_558 : memref<320xf32, #tpu.memory_space<hbm>>) dst(%dma_wait3A_556 : memref<320xf32, #tpu.memory_space<vmem>>)
    %dma_wait3A_559 = arith.constant 3 : i32
    %dma_wait3A_560 = arith.constant 0 : i32
    %dma_wait3A_561 = tpu.memref_slice %arg10[%dma_wait3A_559, %dma_wait3A_560] : memref<21x320xf32, #tpu.memory_space<vmem>> -> memref<1x320xf32, #tpu.memory_space<vmem>>
    %dma_wait3A_562 = tpu.memref_squeeze %dma_wait3A_561 : memref<1x320xf32, #tpu.memory_space<vmem>> -> memref<320xf32, #tpu.memory_space<vmem>>
    %dma_wait3A_563 = tpu.memref_slice %arg4[%add3A_52, %mul3A_0] : memref<42x5120xf32, #tpu.memory_space<hbm>> -> memref<1x320xf32, #tpu.memory_space<hbm>>
    %dma_wait3A_564 = tpu.memref_squeeze %dma_wait3A_563 : memref<1x320xf32, #tpu.memory_space<hbm>> -> memref<320xf32, #tpu.memory_space<hbm>>
    %dma_wait3A_565 = arith.constant 0 : i32
    %dma_wait3A_566 = tpu.memref_slice %arg10[%dma_wait3A_559, %dma_wait3A_565] : memref<21x320xf32, #tpu.memory_space<vmem>> -> memref<1x320xf32, #tpu.memory_space<vmem>>
    %dma_wait3A_567 = tpu.memref_squeeze %dma_wait3A_566 : memref<1x320xf32, #tpu.memory_space<vmem>> -> memref<320xf32, #tpu.memory_space<vmem>>
    %dma_wait3A_568 = tpu.memref_slice %arg4[%add3A_52, %mul3A_0] : memref<42x5120xf32, #tpu.memory_space<hbm>> -> memref<1x320xf32, #tpu.memory_space<hbm>>
    %dma_wait3A_569 = tpu.memref_squeeze %dma_wait3A_568 : memref<1x320xf32, #tpu.memory_space<hbm>> -> memref<320xf32, #tpu.memory_space<hbm>>
    tpu.wait_dma2 semaphore(%arg23 : memref<!tpu.dma_semaphore, #tpu.memory_space<semaphore_mem>>) src(%dma_wait3A_569 : memref<320xf32, #tpu.memory_space<hbm>>) dst(%dma_wait3A_567 : memref<320xf32, #tpu.memory_space<vmem>>)
    %dma_wait3A_570 = arith.constant 4 : i32
    %dma_wait3A_571 = arith.constant 0 : i32
    %dma_wait3A_572 = tpu.memref_slice %arg10[%dma_wait3A_570, %dma_wait3A_571] : memref<21x320xf32, #tpu.memory_space<vmem>> -> memref<1x320xf32, #tpu.memory_space<vmem>>
    %dma_wait3A_573 = tpu.memref_squeeze %dma_wait3A_572 : memref<1x320xf32, #tpu.memory_space<vmem>> -> memref<320xf32, #tpu.memory_space<vmem>>
    %dma_wait3A_574 = tpu.memref_slice %arg4[%add3A_56, %mul3A_0] : memref<42x5120xf32, #tpu.memory_space<hbm>> -> memref<1x320xf32, #tpu.memory_space<hbm>>
    %dma_wait3A_575 = tpu.memref_squeeze %dma_wait3A_574 : memref<1x320xf32, #tpu.memory_space<hbm>> -> memref<320xf32, #tpu.memory_space<hbm>>
    %dma_wait3A_576 = arith.constant 0 : i32
    %dma_wait3A_577 = tpu.memref_slice %arg10[%dma_wait3A_570, %dma_wait3A_576] : memref<21x320xf32, #tpu.memory_space<vmem>> -> memref<1x320xf32, #tpu.memory_space<vmem>>
    %dma_wait3A_578 = tpu.memref_squeeze %dma_wait3A_577 : memref<1x320xf32, #tpu.memory_space<vmem>> -> memref<320xf32, #tpu.memory_space<vmem>>
    %dma_wait3A_579 = tpu.memref_slice %arg4[%add3A_56, %mul3A_0] : memref<42x5120xf32, #tpu.memory_space<hbm>> -> memref<1x320xf32, #tpu.memory_space<hbm>>
    %dma_wait3A_580 = tpu.memref_squeeze %dma_wait3A_579 : memref<1x320xf32, #tpu.memory_space<hbm>> -> memref<320xf32, #tpu.memory_space<hbm>>
    tpu.wait_dma2 semaphore(%arg23 : memref<!tpu.dma_semaphore, #tpu.memory_space<semaphore_mem>>) src(%dma_wait3A_580 : memref<320xf32, #tpu.memory_space<hbm>>) dst(%dma_wait3A_578 : memref<320xf32, #tpu.memory_space<vmem>>)
    %dma_wait3A_581 = arith.constant 5 : i32
    %dma_wait3A_582 = arith.constant 0 : i32
    %dma_wait3A_583 = tpu.memref_slice %arg10[%dma_wait3A_581, %dma_wait3A_582] : memref<21x320xf32, #tpu.memory_space<vmem>> -> memref<1x320xf32, #tpu.memory_space<vmem>>
    %dma_wait3A_584 = tpu.memref_squeeze %dma_wait3A_583 : memref<1x320xf32, #tpu.memory_space<vmem>> -> memref<320xf32, #tpu.memory_space<vmem>>
    %dma_wait3A_585 = tpu.memref_slice %arg4[%add3A_60, %mul3A_0] : memref<42x5120xf32, #tpu.memory_space<hbm>> -> memref<1x320xf32, #tpu.memory_space<hbm>>
    %dma_wait3A_586 = tpu.memref_squeeze %dma_wait3A_585 : memref<1x320xf32, #tpu.memory_space<hbm>> -> memref<320xf32, #tpu.memory_space<hbm>>
    %dma_wait3A_587 = arith.constant 0 : i32
    %dma_wait3A_588 = tpu.memref_slice %arg10[%dma_wait3A_581, %dma_wait3A_587] : memref<21x320xf32, #tpu.memory_space<vmem>> -> memref<1x320xf32, #tpu.memory_space<vmem>>
    %dma_wait3A_589 = tpu.memref_squeeze %dma_wait3A_588 : memref<1x320xf32, #tpu.memory_space<vmem>> -> memref<320xf32, #tpu.memory_space<vmem>>
    %dma_wait3A_590 = tpu.memref_slice %arg4[%add3A_60, %mul3A_0] : memref<42x5120xf32, #tpu.memory_space<hbm>> -> memref<1x320xf32, #tpu.memory_space<hbm>>
    %dma_wait3A_591 = tpu.memref_squeeze %dma_wait3A_590 : memref<1x320xf32, #tpu.memory_space<hbm>> -> memref<320xf32, #tpu.memory_space<hbm>>
    tpu.wait_dma2 semaphore(%arg23 : memref<!tpu.dma_semaphore, #tpu.memory_space<semaphore_mem>>) src(%dma_wait3A_591 : memref<320xf32, #tpu.memory_space<hbm>>) dst(%dma_wait3A_589 : memref<320xf32, #tpu.memory_space<vmem>>)
    %dma_wait3A_592 = arith.constant 6 : i32
    %dma_wait3A_593 = arith.constant 0 : i32
    %dma_wait3A_594 = tpu.memref_slice %arg10[%dma_wait3A_592, %dma_wait3A_593] : memref<21x320xf32, #tpu.memory_space<vmem>> -> memref<1x320xf32, #tpu.memory_space<vmem>>
    %dma_wait3A_595 = tpu.memref_squeeze %dma_wait3A_594 : memref<1x320xf32, #tpu.memory_space<vmem>> -> memref<320xf32, #tpu.memory_space<vmem>>
    %dma_wait3A_596 = tpu.memref_slice %arg4[%add3A_64, %mul3A_0] : memref<42x5120xf32, #tpu.memory_space<hbm>> -> memref<1x320xf32, #tpu.memory_space<hbm>>
    %dma_wait3A_597 = tpu.memref_squeeze %dma_wait3A_596 : memref<1x320xf32, #tpu.memory_space<hbm>> -> memref<320xf32, #tpu.memory_space<hbm>>
    %dma_wait3A_598 = arith.constant 0 : i32
    %dma_wait3A_599 = tpu.memref_slice %arg10[%dma_wait3A_592, %dma_wait3A_598] : memref<21x320xf32, #tpu.memory_space<vmem>> -> memref<1x320xf32, #tpu.memory_space<vmem>>
    %dma_wait3A_600 = tpu.memref_squeeze %dma_wait3A_599 : memref<1x320xf32, #tpu.memory_space<vmem>> -> memref<320xf32, #tpu.memory_space<vmem>>
    %dma_wait3A_601 = tpu.memref_slice %arg4[%add3A_64, %mul3A_0] : memref<42x5120xf32, #tpu.memory_space<hbm>> -> memref<1x320xf32, #tpu.memory_space<hbm>>
    %dma_wait3A_602 = tpu.memref_squeeze %dma_wait3A_601 : memref<1x320xf32, #tpu.memory_space<hbm>> -> memref<320xf32, #tpu.memory_space<hbm>>
    tpu.wait_dma2 semaphore(%arg23 : memref<!tpu.dma_semaphore, #tpu.memory_space<semaphore_mem>>) src(%dma_wait3A_602 : memref<320xf32, #tpu.memory_space<hbm>>) dst(%dma_wait3A_600 : memref<320xf32, #tpu.memory_space<vmem>>)
    %dma_wait3A_603 = arith.constant 7 : i32
    %dma_wait3A_604 = arith.constant 0 : i32
    %dma_wait3A_605 = tpu.memref_slice %arg10[%dma_wait3A_603, %dma_wait3A_604] : memref<21x320xf32, #tpu.memory_space<vmem>> -> memref<1x320xf32, #tpu.memory_space<vmem>>
    %dma_wait3A_606 = tpu.memref_squeeze %dma_wait3A_605 : memref<1x320xf32, #tpu.memory_space<vmem>> -> memref<320xf32, #tpu.memory_space<vmem>>
    %dma_wait3A_607 = tpu.memref_slice %arg4[%add3A_68, %mul3A_0] : memref<42x5120xf32, #tpu.memory_space<hbm>> -> memref<1x320xf32, #tpu.memory_space<hbm>>
    %dma_wait3A_608 = tpu.memref_squeeze %dma_wait3A_607 : memref<1x320xf32, #tpu.memory_space<hbm>> -> memref<320xf32, #tpu.memory_space<hbm>>
    %dma_wait3A_609 = arith.constant 0 : i32
    %dma_wait3A_610 = tpu.memref_slice %arg10[%dma_wait3A_603, %dma_wait3A_609] : memref<21x320xf32, #tpu.memory_space<vmem>> -> memref<1x320xf32, #tpu.memory_space<vmem>>
    %dma_wait3A_611 = tpu.memref_squeeze %dma_wait3A_610 : memref<1x320xf32, #tpu.memory_space<vmem>> -> memref<320xf32, #tpu.memory_space<vmem>>
    %dma_wait3A_612 = tpu.memref_slice %arg4[%add3A_68, %mul3A_0] : memref<42x5120xf32, #tpu.memory_space<hbm>> -> memref<1x320xf32, #tpu.memory_space<hbm>>
    %dma_wait3A_613 = tpu.memref_squeeze %dma_wait3A_612 : memref<1x320xf32, #tpu.memory_space<hbm>> -> memref<320xf32, #tpu.memory_space<hbm>>
    tpu.wait_dma2 semaphore(%arg23 : memref<!tpu.dma_semaphore, #tpu.memory_space<semaphore_mem>>) src(%dma_wait3A_613 : memref<320xf32, #tpu.memory_space<hbm>>) dst(%dma_wait3A_611 : memref<320xf32, #tpu.memory_space<vmem>>)
    %dma_wait3A_614 = arith.constant 8 : i32
    %dma_wait3A_615 = arith.constant 0 : i32
    %dma_wait3A_616 = tpu.memref_slice %arg10[%dma_wait3A_614, %dma_wait3A_615] : memref<21x320xf32, #tpu.memory_space<vmem>> -> memref<1x320xf32, #tpu.memory_space<vmem>>
    %dma_wait3A_617 = tpu.memref_squeeze %dma_wait3A_616 : memref<1x320xf32, #tpu.memory_space<vmem>> -> memref<320xf32, #tpu.memory_space<vmem>>
    %dma_wait3A_618 = tpu.memref_slice %arg4[%add3A_72, %mul3A_0] : memref<42x5120xf32, #tpu.memory_space<hbm>> -> memref<1x320xf32, #tpu.memory_space<hbm>>
    %dma_wait3A_619 = tpu.memref_squeeze %dma_wait3A_618 : memref<1x320xf32, #tpu.memory_space<hbm>> -> memref<320xf32, #tpu.memory_space<hbm>>
    %dma_wait3A_620 = arith.constant 0 : i32
    %dma_wait3A_621 = tpu.memref_slice %arg10[%dma_wait3A_614, %dma_wait3A_620] : memref<21x320xf32, #tpu.memory_space<vmem>> -> memref<1x320xf32, #tpu.memory_space<vmem>>
    %dma_wait3A_622 = tpu.memref_squeeze %dma_wait3A_621 : memref<1x320xf32, #tpu.memory_space<vmem>> -> memref<320xf32, #tpu.memory_space<vmem>>
    %dma_wait3A_623 = tpu.memref_slice %arg4[%add3A_72, %mul3A_0] : memref<42x5120xf32, #tpu.memory_space<hbm>> -> memref<1x320xf32, #tpu.memory_space<hbm>>
    %dma_wait3A_624 = tpu.memref_squeeze %dma_wait3A_623 : memref<1x320xf32, #tpu.memory_space<hbm>> -> memref<320xf32, #tpu.memory_space<hbm>>
    tpu.wait_dma2 semaphore(%arg23 : memref<!tpu.dma_semaphore, #tpu.memory_space<semaphore_mem>>) src(%dma_wait3A_624 : memref<320xf32, #tpu.memory_space<hbm>>) dst(%dma_wait3A_622 : memref<320xf32, #tpu.memory_space<vmem>>)
    %dma_wait3A_625 = arith.constant 9 : i32
    %dma_wait3A_626 = arith.constant 0 : i32
    %dma_wait3A_627 = tpu.memref_slice %arg10[%dma_wait3A_625, %dma_wait3A_626] : memref<21x320xf32, #tpu.memory_space<vmem>> -> memref<1x320xf32, #tpu.memory_space<vmem>>
    %dma_wait3A_628 = tpu.memref_squeeze %dma_wait3A_627 : memref<1x320xf32, #tpu.memory_space<vmem>> -> memref<320xf32, #tpu.memory_space<vmem>>
    %dma_wait3A_629 = tpu.memref_slice %arg4[%add3A_76, %mul3A_0] : memref<42x5120xf32, #tpu.memory_space<hbm>> -> memref<1x320xf32, #tpu.memory_space<hbm>>
    %dma_wait3A_630 = tpu.memref_squeeze %dma_wait3A_629 : memref<1x320xf32, #tpu.memory_space<hbm>> -> memref<320xf32, #tpu.memory_space<hbm>>
    %dma_wait3A_631 = arith.constant 0 : i32
    %dma_wait3A_632 = tpu.memref_slice %arg10[%dma_wait3A_625, %dma_wait3A_631] : memref<21x320xf32, #tpu.memory_space<vmem>> -> memref<1x320xf32, #tpu.memory_space<vmem>>
    %dma_wait3A_633 = tpu.memref_squeeze %dma_wait3A_632 : memref<1x320xf32, #tpu.memory_space<vmem>> -> memref<320xf32, #tpu.memory_space<vmem>>
    %dma_wait3A_634 = tpu.memref_slice %arg4[%add3A_76, %mul3A_0] : memref<42x5120xf32, #tpu.memory_space<hbm>> -> memref<1x320xf32, #tpu.memory_space<hbm>>
    %dma_wait3A_635 = tpu.memref_squeeze %dma_wait3A_634 : memref<1x320xf32, #tpu.memory_space<hbm>> -> memref<320xf32, #tpu.memory_space<hbm>>
    tpu.wait_dma2 semaphore(%arg23 : memref<!tpu.dma_semaphore, #tpu.memory_space<semaphore_mem>>) src(%dma_wait3A_635 : memref<320xf32, #tpu.memory_space<hbm>>) dst(%dma_wait3A_633 : memref<320xf32, #tpu.memory_space<vmem>>)
    %dma_wait3A_636 = arith.constant 10 : i32
    %dma_wait3A_637 = arith.constant 0 : i32
    %dma_wait3A_638 = tpu.memref_slice %arg10[%dma_wait3A_636, %dma_wait3A_637] : memref<21x320xf32, #tpu.memory_space<vmem>> -> memref<1x320xf32, #tpu.memory_space<vmem>>
    %dma_wait3A_639 = tpu.memref_squeeze %dma_wait3A_638 : memref<1x320xf32, #tpu.memory_space<vmem>> -> memref<320xf32, #tpu.memory_space<vmem>>
    %dma_wait3A_640 = tpu.memref_slice %arg4[%add3A_80, %mul3A_0] : memref<42x5120xf32, #tpu.memory_space<hbm>> -> memref<1x320xf32, #tpu.memory_space<hbm>>
    %dma_wait3A_641 = tpu.memref_squeeze %dma_wait3A_640 : memref<1x320xf32, #tpu.memory_space<hbm>> -> memref<320xf32, #tpu.memory_space<hbm>>
    %dma_wait3A_642 = arith.constant 0 : i32
    %dma_wait3A_643 = tpu.memref_slice %arg10[%dma_wait3A_636, %dma_wait3A_642] : memref<21x320xf32, #tpu.memory_space<vmem>> -> memref<1x320xf32, #tpu.memory_space<vmem>>
    %dma_wait3A_644 = tpu.memref_squeeze %dma_wait3A_643 : memref<1x320xf32, #tpu.memory_space<vmem>> -> memref<320xf32, #tpu.memory_space<vmem>>
    %dma_wait3A_645 = tpu.memref_slice %arg4[%add3A_80, %mul3A_0] : memref<42x5120xf32, #tpu.memory_space<hbm>> -> memref<1x320xf32, #tpu.memory_space<hbm>>
    %dma_wait3A_646 = tpu.memref_squeeze %dma_wait3A_645 : memref<1x320xf32, #tpu.memory_space<hbm>> -> memref<320xf32, #tpu.memory_space<hbm>>
    tpu.wait_dma2 semaphore(%arg23 : memref<!tpu.dma_semaphore, #tpu.memory_space<semaphore_mem>>) src(%dma_wait3A_646 : memref<320xf32, #tpu.memory_space<hbm>>) dst(%dma_wait3A_644 : memref<320xf32, #tpu.memory_space<vmem>>)
    %dma_wait3A_647 = arith.constant 11 : i32
    %dma_wait3A_648 = arith.constant 0 : i32
    %dma_wait3A_649 = tpu.memref_slice %arg10[%dma_wait3A_647, %dma_wait3A_648] : memref<21x320xf32, #tpu.memory_space<vmem>> -> memref<1x320xf32, #tpu.memory_space<vmem>>
    %dma_wait3A_650 = tpu.memref_squeeze %dma_wait3A_649 : memref<1x320xf32, #tpu.memory_space<vmem>> -> memref<320xf32, #tpu.memory_space<vmem>>
    %dma_wait3A_651 = tpu.memref_slice %arg4[%add3A_84, %mul3A_0] : memref<42x5120xf32, #tpu.memory_space<hbm>> -> memref<1x320xf32, #tpu.memory_space<hbm>>
    %dma_wait3A_652 = tpu.memref_squeeze %dma_wait3A_651 : memref<1x320xf32, #tpu.memory_space<hbm>> -> memref<320xf32, #tpu.memory_space<hbm>>
    %dma_wait3A_653 = arith.constant 0 : i32
    %dma_wait3A_654 = tpu.memref_slice %arg10[%dma_wait3A_647, %dma_wait3A_653] : memref<21x320xf32, #tpu.memory_space<vmem>> -> memref<1x320xf32, #tpu.memory_space<vmem>>
    %dma_wait3A_655 = tpu.memref_squeeze %dma_wait3A_654 : memref<1x320xf32, #tpu.memory_space<vmem>> -> memref<320xf32, #tpu.memory_space<vmem>>
    %dma_wait3A_656 = tpu.memref_slice %arg4[%add3A_84, %mul3A_0] : memref<42x5120xf32, #tpu.memory_space<hbm>> -> memref<1x320xf32, #tpu.memory_space<hbm>>
    %dma_wait3A_657 = tpu.memref_squeeze %dma_wait3A_656 : memref<1x320xf32, #tpu.memory_space<hbm>> -> memref<320xf32, #tpu.memory_space<hbm>>
    tpu.wait_dma2 semaphore(%arg23 : memref<!tpu.dma_semaphore, #tpu.memory_space<semaphore_mem>>) src(%dma_wait3A_657 : memref<320xf32, #tpu.memory_space<hbm>>) dst(%dma_wait3A_655 : memref<320xf32, #tpu.memory_space<vmem>>)
    %dma_wait3A_658 = arith.constant 12 : i32
    %dma_wait3A_659 = arith.constant 0 : i32
    %dma_wait3A_660 = tpu.memref_slice %arg10[%dma_wait3A_658, %dma_wait3A_659] : memref<21x320xf32, #tpu.memory_space<vmem>> -> memref<1x320xf32, #tpu.memory_space<vmem>>
    %dma_wait3A_661 = tpu.memref_squeeze %dma_wait3A_660 : memref<1x320xf32, #tpu.memory_space<vmem>> -> memref<320xf32, #tpu.memory_space<vmem>>
    %dma_wait3A_662 = tpu.memref_slice %arg4[%add3A_88, %mul3A_0] : memref<42x5120xf32, #tpu.memory_space<hbm>> -> memref<1x320xf32, #tpu.memory_space<hbm>>
    %dma_wait3A_663 = tpu.memref_squeeze %dma_wait3A_662 : memref<1x320xf32, #tpu.memory_space<hbm>> -> memref<320xf32, #tpu.memory_space<hbm>>
    %dma_wait3A_664 = arith.constant 0 : i32
    %dma_wait3A_665 = tpu.memref_slice %arg10[%dma_wait3A_658, %dma_wait3A_664] : memref<21x320xf32, #tpu.memory_space<vmem>> -> memref<1x320xf32, #tpu.memory_space<vmem>>
    %dma_wait3A_666 = tpu.memref_squeeze %dma_wait3A_665 : memref<1x320xf32, #tpu.memory_space<vmem>> -> memref<320xf32, #tpu.memory_space<vmem>>
    %dma_wait3A_667 = tpu.memref_slice %arg4[%add3A_88, %mul3A_0] : memref<42x5120xf32, #tpu.memory_space<hbm>> -> memref<1x320xf32, #tpu.memory_space<hbm>>
    %dma_wait3A_668 = tpu.memref_squeeze %dma_wait3A_667 : memref<1x320xf32, #tpu.memory_space<hbm>> -> memref<320xf32, #tpu.memory_space<hbm>>
    tpu.wait_dma2 semaphore(%arg23 : memref<!tpu.dma_semaphore, #tpu.memory_space<semaphore_mem>>) src(%dma_wait3A_668 : memref<320xf32, #tpu.memory_space<hbm>>) dst(%dma_wait3A_666 : memref<320xf32, #tpu.memory_space<vmem>>)
    %dma_wait3A_669 = arith.constant 13 : i32
    %dma_wait3A_670 = arith.constant 0 : i32
    %dma_wait3A_671 = tpu.memref_slice %arg10[%dma_wait3A_669, %dma_wait3A_670] : memref<21x320xf32, #tpu.memory_space<vmem>> -> memref<1x320xf32, #tpu.memory_space<vmem>>
    %dma_wait3A_672 = tpu.memref_squeeze %dma_wait3A_671 : memref<1x320xf32, #tpu.memory_space<vmem>> -> memref<320xf32, #tpu.memory_space<vmem>>
    %dma_wait3A_673 = tpu.memref_slice %arg4[%add3A_92, %mul3A_0] : memref<42x5120xf32, #tpu.memory_space<hbm>> -> memref<1x320xf32, #tpu.memory_space<hbm>>
    %dma_wait3A_674 = tpu.memref_squeeze %dma_wait3A_673 : memref<1x320xf32, #tpu.memory_space<hbm>> -> memref<320xf32, #tpu.memory_space<hbm>>
    %dma_wait3A_675 = arith.constant 0 : i32
    %dma_wait3A_676 = tpu.memref_slice %arg10[%dma_wait3A_669, %dma_wait3A_675] : memref<21x320xf32, #tpu.memory_space<vmem>> -> memref<1x320xf32, #tpu.memory_space<vmem>>
    %dma_wait3A_677 = tpu.memref_squeeze %dma_wait3A_676 : memref<1x320xf32, #tpu.memory_space<vmem>> -> memref<320xf32, #tpu.memory_space<vmem>>
    %dma_wait3A_678 = tpu.memref_slice %arg4[%add3A_92, %mul3A_0] : memref<42x5120xf32, #tpu.memory_space<hbm>> -> memref<1x320xf32, #tpu.memory_space<hbm>>
    %dma_wait3A_679 = tpu.memref_squeeze %dma_wait3A_678 : memref<1x320xf32, #tpu.memory_space<hbm>> -> memref<320xf32, #tpu.memory_space<hbm>>
    tpu.wait_dma2 semaphore(%arg23 : memref<!tpu.dma_semaphore, #tpu.memory_space<semaphore_mem>>) src(%dma_wait3A_679 : memref<320xf32, #tpu.memory_space<hbm>>) dst(%dma_wait3A_677 : memref<320xf32, #tpu.memory_space<vmem>>)
    %dma_wait3A_680 = arith.constant 14 : i32
    %dma_wait3A_681 = arith.constant 0 : i32
    %dma_wait3A_682 = tpu.memref_slice %arg10[%dma_wait3A_680, %dma_wait3A_681] : memref<21x320xf32, #tpu.memory_space<vmem>> -> memref<1x320xf32, #tpu.memory_space<vmem>>
    %dma_wait3A_683 = tpu.memref_squeeze %dma_wait3A_682 : memref<1x320xf32, #tpu.memory_space<vmem>> -> memref<320xf32, #tpu.memory_space<vmem>>
    %dma_wait3A_684 = tpu.memref_slice %arg4[%add3A_96, %mul3A_0] : memref<42x5120xf32, #tpu.memory_space<hbm>> -> memref<1x320xf32, #tpu.memory_space<hbm>>
    %dma_wait3A_685 = tpu.memref_squeeze %dma_wait3A_684 : memref<1x320xf32, #tpu.memory_space<hbm>> -> memref<320xf32, #tpu.memory_space<hbm>>
    %dma_wait3A_686 = arith.constant 0 : i32
    %dma_wait3A_687 = tpu.memref_slice %arg10[%dma_wait3A_680, %dma_wait3A_686] : memref<21x320xf32, #tpu.memory_space<vmem>> -> memref<1x320xf32, #tpu.memory_space<vmem>>
    %dma_wait3A_688 = tpu.memref_squeeze %dma_wait3A_687 : memref<1x320xf32, #tpu.memory_space<vmem>> -> memref<320xf32, #tpu.memory_space<vmem>>
    %dma_wait3A_689 = tpu.memref_slice %arg4[%add3A_96, %mul3A_0] : memref<42x5120xf32, #tpu.memory_space<hbm>> -> memref<1x320xf32, #tpu.memory_space<hbm>>
    %dma_wait3A_690 = tpu.memref_squeeze %dma_wait3A_689 : memref<1x320xf32, #tpu.memory_space<hbm>> -> memref<320xf32, #tpu.memory_space<hbm>>
    tpu.wait_dma2 semaphore(%arg23 : memref<!tpu.dma_semaphore, #tpu.memory_space<semaphore_mem>>) src(%dma_wait3A_690 : memref<320xf32, #tpu.memory_space<hbm>>) dst(%dma_wait3A_688 : memref<320xf32, #tpu.memory_space<vmem>>)
    %dma_wait3A_691 = arith.constant 15 : i32
    %dma_wait3A_692 = arith.constant 0 : i32
    %dma_wait3A_693 = tpu.memref_slice %arg10[%dma_wait3A_691, %dma_wait3A_692] : memref<21x320xf32, #tpu.memory_space<vmem>> -> memref<1x320xf32, #tpu.memory_space<vmem>>
    %dma_wait3A_694 = tpu.memref_squeeze %dma_wait3A_693 : memref<1x320xf32, #tpu.memory_space<vmem>> -> memref<320xf32, #tpu.memory_space<vmem>>
    %dma_wait3A_695 = tpu.memref_slice %arg4[%add3A_100, %mul3A_0] : memref<42x5120xf32, #tpu.memory_space<hbm>> -> memref<1x320xf32, #tpu.memory_space<hbm>>
    %dma_wait3A_696 = tpu.memref_squeeze %dma_wait3A_695 : memref<1x320xf32, #tpu.memory_space<hbm>> -> memref<320xf32, #tpu.memory_space<hbm>>
    %dma_wait3A_697 = arith.constant 0 : i32
    %dma_wait3A_698 = tpu.memref_slice %arg10[%dma_wait3A_691, %dma_wait3A_697] : memref<21x320xf32, #tpu.memory_space<vmem>> -> memref<1x320xf32, #tpu.memory_space<vmem>>
    %dma_wait3A_699 = tpu.memref_squeeze %dma_wait3A_698 : memref<1x320xf32, #tpu.memory_space<vmem>> -> memref<320xf32, #tpu.memory_space<vmem>>
    %dma_wait3A_700 = tpu.memref_slice %arg4[%add3A_100, %mul3A_0] : memref<42x5120xf32, #tpu.memory_space<hbm>> -> memref<1x320xf32, #tpu.memory_space<hbm>>
    %dma_wait3A_701 = tpu.memref_squeeze %dma_wait3A_700 : memref<1x320xf32, #tpu.memory_space<hbm>> -> memref<320xf32, #tpu.memory_space<hbm>>
    tpu.wait_dma2 semaphore(%arg23 : memref<!tpu.dma_semaphore, #tpu.memory_space<semaphore_mem>>) src(%dma_wait3A_701 : memref<320xf32, #tpu.memory_space<hbm>>) dst(%dma_wait3A_699 : memref<320xf32, #tpu.memory_space<vmem>>)
    %dma_wait3A_702 = arith.constant 16 : i32
    %dma_wait3A_703 = arith.constant 0 : i32
    %dma_wait3A_704 = tpu.memref_slice %arg10[%dma_wait3A_702, %dma_wait3A_703] : memref<21x320xf32, #tpu.memory_space<vmem>> -> memref<1x320xf32, #tpu.memory_space<vmem>>
    %dma_wait3A_705 = tpu.memref_squeeze %dma_wait3A_704 : memref<1x320xf32, #tpu.memory_space<vmem>> -> memref<320xf32, #tpu.memory_space<vmem>>
    %dma_wait3A_706 = tpu.memref_slice %arg4[%add3A_104, %mul3A_0] : memref<42x5120xf32, #tpu.memory_space<hbm>> -> memref<1x320xf32, #tpu.memory_space<hbm>>
    %dma_wait3A_707 = tpu.memref_squeeze %dma_wait3A_706 : memref<1x320xf32, #tpu.memory_space<hbm>> -> memref<320xf32, #tpu.memory_space<hbm>>
    %dma_wait3A_708 = arith.constant 0 : i32
    %dma_wait3A_709 = tpu.memref_slice %arg10[%dma_wait3A_702, %dma_wait3A_708] : memref<21x320xf32, #tpu.memory_space<vmem>> -> memref<1x320xf32, #tpu.memory_space<vmem>>
    %dma_wait3A_710 = tpu.memref_squeeze %dma_wait3A_709 : memref<1x320xf32, #tpu.memory_space<vmem>> -> memref<320xf32, #tpu.memory_space<vmem>>
    %dma_wait3A_711 = tpu.memref_slice %arg4[%add3A_104, %mul3A_0] : memref<42x5120xf32, #tpu.memory_space<hbm>> -> memref<1x320xf32, #tpu.memory_space<hbm>>
    %dma_wait3A_712 = tpu.memref_squeeze %dma_wait3A_711 : memref<1x320xf32, #tpu.memory_space<hbm>> -> memref<320xf32, #tpu.memory_space<hbm>>
    tpu.wait_dma2 semaphore(%arg23 : memref<!tpu.dma_semaphore, #tpu.memory_space<semaphore_mem>>) src(%dma_wait3A_712 : memref<320xf32, #tpu.memory_space<hbm>>) dst(%dma_wait3A_710 : memref<320xf32, #tpu.memory_space<vmem>>)
    %dma_wait3A_713 = arith.constant 17 : i32
    %dma_wait3A_714 = arith.constant 0 : i32
    %dma_wait3A_715 = tpu.memref_slice %arg10[%dma_wait3A_713, %dma_wait3A_714] : memref<21x320xf32, #tpu.memory_space<vmem>> -> memref<1x320xf32, #tpu.memory_space<vmem>>
    %dma_wait3A_716 = tpu.memref_squeeze %dma_wait3A_715 : memref<1x320xf32, #tpu.memory_space<vmem>> -> memref<320xf32, #tpu.memory_space<vmem>>
    %dma_wait3A_717 = tpu.memref_slice %arg4[%add3A_108, %mul3A_0] : memref<42x5120xf32, #tpu.memory_space<hbm>> -> memref<1x320xf32, #tpu.memory_space<hbm>>
    %dma_wait3A_718 = tpu.memref_squeeze %dma_wait3A_717 : memref<1x320xf32, #tpu.memory_space<hbm>> -> memref<320xf32, #tpu.memory_space<hbm>>
    %dma_wait3A_719 = arith.constant 0 : i32
    %dma_wait3A_720 = tpu.memref_slice %arg10[%dma_wait3A_713, %dma_wait3A_719] : memref<21x320xf32, #tpu.memory_space<vmem>> -> memref<1x320xf32, #tpu.memory_space<vmem>>
    %dma_wait3A_721 = tpu.memref_squeeze %dma_wait3A_720 : memref<1x320xf32, #tpu.memory_space<vmem>> -> memref<320xf32, #tpu.memory_space<vmem>>
    %dma_wait3A_722 = tpu.memref_slice %arg4[%add3A_108, %mul3A_0] : memref<42x5120xf32, #tpu.memory_space<hbm>> -> memref<1x320xf32, #tpu.memory_space<hbm>>
    %dma_wait3A_723 = tpu.memref_squeeze %dma_wait3A_722 : memref<1x320xf32, #tpu.memory_space<hbm>> -> memref<320xf32, #tpu.memory_space<hbm>>
    tpu.wait_dma2 semaphore(%arg23 : memref<!tpu.dma_semaphore, #tpu.memory_space<semaphore_mem>>) src(%dma_wait3A_723 : memref<320xf32, #tpu.memory_space<hbm>>) dst(%dma_wait3A_721 : memref<320xf32, #tpu.memory_space<vmem>>)
    %dma_wait3A_724 = arith.constant 18 : i32
    %dma_wait3A_725 = arith.constant 0 : i32
    %dma_wait3A_726 = tpu.memref_slice %arg10[%dma_wait3A_724, %dma_wait3A_725] : memref<21x320xf32, #tpu.memory_space<vmem>> -> memref<1x320xf32, #tpu.memory_space<vmem>>
    %dma_wait3A_727 = tpu.memref_squeeze %dma_wait3A_726 : memref<1x320xf32, #tpu.memory_space<vmem>> -> memref<320xf32, #tpu.memory_space<vmem>>
    %dma_wait3A_728 = tpu.memref_slice %arg4[%add3A_112, %mul3A_0] : memref<42x5120xf32, #tpu.memory_space<hbm>> -> memref<1x320xf32, #tpu.memory_space<hbm>>
    %dma_wait3A_729 = tpu.memref_squeeze %dma_wait3A_728 : memref<1x320xf32, #tpu.memory_space<hbm>> -> memref<320xf32, #tpu.memory_space<hbm>>
    %dma_wait3A_730 = arith.constant 0 : i32
    %dma_wait3A_731 = tpu.memref_slice %arg10[%dma_wait3A_724, %dma_wait3A_730] : memref<21x320xf32, #tpu.memory_space<vmem>> -> memref<1x320xf32, #tpu.memory_space<vmem>>
    %dma_wait3A_732 = tpu.memref_squeeze %dma_wait3A_731 : memref<1x320xf32, #tpu.memory_space<vmem>> -> memref<320xf32, #tpu.memory_space<vmem>>
    %dma_wait3A_733 = tpu.memref_slice %arg4[%add3A_112, %mul3A_0] : memref<42x5120xf32, #tpu.memory_space<hbm>> -> memref<1x320xf32, #tpu.memory_space<hbm>>
    %dma_wait3A_734 = tpu.memref_squeeze %dma_wait3A_733 : memref<1x320xf32, #tpu.memory_space<hbm>> -> memref<320xf32, #tpu.memory_space<hbm>>
    tpu.wait_dma2 semaphore(%arg23 : memref<!tpu.dma_semaphore, #tpu.memory_space<semaphore_mem>>) src(%dma_wait3A_734 : memref<320xf32, #tpu.memory_space<hbm>>) dst(%dma_wait3A_732 : memref<320xf32, #tpu.memory_space<vmem>>)
    %dma_wait3A_735 = arith.constant 19 : i32
    %dma_wait3A_736 = arith.constant 0 : i32
    %dma_wait3A_737 = tpu.memref_slice %arg10[%dma_wait3A_735, %dma_wait3A_736] : memref<21x320xf32, #tpu.memory_space<vmem>> -> memref<1x320xf32, #tpu.memory_space<vmem>>
    %dma_wait3A_738 = tpu.memref_squeeze %dma_wait3A_737 : memref<1x320xf32, #tpu.memory_space<vmem>> -> memref<320xf32, #tpu.memory_space<vmem>>
    %dma_wait3A_739 = tpu.memref_slice %arg4[%add3A_116, %mul3A_0] : memref<42x5120xf32, #tpu.memory_space<hbm>> -> memref<1x320xf32, #tpu.memory_space<hbm>>
    %dma_wait3A_740 = tpu.memref_squeeze %dma_wait3A_739 : memref<1x320xf32, #tpu.memory_space<hbm>> -> memref<320xf32, #tpu.memory_space<hbm>>
    %dma_wait3A_741 = arith.constant 0 : i32
    %dma_wait3A_742 = tpu.memref_slice %arg10[%dma_wait3A_735, %dma_wait3A_741] : memref<21x320xf32, #tpu.memory_space<vmem>> -> memref<1x320xf32, #tpu.memory_space<vmem>>
    %dma_wait3A_743 = tpu.memref_squeeze %dma_wait3A_742 : memref<1x320xf32, #tpu.memory_space<vmem>> -> memref<320xf32, #tpu.memory_space<vmem>>
    %dma_wait3A_744 = tpu.memref_slice %arg4[%add3A_116, %mul3A_0] : memref<42x5120xf32, #tpu.memory_space<hbm>> -> memref<1x320xf32, #tpu.memory_space<hbm>>
    %dma_wait3A_745 = tpu.memref_squeeze %dma_wait3A_744 : memref<1x320xf32, #tpu.memory_space<hbm>> -> memref<320xf32, #tpu.memory_space<hbm>>
    tpu.wait_dma2 semaphore(%arg23 : memref<!tpu.dma_semaphore, #tpu.memory_space<semaphore_mem>>) src(%dma_wait3A_745 : memref<320xf32, #tpu.memory_space<hbm>>) dst(%dma_wait3A_743 : memref<320xf32, #tpu.memory_space<vmem>>)
    %dma_wait3A_746 = arith.constant 20 : i32
    %dma_wait3A_747 = arith.constant 0 : i32
    %dma_wait3A_748 = tpu.memref_slice %arg10[%dma_wait3A_746, %dma_wait3A_747] : memref<21x320xf32, #tpu.memory_space<vmem>> -> memref<1x320xf32, #tpu.memory_space<vmem>>
    %dma_wait3A_749 = tpu.memref_squeeze %dma_wait3A_748 : memref<1x320xf32, #tpu.memory_space<vmem>> -> memref<320xf32, #tpu.memory_space<vmem>>
    %dma_wait3A_750 = tpu.memref_slice %arg4[%add3A_120, %mul3A_0] : memref<42x5120xf32, #tpu.memory_space<hbm>> -> memref<1x320xf32, #tpu.memory_space<hbm>>
    %dma_wait3A_751 = tpu.memref_squeeze %dma_wait3A_750 : memref<1x320xf32, #tpu.memory_space<hbm>> -> memref<320xf32, #tpu.memory_space<hbm>>
    %dma_wait3A_752 = arith.constant 0 : i32
    %dma_wait3A_753 = tpu.memref_slice %arg10[%dma_wait3A_746, %dma_wait3A_752] : memref<21x320xf32, #tpu.memory_space<vmem>> -> memref<1x320xf32, #tpu.memory_space<vmem>>
    %dma_wait3A_754 = tpu.memref_squeeze %dma_wait3A_753 : memref<1x320xf32, #tpu.memory_space<vmem>> -> memref<320xf32, #tpu.memory_space<vmem>>
    %dma_wait3A_755 = tpu.memref_slice %arg4[%add3A_120, %mul3A_0] : memref<42x5120xf32, #tpu.memory_space<hbm>> -> memref<1x320xf32, #tpu.memory_space<hbm>>
    %dma_wait3A_756 = tpu.memref_squeeze %dma_wait3A_755 : memref<1x320xf32, #tpu.memory_space<hbm>> -> memref<320xf32, #tpu.memory_space<hbm>>
    tpu.wait_dma2 semaphore(%arg23 : memref<!tpu.dma_semaphore, #tpu.memory_space<semaphore_mem>>) src(%dma_wait3A_756 : memref<320xf32, #tpu.memory_space<hbm>>) dst(%dma_wait3A_754 : memref<320xf32, #tpu.memory_space<vmem>>)
    %scan3A = arith.constant 0 : i32
    %scan3A_757 = arith.constant 0 : i32
    %scan3A_758 = arith.constant 112 : i32
    %scan3A_759 = arith.addi %scan3A_757, %scan3A_758 : i32
    %scan3A_760 = arith.constant 1 : i32
    %scan3A_761 = scf.for %scan3A_791 = %scan3A_757 to %scan3A_759 step %scan3A_760 iter_args(%scan3A_792 = %scan3A) -> (i32)  : i32 {
      %mul3A_793 = arith.constant 16 : i32
      %mul3A_794 = arith.muli %scan3A_791, %mul3A_793 : i32
      %swap3A = arith.index_cast %mul3A_794 : i32 to index
      %swap3A_795 = tpu.vector_load %arg17[%swap3A] {strides = array<i32>} : memref<1792xf32, #tpu.memory_space<vmem>>, vector<16xf32>,
      tpu.vector_store %arg17[%swap3A], %broadcast_in_dim3A_3 {strides = array<i32>} : memref<1792xf32, #tpu.memory_space<vmem>>, vector<16xf32>,
      %scan3A_796 = arith.constant 0 : i32
      scf.yield %scan3A_796 : i32
    }
    %scan3A_762 = arith.constant 112 : i32
    %scan3A_763 = arith.constant 0 : i32
    %scan3A_764 = arith.constant 0 : i32
    %scan3A_765 = arith.constant 7 : i32
    %scan3A_766 = arith.addi %scan3A_764, %scan3A_765 : i32
    %scan3A_767 = arith.constant 1 : i32
    %scan3A_768 = scf.for %scan3A_791 = %scan3A_764 to %scan3A_766 step %scan3A_767 iter_args(%scan3A_792 = %scan3A_763) -> (i32)  : i32 {
      %add3A_793 = arith.constant 10240 : i32
      %add3A_794 = vector.broadcast %add3A_793 : i32 to vector<16xi32>
      %add3A_795 = arith.addi %broadcast_in_dim3A_5, %add3A_794 : vector<16xi32>
      %mul3A_796 = arith.constant 16 : i32
      %mul3A_797 = arith.muli %scan3A_791, %mul3A_796 : i32
      %swap3A = arith.index_cast %mul3A_797 : i32 to index
      %swap3A_798 = tpu.vector_load %arg19[%swap3A] {strides = array<i32>} : memref<112xi32, #tpu.memory_space<vmem>>, vector<16xi32>,
      tpu.vector_store %arg19[%swap3A], %add3A_795 {strides = array<i32>} : memref<112xi32, #tpu.memory_space<vmem>>, vector<16xi32>,
      %scan3A_799 = arith.constant 0 : i32
      scf.yield %scan3A_799 : i32
    }
    %scan3A_769 = arith.constant 7 : i32
    %scan3A_770 = arith.constant 0 : i32
    %scan3A_771 = arith.constant 0 : i32
    %scan3A_772 = arith.constant 20 : i32
    %scan3A_773 = arith.addi %scan3A_771, %scan3A_772 : i32
    %scan3A_774 = arith.constant 1 : i32
    %scan3A_775 = scf.for %scan3A_791 = %scan3A_771 to %scan3A_773 step %scan3A_774 iter_args(%scan3A_792 = %scan3A_770) -> (i32)  : i32 {
      %mul3A_793 = arith.constant 16 : i32
      %mul3A_794 = arith.muli %scan3A_791, %mul3A_793 : i32
      %get3A = arith.constant 0 : i32
      %get3A_795 = arith.index_cast %get3A : i32 to index
      %get3A_796 = arith.index_cast %mul3A_794 : i32 to index
      %get3A_797 = tpu.vector_load %arg8[%get3A_795, %get3A_796] {strides = array<i32>} : memref<4x320xf32, #tpu.memory_space<vmem>>, vector<16xf32>,
      %get3A_798 = arith.constant 1 : i32
      %get3A_799 = arith.index_cast %get3A_798 : i32 to index
      %get3A_800 = arith.index_cast %mul3A_794 : i32 to index
      %get3A_801 = tpu.vector_load %arg8[%get3A_799, %get3A_800] {strides = array<i32>} : memref<4x320xf32, #tpu.memory_space<vmem>>, vector<16xf32>,
      %get3A_802 = arith.constant 2 : i32
      %get3A_803 = arith.index_cast %get3A_802 : i32 to index
      %get3A_804 = arith.index_cast %mul3A_794 : i32 to index
      %get3A_805 = tpu.vector_load %arg8[%get3A_803, %get3A_804] {strides = array<i32>} : memref<4x320xf32, #tpu.memory_space<vmem>>, vector<16xf32>,
      %get3A_806 = arith.constant 3 : i32
      %get3A_807 = arith.index_cast %get3A_806 : i32 to index
      %get3A_808 = arith.index_cast %mul3A_794 : i32 to index
      %get3A_809 = tpu.vector_load %arg8[%get3A_807, %get3A_808] {strides = array<i32>} : memref<4x320xf32, #tpu.memory_space<vmem>>, vector<16xf32>,
      %get3A_810 = arith.constant 0 : i32
      %get3A_811 = arith.index_cast %get3A_810 : i32 to index
      %get3A_812 = arith.index_cast %mul3A_794 : i32 to index
      %get3A_813 = tpu.vector_load %arg9[%get3A_811, %get3A_812] {strides = array<i32>} : memref<4x320xf32, #tpu.memory_space<vmem>>, vector<16xf32>,
      %get3A_814 = arith.constant 1 : i32
      %get3A_815 = arith.index_cast %get3A_814 : i32 to index
      %get3A_816 = arith.index_cast %mul3A_794 : i32 to index
      %get3A_817 = tpu.vector_load %arg9[%get3A_815, %get3A_816] {strides = array<i32>} : memref<4x320xf32, #tpu.memory_space<vmem>>, vector<16xf32>,
      %get3A_818 = arith.constant 2 : i32
      %get3A_819 = arith.index_cast %get3A_818 : i32 to index
      %get3A_820 = arith.index_cast %mul3A_794 : i32 to index
      %get3A_821 = tpu.vector_load %arg9[%get3A_819, %get3A_820] {strides = array<i32>} : memref<4x320xf32, #tpu.memory_space<vmem>>, vector<16xf32>,
      %get3A_822 = arith.constant 3 : i32
      %get3A_823 = arith.index_cast %get3A_822 : i32 to index
      %get3A_824 = arith.index_cast %mul3A_794 : i32 to index
      %get3A_825 = tpu.vector_load %arg9[%get3A_823, %get3A_824] {strides = array<i32>} : memref<4x320xf32, #tpu.memory_space<vmem>>, vector<16xf32>,
      %sub3A_826 = arith.subf %get3A_821, %get3A_813 : vector<16xf32>
      %sub3A_827 = arith.subf %get3A_825, %get3A_817 : vector<16xf32>
      %mul3A_828 = arith.constant 5.000000e-01 : f32
      %mul3A_829 = vector.broadcast %mul3A_828 : f32 to vector<16xf32>
      %mul3A_830 = arith.mulf %mul3A_829, %sub3A_826 : vector<16xf32>
      %add3A_831 = arith.addf %get3A_813, %mul3A_830 : vector<16xf32>
      %mul3A_832 = arith.mulf %get3A_797, %sub3A_826 : vector<16xf32>
      %add3A_833 = arith.addf %add3A_831, %mul3A_832 : vector<16xf32>
      %mul3A_834 = arith.constant 5.000000e-01 : f32
      %mul3A_835 = vector.broadcast %mul3A_834 : f32 to vector<16xf32>
      %mul3A_836 = arith.mulf %mul3A_835, %sub3A_827 : vector<16xf32>
      %add3A_837 = arith.addf %get3A_817, %mul3A_836 : vector<16xf32>
      %mul3A_838 = arith.mulf %get3A_801, %sub3A_827 : vector<16xf32>
      %add3A_839 = arith.addf %add3A_837, %mul3A_838 : vector<16xf32>
      %exp3A = math.exp %get3A_805 : vector<16xf32>
      %mul3A_840 = arith.mulf %sub3A_826, %exp3A : vector<16xf32>
      %exp3A_841 = math.exp %get3A_809 : vector<16xf32>
      %mul3A_842 = arith.mulf %sub3A_827, %exp3A_841 : vector<16xf32>
      %mul3A_843 = arith.constant 5.000000e-01 : f32
      %mul3A_844 = vector.broadcast %mul3A_843 : f32 to vector<16xf32>
      %mul3A_845 = arith.mulf %mul3A_844, %mul3A_840 : vector<16xf32>
      %sub3A_846 = arith.subf %add3A_833, %mul3A_845 : vector<16xf32>
      %mul3A_847 = arith.constant 5.000000e-01 : f32
      %mul3A_848 = vector.broadcast %mul3A_847 : f32 to vector<16xf32>
      %mul3A_849 = arith.mulf %mul3A_848, %mul3A_842 : vector<16xf32>
      %sub3A_850 = arith.subf %add3A_839, %mul3A_849 : vector<16xf32>
      %mul3A_851 = arith.constant 5.000000e-01 : f32
      %mul3A_852 = vector.broadcast %mul3A_851 : f32 to vector<16xf32>
      %mul3A_853 = arith.mulf %mul3A_852, %mul3A_840 : vector<16xf32>
      %add3A_854 = arith.addf %add3A_833, %mul3A_853 : vector<16xf32>
      %mul3A_855 = arith.constant 5.000000e-01 : f32
      %mul3A_856 = vector.broadcast %mul3A_855 : f32 to vector<16xf32>
      %mul3A_857 = arith.mulf %mul3A_856, %mul3A_842 : vector<16xf32>
      %add3A_858 = arith.addf %add3A_839, %mul3A_857 : vector<16xf32>
      %get3A_859 = arith.constant 1 : i32
      %get3A_860 = arith.index_cast %get3A_859 : i32 to index
      %get3A_861 = arith.index_cast %mul3A_794 : i32 to index
      %get3A_862 = tpu.vector_load %arg10[%get3A_860, %get3A_861] {strides = array<i32>} : memref<21x320xf32, #tpu.memory_space<vmem>>, vector<16xf32>,
      %add3A_863 = arith.constant 1 : i32
      %add3A_864 = vector.broadcast %add3A_863 : i32 to vector<16xi32>
      %add3A_865 = arith.addi %broadcast_in_dim3A_5, %add3A_864 : vector<16xi32>
      %get3A_866 = arith.constant 2 : i32
      %get3A_867 = arith.index_cast %get3A_866 : i32 to index
      %get3A_868 = arith.index_cast %mul3A_794 : i32 to index
      %get3A_869 = tpu.vector_load %arg10[%get3A_867, %get3A_868] {strides = array<i32>} : memref<21x320xf32, #tpu.memory_space<vmem>>, vector<16xf32>,
      %gt3A = arith.cmpf ogt, %get3A_869, %get3A_862 : vector<16xf32>
      %select_n3A = arith.select %gt3A, %get3A_869, %get3A_862 : vector<16xi1>, vector<16xf32>
      %jit3A = arith.constant 2 : i32
      %broadcast_in_dim3A_870 = vector.broadcast %jit3A : i32 to vector<16xi32>
      %select_n3A_871 = arith.select %gt3A, %broadcast_in_dim3A_870, %add3A_865 : vector<16xi1>, vector<16xi32>
      %get3A_872 = arith.constant 3 : i32
      %get3A_873 = arith.index_cast %get3A_872 : i32 to index
      %get3A_874 = arith.index_cast %mul3A_794 : i32 to index
      %get3A_875 = tpu.vector_load %arg10[%get3A_873, %get3A_874] {strides = array<i32>} : memref<21x320xf32, #tpu.memory_space<vmem>>, vector<16xf32>,
      %gt3A_876 = arith.cmpf ogt, %get3A_875, %select_n3A : vector<16xf32>
      %select_n3A_877 = arith.select %gt3A_876, %get3A_875, %select_n3A : vector<16xi1>, vector<16xf32>
      %jit3A_878 = arith.constant 3 : i32
      %broadcast_in_dim3A_879 = vector.broadcast %jit3A_878 : i32 to vector<16xi32>
      %select_n3A_880 = arith.select %gt3A_876, %broadcast_in_dim3A_879, %select_n3A_871 : vector<16xi1>, vector<16xi32>
      %get3A_881 = arith.constant 4 : i32
      %get3A_882 = arith.index_cast %get3A_881 : i32 to index
      %get3A_883 = arith.index_cast %mul3A_794 : i32 to index
      %get3A_884 = tpu.vector_load %arg10[%get3A_882, %get3A_883] {strides = array<i32>} : memref<21x320xf32, #tpu.memory_space<vmem>>, vector<16xf32>,
      %gt3A_885 = arith.cmpf ogt, %get3A_884, %select_n3A_877 : vector<16xf32>
      %select_n3A_886 = arith.select %gt3A_885, %get3A_884, %select_n3A_877 : vector<16xi1>, vector<16xf32>
      %jit3A_887 = arith.constant 4 : i32
      %broadcast_in_dim3A_888 = vector.broadcast %jit3A_887 : i32 to vector<16xi32>
      %select_n3A_889 = arith.select %gt3A_885, %broadcast_in_dim3A_888, %select_n3A_880 : vector<16xi1>, vector<16xi32>
      %get3A_890 = arith.constant 5 : i32
      %get3A_891 = arith.index_cast %get3A_890 : i32 to index
      %get3A_892 = arith.index_cast %mul3A_794 : i32 to index
      %get3A_893 = tpu.vector_load %arg10[%get3A_891, %get3A_892] {strides = array<i32>} : memref<21x320xf32, #tpu.memory_space<vmem>>, vector<16xf32>,
      %gt3A_894 = arith.cmpf ogt, %get3A_893, %select_n3A_886 : vector<16xf32>
      %select_n3A_895 = arith.select %gt3A_894, %get3A_893, %select_n3A_886 : vector<16xi1>, vector<16xf32>
      %jit3A_896 = arith.constant 5 : i32
      %broadcast_in_dim3A_897 = vector.broadcast %jit3A_896 : i32 to vector<16xi32>
      %select_n3A_898 = arith.select %gt3A_894, %broadcast_in_dim3A_897, %select_n3A_889 : vector<16xi1>, vector<16xi32>
      %get3A_899 = arith.constant 6 : i32
      %get3A_900 = arith.index_cast %get3A_899 : i32 to index
      %get3A_901 = arith.index_cast %mul3A_794 : i32 to index
      %get3A_902 = tpu.vector_load %arg10[%get3A_900, %get3A_901] {strides = array<i32>} : memref<21x320xf32, #tpu.memory_space<vmem>>, vector<16xf32>,
      %gt3A_903 = arith.cmpf ogt, %get3A_902, %select_n3A_895 : vector<16xf32>
      %select_n3A_904 = arith.select %gt3A_903, %get3A_902, %select_n3A_895 : vector<16xi1>, vector<16xf32>
      %jit3A_905 = arith.constant 6 : i32
      %broadcast_in_dim3A_906 = vector.broadcast %jit3A_905 : i32 to vector<16xi32>
      %select_n3A_907 = arith.select %gt3A_903, %broadcast_in_dim3A_906, %select_n3A_898 : vector<16xi1>, vector<16xi32>
      %get3A_908 = arith.constant 7 : i32
      %get3A_909 = arith.index_cast %get3A_908 : i32 to index
      %get3A_910 = arith.index_cast %mul3A_794 : i32 to index
      %get3A_911 = tpu.vector_load %arg10[%get3A_909, %get3A_910] {strides = array<i32>} : memref<21x320xf32, #tpu.memory_space<vmem>>, vector<16xf32>,
      %gt3A_912 = arith.cmpf ogt, %get3A_911, %select_n3A_904 : vector<16xf32>
      %select_n3A_913 = arith.select %gt3A_912, %get3A_911, %select_n3A_904 : vector<16xi1>, vector<16xf32>
      %jit3A_914 = arith.constant 7 : i32
      %broadcast_in_dim3A_915 = vector.broadcast %jit3A_914 : i32 to vector<16xi32>
      %select_n3A_916 = arith.select %gt3A_912, %broadcast_in_dim3A_915, %select_n3A_907 : vector<16xi1>, vector<16xi32>
      %get3A_917 = arith.constant 8 : i32
      %get3A_918 = arith.index_cast %get3A_917 : i32 to index
      %get3A_919 = arith.index_cast %mul3A_794 : i32 to index
      %get3A_920 = tpu.vector_load %arg10[%get3A_918, %get3A_919] {strides = array<i32>} : memref<21x320xf32, #tpu.memory_space<vmem>>, vector<16xf32>,
      %gt3A_921 = arith.cmpf ogt, %get3A_920, %select_n3A_913 : vector<16xf32>
      %select_n3A_922 = arith.select %gt3A_921, %get3A_920, %select_n3A_913 : vector<16xi1>, vector<16xf32>
      %jit3A_923 = arith.constant 8 : i32
      %broadcast_in_dim3A_924 = vector.broadcast %jit3A_923 : i32 to vector<16xi32>
      %select_n3A_925 = arith.select %gt3A_921, %broadcast_in_dim3A_924, %select_n3A_916 : vector<16xi1>, vector<16xi32>
      %get3A_926 = arith.constant 9 : i32
      %get3A_927 = arith.index_cast %get3A_926 : i32 to index
      %get3A_928 = arith.index_cast %mul3A_794 : i32 to index
      %get3A_929 = tpu.vector_load %arg10[%get3A_927, %get3A_928] {strides = array<i32>} : memref<21x320xf32, #tpu.memory_space<vmem>>, vector<16xf32>,
      %gt3A_930 = arith.cmpf ogt, %get3A_929, %select_n3A_922 : vector<16xf32>
      %select_n3A_931 = arith.select %gt3A_930, %get3A_929, %select_n3A_922 : vector<16xi1>, vector<16xf32>
      %jit3A_932 = arith.constant 9 : i32
      %broadcast_in_dim3A_933 = vector.broadcast %jit3A_932 : i32 to vector<16xi32>
      %select_n3A_934 = arith.select %gt3A_930, %broadcast_in_dim3A_933, %select_n3A_925 : vector<16xi1>, vector<16xi32>
      %get3A_935 = arith.constant 10 : i32
      %get3A_936 = arith.index_cast %get3A_935 : i32 to index
      %get3A_937 = arith.index_cast %mul3A_794 : i32 to index
      %get3A_938 = tpu.vector_load %arg10[%get3A_936, %get3A_937] {strides = array<i32>} : memref<21x320xf32, #tpu.memory_space<vmem>>, vector<16xf32>,
      %gt3A_939 = arith.cmpf ogt, %get3A_938, %select_n3A_931 : vector<16xf32>
      %select_n3A_940 = arith.select %gt3A_939, %get3A_938, %select_n3A_931 : vector<16xi1>, vector<16xf32>
      %jit3A_941 = arith.constant 10 : i32
      %broadcast_in_dim3A_942 = vector.broadcast %jit3A_941 : i32 to vector<16xi32>
      %select_n3A_943 = arith.select %gt3A_939, %broadcast_in_dim3A_942, %select_n3A_934 : vector<16xi1>, vector<16xi32>
      %get3A_944 = arith.constant 11 : i32
      %get3A_945 = arith.index_cast %get3A_944 : i32 to index
      %get3A_946 = arith.index_cast %mul3A_794 : i32 to index
      %get3A_947 = tpu.vector_load %arg10[%get3A_945, %get3A_946] {strides = array<i32>} : memref<21x320xf32, #tpu.memory_space<vmem>>, vector<16xf32>,
      %gt3A_948 = arith.cmpf ogt, %get3A_947, %select_n3A_940 : vector<16xf32>
      %select_n3A_949 = arith.select %gt3A_948, %get3A_947, %select_n3A_940 : vector<16xi1>, vector<16xf32>
      %jit3A_950 = arith.constant 11 : i32
      %broadcast_in_dim3A_951 = vector.broadcast %jit3A_950 : i32 to vector<16xi32>
      %select_n3A_952 = arith.select %gt3A_948, %broadcast_in_dim3A_951, %select_n3A_943 : vector<16xi1>, vector<16xi32>
      %get3A_953 = arith.constant 12 : i32
      %get3A_954 = arith.index_cast %get3A_953 : i32 to index
      %get3A_955 = arith.index_cast %mul3A_794 : i32 to index
      %get3A_956 = tpu.vector_load %arg10[%get3A_954, %get3A_955] {strides = array<i32>} : memref<21x320xf32, #tpu.memory_space<vmem>>, vector<16xf32>,
      %gt3A_957 = arith.cmpf ogt, %get3A_956, %select_n3A_949 : vector<16xf32>
      %select_n3A_958 = arith.select %gt3A_957, %get3A_956, %select_n3A_949 : vector<16xi1>, vector<16xf32>
      %jit3A_959 = arith.constant 12 : i32
      %broadcast_in_dim3A_960 = vector.broadcast %jit3A_959 : i32 to vector<16xi32>
      %select_n3A_961 = arith.select %gt3A_957, %broadcast_in_dim3A_960, %select_n3A_952 : vector<16xi1>, vector<16xi32>
      %get3A_962 = arith.constant 13 : i32
      %get3A_963 = arith.index_cast %get3A_962 : i32 to index
      %get3A_964 = arith.index_cast %mul3A_794 : i32 to index
      %get3A_965 = tpu.vector_load %arg10[%get3A_963, %get3A_964] {strides = array<i32>} : memref<21x320xf32, #tpu.memory_space<vmem>>, vector<16xf32>,
      %gt3A_966 = arith.cmpf ogt, %get3A_965, %select_n3A_958 : vector<16xf32>
      %select_n3A_967 = arith.select %gt3A_966, %get3A_965, %select_n3A_958 : vector<16xi1>, vector<16xf32>
      %jit3A_968 = arith.constant 13 : i32
      %broadcast_in_dim3A_969 = vector.broadcast %jit3A_968 : i32 to vector<16xi32>
      %select_n3A_970 = arith.select %gt3A_966, %broadcast_in_dim3A_969, %select_n3A_961 : vector<16xi1>, vector<16xi32>
      %get3A_971 = arith.constant 14 : i32
      %get3A_972 = arith.index_cast %get3A_971 : i32 to index
      %get3A_973 = arith.index_cast %mul3A_794 : i32 to index
      %get3A_974 = tpu.vector_load %arg10[%get3A_972, %get3A_973] {strides = array<i32>} : memref<21x320xf32, #tpu.memory_space<vmem>>, vector<16xf32>,
      %gt3A_975 = arith.cmpf ogt, %get3A_974, %select_n3A_967 : vector<16xf32>
      %select_n3A_976 = arith.select %gt3A_975, %get3A_974, %select_n3A_967 : vector<16xi1>, vector<16xf32>
      %jit3A_977 = arith.constant 14 : i32
      %broadcast_in_dim3A_978 = vector.broadcast %jit3A_977 : i32 to vector<16xi32>
      %select_n3A_979 = arith.select %gt3A_975, %broadcast_in_dim3A_978, %select_n3A_970 : vector<16xi1>, vector<16xi32>
      %get3A_980 = arith.constant 15 : i32
      %get3A_981 = arith.index_cast %get3A_980 : i32 to index
      %get3A_982 = arith.index_cast %mul3A_794 : i32 to index
      %get3A_983 = tpu.vector_load %arg10[%get3A_981, %get3A_982] {strides = array<i32>} : memref<21x320xf32, #tpu.memory_space<vmem>>, vector<16xf32>,
      %gt3A_984 = arith.cmpf ogt, %get3A_983, %select_n3A_976 : vector<16xf32>
      %select_n3A_985 = arith.select %gt3A_984, %get3A_983, %select_n3A_976 : vector<16xi1>, vector<16xf32>
      %jit3A_986 = arith.constant 15 : i32
      %broadcast_in_dim3A_987 = vector.broadcast %jit3A_986 : i32 to vector<16xi32>
      %select_n3A_988 = arith.select %gt3A_984, %broadcast_in_dim3A_987, %select_n3A_979 : vector<16xi1>, vector<16xi32>
      %get3A_989 = arith.constant 16 : i32
      %get3A_990 = arith.index_cast %get3A_989 : i32 to index
      %get3A_991 = arith.index_cast %mul3A_794 : i32 to index
      %get3A_992 = tpu.vector_load %arg10[%get3A_990, %get3A_991] {strides = array<i32>} : memref<21x320xf32, #tpu.memory_space<vmem>>, vector<16xf32>,
      %gt3A_993 = arith.cmpf ogt, %get3A_992, %select_n3A_985 : vector<16xf32>
      %select_n3A_994 = arith.select %gt3A_993, %get3A_992, %select_n3A_985 : vector<16xi1>, vector<16xf32>
      %jit3A_995 = arith.constant 16 : i32
      %broadcast_in_dim3A_996 = vector.broadcast %jit3A_995 : i32 to vector<16xi32>
      %select_n3A_997 = arith.select %gt3A_993, %broadcast_in_dim3A_996, %select_n3A_988 : vector<16xi1>, vector<16xi32>
      %get3A_998 = arith.constant 17 : i32
      %get3A_999 = arith.index_cast %get3A_998 : i32 to index
      %get3A_1000 = arith.index_cast %mul3A_794 : i32 to index
      %get3A_1001 = tpu.vector_load %arg10[%get3A_999, %get3A_1000] {strides = array<i32>} : memref<21x320xf32, #tpu.memory_space<vmem>>, vector<16xf32>,
      %gt3A_1002 = arith.cmpf ogt, %get3A_1001, %select_n3A_994 : vector<16xf32>
      %select_n3A_1003 = arith.select %gt3A_1002, %get3A_1001, %select_n3A_994 : vector<16xi1>, vector<16xf32>
      %jit3A_1004 = arith.constant 17 : i32
      %broadcast_in_dim3A_1005 = vector.broadcast %jit3A_1004 : i32 to vector<16xi32>
      %select_n3A_1006 = arith.select %gt3A_1002, %broadcast_in_dim3A_1005, %select_n3A_997 : vector<16xi1>, vector<16xi32>
      %get3A_1007 = arith.constant 18 : i32
      %get3A_1008 = arith.index_cast %get3A_1007 : i32 to index
      %get3A_1009 = arith.index_cast %mul3A_794 : i32 to index
      %get3A_1010 = tpu.vector_load %arg10[%get3A_1008, %get3A_1009] {strides = array<i32>} : memref<21x320xf32, #tpu.memory_space<vmem>>, vector<16xf32>,
      %gt3A_1011 = arith.cmpf ogt, %get3A_1010, %select_n3A_1003 : vector<16xf32>
      %select_n3A_1012 = arith.select %gt3A_1011, %get3A_1010, %select_n3A_1003 : vector<16xi1>, vector<16xf32>
      %jit3A_1013 = arith.constant 18 : i32
      %broadcast_in_dim3A_1014 = vector.broadcast %jit3A_1013 : i32 to vector<16xi32>
      %select_n3A_1015 = arith.select %gt3A_1011, %broadcast_in_dim3A_1014, %select_n3A_1006 : vector<16xi1>, vector<16xi32>
      %get3A_1016 = arith.constant 19 : i32
      %get3A_1017 = arith.index_cast %get3A_1016 : i32 to index
      %get3A_1018 = arith.index_cast %mul3A_794 : i32 to index
      %get3A_1019 = tpu.vector_load %arg10[%get3A_1017, %get3A_1018] {strides = array<i32>} : memref<21x320xf32, #tpu.memory_space<vmem>>, vector<16xf32>,
      %gt3A_1020 = arith.cmpf ogt, %get3A_1019, %select_n3A_1012 : vector<16xf32>
      %select_n3A_1021 = arith.select %gt3A_1020, %get3A_1019, %select_n3A_1012 : vector<16xi1>, vector<16xf32>
      %jit3A_1022 = arith.constant 19 : i32
      %broadcast_in_dim3A_1023 = vector.broadcast %jit3A_1022 : i32 to vector<16xi32>
      %select_n3A_1024 = arith.select %gt3A_1020, %broadcast_in_dim3A_1023, %select_n3A_1015 : vector<16xi1>, vector<16xi32>
      %get3A_1025 = arith.constant 20 : i32
      %get3A_1026 = arith.index_cast %get3A_1025 : i32 to index
      %get3A_1027 = arith.index_cast %mul3A_794 : i32 to index
      %get3A_1028 = tpu.vector_load %arg10[%get3A_1026, %get3A_1027] {strides = array<i32>} : memref<21x320xf32, #tpu.memory_space<vmem>>, vector<16xf32>,
      %gt3A_1029 = arith.cmpf ogt, %get3A_1028, %select_n3A_1021 : vector<16xf32>
      %select_n3A_1030 = arith.select %gt3A_1029, %get3A_1028, %select_n3A_1021 : vector<16xi1>, vector<16xf32>
      %jit3A_1031 = arith.constant 20 : i32
      %broadcast_in_dim3A_1032 = vector.broadcast %jit3A_1031 : i32 to vector<16xi32>
      %select_n3A_1033 = arith.select %gt3A_1029, %broadcast_in_dim3A_1032, %select_n3A_1024 : vector<16xi1>, vector<16xi32>
      %get3A_1034 = arith.constant 0 : i32
      %get3A_1035 = arith.index_cast %get3A_1034 : i32 to index
      %get3A_1036 = arith.index_cast %mul3A_794 : i32 to index
      %get3A_1037 = tpu.vector_load %arg10[%get3A_1035, %get3A_1036] {strides = array<i32>} : memref<21x320xf32, #tpu.memory_space<vmem>>, vector<16xf32>,
      %max3A = arith.maximumf %get3A_1037, %select_n3A_1030 : vector<16xf32>
      %get3A_1038 = arith.constant 0 : i32
      %get3A_1039 = arith.index_cast %get3A_1038 : i32 to index
      %get3A_1040 = arith.index_cast %mul3A_794 : i32 to index
      %get3A_1041 = tpu.vector_load %arg10[%get3A_1039, %get3A_1040] {strides = array<i32>} : memref<21x320xf32, #tpu.memory_space<vmem>>, vector<16xf32>,
      %sub3A_1042 = arith.subf %get3A_1041, %max3A : vector<16xf32>
      %exp3A_1043 = math.exp %sub3A_1042 : vector<16xf32>
      %add3A_1044 = arith.addf %broadcast_in_dim3A_3, %exp3A_1043 : vector<16xf32>
      %get3A_1045 = arith.constant 1 : i32
      %get3A_1046 = arith.index_cast %get3A_1045 : i32 to index
      %get3A_1047 = arith.index_cast %mul3A_794 : i32 to index
      %get3A_1048 = tpu.vector_load %arg10[%get3A_1046, %get3A_1047] {strides = array<i32>} : memref<21x320xf32, #tpu.memory_space<vmem>>, vector<16xf32>,
      %sub3A_1049 = arith.subf %get3A_1048, %max3A : vector<16xf32>
      %exp3A_1050 = math.exp %sub3A_1049 : vector<16xf32>
      %add3A_1051 = arith.addf %add3A_1044, %exp3A_1050 : vector<16xf32>
      %get3A_1052 = arith.constant 2 : i32
      %get3A_1053 = arith.index_cast %get3A_1052 : i32 to index
      %get3A_1054 = arith.index_cast %mul3A_794 : i32 to index
      %get3A_1055 = tpu.vector_load %arg10[%get3A_1053, %get3A_1054] {strides = array<i32>} : memref<21x320xf32, #tpu.memory_space<vmem>>, vector<16xf32>,
      %sub3A_1056 = arith.subf %get3A_1055, %max3A : vector<16xf32>
      %exp3A_1057 = math.exp %sub3A_1056 : vector<16xf32>
      %add3A_1058 = arith.addf %add3A_1051, %exp3A_1057 : vector<16xf32>
      %get3A_1059 = arith.constant 3 : i32
      %get3A_1060 = arith.index_cast %get3A_1059 : i32 to index
      %get3A_1061 = arith.index_cast %mul3A_794 : i32 to index
      %get3A_1062 = tpu.vector_load %arg10[%get3A_1060, %get3A_1061] {strides = array<i32>} : memref<21x320xf32, #tpu.memory_space<vmem>>, vector<16xf32>,
      %sub3A_1063 = arith.subf %get3A_1062, %max3A : vector<16xf32>
      %exp3A_1064 = math.exp %sub3A_1063 : vector<16xf32>
      %add3A_1065 = arith.addf %add3A_1058, %exp3A_1064 : vector<16xf32>
      %get3A_1066 = arith.constant 4 : i32
      %get3A_1067 = arith.index_cast %get3A_1066 : i32 to index
      %get3A_1068 = arith.index_cast %mul3A_794 : i32 to index
      %get3A_1069 = tpu.vector_load %arg10[%get3A_1067, %get3A_1068] {strides = array<i32>} : memref<21x320xf32, #tpu.memory_space<vmem>>, vector<16xf32>,
      %sub3A_1070 = arith.subf %get3A_1069, %max3A : vector<16xf32>
      %exp3A_1071 = math.exp %sub3A_1070 : vector<16xf32>
      %add3A_1072 = arith.addf %add3A_1065, %exp3A_1071 : vector<16xf32>
      %get3A_1073 = arith.constant 5 : i32
      %get3A_1074 = arith.index_cast %get3A_1073 : i32 to index
      %get3A_1075 = arith.index_cast %mul3A_794 : i32 to index
      %get3A_1076 = tpu.vector_load %arg10[%get3A_1074, %get3A_1075] {strides = array<i32>} : memref<21x320xf32, #tpu.memory_space<vmem>>, vector<16xf32>,
      %sub3A_1077 = arith.subf %get3A_1076, %max3A : vector<16xf32>
      %exp3A_1078 = math.exp %sub3A_1077 : vector<16xf32>
      %add3A_1079 = arith.addf %add3A_1072, %exp3A_1078 : vector<16xf32>
      %get3A_1080 = arith.constant 6 : i32
      %get3A_1081 = arith.index_cast %get3A_1080 : i32 to index
      %get3A_1082 = arith.index_cast %mul3A_794 : i32 to index
      %get3A_1083 = tpu.vector_load %arg10[%get3A_1081, %get3A_1082] {strides = array<i32>} : memref<21x320xf32, #tpu.memory_space<vmem>>, vector<16xf32>,
      %sub3A_1084 = arith.subf %get3A_1083, %max3A : vector<16xf32>
      %exp3A_1085 = math.exp %sub3A_1084 : vector<16xf32>
      %add3A_1086 = arith.addf %add3A_1079, %exp3A_1085 : vector<16xf32>
      %get3A_1087 = arith.constant 7 : i32
      %get3A_1088 = arith.index_cast %get3A_1087 : i32 to index
      %get3A_1089 = arith.index_cast %mul3A_794 : i32 to index
      %get3A_1090 = tpu.vector_load %arg10[%get3A_1088, %get3A_1089] {strides = array<i32>} : memref<21x320xf32, #tpu.memory_space<vmem>>, vector<16xf32>,
      %sub3A_1091 = arith.subf %get3A_1090, %max3A : vector<16xf32>
      %exp3A_1092 = math.exp %sub3A_1091 : vector<16xf32>
      %add3A_1093 = arith.addf %add3A_1086, %exp3A_1092 : vector<16xf32>
      %get3A_1094 = arith.constant 8 : i32
      %get3A_1095 = arith.index_cast %get3A_1094 : i32 to index
      %get3A_1096 = arith.index_cast %mul3A_794 : i32 to index
      %get3A_1097 = tpu.vector_load %arg10[%get3A_1095, %get3A_1096] {strides = array<i32>} : memref<21x320xf32, #tpu.memory_space<vmem>>, vector<16xf32>,
      %sub3A_1098 = arith.subf %get3A_1097, %max3A : vector<16xf32>
      %exp3A_1099 = math.exp %sub3A_1098 : vector<16xf32>
      %add3A_1100 = arith.addf %add3A_1093, %exp3A_1099 : vector<16xf32>
      %get3A_1101 = arith.constant 9 : i32
      %get3A_1102 = arith.index_cast %get3A_1101 : i32 to index
      %get3A_1103 = arith.index_cast %mul3A_794 : i32 to index
      %get3A_1104 = tpu.vector_load %arg10[%get3A_1102, %get3A_1103] {strides = array<i32>} : memref<21x320xf32, #tpu.memory_space<vmem>>, vector<16xf32>,
      %sub3A_1105 = arith.subf %get3A_1104, %max3A : vector<16xf32>
      %exp3A_1106 = math.exp %sub3A_1105 : vector<16xf32>
      %add3A_1107 = arith.addf %add3A_1100, %exp3A_1106 : vector<16xf32>
      %get3A_1108 = arith.constant 10 : i32
      %get3A_1109 = arith.index_cast %get3A_1108 : i32 to index
      %get3A_1110 = arith.index_cast %mul3A_794 : i32 to index
      %get3A_1111 = tpu.vector_load %arg10[%get3A_1109, %get3A_1110] {strides = array<i32>} : memref<21x320xf32, #tpu.memory_space<vmem>>, vector<16xf32>,
      %sub3A_1112 = arith.subf %get3A_1111, %max3A : vector<16xf32>
      %exp3A_1113 = math.exp %sub3A_1112 : vector<16xf32>
      %add3A_1114 = arith.addf %add3A_1107, %exp3A_1113 : vector<16xf32>
      %get3A_1115 = arith.constant 11 : i32
      %get3A_1116 = arith.index_cast %get3A_1115 : i32 to index
      %get3A_1117 = arith.index_cast %mul3A_794 : i32 to index
      %get3A_1118 = tpu.vector_load %arg10[%get3A_1116, %get3A_1117] {strides = array<i32>} : memref<21x320xf32, #tpu.memory_space<vmem>>, vector<16xf32>,
      %sub3A_1119 = arith.subf %get3A_1118, %max3A : vector<16xf32>
      %exp3A_1120 = math.exp %sub3A_1119 : vector<16xf32>
      %add3A_1121 = arith.addf %add3A_1114, %exp3A_1120 : vector<16xf32>
      %get3A_1122 = arith.constant 12 : i32
      %get3A_1123 = arith.index_cast %get3A_1122 : i32 to index
      %get3A_1124 = arith.index_cast %mul3A_794 : i32 to index
      %get3A_1125 = tpu.vector_load %arg10[%get3A_1123, %get3A_1124] {strides = array<i32>} : memref<21x320xf32, #tpu.memory_space<vmem>>, vector<16xf32>,
      %sub3A_1126 = arith.subf %get3A_1125, %max3A : vector<16xf32>
      %exp3A_1127 = math.exp %sub3A_1126 : vector<16xf32>
      %add3A_1128 = arith.addf %add3A_1121, %exp3A_1127 : vector<16xf32>
      %get3A_1129 = arith.constant 13 : i32
      %get3A_1130 = arith.index_cast %get3A_1129 : i32 to index
      %get3A_1131 = arith.index_cast %mul3A_794 : i32 to index
      %get3A_1132 = tpu.vector_load %arg10[%get3A_1130, %get3A_1131] {strides = array<i32>} : memref<21x320xf32, #tpu.memory_space<vmem>>, vector<16xf32>,
      %sub3A_1133 = arith.subf %get3A_1132, %max3A : vector<16xf32>
      %exp3A_1134 = math.exp %sub3A_1133 : vector<16xf32>
      %add3A_1135 = arith.addf %add3A_1128, %exp3A_1134 : vector<16xf32>
      %get3A_1136 = arith.constant 14 : i32
      %get3A_1137 = arith.index_cast %get3A_1136 : i32 to index
      %get3A_1138 = arith.index_cast %mul3A_794 : i32 to index
      %get3A_1139 = tpu.vector_load %arg10[%get3A_1137, %get3A_1138] {strides = array<i32>} : memref<21x320xf32, #tpu.memory_space<vmem>>, vector<16xf32>,
      %sub3A_1140 = arith.subf %get3A_1139, %max3A : vector<16xf32>
      %exp3A_1141 = math.exp %sub3A_1140 : vector<16xf32>
      %add3A_1142 = arith.addf %add3A_1135, %exp3A_1141 : vector<16xf32>
      %get3A_1143 = arith.constant 15 : i32
      %get3A_1144 = arith.index_cast %get3A_1143 : i32 to index
      %get3A_1145 = arith.index_cast %mul3A_794 : i32 to index
      %get3A_1146 = tpu.vector_load %arg10[%get3A_1144, %get3A_1145] {strides = array<i32>} : memref<21x320xf32, #tpu.memory_space<vmem>>, vector<16xf32>,
      %sub3A_1147 = arith.subf %get3A_1146, %max3A : vector<16xf32>
      %exp3A_1148 = math.exp %sub3A_1147 : vector<16xf32>
      %add3A_1149 = arith.addf %add3A_1142, %exp3A_1148 : vector<16xf32>
      %get3A_1150 = arith.constant 16 : i32
      %get3A_1151 = arith.index_cast %get3A_1150 : i32 to index
      %get3A_1152 = arith.index_cast %mul3A_794 : i32 to index
      %get3A_1153 = tpu.vector_load %arg10[%get3A_1151, %get3A_1152] {strides = array<i32>} : memref<21x320xf32, #tpu.memory_space<vmem>>, vector<16xf32>,
      %sub3A_1154 = arith.subf %get3A_1153, %max3A : vector<16xf32>
      %exp3A_1155 = math.exp %sub3A_1154 : vector<16xf32>
      %add3A_1156 = arith.addf %add3A_1149, %exp3A_1155 : vector<16xf32>
      %get3A_1157 = arith.constant 17 : i32
      %get3A_1158 = arith.index_cast %get3A_1157 : i32 to index
      %get3A_1159 = arith.index_cast %mul3A_794 : i32 to index
      %get3A_1160 = tpu.vector_load %arg10[%get3A_1158, %get3A_1159] {strides = array<i32>} : memref<21x320xf32, #tpu.memory_space<vmem>>, vector<16xf32>,
      %sub3A_1161 = arith.subf %get3A_1160, %max3A : vector<16xf32>
      %exp3A_1162 = math.exp %sub3A_1161 : vector<16xf32>
      %add3A_1163 = arith.addf %add3A_1156, %exp3A_1162 : vector<16xf32>
      %get3A_1164 = arith.constant 18 : i32
      %get3A_1165 = arith.index_cast %get3A_1164 : i32 to index
      %get3A_1166 = arith.index_cast %mul3A_794 : i32 to index
      %get3A_1167 = tpu.vector_load %arg10[%get3A_1165, %get3A_1166] {strides = array<i32>} : memref<21x320xf32, #tpu.memory_space<vmem>>, vector<16xf32>,
      %sub3A_1168 = arith.subf %get3A_1167, %max3A : vector<16xf32>
      %exp3A_1169 = math.exp %sub3A_1168 : vector<16xf32>
      %add3A_1170 = arith.addf %add3A_1163, %exp3A_1169 : vector<16xf32>
      %get3A_1171 = arith.constant 19 : i32
      %get3A_1172 = arith.index_cast %get3A_1171 : i32 to index
      %get3A_1173 = arith.index_cast %mul3A_794 : i32 to index
      %get3A_1174 = tpu.vector_load %arg10[%get3A_1172, %get3A_1173] {strides = array<i32>} : memref<21x320xf32, #tpu.memory_space<vmem>>, vector<16xf32>,
      %sub3A_1175 = arith.subf %get3A_1174, %max3A : vector<16xf32>
      %exp3A_1176 = math.exp %sub3A_1175 : vector<16xf32>
      %add3A_1177 = arith.addf %add3A_1170, %exp3A_1176 : vector<16xf32>
      %get3A_1178 = arith.constant 20 : i32
      %get3A_1179 = arith.index_cast %get3A_1178 : i32 to index
      %get3A_1180 = arith.index_cast %mul3A_794 : i32 to index
      %get3A_1181 = tpu.vector_load %arg10[%get3A_1179, %get3A_1180] {strides = array<i32>} : memref<21x320xf32, #tpu.memory_space<vmem>>, vector<16xf32>,
      %sub3A_1182 = arith.subf %get3A_1181, %max3A : vector<16xf32>
      %exp3A_1183 = math.exp %sub3A_1182 : vector<16xf32>
      %add3A_1184 = arith.addf %add3A_1177, %exp3A_1183 : vector<16xf32>
      %sub3A_1185 = arith.subf %select_n3A_1030, %max3A : vector<16xf32>
      %exp3A_1186 = math.exp %sub3A_1185 : vector<16xf32>
      %div3A = arith.divf %exp3A_1186, %add3A_1184 : vector<16xf32>
      %mul3A_1187 = arith.constant 16 : i32
      %mul3A_1188 = arith.muli %scan3A_791, %mul3A_1187 : i32
      %add3A_1189 = arith.addi %mul3A_0, %mul3A_1188 : i32
      %add3A_1190 = vector.broadcast %add3A_1189 : i32 to vector<16xi32>
      %add3A_1191 = arith.addi %add3A_1190, %iota3A : vector<16xi32>
      %gt3A_1192 = arith.constant 5.000000e-02 : f32
      %gt3A_1193 = vector.broadcast %gt3A_1192 : f32 to vector<16xf32>
      %gt3A_1194 = arith.cmpf ogt, %div3A, %gt3A_1193 : vector<16xf32>
      %lt3A = arith.constant 5000 : i32
      %lt3A_1195 = vector.broadcast %lt3A : i32 to vector<16xi32>
      %lt3A_1196 = arith.cmpi slt, %add3A_1191, %lt3A_1195 : vector<16xi32>
      %and3A = arith.andi %gt3A_1194, %lt3A_1196 : vector<16xi1>
      %swap3A = arith.index_cast %mul3A_794 : i32 to index
      %swap3A_1197 = tpu.vector_load %arg11[%swap3A] {strides = array<i32>} : memref<320xf32, #tpu.memory_space<vmem>>, vector<16xf32>,
      tpu.vector_store %arg11[%swap3A], %sub3A_846 {strides = array<i32>} : memref<320xf32, #tpu.memory_space<vmem>>, vector<16xf32>,
      %swap3A_1198 = arith.index_cast %mul3A_794 : i32 to index
      %swap3A_1199 = tpu.vector_load %arg12[%swap3A_1198] {strides = array<i32>} : memref<320xf32, #tpu.memory_space<vmem>>, vector<16xf32>,
      tpu.vector_store %arg12[%swap3A_1198], %sub3A_850 {strides = array<i32>} : memref<320xf32, #tpu.memory_space<vmem>>, vector<16xf32>,
      %swap3A_1200 = arith.index_cast %mul3A_794 : i32 to index
      %swap3A_1201 = tpu.vector_load %arg13[%swap3A_1200] {strides = array<i32>} : memref<320xf32, #tpu.memory_space<vmem>>, vector<16xf32>,
      tpu.vector_store %arg13[%swap3A_1200], %add3A_854 {strides = array<i32>} : memref<320xf32, #tpu.memory_space<vmem>>, vector<16xf32>,
      %swap3A_1202 = arith.index_cast %mul3A_794 : i32 to index
      %swap3A_1203 = tpu.vector_load %arg14[%swap3A_1202] {strides = array<i32>} : memref<320xf32, #tpu.memory_space<vmem>>, vector<16xf32>,
      tpu.vector_store %arg14[%swap3A_1202], %add3A_858 {strides = array<i32>} : memref<320xf32, #tpu.memory_space<vmem>>, vector<16xf32>,
      %mul3A_1204 = arith.constant 8192 : i32
      %mul3A_1205 = vector.broadcast %mul3A_1204 : i32 to vector<16xi32>
      %mul3A_1206 = arith.muli %select_n3A_1033, %mul3A_1205 : vector<16xi32>
      %add3A_1207 = arith.addi %mul3A_1206, %add3A_1191 : vector<16xi32>
      %swap3A_1208 = arith.index_cast %mul3A_794 : i32 to index
      %swap3A_1209 = tpu.vector_load %arg15[%swap3A_1208] {strides = array<i32>} : memref<320xi32, #tpu.memory_space<vmem>>, vector<16xi32>,
      tpu.vector_store %arg15[%swap3A_1208], %add3A_1207 {strides = array<i32>} : memref<320xi32, #tpu.memory_space<vmem>>, vector<16xi32>,
      %jit3A_1210 = arith.constant -1.000000e+00 : f32
      %broadcast_in_dim3A_1211 = vector.broadcast %jit3A_1210 : f32 to vector<16xf32>
      %select_n3A_1212 = arith.select %and3A, %div3A, %broadcast_in_dim3A_1211 : vector<16xi1>, vector<16xf32>
      %swap3A_1213 = arith.index_cast %mul3A_794 : i32 to index
      %swap3A_1214 = tpu.vector_load %arg16[%swap3A_1213] {strides = array<i32>} : memref<320xf32, #tpu.memory_space<vmem>>, vector<16xf32>,
      tpu.vector_store %arg16[%swap3A_1213], %select_n3A_1212 {strides = array<i32>} : memref<320xf32, #tpu.memory_space<vmem>>, vector<16xf32>,
      %scan3A_1215 = arith.constant 0 : i32
      scf.yield %scan3A_1215 : i32
    }
    %scan3A_776 = arith.constant 20 : i32
    %sub3A = arith.constant 1 : i32
    %sub3A_777 = vector.broadcast %sub3A : i32 to vector<16xi32>
    %sub3A_778 = arith.subi %broadcast_in_dim3A_5, %sub3A_777 : vector<16xi32>
    %sub3A_779 = arith.constant 1 : i32
    %sub3A_780 = vector.broadcast %sub3A_779 : i32 to vector<16xi32>
    %sub3A_781 = arith.subi %broadcast_in_dim3A_5, %sub3A_780 : vector<16xi32>
    %scan3A_782 = arith.constant 0 : i32
    %scan3A_783 = arith.constant 100 : i32
    %scan3A_784 = arith.addi %scan3A_782, %scan3A_783 : i32
    %scan3A_785 = arith.constant 1 : i32
    %scan3A_786:7 = scf.for %scan3A_791 = %scan3A_782 to %scan3A_784 step %scan3A_785 iter_args(%scan3A_792 = %broadcast_in_dim3A_3, %scan3A_793 = %broadcast_in_dim3A_3, %scan3A_794 = %broadcast_in_dim3A_3, %scan3A_795 = %broadcast_in_dim3A_3, %scan3A_796 = %sub3A_778, %scan3A_797 = %broadcast_in_dim3A_3, %scan3A_798 = %sub3A_781) -> (vector<16xf32>, vector<16xf32>, vector<16xf32>, vector<16xf32>, vector<16xi32>, vector<16xf32>, vector<16xi32>)  : i32 {
      %sub3A_799 = arith.constant 2.000000e+00 : f32
      %sub3A_800 = vector.broadcast %sub3A_799 : f32 to vector<16xf32>
      %sub3A_801 = arith.subf %broadcast_in_dim3A_3, %sub3A_800 : vector<16xf32>
      %add3A_802 = arith.constant 268435456 : i32
      %add3A_803 = vector.broadcast %add3A_802 : i32 to vector<16xi32>
      %add3A_804 = arith.addi %broadcast_in_dim3A_5, %add3A_803 : vector<16xi32>
      %sub3A_805 = arith.constant 2.000000e+00 : f32
      %sub3A_806 = vector.broadcast %sub3A_805 : f32 to vector<16xf32>
      %sub3A_807 = arith.subf %broadcast_in_dim3A_3, %sub3A_806 : vector<16xf32>
      %add3A_808 = arith.constant 268435456 : i32
      %add3A_809 = vector.broadcast %add3A_808 : i32 to vector<16xi32>
      %add3A_810 = arith.addi %broadcast_in_dim3A_5, %add3A_809 : vector<16xi32>
      %sub3A_811 = arith.constant 2.000000e+00 : f32
      %sub3A_812 = vector.broadcast %sub3A_811 : f32 to vector<16xf32>
      %sub3A_813 = arith.subf %broadcast_in_dim3A_3, %sub3A_812 : vector<16xf32>
      %add3A_814 = arith.constant 268435456 : i32
      %add3A_815 = vector.broadcast %add3A_814 : i32 to vector<16xi32>
      %add3A_816 = arith.addi %broadcast_in_dim3A_5, %add3A_815 : vector<16xi32>
      %sub3A_817 = arith.constant 2.000000e+00 : f32
      %sub3A_818 = vector.broadcast %sub3A_817 : f32 to vector<16xf32>
      %sub3A_819 = arith.subf %broadcast_in_dim3A_3, %sub3A_818 : vector<16xf32>
      %add3A_820 = arith.constant 268435456 : i32
      %add3A_821 = vector.broadcast %add3A_820 : i32 to vector<16xi32>
      %add3A_822 = arith.addi %broadcast_in_dim3A_5, %add3A_821 : vector<16xi32>
      %get3A = arith.constant 0 : index
      %get3A_823 = tpu.vector_load %arg11[%get3A] {strides = array<i32>} : memref<320xf32, #tpu.memory_space<vmem>>, vector<16xf32>,
      %get3A_824 = arith.constant 0 : index
      %get3A_825 = tpu.vector_load %arg12[%get3A_824] {strides = array<i32>} : memref<320xf32, #tpu.memory_space<vmem>>, vector<16xf32>,
      %get3A_826 = arith.constant 0 : index
      %get3A_827 = tpu.vector_load %arg13[%get3A_826] {strides = array<i32>} : memref<320xf32, #tpu.memory_space<vmem>>, vector<16xf32>,
      %get3A_828 = arith.constant 0 : index
      %get3A_829 = tpu.vector_load %arg14[%get3A_828] {strides = array<i32>} : memref<320xf32, #tpu.memory_space<vmem>>, vector<16xf32>,
      %max3A = arith.maximumf %scan3A_792, %get3A_823 : vector<16xf32>
      %max3A_830 = arith.maximumf %scan3A_793, %get3A_825 : vector<16xf32>
      %min3A = arith.minimumf %scan3A_794, %get3A_827 : vector<16xf32>
      %min3A_831 = arith.minimumf %scan3A_795, %get3A_829 : vector<16xf32>
      %sub3A_832 = arith.subf %min3A, %max3A : vector<16xf32>
      %max3A_833 = arith.constant 0.000000e+00 : f32
      %max3A_834 = vector.broadcast %max3A_833 : f32 to vector<16xf32>
      %max3A_835 = arith.maximumf %sub3A_832, %max3A_834 : vector<16xf32>
      %sub3A_836 = arith.subf %min3A_831, %max3A_830 : vector<16xf32>
      %max3A_837 = arith.constant 0.000000e+00 : f32
      %max3A_838 = vector.broadcast %max3A_837 : f32 to vector<16xf32>
      %max3A_839 = arith.maximumf %sub3A_836, %max3A_838 : vector<16xf32>
      %mul3A_840 = arith.mulf %max3A_835, %max3A_839 : vector<16xf32>
      %sub3A_841 = arith.subf %get3A_827, %get3A_823 : vector<16xf32>
      %sub3A_842 = arith.subf %get3A_829, %get3A_825 : vector<16xf32>
      %mul3A_843 = arith.mulf %sub3A_841, %sub3A_842 : vector<16xf32>
      %add3A_844 = arith.addf %scan3A_797, %mul3A_843 : vector<16xf32>
      %sub3A_845 = arith.subf %add3A_844, %mul3A_840 : vector<16xf32>
      %add3A_846 = arith.constant 9.99999993E-9 : f32
      %add3A_847 = vector.broadcast %add3A_846 : f32 to vector<16xf32>
      %add3A_848 = arith.addf %sub3A_845, %add3A_847 : vector<16xf32>
      %div3A = arith.divf %mul3A_840, %add3A_848 : vector<16xf32>
      %get3A_849 = arith.constant 0 : index
      %get3A_850 = tpu.vector_load %arg15[%get3A_849] {strides = array<i32>} : memref<320xi32, #tpu.memory_space<vmem>>, vector<16xi32>,
      %shift_right_arithmetic3A = arith.constant 13 : i32
      %shift_right_arithmetic3A_851 = vector.broadcast %shift_right_arithmetic3A : i32 to vector<16xi32>
      %shift_right_arithmetic3A_852 = arith.shrsi %get3A_850, %shift_right_arithmetic3A_851 : vector<16xi32>
      %eq3A_853 = arith.cmpi eq, %shift_right_arithmetic3A_852, %scan3A_796 : vector<16xi32>
      %gt3A = arith.constant 3.000000e-01 : f32
      %gt3A_854 = vector.broadcast %gt3A : f32 to vector<16xf32>
      %gt3A_855 = arith.cmpf ogt, %div3A, %gt3A_854 : vector<16xf32>
      %and3A = arith.andi %eq3A_853, %gt3A_855 : vector<16xi1>
      %eq3A_856 = arith.cmpi eq, %get3A_850, %scan3A_798 : vector<16xi32>
      %or3A = arith.ori %and3A, %eq3A_856 : vector<16xi1>
      %get3A_857 = arith.constant 0 : index
      %get3A_858 = tpu.vector_load %arg16[%get3A_857] {strides = array<i32>} : memref<320xf32, #tpu.memory_space<vmem>>, vector<16xf32>,
      %jit3A = arith.constant -1.000000e+00 : f32
      %broadcast_in_dim3A_859 = vector.broadcast %jit3A : f32 to vector<16xf32>
      %select_n3A = arith.select %or3A, %broadcast_in_dim3A_859, %get3A_858 : vector<16xi1>, vector<16xf32>
      %swap3A = arith.constant 0 : index
      %swap3A_860 = tpu.vector_load %arg16[%swap3A] {strides = array<i32>} : memref<320xf32, #tpu.memory_space<vmem>>, vector<16xf32>,
      tpu.vector_store %arg16[%swap3A], %select_n3A {strides = array<i32>} : memref<320xf32, #tpu.memory_space<vmem>>, vector<16xf32>,
      %gt3A_861 = arith.cmpf ogt, %select_n3A, %sub3A_801 : vector<16xf32>
      %eq3A_862 = arith.cmpf oeq, %select_n3A, %sub3A_801 : vector<16xf32>
      %lt3A = arith.cmpi slt, %get3A_850, %add3A_804 : vector<16xi32>
      %and3A_863 = arith.andi %eq3A_862, %lt3A : vector<16xi1>
      %or3A_864 = arith.ori %gt3A_861, %and3A_863 : vector<16xi1>
      %select_n3A_865 = arith.select %or3A_864, %select_n3A, %sub3A_801 : vector<16xi1>, vector<16xf32>
      %select_n3A_866 = arith.select %or3A_864, %get3A_850, %add3A_804 : vector<16xi1>, vector<16xi32>
      %get3A_867 = arith.constant 16 : index
      %get3A_868 = tpu.vector_load %arg11[%get3A_867] {strides = array<i32>} : memref<320xf32, #tpu.memory_space<vmem>>, vector<16xf32>,
      %get3A_869 = arith.constant 16 : index
      %get3A_870 = tpu.vector_load %arg12[%get3A_869] {strides = array<i32>} : memref<320xf32, #tpu.memory_space<vmem>>, vector<16xf32>,
      %get3A_871 = arith.constant 16 : index
      %get3A_872 = tpu.vector_load %arg13[%get3A_871] {strides = array<i32>} : memref<320xf32, #tpu.memory_space<vmem>>, vector<16xf32>,
      %get3A_873 = arith.constant 16 : index
      %get3A_874 = tpu.vector_load %arg14[%get3A_873] {strides = array<i32>} : memref<320xf32, #tpu.memory_space<vmem>>, vector<16xf32>,
      %max3A_875 = arith.maximumf %scan3A_792, %get3A_868 : vector<16xf32>
      %max3A_876 = arith.maximumf %scan3A_793, %get3A_870 : vector<16xf32>
      %min3A_877 = arith.minimumf %scan3A_794, %get3A_872 : vector<16xf32>
      %min3A_878 = arith.minimumf %scan3A_795, %get3A_874 : vector<16xf32>
      %sub3A_879 = arith.subf %min3A_877, %max3A_875 : vector<16xf32>
      %max3A_880 = arith.constant 0.000000e+00 : f32
      %max3A_881 = vector.broadcast %max3A_880 : f32 to vector<16xf32>
      %max3A_882 = arith.maximumf %sub3A_879, %max3A_881 : vector<16xf32>
      %sub3A_883 = arith.subf %min3A_878, %max3A_876 : vector<16xf32>
      %max3A_884 = arith.constant 0.000000e+00 : f32
      %max3A_885 = vector.broadcast %max3A_884 : f32 to vector<16xf32>
      %max3A_886 = arith.maximumf %sub3A_883, %max3A_885 : vector<16xf32>
      %mul3A_887 = arith.mulf %max3A_882, %max3A_886 : vector<16xf32>
      %sub3A_888 = arith.subf %get3A_872, %get3A_868 : vector<16xf32>
      %sub3A_889 = arith.subf %get3A_874, %get3A_870 : vector<16xf32>
      %mul3A_890 = arith.mulf %sub3A_888, %sub3A_889 : vector<16xf32>
      %add3A_891 = arith.addf %scan3A_797, %mul3A_890 : vector<16xf32>
      %sub3A_892 = arith.subf %add3A_891, %mul3A_887 : vector<16xf32>
      %add3A_893 = arith.constant 9.99999993E-9 : f32
      %add3A_894 = vector.broadcast %add3A_893 : f32 to vector<16xf32>
      %add3A_895 = arith.addf %sub3A_892, %add3A_894 : vector<16xf32>
      %div3A_896 = arith.divf %mul3A_887, %add3A_895 : vector<16xf32>
      %get3A_897 = arith.constant 16 : index
      %get3A_898 = tpu.vector_load %arg15[%get3A_897] {strides = array<i32>} : memref<320xi32, #tpu.memory_space<vmem>>, vector<16xi32>,
      %shift_right_arithmetic3A_899 = arith.constant 13 : i32
      %shift_right_arithmetic3A_900 = vector.broadcast %shift_right_arithmetic3A_899 : i32 to vector<16xi32>
      %shift_right_arithmetic3A_901 = arith.shrsi %get3A_898, %shift_right_arithmetic3A_900 : vector<16xi32>
      %eq3A_902 = arith.cmpi eq, %shift_right_arithmetic3A_901, %scan3A_796 : vector<16xi32>
      %gt3A_903 = arith.constant 3.000000e-01 : f32
      %gt3A_904 = vector.broadcast %gt3A_903 : f32 to vector<16xf32>
      %gt3A_905 = arith.cmpf ogt, %div3A_896, %gt3A_904 : vector<16xf32>
      %and3A_906 = arith.andi %eq3A_902, %gt3A_905 : vector<16xi1>
      %eq3A_907 = arith.cmpi eq, %get3A_898, %scan3A_798 : vector<16xi32>
      %or3A_908 = arith.ori %and3A_906, %eq3A_907 : vector<16xi1>
      %get3A_909 = arith.constant 16 : index
      %get3A_910 = tpu.vector_load %arg16[%get3A_909] {strides = array<i32>} : memref<320xf32, #tpu.memory_space<vmem>>, vector<16xf32>,
      %jit3A_911 = arith.constant -1.000000e+00 : f32
      %broadcast_in_dim3A_912 = vector.broadcast %jit3A_911 : f32 to vector<16xf32>
      %select_n3A_913 = arith.select %or3A_908, %broadcast_in_dim3A_912, %get3A_910 : vector<16xi1>, vector<16xf32>
      %swap3A_914 = arith.constant 16 : index
      %swap3A_915 = tpu.vector_load %arg16[%swap3A_914] {strides = array<i32>} : memref<320xf32, #tpu.memory_space<vmem>>, vector<16xf32>,
      tpu.vector_store %arg16[%swap3A_914], %select_n3A_913 {strides = array<i32>} : memref<320xf32, #tpu.memory_space<vmem>>, vector<16xf32>,
      %gt3A_916 = arith.cmpf ogt, %select_n3A_913, %sub3A_807 : vector<16xf32>
      %eq3A_917 = arith.cmpf oeq, %select_n3A_913, %sub3A_807 : vector<16xf32>
      %lt3A_918 = arith.cmpi slt, %get3A_898, %add3A_810 : vector<16xi32>
      %and3A_919 = arith.andi %eq3A_917, %lt3A_918 : vector<16xi1>
      %or3A_920 = arith.ori %gt3A_916, %and3A_919 : vector<16xi1>
      %select_n3A_921 = arith.select %or3A_920, %select_n3A_913, %sub3A_807 : vector<16xi1>, vector<16xf32>
      %select_n3A_922 = arith.select %or3A_920, %get3A_898, %add3A_810 : vector<16xi1>, vector<16xi32>
      %get3A_923 = arith.constant 32 : index
      %get3A_924 = tpu.vector_load %arg11[%get3A_923] {strides = array<i32>} : memref<320xf32, #tpu.memory_space<vmem>>, vector<16xf32>,
      %get3A_925 = arith.constant 32 : index
      %get3A_926 = tpu.vector_load %arg12[%get3A_925] {strides = array<i32>} : memref<320xf32, #tpu.memory_space<vmem>>, vector<16xf32>,
      %get3A_927 = arith.constant 32 : index
      %get3A_928 = tpu.vector_load %arg13[%get3A_927] {strides = array<i32>} : memref<320xf32, #tpu.memory_space<vmem>>, vector<16xf32>,
      %get3A_929 = arith.constant 32 : index
      %get3A_930 = tpu.vector_load %arg14[%get3A_929] {strides = array<i32>} : memref<320xf32, #tpu.memory_space<vmem>>, vector<16xf32>,
      %max3A_931 = arith.maximumf %scan3A_792, %get3A_924 : vector<16xf32>
      %max3A_932 = arith.maximumf %scan3A_793, %get3A_926 : vector<16xf32>
      %min3A_933 = arith.minimumf %scan3A_794, %get3A_928 : vector<16xf32>
      %min3A_934 = arith.minimumf %scan3A_795, %get3A_930 : vector<16xf32>
      %sub3A_935 = arith.subf %min3A_933, %max3A_931 : vector<16xf32>
      %max3A_936 = arith.constant 0.000000e+00 : f32
      %max3A_937 = vector.broadcast %max3A_936 : f32 to vector<16xf32>
      %max3A_938 = arith.maximumf %sub3A_935, %max3A_937 : vector<16xf32>
      %sub3A_939 = arith.subf %min3A_934, %max3A_932 : vector<16xf32>
      %max3A_940 = arith.constant 0.000000e+00 : f32
      %max3A_941 = vector.broadcast %max3A_940 : f32 to vector<16xf32>
      %max3A_942 = arith.maximumf %sub3A_939, %max3A_941 : vector<16xf32>
      %mul3A_943 = arith.mulf %max3A_938, %max3A_942 : vector<16xf32>
      %sub3A_944 = arith.subf %get3A_928, %get3A_924 : vector<16xf32>
      %sub3A_945 = arith.subf %get3A_930, %get3A_926 : vector<16xf32>
      %mul3A_946 = arith.mulf %sub3A_944, %sub3A_945 : vector<16xf32>
      %add3A_947 = arith.addf %scan3A_797, %mul3A_946 : vector<16xf32>
      %sub3A_948 = arith.subf %add3A_947, %mul3A_943 : vector<16xf32>
      %add3A_949 = arith.constant 9.99999993E-9 : f32
      %add3A_950 = vector.broadcast %add3A_949 : f32 to vector<16xf32>
      %add3A_951 = arith.addf %sub3A_948, %add3A_950 : vector<16xf32>
      %div3A_952 = arith.divf %mul3A_943, %add3A_951 : vector<16xf32>
      %get3A_953 = arith.constant 32 : index
      %get3A_954 = tpu.vector_load %arg15[%get3A_953] {strides = array<i32>} : memref<320xi32, #tpu.memory_space<vmem>>, vector<16xi32>,
      %shift_right_arithmetic3A_955 = arith.constant 13 : i32
      %shift_right_arithmetic3A_956 = vector.broadcast %shift_right_arithmetic3A_955 : i32 to vector<16xi32>
      %shift_right_arithmetic3A_957 = arith.shrsi %get3A_954, %shift_right_arithmetic3A_956 : vector<16xi32>
      %eq3A_958 = arith.cmpi eq, %shift_right_arithmetic3A_957, %scan3A_796 : vector<16xi32>
      %gt3A_959 = arith.constant 3.000000e-01 : f32
      %gt3A_960 = vector.broadcast %gt3A_959 : f32 to vector<16xf32>
      %gt3A_961 = arith.cmpf ogt, %div3A_952, %gt3A_960 : vector<16xf32>
      %and3A_962 = arith.andi %eq3A_958, %gt3A_961 : vector<16xi1>
      %eq3A_963 = arith.cmpi eq, %get3A_954, %scan3A_798 : vector<16xi32>
      %or3A_964 = arith.ori %and3A_962, %eq3A_963 : vector<16xi1>
      %get3A_965 = arith.constant 32 : index
      %get3A_966 = tpu.vector_load %arg16[%get3A_965] {strides = array<i32>} : memref<320xf32, #tpu.memory_space<vmem>>, vector<16xf32>,
      %jit3A_967 = arith.constant -1.000000e+00 : f32
      %broadcast_in_dim3A_968 = vector.broadcast %jit3A_967 : f32 to vector<16xf32>
      %select_n3A_969 = arith.select %or3A_964, %broadcast_in_dim3A_968, %get3A_966 : vector<16xi1>, vector<16xf32>
      %swap3A_970 = arith.constant 32 : index
      %swap3A_971 = tpu.vector_load %arg16[%swap3A_970] {strides = array<i32>} : memref<320xf32, #tpu.memory_space<vmem>>, vector<16xf32>,
      tpu.vector_store %arg16[%swap3A_970], %select_n3A_969 {strides = array<i32>} : memref<320xf32, #tpu.memory_space<vmem>>, vector<16xf32>,
      %gt3A_972 = arith.cmpf ogt, %select_n3A_969, %sub3A_813 : vector<16xf32>
      %eq3A_973 = arith.cmpf oeq, %select_n3A_969, %sub3A_813 : vector<16xf32>
      %lt3A_974 = arith.cmpi slt, %get3A_954, %add3A_816 : vector<16xi32>
      %and3A_975 = arith.andi %eq3A_973, %lt3A_974 : vector<16xi1>
      %or3A_976 = arith.ori %gt3A_972, %and3A_975 : vector<16xi1>
      %select_n3A_977 = arith.select %or3A_976, %select_n3A_969, %sub3A_813 : vector<16xi1>, vector<16xf32>
      %select_n3A_978 = arith.select %or3A_976, %get3A_954, %add3A_816 : vector<16xi1>, vector<16xi32>
      %get3A_979 = arith.constant 48 : index
      %get3A_980 = tpu.vector_load %arg11[%get3A_979] {strides = array<i32>} : memref<320xf32, #tpu.memory_space<vmem>>, vector<16xf32>,
      %get3A_981 = arith.constant 48 : index
      %get3A_982 = tpu.vector_load %arg12[%get3A_981] {strides = array<i32>} : memref<320xf32, #tpu.memory_space<vmem>>, vector<16xf32>,
      %get3A_983 = arith.constant 48 : index
      %get3A_984 = tpu.vector_load %arg13[%get3A_983] {strides = array<i32>} : memref<320xf32, #tpu.memory_space<vmem>>, vector<16xf32>,
      %get3A_985 = arith.constant 48 : index
      %get3A_986 = tpu.vector_load %arg14[%get3A_985] {strides = array<i32>} : memref<320xf32, #tpu.memory_space<vmem>>, vector<16xf32>,
      %max3A_987 = arith.maximumf %scan3A_792, %get3A_980 : vector<16xf32>
      %max3A_988 = arith.maximumf %scan3A_793, %get3A_982 : vector<16xf32>
      %min3A_989 = arith.minimumf %scan3A_794, %get3A_984 : vector<16xf32>
      %min3A_990 = arith.minimumf %scan3A_795, %get3A_986 : vector<16xf32>
      %sub3A_991 = arith.subf %min3A_989, %max3A_987 : vector<16xf32>
      %max3A_992 = arith.constant 0.000000e+00 : f32
      %max3A_993 = vector.broadcast %max3A_992 : f32 to vector<16xf32>
      %max3A_994 = arith.maximumf %sub3A_991, %max3A_993 : vector<16xf32>
      %sub3A_995 = arith.subf %min3A_990, %max3A_988 : vector<16xf32>
      %max3A_996 = arith.constant 0.000000e+00 : f32
      %max3A_997 = vector.broadcast %max3A_996 : f32 to vector<16xf32>
      %max3A_998 = arith.maximumf %sub3A_995, %max3A_997 : vector<16xf32>
      %mul3A_999 = arith.mulf %max3A_994, %max3A_998 : vector<16xf32>
      %sub3A_1000 = arith.subf %get3A_984, %get3A_980 : vector<16xf32>
      %sub3A_1001 = arith.subf %get3A_986, %get3A_982 : vector<16xf32>
      %mul3A_1002 = arith.mulf %sub3A_1000, %sub3A_1001 : vector<16xf32>
      %add3A_1003 = arith.addf %scan3A_797, %mul3A_1002 : vector<16xf32>
      %sub3A_1004 = arith.subf %add3A_1003, %mul3A_999 : vector<16xf32>
      %add3A_1005 = arith.constant 9.99999993E-9 : f32
      %add3A_1006 = vector.broadcast %add3A_1005 : f32 to vector<16xf32>
      %add3A_1007 = arith.addf %sub3A_1004, %add3A_1006 : vector<16xf32>
      %div3A_1008 = arith.divf %mul3A_999, %add3A_1007 : vector<16xf32>
      %get3A_1009 = arith.constant 48 : index
      %get3A_1010 = tpu.vector_load %arg15[%get3A_1009] {strides = array<i32>} : memref<320xi32, #tpu.memory_space<vmem>>, vector<16xi32>,
      %shift_right_arithmetic3A_1011 = arith.constant 13 : i32
      %shift_right_arithmetic3A_1012 = vector.broadcast %shift_right_arithmetic3A_1011 : i32 to vector<16xi32>
      %shift_right_arithmetic3A_1013 = arith.shrsi %get3A_1010, %shift_right_arithmetic3A_1012 : vector<16xi32>
      %eq3A_1014 = arith.cmpi eq, %shift_right_arithmetic3A_1013, %scan3A_796 : vector<16xi32>
      %gt3A_1015 = arith.constant 3.000000e-01 : f32
      %gt3A_1016 = vector.broadcast %gt3A_1015 : f32 to vector<16xf32>
      %gt3A_1017 = arith.cmpf ogt, %div3A_1008, %gt3A_1016 : vector<16xf32>
      %and3A_1018 = arith.andi %eq3A_1014, %gt3A_1017 : vector<16xi1>
      %eq3A_1019 = arith.cmpi eq, %get3A_1010, %scan3A_798 : vector<16xi32>
      %or3A_1020 = arith.ori %and3A_1018, %eq3A_1019 : vector<16xi1>
      %get3A_1021 = arith.constant 48 : index
      %get3A_1022 = tpu.vector_load %arg16[%get3A_1021] {strides = array<i32>} : memref<320xf32, #tpu.memory_space<vmem>>, vector<16xf32>,
      %jit3A_1023 = arith.constant -1.000000e+00 : f32
      %broadcast_in_dim3A_1024 = vector.broadcast %jit3A_1023 : f32 to vector<16xf32>
      %select_n3A_1025 = arith.select %or3A_1020, %broadcast_in_dim3A_1024, %get3A_1022 : vector<16xi1>, vector<16xf32>
      %swap3A_1026 = arith.constant 48 : index
      %swap3A_1027 = tpu.vector_load %arg16[%swap3A_1026] {strides = array<i32>} : memref<320xf32, #tpu.memory_space<vmem>>, vector<16xf32>,
      tpu.vector_store %arg16[%swap3A_1026], %select_n3A_1025 {strides = array<i32>} : memref<320xf32, #tpu.memory_space<vmem>>, vector<16xf32>,
      %gt3A_1028 = arith.cmpf ogt, %select_n3A_1025, %sub3A_819 : vector<16xf32>
      %eq3A_1029 = arith.cmpf oeq, %select_n3A_1025, %sub3A_819 : vector<16xf32>
      %lt3A_1030 = arith.cmpi slt, %get3A_1010, %add3A_822 : vector<16xi32>
      %and3A_1031 = arith.andi %eq3A_1029, %lt3A_1030 : vector<16xi1>
      %or3A_1032 = arith.ori %gt3A_1028, %and3A_1031 : vector<16xi1>
      %select_n3A_1033 = arith.select %or3A_1032, %select_n3A_1025, %sub3A_819 : vector<16xi1>, vector<16xf32>
      %select_n3A_1034 = arith.select %or3A_1032, %get3A_1010, %add3A_822 : vector<16xi1>, vector<16xi32>
      %get3A_1035 = arith.constant 64 : index
      %get3A_1036 = tpu.vector_load %arg11[%get3A_1035] {strides = array<i32>} : memref<320xf32, #tpu.memory_space<vmem>>, vector<16xf32>,
      %get3A_1037 = arith.constant 64 : index
      %get3A_1038 = tpu.vector_load %arg12[%get3A_1037] {strides = array<i32>} : memref<320xf32, #tpu.memory_space<vmem>>, vector<16xf32>,
      %get3A_1039 = arith.constant 64 : index
      %get3A_1040 = tpu.vector_load %arg13[%get3A_1039] {strides = array<i32>} : memref<320xf32, #tpu.memory_space<vmem>>, vector<16xf32>,
      %get3A_1041 = arith.constant 64 : index
      %get3A_1042 = tpu.vector_load %arg14[%get3A_1041] {strides = array<i32>} : memref<320xf32, #tpu.memory_space<vmem>>, vector<16xf32>,
      %max3A_1043 = arith.maximumf %scan3A_792, %get3A_1036 : vector<16xf32>
      %max3A_1044 = arith.maximumf %scan3A_793, %get3A_1038 : vector<16xf32>
      %min3A_1045 = arith.minimumf %scan3A_794, %get3A_1040 : vector<16xf32>
      %min3A_1046 = arith.minimumf %scan3A_795, %get3A_1042 : vector<16xf32>
      %sub3A_1047 = arith.subf %min3A_1045, %max3A_1043 : vector<16xf32>
      %max3A_1048 = arith.constant 0.000000e+00 : f32
      %max3A_1049 = vector.broadcast %max3A_1048 : f32 to vector<16xf32>
      %max3A_1050 = arith.maximumf %sub3A_1047, %max3A_1049 : vector<16xf32>
      %sub3A_1051 = arith.subf %min3A_1046, %max3A_1044 : vector<16xf32>
      %max3A_1052 = arith.constant 0.000000e+00 : f32
      %max3A_1053 = vector.broadcast %max3A_1052 : f32 to vector<16xf32>
      %max3A_1054 = arith.maximumf %sub3A_1051, %max3A_1053 : vector<16xf32>
      %mul3A_1055 = arith.mulf %max3A_1050, %max3A_1054 : vector<16xf32>
      %sub3A_1056 = arith.subf %get3A_1040, %get3A_1036 : vector<16xf32>
      %sub3A_1057 = arith.subf %get3A_1042, %get3A_1038 : vector<16xf32>
      %mul3A_1058 = arith.mulf %sub3A_1056, %sub3A_1057 : vector<16xf32>
      %add3A_1059 = arith.addf %scan3A_797, %mul3A_1058 : vector<16xf32>
      %sub3A_1060 = arith.subf %add3A_1059, %mul3A_1055 : vector<16xf32>
      %add3A_1061 = arith.constant 9.99999993E-9 : f32
      %add3A_1062 = vector.broadcast %add3A_1061 : f32 to vector<16xf32>
      %add3A_1063 = arith.addf %sub3A_1060, %add3A_1062 : vector<16xf32>
      %div3A_1064 = arith.divf %mul3A_1055, %add3A_1063 : vector<16xf32>
      %get3A_1065 = arith.constant 64 : index
      %get3A_1066 = tpu.vector_load %arg15[%get3A_1065] {strides = array<i32>} : memref<320xi32, #tpu.memory_space<vmem>>, vector<16xi32>,
      %shift_right_arithmetic3A_1067 = arith.constant 13 : i32
      %shift_right_arithmetic3A_1068 = vector.broadcast %shift_right_arithmetic3A_1067 : i32 to vector<16xi32>
      %shift_right_arithmetic3A_1069 = arith.shrsi %get3A_1066, %shift_right_arithmetic3A_1068 : vector<16xi32>
      %eq3A_1070 = arith.cmpi eq, %shift_right_arithmetic3A_1069, %scan3A_796 : vector<16xi32>
      %gt3A_1071 = arith.constant 3.000000e-01 : f32
      %gt3A_1072 = vector.broadcast %gt3A_1071 : f32 to vector<16xf32>
      %gt3A_1073 = arith.cmpf ogt, %div3A_1064, %gt3A_1072 : vector<16xf32>
      %and3A_1074 = arith.andi %eq3A_1070, %gt3A_1073 : vector<16xi1>
      %eq3A_1075 = arith.cmpi eq, %get3A_1066, %scan3A_798 : vector<16xi32>
      %or3A_1076 = arith.ori %and3A_1074, %eq3A_1075 : vector<16xi1>
      %get3A_1077 = arith.constant 64 : index
      %get3A_1078 = tpu.vector_load %arg16[%get3A_1077] {strides = array<i32>} : memref<320xf32, #tpu.memory_space<vmem>>, vector<16xf32>,
      %jit3A_1079 = arith.constant -1.000000e+00 : f32
      %broadcast_in_dim3A_1080 = vector.broadcast %jit3A_1079 : f32 to vector<16xf32>
      %select_n3A_1081 = arith.select %or3A_1076, %broadcast_in_dim3A_1080, %get3A_1078 : vector<16xi1>, vector<16xf32>
      %swap3A_1082 = arith.constant 64 : index
      %swap3A_1083 = tpu.vector_load %arg16[%swap3A_1082] {strides = array<i32>} : memref<320xf32, #tpu.memory_space<vmem>>, vector<16xf32>,
      tpu.vector_store %arg16[%swap3A_1082], %select_n3A_1081 {strides = array<i32>} : memref<320xf32, #tpu.memory_space<vmem>>, vector<16xf32>,
      %gt3A_1084 = arith.cmpf ogt, %select_n3A_1081, %select_n3A_865 : vector<16xf32>
      %eq3A_1085 = arith.cmpf oeq, %select_n3A_1081, %select_n3A_865 : vector<16xf32>
      %lt3A_1086 = arith.cmpi slt, %get3A_1066, %select_n3A_866 : vector<16xi32>
      %and3A_1087 = arith.andi %eq3A_1085, %lt3A_1086 : vector<16xi1>
      %or3A_1088 = arith.ori %gt3A_1084, %and3A_1087 : vector<16xi1>
      %select_n3A_1089 = arith.select %or3A_1088, %select_n3A_1081, %select_n3A_865 : vector<16xi1>, vector<16xf32>
      %select_n3A_1090 = arith.select %or3A_1088, %get3A_1066, %select_n3A_866 : vector<16xi1>, vector<16xi32>
      %get3A_1091 = arith.constant 80 : index
      %get3A_1092 = tpu.vector_load %arg11[%get3A_1091] {strides = array<i32>} : memref<320xf32, #tpu.memory_space<vmem>>, vector<16xf32>,
      %get3A_1093 = arith.constant 80 : index
      %get3A_1094 = tpu.vector_load %arg12[%get3A_1093] {strides = array<i32>} : memref<320xf32, #tpu.memory_space<vmem>>, vector<16xf32>,
      %get3A_1095 = arith.constant 80 : index
      %get3A_1096 = tpu.vector_load %arg13[%get3A_1095] {strides = array<i32>} : memref<320xf32, #tpu.memory_space<vmem>>, vector<16xf32>,
      %get3A_1097 = arith.constant 80 : index
      %get3A_1098 = tpu.vector_load %arg14[%get3A_1097] {strides = array<i32>} : memref<320xf32, #tpu.memory_space<vmem>>, vector<16xf32>,
      %max3A_1099 = arith.maximumf %scan3A_792, %get3A_1092 : vector<16xf32>
      %max3A_1100 = arith.maximumf %scan3A_793, %get3A_1094 : vector<16xf32>
      %min3A_1101 = arith.minimumf %scan3A_794, %get3A_1096 : vector<16xf32>
      %min3A_1102 = arith.minimumf %scan3A_795, %get3A_1098 : vector<16xf32>
      %sub3A_1103 = arith.subf %min3A_1101, %max3A_1099 : vector<16xf32>
      %max3A_1104 = arith.constant 0.000000e+00 : f32
      %max3A_1105 = vector.broadcast %max3A_1104 : f32 to vector<16xf32>
      %max3A_1106 = arith.maximumf %sub3A_1103, %max3A_1105 : vector<16xf32>
      %sub3A_1107 = arith.subf %min3A_1102, %max3A_1100 : vector<16xf32>
      %max3A_1108 = arith.constant 0.000000e+00 : f32
      %max3A_1109 = vector.broadcast %max3A_1108 : f32 to vector<16xf32>
      %max3A_1110 = arith.maximumf %sub3A_1107, %max3A_1109 : vector<16xf32>
      %mul3A_1111 = arith.mulf %max3A_1106, %max3A_1110 : vector<16xf32>
      %sub3A_1112 = arith.subf %get3A_1096, %get3A_1092 : vector<16xf32>
      %sub3A_1113 = arith.subf %get3A_1098, %get3A_1094 : vector<16xf32>
      %mul3A_1114 = arith.mulf %sub3A_1112, %sub3A_1113 : vector<16xf32>
      %add3A_1115 = arith.addf %scan3A_797, %mul3A_1114 : vector<16xf32>
      %sub3A_1116 = arith.subf %add3A_1115, %mul3A_1111 : vector<16xf32>
      %add3A_1117 = arith.constant 9.99999993E-9 : f32
      %add3A_1118 = vector.broadcast %add3A_1117 : f32 to vector<16xf32>
      %add3A_1119 = arith.addf %sub3A_1116, %add3A_1118 : vector<16xf32>
      %div3A_1120 = arith.divf %mul3A_1111, %add3A_1119 : vector<16xf32>
      %get3A_1121 = arith.constant 80 : index
      %get3A_1122 = tpu.vector_load %arg15[%get3A_1121] {strides = array<i32>} : memref<320xi32, #tpu.memory_space<vmem>>, vector<16xi32>,
      %shift_right_arithmetic3A_1123 = arith.constant 13 : i32
      %shift_right_arithmetic3A_1124 = vector.broadcast %shift_right_arithmetic3A_1123 : i32 to vector<16xi32>
      %shift_right_arithmetic3A_1125 = arith.shrsi %get3A_1122, %shift_right_arithmetic3A_1124 : vector<16xi32>
      %eq3A_1126 = arith.cmpi eq, %shift_right_arithmetic3A_1125, %scan3A_796 : vector<16xi32>
      %gt3A_1127 = arith.constant 3.000000e-01 : f32
      %gt3A_1128 = vector.broadcast %gt3A_1127 : f32 to vector<16xf32>
      %gt3A_1129 = arith.cmpf ogt, %div3A_1120, %gt3A_1128 : vector<16xf32>
      %and3A_1130 = arith.andi %eq3A_1126, %gt3A_1129 : vector<16xi1>
      %eq3A_1131 = arith.cmpi eq, %get3A_1122, %scan3A_798 : vector<16xi32>
      %or3A_1132 = arith.ori %and3A_1130, %eq3A_1131 : vector<16xi1>
      %get3A_1133 = arith.constant 80 : index
      %get3A_1134 = tpu.vector_load %arg16[%get3A_1133] {strides = array<i32>} : memref<320xf32, #tpu.memory_space<vmem>>, vector<16xf32>,
      %jit3A_1135 = arith.constant -1.000000e+00 : f32
      %broadcast_in_dim3A_1136 = vector.broadcast %jit3A_1135 : f32 to vector<16xf32>
      %select_n3A_1137 = arith.select %or3A_1132, %broadcast_in_dim3A_1136, %get3A_1134 : vector<16xi1>, vector<16xf32>
      %swap3A_1138 = arith.constant 80 : index
      %swap3A_1139 = tpu.vector_load %arg16[%swap3A_1138] {strides = array<i32>} : memref<320xf32, #tpu.memory_space<vmem>>, vector<16xf32>,
      tpu.vector_store %arg16[%swap3A_1138], %select_n3A_1137 {strides = array<i32>} : memref<320xf32, #tpu.memory_space<vmem>>, vector<16xf32>,
      %gt3A_1140 = arith.cmpf ogt, %select_n3A_1137, %select_n3A_921 : vector<16xf32>
      %eq3A_1141 = arith.cmpf oeq, %select_n3A_1137, %select_n3A_921 : vector<16xf32>
      %lt3A_1142 = arith.cmpi slt, %get3A_1122, %select_n3A_922 : vector<16xi32>
      %and3A_1143 = arith.andi %eq3A_1141, %lt3A_1142 : vector<16xi1>
      %or3A_1144 = arith.ori %gt3A_1140, %and3A_1143 : vector<16xi1>
      %select_n3A_1145 = arith.select %or3A_1144, %select_n3A_1137, %select_n3A_921 : vector<16xi1>, vector<16xf32>
      %select_n3A_1146 = arith.select %or3A_1144, %get3A_1122, %select_n3A_922 : vector<16xi1>, vector<16xi32>
      %get3A_1147 = arith.constant 96 : index
      %get3A_1148 = tpu.vector_load %arg11[%get3A_1147] {strides = array<i32>} : memref<320xf32, #tpu.memory_space<vmem>>, vector<16xf32>,
      %get3A_1149 = arith.constant 96 : index
      %get3A_1150 = tpu.vector_load %arg12[%get3A_1149] {strides = array<i32>} : memref<320xf32, #tpu.memory_space<vmem>>, vector<16xf32>,
      %get3A_1151 = arith.constant 96 : index
      %get3A_1152 = tpu.vector_load %arg13[%get3A_1151] {strides = array<i32>} : memref<320xf32, #tpu.memory_space<vmem>>, vector<16xf32>,
      %get3A_1153 = arith.constant 96 : index
      %get3A_1154 = tpu.vector_load %arg14[%get3A_1153] {strides = array<i32>} : memref<320xf32, #tpu.memory_space<vmem>>, vector<16xf32>,
      %max3A_1155 = arith.maximumf %scan3A_792, %get3A_1148 : vector<16xf32>
      %max3A_1156 = arith.maximumf %scan3A_793, %get3A_1150 : vector<16xf32>
      %min3A_1157 = arith.minimumf %scan3A_794, %get3A_1152 : vector<16xf32>
      %min3A_1158 = arith.minimumf %scan3A_795, %get3A_1154 : vector<16xf32>
      %sub3A_1159 = arith.subf %min3A_1157, %max3A_1155 : vector<16xf32>
      %max3A_1160 = arith.constant 0.000000e+00 : f32
      %max3A_1161 = vector.broadcast %max3A_1160 : f32 to vector<16xf32>
      %max3A_1162 = arith.maximumf %sub3A_1159, %max3A_1161 : vector<16xf32>
      %sub3A_1163 = arith.subf %min3A_1158, %max3A_1156 : vector<16xf32>
      %max3A_1164 = arith.constant 0.000000e+00 : f32
      %max3A_1165 = vector.broadcast %max3A_1164 : f32 to vector<16xf32>
      %max3A_1166 = arith.maximumf %sub3A_1163, %max3A_1165 : vector<16xf32>
      %mul3A_1167 = arith.mulf %max3A_1162, %max3A_1166 : vector<16xf32>
      %sub3A_1168 = arith.subf %get3A_1152, %get3A_1148 : vector<16xf32>
      %sub3A_1169 = arith.subf %get3A_1154, %get3A_1150 : vector<16xf32>
      %mul3A_1170 = arith.mulf %sub3A_1168, %sub3A_1169 : vector<16xf32>
      %add3A_1171 = arith.addf %scan3A_797, %mul3A_1170 : vector<16xf32>
      %sub3A_1172 = arith.subf %add3A_1171, %mul3A_1167 : vector<16xf32>
      %add3A_1173 = arith.constant 9.99999993E-9 : f32
      %add3A_1174 = vector.broadcast %add3A_1173 : f32 to vector<16xf32>
      %add3A_1175 = arith.addf %sub3A_1172, %add3A_1174 : vector<16xf32>
      %div3A_1176 = arith.divf %mul3A_1167, %add3A_1175 : vector<16xf32>
      %get3A_1177 = arith.constant 96 : index
      %get3A_1178 = tpu.vector_load %arg15[%get3A_1177] {strides = array<i32>} : memref<320xi32, #tpu.memory_space<vmem>>, vector<16xi32>,
      %shift_right_arithmetic3A_1179 = arith.constant 13 : i32
      %shift_right_arithmetic3A_1180 = vector.broadcast %shift_right_arithmetic3A_1179 : i32 to vector<16xi32>
      %shift_right_arithmetic3A_1181 = arith.shrsi %get3A_1178, %shift_right_arithmetic3A_1180 : vector<16xi32>
      %eq3A_1182 = arith.cmpi eq, %shift_right_arithmetic3A_1181, %scan3A_796 : vector<16xi32>
      %gt3A_1183 = arith.constant 3.000000e-01 : f32
      %gt3A_1184 = vector.broadcast %gt3A_1183 : f32 to vector<16xf32>
      %gt3A_1185 = arith.cmpf ogt, %div3A_1176, %gt3A_1184 : vector<16xf32>
      %and3A_1186 = arith.andi %eq3A_1182, %gt3A_1185 : vector<16xi1>
      %eq3A_1187 = arith.cmpi eq, %get3A_1178, %scan3A_798 : vector<16xi32>
      %or3A_1188 = arith.ori %and3A_1186, %eq3A_1187 : vector<16xi1>
      %get3A_1189 = arith.constant 96 : index
      %get3A_1190 = tpu.vector_load %arg16[%get3A_1189] {strides = array<i32>} : memref<320xf32, #tpu.memory_space<vmem>>, vector<16xf32>,
      %jit3A_1191 = arith.constant -1.000000e+00 : f32
      %broadcast_in_dim3A_1192 = vector.broadcast %jit3A_1191 : f32 to vector<16xf32>
      %select_n3A_1193 = arith.select %or3A_1188, %broadcast_in_dim3A_1192, %get3A_1190 : vector<16xi1>, vector<16xf32>
      %swap3A_1194 = arith.constant 96 : index
      %swap3A_1195 = tpu.vector_load %arg16[%swap3A_1194] {strides = array<i32>} : memref<320xf32, #tpu.memory_space<vmem>>, vector<16xf32>,
      tpu.vector_store %arg16[%swap3A_1194], %select_n3A_1193 {strides = array<i32>} : memref<320xf32, #tpu.memory_space<vmem>>, vector<16xf32>,
      %gt3A_1196 = arith.cmpf ogt, %select_n3A_1193, %select_n3A_977 : vector<16xf32>
      %eq3A_1197 = arith.cmpf oeq, %select_n3A_1193, %select_n3A_977 : vector<16xf32>
      %lt3A_1198 = arith.cmpi slt, %get3A_1178, %select_n3A_978 : vector<16xi32>
      %and3A_1199 = arith.andi %eq3A_1197, %lt3A_1198 : vector<16xi1>
      %or3A_1200 = arith.ori %gt3A_1196, %and3A_1199 : vector<16xi1>
      %select_n3A_1201 = arith.select %or3A_1200, %select_n3A_1193, %select_n3A_977 : vector<16xi1>, vector<16xf32>
      %select_n3A_1202 = arith.select %or3A_1200, %get3A_1178, %select_n3A_978 : vector<16xi1>, vector<16xi32>
      %get3A_1203 = arith.constant 112 : index
      %get3A_1204 = tpu.vector_load %arg11[%get3A_1203] {strides = array<i32>} : memref<320xf32, #tpu.memory_space<vmem>>, vector<16xf32>,
      %get3A_1205 = arith.constant 112 : index
      %get3A_1206 = tpu.vector_load %arg12[%get3A_1205] {strides = array<i32>} : memref<320xf32, #tpu.memory_space<vmem>>, vector<16xf32>,
      %get3A_1207 = arith.constant 112 : index
      %get3A_1208 = tpu.vector_load %arg13[%get3A_1207] {strides = array<i32>} : memref<320xf32, #tpu.memory_space<vmem>>, vector<16xf32>,
      %get3A_1209 = arith.constant 112 : index
      %get3A_1210 = tpu.vector_load %arg14[%get3A_1209] {strides = array<i32>} : memref<320xf32, #tpu.memory_space<vmem>>, vector<16xf32>,
      %max3A_1211 = arith.maximumf %scan3A_792, %get3A_1204 : vector<16xf32>
      %max3A_1212 = arith.maximumf %scan3A_793, %get3A_1206 : vector<16xf32>
      %min3A_1213 = arith.minimumf %scan3A_794, %get3A_1208 : vector<16xf32>
      %min3A_1214 = arith.minimumf %scan3A_795, %get3A_1210 : vector<16xf32>
      %sub3A_1215 = arith.subf %min3A_1213, %max3A_1211 : vector<16xf32>
      %max3A_1216 = arith.constant 0.000000e+00 : f32
      %max3A_1217 = vector.broadcast %max3A_1216 : f32 to vector<16xf32>
      %max3A_1218 = arith.maximumf %sub3A_1215, %max3A_1217 : vector<16xf32>
      %sub3A_1219 = arith.subf %min3A_1214, %max3A_1212 : vector<16xf32>
      %max3A_1220 = arith.constant 0.000000e+00 : f32
      %max3A_1221 = vector.broadcast %max3A_1220 : f32 to vector<16xf32>
      %max3A_1222 = arith.maximumf %sub3A_1219, %max3A_1221 : vector<16xf32>
      %mul3A_1223 = arith.mulf %max3A_1218, %max3A_1222 : vector<16xf32>
      %sub3A_1224 = arith.subf %get3A_1208, %get3A_1204 : vector<16xf32>
      %sub3A_1225 = arith.subf %get3A_1210, %get3A_1206 : vector<16xf32>
      %mul3A_1226 = arith.mulf %sub3A_1224, %sub3A_1225 : vector<16xf32>
      %add3A_1227 = arith.addf %scan3A_797, %mul3A_1226 : vector<16xf32>
      %sub3A_1228 = arith.subf %add3A_1227, %mul3A_1223 : vector<16xf32>
      %add3A_1229 = arith.constant 9.99999993E-9 : f32
      %add3A_1230 = vector.broadcast %add3A_1229 : f32 to vector<16xf32>
      %add3A_1231 = arith.addf %sub3A_1228, %add3A_1230 : vector<16xf32>
      %div3A_1232 = arith.divf %mul3A_1223, %add3A_1231 : vector<16xf32>
      %get3A_1233 = arith.constant 112 : index
      %get3A_1234 = tpu.vector_load %arg15[%get3A_1233] {strides = array<i32>} : memref<320xi32, #tpu.memory_space<vmem>>, vector<16xi32>,
      %shift_right_arithmetic3A_1235 = arith.constant 13 : i32
      %shift_right_arithmetic3A_1236 = vector.broadcast %shift_right_arithmetic3A_1235 : i32 to vector<16xi32>
      %shift_right_arithmetic3A_1237 = arith.shrsi %get3A_1234, %shift_right_arithmetic3A_1236 : vector<16xi32>
      %eq3A_1238 = arith.cmpi eq, %shift_right_arithmetic3A_1237, %scan3A_796 : vector<16xi32>
      %gt3A_1239 = arith.constant 3.000000e-01 : f32
      %gt3A_1240 = vector.broadcast %gt3A_1239 : f32 to vector<16xf32>
      %gt3A_1241 = arith.cmpf ogt, %div3A_1232, %gt3A_1240 : vector<16xf32>
      %and3A_1242 = arith.andi %eq3A_1238, %gt3A_1241 : vector<16xi1>
      %eq3A_1243 = arith.cmpi eq, %get3A_1234, %scan3A_798 : vector<16xi32>
      %or3A_1244 = arith.ori %and3A_1242, %eq3A_1243 : vector<16xi1>
      %get3A_1245 = arith.constant 112 : index
      %get3A_1246 = tpu.vector_load %arg16[%get3A_1245] {strides = array<i32>} : memref<320xf32, #tpu.memory_space<vmem>>, vector<16xf32>,
      %jit3A_1247 = arith.constant -1.000000e+00 : f32
      %broadcast_in_dim3A_1248 = vector.broadcast %jit3A_1247 : f32 to vector<16xf32>
      %select_n3A_1249 = arith.select %or3A_1244, %broadcast_in_dim3A_1248, %get3A_1246 : vector<16xi1>, vector<16xf32>
      %swap3A_1250 = arith.constant 112 : index
      %swap3A_1251 = tpu.vector_load %arg16[%swap3A_1250] {strides = array<i32>} : memref<320xf32, #tpu.memory_space<vmem>>, vector<16xf32>,
      tpu.vector_store %arg16[%swap3A_1250], %select_n3A_1249 {strides = array<i32>} : memref<320xf32, #tpu.memory_space<vmem>>, vector<16xf32>,
      %gt3A_1252 = arith.cmpf ogt, %select_n3A_1249, %select_n3A_1033 : vector<16xf32>
      %eq3A_1253 = arith.cmpf oeq, %select_n3A_1249, %select_n3A_1033 : vector<16xf32>
      %lt3A_1254 = arith.cmpi slt, %get3A_1234, %select_n3A_1034 : vector<16xi32>
      %and3A_1255 = arith.andi %eq3A_1253, %lt3A_1254 : vector<16xi1>
      %or3A_1256 = arith.ori %gt3A_1252, %and3A_1255 : vector<16xi1>
      %select_n3A_1257 = arith.select %or3A_1256, %select_n3A_1249, %select_n3A_1033 : vector<16xi1>, vector<16xf32>
      %select_n3A_1258 = arith.select %or3A_1256, %get3A_1234, %select_n3A_1034 : vector<16xi1>, vector<16xi32>
      %get3A_1259 = arith.constant 128 : index
      %get3A_1260 = tpu.vector_load %arg11[%get3A_1259] {strides = array<i32>} : memref<320xf32, #tpu.memory_space<vmem>>, vector<16xf32>,
      %get3A_1261 = arith.constant 128 : index
      %get3A_1262 = tpu.vector_load %arg12[%get3A_1261] {strides = array<i32>} : memref<320xf32, #tpu.memory_space<vmem>>, vector<16xf32>,
      %get3A_1263 = arith.constant 128 : index
      %get3A_1264 = tpu.vector_load %arg13[%get3A_1263] {strides = array<i32>} : memref<320xf32, #tpu.memory_space<vmem>>, vector<16xf32>,
      %get3A_1265 = arith.constant 128 : index
      %get3A_1266 = tpu.vector_load %arg14[%get3A_1265] {strides = array<i32>} : memref<320xf32, #tpu.memory_space<vmem>>, vector<16xf32>,
      %max3A_1267 = arith.maximumf %scan3A_792, %get3A_1260 : vector<16xf32>
      %max3A_1268 = arith.maximumf %scan3A_793, %get3A_1262 : vector<16xf32>
      %min3A_1269 = arith.minimumf %scan3A_794, %get3A_1264 : vector<16xf32>
      %min3A_1270 = arith.minimumf %scan3A_795, %get3A_1266 : vector<16xf32>
      %sub3A_1271 = arith.subf %min3A_1269, %max3A_1267 : vector<16xf32>
      %max3A_1272 = arith.constant 0.000000e+00 : f32
      %max3A_1273 = vector.broadcast %max3A_1272 : f32 to vector<16xf32>
      %max3A_1274 = arith.maximumf %sub3A_1271, %max3A_1273 : vector<16xf32>
      %sub3A_1275 = arith.subf %min3A_1270, %max3A_1268 : vector<16xf32>
      %max3A_1276 = arith.constant 0.000000e+00 : f32
      %max3A_1277 = vector.broadcast %max3A_1276 : f32 to vector<16xf32>
      %max3A_1278 = arith.maximumf %sub3A_1275, %max3A_1277 : vector<16xf32>
      %mul3A_1279 = arith.mulf %max3A_1274, %max3A_1278 : vector<16xf32>
      %sub3A_1280 = arith.subf %get3A_1264, %get3A_1260 : vector<16xf32>
      %sub3A_1281 = arith.subf %get3A_1266, %get3A_1262 : vector<16xf32>
      %mul3A_1282 = arith.mulf %sub3A_1280, %sub3A_1281 : vector<16xf32>
      %add3A_1283 = arith.addf %scan3A_797, %mul3A_1282 : vector<16xf32>
      %sub3A_1284 = arith.subf %add3A_1283, %mul3A_1279 : vector<16xf32>
      %add3A_1285 = arith.constant 9.99999993E-9 : f32
      %add3A_1286 = vector.broadcast %add3A_1285 : f32 to vector<16xf32>
      %add3A_1287 = arith.addf %sub3A_1284, %add3A_1286 : vector<16xf32>
      %div3A_1288 = arith.divf %mul3A_1279, %add3A_1287 : vector<16xf32>
      %get3A_1289 = arith.constant 128 : index
      %get3A_1290 = tpu.vector_load %arg15[%get3A_1289] {strides = array<i32>} : memref<320xi32, #tpu.memory_space<vmem>>, vector<16xi32>,
      %shift_right_arithmetic3A_1291 = arith.constant 13 : i32
      %shift_right_arithmetic3A_1292 = vector.broadcast %shift_right_arithmetic3A_1291 : i32 to vector<16xi32>
      %shift_right_arithmetic3A_1293 = arith.shrsi %get3A_1290, %shift_right_arithmetic3A_1292 : vector<16xi32>
      %eq3A_1294 = arith.cmpi eq, %shift_right_arithmetic3A_1293, %scan3A_796 : vector<16xi32>
      %gt3A_1295 = arith.constant 3.000000e-01 : f32
      %gt3A_1296 = vector.broadcast %gt3A_1295 : f32 to vector<16xf32>
      %gt3A_1297 = arith.cmpf ogt, %div3A_1288, %gt3A_1296 : vector<16xf32>
      %and3A_1298 = arith.andi %eq3A_1294, %gt3A_1297 : vector<16xi1>
      %eq3A_1299 = arith.cmpi eq, %get3A_1290, %scan3A_798 : vector<16xi32>
      %or3A_1300 = arith.ori %and3A_1298, %eq3A_1299 : vector<16xi1>
      %get3A_1301 = arith.constant 128 : index
      %get3A_1302 = tpu.vector_load %arg16[%get3A_1301] {strides = array<i32>} : memref<320xf32, #tpu.memory_space<vmem>>, vector<16xf32>,
      %jit3A_1303 = arith.constant -1.000000e+00 : f32
      %broadcast_in_dim3A_1304 = vector.broadcast %jit3A_1303 : f32 to vector<16xf32>
      %select_n3A_1305 = arith.select %or3A_1300, %broadcast_in_dim3A_1304, %get3A_1302 : vector<16xi1>, vector<16xf32>
      %swap3A_1306 = arith.constant 128 : index
      %swap3A_1307 = tpu.vector_load %arg16[%swap3A_1306] {strides = array<i32>} : memref<320xf32, #tpu.memory_space<vmem>>, vector<16xf32>,
      tpu.vector_store %arg16[%swap3A_1306], %select_n3A_1305 {strides = array<i32>} : memref<320xf32, #tpu.memory_space<vmem>>, vector<16xf32>,
      %gt3A_1308 = arith.cmpf ogt, %select_n3A_1305, %select_n3A_1089 : vector<16xf32>
      %eq3A_1309 = arith.cmpf oeq, %select_n3A_1305, %select_n3A_1089 : vector<16xf32>
      %lt3A_1310 = arith.cmpi slt, %get3A_1290, %select_n3A_1090 : vector<16xi32>
      %and3A_1311 = arith.andi %eq3A_1309, %lt3A_1310 : vector<16xi1>
      %or3A_1312 = arith.ori %gt3A_1308, %and3A_1311 : vector<16xi1>
      %select_n3A_1313 = arith.select %or3A_1312, %select_n3A_1305, %select_n3A_1089 : vector<16xi1>, vector<16xf32>
      %select_n3A_1314 = arith.select %or3A_1312, %get3A_1290, %select_n3A_1090 : vector<16xi1>, vector<16xi32>
      %get3A_1315 = arith.constant 144 : index
      %get3A_1316 = tpu.vector_load %arg11[%get3A_1315] {strides = array<i32>} : memref<320xf32, #tpu.memory_space<vmem>>, vector<16xf32>,
      %get3A_1317 = arith.constant 144 : index
      %get3A_1318 = tpu.vector_load %arg12[%get3A_1317] {strides = array<i32>} : memref<320xf32, #tpu.memory_space<vmem>>, vector<16xf32>,
      %get3A_1319 = arith.constant 144 : index
      %get3A_1320 = tpu.vector_load %arg13[%get3A_1319] {strides = array<i32>} : memref<320xf32, #tpu.memory_space<vmem>>, vector<16xf32>,
      %get3A_1321 = arith.constant 144 : index
      %get3A_1322 = tpu.vector_load %arg14[%get3A_1321] {strides = array<i32>} : memref<320xf32, #tpu.memory_space<vmem>>, vector<16xf32>,
      %max3A_1323 = arith.maximumf %scan3A_792, %get3A_1316 : vector<16xf32>
      %max3A_1324 = arith.maximumf %scan3A_793, %get3A_1318 : vector<16xf32>
      %min3A_1325 = arith.minimumf %scan3A_794, %get3A_1320 : vector<16xf32>
      %min3A_1326 = arith.minimumf %scan3A_795, %get3A_1322 : vector<16xf32>
      %sub3A_1327 = arith.subf %min3A_1325, %max3A_1323 : vector<16xf32>
      %max3A_1328 = arith.constant 0.000000e+00 : f32
      %max3A_1329 = vector.broadcast %max3A_1328 : f32 to vector<16xf32>
      %max3A_1330 = arith.maximumf %sub3A_1327, %max3A_1329 : vector<16xf32>
      %sub3A_1331 = arith.subf %min3A_1326, %max3A_1324 : vector<16xf32>
      %max3A_1332 = arith.constant 0.000000e+00 : f32
      %max3A_1333 = vector.broadcast %max3A_1332 : f32 to vector<16xf32>
      %max3A_1334 = arith.maximumf %sub3A_1331, %max3A_1333 : vector<16xf32>
      %mul3A_1335 = arith.mulf %max3A_1330, %max3A_1334 : vector<16xf32>
      %sub3A_1336 = arith.subf %get3A_1320, %get3A_1316 : vector<16xf32>
      %sub3A_1337 = arith.subf %get3A_1322, %get3A_1318 : vector<16xf32>
      %mul3A_1338 = arith.mulf %sub3A_1336, %sub3A_1337 : vector<16xf32>
      %add3A_1339 = arith.addf %scan3A_797, %mul3A_1338 : vector<16xf32>
      %sub3A_1340 = arith.subf %add3A_1339, %mul3A_1335 : vector<16xf32>
      %add3A_1341 = arith.constant 9.99999993E-9 : f32
      %add3A_1342 = vector.broadcast %add3A_1341 : f32 to vector<16xf32>
      %add3A_1343 = arith.addf %sub3A_1340, %add3A_1342 : vector<16xf32>
      %div3A_1344 = arith.divf %mul3A_1335, %add3A_1343 : vector<16xf32>
      %get3A_1345 = arith.constant 144 : index
      %get3A_1346 = tpu.vector_load %arg15[%get3A_1345] {strides = array<i32>} : memref<320xi32, #tpu.memory_space<vmem>>, vector<16xi32>,
      %shift_right_arithmetic3A_1347 = arith.constant 13 : i32
      %shift_right_arithmetic3A_1348 = vector.broadcast %shift_right_arithmetic3A_1347 : i32 to vector<16xi32>
      %shift_right_arithmetic3A_1349 = arith.shrsi %get3A_1346, %shift_right_arithmetic3A_1348 : vector<16xi32>
      %eq3A_1350 = arith.cmpi eq, %shift_right_arithmetic3A_1349, %scan3A_796 : vector<16xi32>
      %gt3A_1351 = arith.constant 3.000000e-01 : f32
      %gt3A_1352 = vector.broadcast %gt3A_1351 : f32 to vector<16xf32>
      %gt3A_1353 = arith.cmpf ogt, %div3A_1344, %gt3A_1352 : vector<16xf32>
      %and3A_1354 = arith.andi %eq3A_1350, %gt3A_1353 : vector<16xi1>
      %eq3A_1355 = arith.cmpi eq, %get3A_1346, %scan3A_798 : vector<16xi32>
      %or3A_1356 = arith.ori %and3A_1354, %eq3A_1355 : vector<16xi1>
      %get3A_1357 = arith.constant 144 : index
      %get3A_1358 = tpu.vector_load %arg16[%get3A_1357] {strides = array<i32>} : memref<320xf32, #tpu.memory_space<vmem>>, vector<16xf32>,
      %jit3A_1359 = arith.constant -1.000000e+00 : f32
      %broadcast_in_dim3A_1360 = vector.broadcast %jit3A_1359 : f32 to vector<16xf32>
      %select_n3A_1361 = arith.select %or3A_1356, %broadcast_in_dim3A_1360, %get3A_1358 : vector<16xi1>, vector<16xf32>
      %swap3A_1362 = arith.constant 144 : index
      %swap3A_1363 = tpu.vector_load %arg16[%swap3A_1362] {strides = array<i32>} : memref<320xf32, #tpu.memory_space<vmem>>, vector<16xf32>,
      tpu.vector_store %arg16[%swap3A_1362], %select_n3A_1361 {strides = array<i32>} : memref<320xf32, #tpu.memory_space<vmem>>, vector<16xf32>,
      %gt3A_1364 = arith.cmpf ogt, %select_n3A_1361, %select_n3A_1145 : vector<16xf32>
      %eq3A_1365 = arith.cmpf oeq, %select_n3A_1361, %select_n3A_1145 : vector<16xf32>
      %lt3A_1366 = arith.cmpi slt, %get3A_1346, %select_n3A_1146 : vector<16xi32>
      %and3A_1367 = arith.andi %eq3A_1365, %lt3A_1366 : vector<16xi1>
      %or3A_1368 = arith.ori %gt3A_1364, %and3A_1367 : vector<16xi1>
      %select_n3A_1369 = arith.select %or3A_1368, %select_n3A_1361, %select_n3A_1145 : vector<16xi1>, vector<16xf32>
      %select_n3A_1370 = arith.select %or3A_1368, %get3A_1346, %select_n3A_1146 : vector<16xi1>, vector<16xi32>
      %get3A_1371 = arith.constant 160 : index
      %get3A_1372 = tpu.vector_load %arg11[%get3A_1371] {strides = array<i32>} : memref<320xf32, #tpu.memory_space<vmem>>, vector<16xf32>,
      %get3A_1373 = arith.constant 160 : index
      %get3A_1374 = tpu.vector_load %arg12[%get3A_1373] {strides = array<i32>} : memref<320xf32, #tpu.memory_space<vmem>>, vector<16xf32>,
      %get3A_1375 = arith.constant 160 : index
      %get3A_1376 = tpu.vector_load %arg13[%get3A_1375] {strides = array<i32>} : memref<320xf32, #tpu.memory_space<vmem>>, vector<16xf32>,
      %get3A_1377 = arith.constant 160 : index
      %get3A_1378 = tpu.vector_load %arg14[%get3A_1377] {strides = array<i32>} : memref<320xf32, #tpu.memory_space<vmem>>, vector<16xf32>,
      %max3A_1379 = arith.maximumf %scan3A_792, %get3A_1372 : vector<16xf32>
      %max3A_1380 = arith.maximumf %scan3A_793, %get3A_1374 : vector<16xf32>
      %min3A_1381 = arith.minimumf %scan3A_794, %get3A_1376 : vector<16xf32>
      %min3A_1382 = arith.minimumf %scan3A_795, %get3A_1378 : vector<16xf32>
      %sub3A_1383 = arith.subf %min3A_1381, %max3A_1379 : vector<16xf32>
      %max3A_1384 = arith.constant 0.000000e+00 : f32
      %max3A_1385 = vector.broadcast %max3A_1384 : f32 to vector<16xf32>
      %max3A_1386 = arith.maximumf %sub3A_1383, %max3A_1385 : vector<16xf32>
      %sub3A_1387 = arith.subf %min3A_1382, %max3A_1380 : vector<16xf32>
      %max3A_1388 = arith.constant 0.000000e+00 : f32
      %max3A_1389 = vector.broadcast %max3A_1388 : f32 to vector<16xf32>
      %max3A_1390 = arith.maximumf %sub3A_1387, %max3A_1389 : vector<16xf32>
      %mul3A_1391 = arith.mulf %max3A_1386, %max3A_1390 : vector<16xf32>
      %sub3A_1392 = arith.subf %get3A_1376, %get3A_1372 : vector<16xf32>
      %sub3A_1393 = arith.subf %get3A_1378, %get3A_1374 : vector<16xf32>
      %mul3A_1394 = arith.mulf %sub3A_1392, %sub3A_1393 : vector<16xf32>
      %add3A_1395 = arith.addf %scan3A_797, %mul3A_1394 : vector<16xf32>
      %sub3A_1396 = arith.subf %add3A_1395, %mul3A_1391 : vector<16xf32>
      %add3A_1397 = arith.constant 9.99999993E-9 : f32
      %add3A_1398 = vector.broadcast %add3A_1397 : f32 to vector<16xf32>
      %add3A_1399 = arith.addf %sub3A_1396, %add3A_1398 : vector<16xf32>
      %div3A_1400 = arith.divf %mul3A_1391, %add3A_1399 : vector<16xf32>
      %get3A_1401 = arith.constant 160 : index
      %get3A_1402 = tpu.vector_load %arg15[%get3A_1401] {strides = array<i32>} : memref<320xi32, #tpu.memory_space<vmem>>, vector<16xi32>,
      %shift_right_arithmetic3A_1403 = arith.constant 13 : i32
      %shift_right_arithmetic3A_1404 = vector.broadcast %shift_right_arithmetic3A_1403 : i32 to vector<16xi32>
      %shift_right_arithmetic3A_1405 = arith.shrsi %get3A_1402, %shift_right_arithmetic3A_1404 : vector<16xi32>
      %eq3A_1406 = arith.cmpi eq, %shift_right_arithmetic3A_1405, %scan3A_796 : vector<16xi32>
      %gt3A_1407 = arith.constant 3.000000e-01 : f32
      %gt3A_1408 = vector.broadcast %gt3A_1407 : f32 to vector<16xf32>
      %gt3A_1409 = arith.cmpf ogt, %div3A_1400, %gt3A_1408 : vector<16xf32>
      %and3A_1410 = arith.andi %eq3A_1406, %gt3A_1409 : vector<16xi1>
      %eq3A_1411 = arith.cmpi eq, %get3A_1402, %scan3A_798 : vector<16xi32>
      %or3A_1412 = arith.ori %and3A_1410, %eq3A_1411 : vector<16xi1>
      %get3A_1413 = arith.constant 160 : index
      %get3A_1414 = tpu.vector_load %arg16[%get3A_1413] {strides = array<i32>} : memref<320xf32, #tpu.memory_space<vmem>>, vector<16xf32>,
      %jit3A_1415 = arith.constant -1.000000e+00 : f32
      %broadcast_in_dim3A_1416 = vector.broadcast %jit3A_1415 : f32 to vector<16xf32>
      %select_n3A_1417 = arith.select %or3A_1412, %broadcast_in_dim3A_1416, %get3A_1414 : vector<16xi1>, vector<16xf32>
      %swap3A_1418 = arith.constant 160 : index
      %swap3A_1419 = tpu.vector_load %arg16[%swap3A_1418] {strides = array<i32>} : memref<320xf32, #tpu.memory_space<vmem>>, vector<16xf32>,
      tpu.vector_store %arg16[%swap3A_1418], %select_n3A_1417 {strides = array<i32>} : memref<320xf32, #tpu.memory_space<vmem>>, vector<16xf32>,
      %gt3A_1420 = arith.cmpf ogt, %select_n3A_1417, %select_n3A_1201 : vector<16xf32>
      %eq3A_1421 = arith.cmpf oeq, %select_n3A_1417, %select_n3A_1201 : vector<16xf32>
      %lt3A_1422 = arith.cmpi slt, %get3A_1402, %select_n3A_1202 : vector<16xi32>
      %and3A_1423 = arith.andi %eq3A_1421, %lt3A_1422 : vector<16xi1>
      %or3A_1424 = arith.ori %gt3A_1420, %and3A_1423 : vector<16xi1>
      %select_n3A_1425 = arith.select %or3A_1424, %select_n3A_1417, %select_n3A_1201 : vector<16xi1>, vector<16xf32>
      %select_n3A_1426 = arith.select %or3A_1424, %get3A_1402, %select_n3A_1202 : vector<16xi1>, vector<16xi32>
      %get3A_1427 = arith.constant 176 : index
      %get3A_1428 = tpu.vector_load %arg11[%get3A_1427] {strides = array<i32>} : memref<320xf32, #tpu.memory_space<vmem>>, vector<16xf32>,
      %get3A_1429 = arith.constant 176 : index
      %get3A_1430 = tpu.vector_load %arg12[%get3A_1429] {strides = array<i32>} : memref<320xf32, #tpu.memory_space<vmem>>, vector<16xf32>,
      %get3A_1431 = arith.constant 176 : index
      %get3A_1432 = tpu.vector_load %arg13[%get3A_1431] {strides = array<i32>} : memref<320xf32, #tpu.memory_space<vmem>>, vector<16xf32>,
      %get3A_1433 = arith.constant 176 : index
      %get3A_1434 = tpu.vector_load %arg14[%get3A_1433] {strides = array<i32>} : memref<320xf32, #tpu.memory_space<vmem>>, vector<16xf32>,
      %max3A_1435 = arith.maximumf %scan3A_792, %get3A_1428 : vector<16xf32>
      %max3A_1436 = arith.maximumf %scan3A_793, %get3A_1430 : vector<16xf32>
      %min3A_1437 = arith.minimumf %scan3A_794, %get3A_1432 : vector<16xf32>
      %min3A_1438 = arith.minimumf %scan3A_795, %get3A_1434 : vector<16xf32>
      %sub3A_1439 = arith.subf %min3A_1437, %max3A_1435 : vector<16xf32>
      %max3A_1440 = arith.constant 0.000000e+00 : f32
      %max3A_1441 = vector.broadcast %max3A_1440 : f32 to vector<16xf32>
      %max3A_1442 = arith.maximumf %sub3A_1439, %max3A_1441 : vector<16xf32>
      %sub3A_1443 = arith.subf %min3A_1438, %max3A_1436 : vector<16xf32>
      %max3A_1444 = arith.constant 0.000000e+00 : f32
      %max3A_1445 = vector.broadcast %max3A_1444 : f32 to vector<16xf32>
      %max3A_1446 = arith.maximumf %sub3A_1443, %max3A_1445 : vector<16xf32>
      %mul3A_1447 = arith.mulf %max3A_1442, %max3A_1446 : vector<16xf32>
      %sub3A_1448 = arith.subf %get3A_1432, %get3A_1428 : vector<16xf32>
      %sub3A_1449 = arith.subf %get3A_1434, %get3A_1430 : vector<16xf32>
      %mul3A_1450 = arith.mulf %sub3A_1448, %sub3A_1449 : vector<16xf32>
      %add3A_1451 = arith.addf %scan3A_797, %mul3A_1450 : vector<16xf32>
      %sub3A_1452 = arith.subf %add3A_1451, %mul3A_1447 : vector<16xf32>
      %add3A_1453 = arith.constant 9.99999993E-9 : f32
      %add3A_1454 = vector.broadcast %add3A_1453 : f32 to vector<16xf32>
      %add3A_1455 = arith.addf %sub3A_1452, %add3A_1454 : vector<16xf32>
      %div3A_1456 = arith.divf %mul3A_1447, %add3A_1455 : vector<16xf32>
      %get3A_1457 = arith.constant 176 : index
      %get3A_1458 = tpu.vector_load %arg15[%get3A_1457] {strides = array<i32>} : memref<320xi32, #tpu.memory_space<vmem>>, vector<16xi32>,
      %shift_right_arithmetic3A_1459 = arith.constant 13 : i32
      %shift_right_arithmetic3A_1460 = vector.broadcast %shift_right_arithmetic3A_1459 : i32 to vector<16xi32>
      %shift_right_arithmetic3A_1461 = arith.shrsi %get3A_1458, %shift_right_arithmetic3A_1460 : vector<16xi32>
      %eq3A_1462 = arith.cmpi eq, %shift_right_arithmetic3A_1461, %scan3A_796 : vector<16xi32>
      %gt3A_1463 = arith.constant 3.000000e-01 : f32
      %gt3A_1464 = vector.broadcast %gt3A_1463 : f32 to vector<16xf32>
      %gt3A_1465 = arith.cmpf ogt, %div3A_1456, %gt3A_1464 : vector<16xf32>
      %and3A_1466 = arith.andi %eq3A_1462, %gt3A_1465 : vector<16xi1>
      %eq3A_1467 = arith.cmpi eq, %get3A_1458, %scan3A_798 : vector<16xi32>
      %or3A_1468 = arith.ori %and3A_1466, %eq3A_1467 : vector<16xi1>
      %get3A_1469 = arith.constant 176 : index
      %get3A_1470 = tpu.vector_load %arg16[%get3A_1469] {strides = array<i32>} : memref<320xf32, #tpu.memory_space<vmem>>, vector<16xf32>,
      %jit3A_1471 = arith.constant -1.000000e+00 : f32
      %broadcast_in_dim3A_1472 = vector.broadcast %jit3A_1471 : f32 to vector<16xf32>
      %select_n3A_1473 = arith.select %or3A_1468, %broadcast_in_dim3A_1472, %get3A_1470 : vector<16xi1>, vector<16xf32>
      %swap3A_1474 = arith.constant 176 : index
      %swap3A_1475 = tpu.vector_load %arg16[%swap3A_1474] {strides = array<i32>} : memref<320xf32, #tpu.memory_space<vmem>>, vector<16xf32>,
      tpu.vector_store %arg16[%swap3A_1474], %select_n3A_1473 {strides = array<i32>} : memref<320xf32, #tpu.memory_space<vmem>>, vector<16xf32>,
      %gt3A_1476 = arith.cmpf ogt, %select_n3A_1473, %select_n3A_1257 : vector<16xf32>
      %eq3A_1477 = arith.cmpf oeq, %select_n3A_1473, %select_n3A_1257 : vector<16xf32>
      %lt3A_1478 = arith.cmpi slt, %get3A_1458, %select_n3A_1258 : vector<16xi32>
      %and3A_1479 = arith.andi %eq3A_1477, %lt3A_1478 : vector<16xi1>
      %or3A_1480 = arith.ori %gt3A_1476, %and3A_1479 : vector<16xi1>
      %select_n3A_1481 = arith.select %or3A_1480, %select_n3A_1473, %select_n3A_1257 : vector<16xi1>, vector<16xf32>
      %select_n3A_1482 = arith.select %or3A_1480, %get3A_1458, %select_n3A_1258 : vector<16xi1>, vector<16xi32>
      %get3A_1483 = arith.constant 192 : index
      %get3A_1484 = tpu.vector_load %arg11[%get3A_1483] {strides = array<i32>} : memref<320xf32, #tpu.memory_space<vmem>>, vector<16xf32>,
      %get3A_1485 = arith.constant 192 : index
      %get3A_1486 = tpu.vector_load %arg12[%get3A_1485] {strides = array<i32>} : memref<320xf32, #tpu.memory_space<vmem>>, vector<16xf32>,
      %get3A_1487 = arith.constant 192 : index
      %get3A_1488 = tpu.vector_load %arg13[%get3A_1487] {strides = array<i32>} : memref<320xf32, #tpu.memory_space<vmem>>, vector<16xf32>,
      %get3A_1489 = arith.constant 192 : index
      %get3A_1490 = tpu.vector_load %arg14[%get3A_1489] {strides = array<i32>} : memref<320xf32, #tpu.memory_space<vmem>>, vector<16xf32>,
      %max3A_1491 = arith.maximumf %scan3A_792, %get3A_1484 : vector<16xf32>
      %max3A_1492 = arith.maximumf %scan3A_793, %get3A_1486 : vector<16xf32>
      %min3A_1493 = arith.minimumf %scan3A_794, %get3A_1488 : vector<16xf32>
      %min3A_1494 = arith.minimumf %scan3A_795, %get3A_1490 : vector<16xf32>
      %sub3A_1495 = arith.subf %min3A_1493, %max3A_1491 : vector<16xf32>
      %max3A_1496 = arith.constant 0.000000e+00 : f32
      %max3A_1497 = vector.broadcast %max3A_1496 : f32 to vector<16xf32>
      %max3A_1498 = arith.maximumf %sub3A_1495, %max3A_1497 : vector<16xf32>
      %sub3A_1499 = arith.subf %min3A_1494, %max3A_1492 : vector<16xf32>
      %max3A_1500 = arith.constant 0.000000e+00 : f32
      %max3A_1501 = vector.broadcast %max3A_1500 : f32 to vector<16xf32>
      %max3A_1502 = arith.maximumf %sub3A_1499, %max3A_1501 : vector<16xf32>
      %mul3A_1503 = arith.mulf %max3A_1498, %max3A_1502 : vector<16xf32>
      %sub3A_1504 = arith.subf %get3A_1488, %get3A_1484 : vector<16xf32>
      %sub3A_1505 = arith.subf %get3A_1490, %get3A_1486 : vector<16xf32>
      %mul3A_1506 = arith.mulf %sub3A_1504, %sub3A_1505 : vector<16xf32>
      %add3A_1507 = arith.addf %scan3A_797, %mul3A_1506 : vector<16xf32>
      %sub3A_1508 = arith.subf %add3A_1507, %mul3A_1503 : vector<16xf32>
      %add3A_1509 = arith.constant 9.99999993E-9 : f32
      %add3A_1510 = vector.broadcast %add3A_1509 : f32 to vector<16xf32>
      %add3A_1511 = arith.addf %sub3A_1508, %add3A_1510 : vector<16xf32>
      %div3A_1512 = arith.divf %mul3A_1503, %add3A_1511 : vector<16xf32>
      %get3A_1513 = arith.constant 192 : index
      %get3A_1514 = tpu.vector_load %arg15[%get3A_1513] {strides = array<i32>} : memref<320xi32, #tpu.memory_space<vmem>>, vector<16xi32>,
      %shift_right_arithmetic3A_1515 = arith.constant 13 : i32
      %shift_right_arithmetic3A_1516 = vector.broadcast %shift_right_arithmetic3A_1515 : i32 to vector<16xi32>
      %shift_right_arithmetic3A_1517 = arith.shrsi %get3A_1514, %shift_right_arithmetic3A_1516 : vector<16xi32>
      %eq3A_1518 = arith.cmpi eq, %shift_right_arithmetic3A_1517, %scan3A_796 : vector<16xi32>
      %gt3A_1519 = arith.constant 3.000000e-01 : f32
      %gt3A_1520 = vector.broadcast %gt3A_1519 : f32 to vector<16xf32>
      %gt3A_1521 = arith.cmpf ogt, %div3A_1512, %gt3A_1520 : vector<16xf32>
      %and3A_1522 = arith.andi %eq3A_1518, %gt3A_1521 : vector<16xi1>
      %eq3A_1523 = arith.cmpi eq, %get3A_1514, %scan3A_798 : vector<16xi32>
      %or3A_1524 = arith.ori %and3A_1522, %eq3A_1523 : vector<16xi1>
      %get3A_1525 = arith.constant 192 : index
      %get3A_1526 = tpu.vector_load %arg16[%get3A_1525] {strides = array<i32>} : memref<320xf32, #tpu.memory_space<vmem>>, vector<16xf32>,
      %jit3A_1527 = arith.constant -1.000000e+00 : f32
      %broadcast_in_dim3A_1528 = vector.broadcast %jit3A_1527 : f32 to vector<16xf32>
      %select_n3A_1529 = arith.select %or3A_1524, %broadcast_in_dim3A_1528, %get3A_1526 : vector<16xi1>, vector<16xf32>
      %swap3A_1530 = arith.constant 192 : index
      %swap3A_1531 = tpu.vector_load %arg16[%swap3A_1530] {strides = array<i32>} : memref<320xf32, #tpu.memory_space<vmem>>, vector<16xf32>,
      tpu.vector_store %arg16[%swap3A_1530], %select_n3A_1529 {strides = array<i32>} : memref<320xf32, #tpu.memory_space<vmem>>, vector<16xf32>,
      %gt3A_1532 = arith.cmpf ogt, %select_n3A_1529, %select_n3A_1313 : vector<16xf32>
      %eq3A_1533 = arith.cmpf oeq, %select_n3A_1529, %select_n3A_1313 : vector<16xf32>
      %lt3A_1534 = arith.cmpi slt, %get3A_1514, %select_n3A_1314 : vector<16xi32>
      %and3A_1535 = arith.andi %eq3A_1533, %lt3A_1534 : vector<16xi1>
      %or3A_1536 = arith.ori %gt3A_1532, %and3A_1535 : vector<16xi1>
      %select_n3A_1537 = arith.select %or3A_1536, %select_n3A_1529, %select_n3A_1313 : vector<16xi1>, vector<16xf32>
      %select_n3A_1538 = arith.select %or3A_1536, %get3A_1514, %select_n3A_1314 : vector<16xi1>, vector<16xi32>
      %get3A_1539 = arith.constant 208 : index
      %get3A_1540 = tpu.vector_load %arg11[%get3A_1539] {strides = array<i32>} : memref<320xf32, #tpu.memory_space<vmem>>, vector<16xf32>,
      %get3A_1541 = arith.constant 208 : index
      %get3A_1542 = tpu.vector_load %arg12[%get3A_1541] {strides = array<i32>} : memref<320xf32, #tpu.memory_space<vmem>>, vector<16xf32>,
      %get3A_1543 = arith.constant 208 : index
      %get3A_1544 = tpu.vector_load %arg13[%get3A_1543] {strides = array<i32>} : memref<320xf32, #tpu.memory_space<vmem>>, vector<16xf32>,
      %get3A_1545 = arith.constant 208 : index
      %get3A_1546 = tpu.vector_load %arg14[%get3A_1545] {strides = array<i32>} : memref<320xf32, #tpu.memory_space<vmem>>, vector<16xf32>,
      %max3A_1547 = arith.maximumf %scan3A_792, %get3A_1540 : vector<16xf32>
      %max3A_1548 = arith.maximumf %scan3A_793, %get3A_1542 : vector<16xf32>
      %min3A_1549 = arith.minimumf %scan3A_794, %get3A_1544 : vector<16xf32>
      %min3A_1550 = arith.minimumf %scan3A_795, %get3A_1546 : vector<16xf32>
      %sub3A_1551 = arith.subf %min3A_1549, %max3A_1547 : vector<16xf32>
      %max3A_1552 = arith.constant 0.000000e+00 : f32
      %max3A_1553 = vector.broadcast %max3A_1552 : f32 to vector<16xf32>
      %max3A_1554 = arith.maximumf %sub3A_1551, %max3A_1553 : vector<16xf32>
      %sub3A_1555 = arith.subf %min3A_1550, %max3A_1548 : vector<16xf32>
      %max3A_1556 = arith.constant 0.000000e+00 : f32
      %max3A_1557 = vector.broadcast %max3A_1556 : f32 to vector<16xf32>
      %max3A_1558 = arith.maximumf %sub3A_1555, %max3A_1557 : vector<16xf32>
      %mul3A_1559 = arith.mulf %max3A_1554, %max3A_1558 : vector<16xf32>
      %sub3A_1560 = arith.subf %get3A_1544, %get3A_1540 : vector<16xf32>
      %sub3A_1561 = arith.subf %get3A_1546, %get3A_1542 : vector<16xf32>
      %mul3A_1562 = arith.mulf %sub3A_1560, %sub3A_1561 : vector<16xf32>
      %add3A_1563 = arith.addf %scan3A_797, %mul3A_1562 : vector<16xf32>
      %sub3A_1564 = arith.subf %add3A_1563, %mul3A_1559 : vector<16xf32>
      %add3A_1565 = arith.constant 9.99999993E-9 : f32
      %add3A_1566 = vector.broadcast %add3A_1565 : f32 to vector<16xf32>
      %add3A_1567 = arith.addf %sub3A_1564, %add3A_1566 : vector<16xf32>
      %div3A_1568 = arith.divf %mul3A_1559, %add3A_1567 : vector<16xf32>
      %get3A_1569 = arith.constant 208 : index
      %get3A_1570 = tpu.vector_load %arg15[%get3A_1569] {strides = array<i32>} : memref<320xi32, #tpu.memory_space<vmem>>, vector<16xi32>,
      %shift_right_arithmetic3A_1571 = arith.constant 13 : i32
      %shift_right_arithmetic3A_1572 = vector.broadcast %shift_right_arithmetic3A_1571 : i32 to vector<16xi32>
      %shift_right_arithmetic3A_1573 = arith.shrsi %get3A_1570, %shift_right_arithmetic3A_1572 : vector<16xi32>
      %eq3A_1574 = arith.cmpi eq, %shift_right_arithmetic3A_1573, %scan3A_796 : vector<16xi32>
      %gt3A_1575 = arith.constant 3.000000e-01 : f32
      %gt3A_1576 = vector.broadcast %gt3A_1575 : f32 to vector<16xf32>
      %gt3A_1577 = arith.cmpf ogt, %div3A_1568, %gt3A_1576 : vector<16xf32>
      %and3A_1578 = arith.andi %eq3A_1574, %gt3A_1577 : vector<16xi1>
      %eq3A_1579 = arith.cmpi eq, %get3A_1570, %scan3A_798 : vector<16xi32>
      %or3A_1580 = arith.ori %and3A_1578, %eq3A_1579 : vector<16xi1>
      %get3A_1581 = arith.constant 208 : index
      %get3A_1582 = tpu.vector_load %arg16[%get3A_1581] {strides = array<i32>} : memref<320xf32, #tpu.memory_space<vmem>>, vector<16xf32>,
      %jit3A_1583 = arith.constant -1.000000e+00 : f32
      %broadcast_in_dim3A_1584 = vector.broadcast %jit3A_1583 : f32 to vector<16xf32>
      %select_n3A_1585 = arith.select %or3A_1580, %broadcast_in_dim3A_1584, %get3A_1582 : vector<16xi1>, vector<16xf32>
      %swap3A_1586 = arith.constant 208 : index
      %swap3A_1587 = tpu.vector_load %arg16[%swap3A_1586] {strides = array<i32>} : memref<320xf32, #tpu.memory_space<vmem>>, vector<16xf32>,
      tpu.vector_store %arg16[%swap3A_1586], %select_n3A_1585 {strides = array<i32>} : memref<320xf32, #tpu.memory_space<vmem>>, vector<16xf32>,
      %gt3A_1588 = arith.cmpf ogt, %select_n3A_1585, %select_n3A_1369 : vector<16xf32>
      %eq3A_1589 = arith.cmpf oeq, %select_n3A_1585, %select_n3A_1369 : vector<16xf32>
      %lt3A_1590 = arith.cmpi slt, %get3A_1570, %select_n3A_1370 : vector<16xi32>
      %and3A_1591 = arith.andi %eq3A_1589, %lt3A_1590 : vector<16xi1>
      %or3A_1592 = arith.ori %gt3A_1588, %and3A_1591 : vector<16xi1>
      %select_n3A_1593 = arith.select %or3A_1592, %select_n3A_1585, %select_n3A_1369 : vector<16xi1>, vector<16xf32>
      %select_n3A_1594 = arith.select %or3A_1592, %get3A_1570, %select_n3A_1370 : vector<16xi1>, vector<16xi32>
      %get3A_1595 = arith.constant 224 : index
      %get3A_1596 = tpu.vector_load %arg11[%get3A_1595] {strides = array<i32>} : memref<320xf32, #tpu.memory_space<vmem>>, vector<16xf32>,
      %get3A_1597 = arith.constant 224 : index
      %get3A_1598 = tpu.vector_load %arg12[%get3A_1597] {strides = array<i32>} : memref<320xf32, #tpu.memory_space<vmem>>, vector<16xf32>,
      %get3A_1599 = arith.constant 224 : index
      %get3A_1600 = tpu.vector_load %arg13[%get3A_1599] {strides = array<i32>} : memref<320xf32, #tpu.memory_space<vmem>>, vector<16xf32>,
      %get3A_1601 = arith.constant 224 : index
      %get3A_1602 = tpu.vector_load %arg14[%get3A_1601] {strides = array<i32>} : memref<320xf32, #tpu.memory_space<vmem>>, vector<16xf32>,
      %max3A_1603 = arith.maximumf %scan3A_792, %get3A_1596 : vector<16xf32>
      %max3A_1604 = arith.maximumf %scan3A_793, %get3A_1598 : vector<16xf32>
      %min3A_1605 = arith.minimumf %scan3A_794, %get3A_1600 : vector<16xf32>
      %min3A_1606 = arith.minimumf %scan3A_795, %get3A_1602 : vector<16xf32>
      %sub3A_1607 = arith.subf %min3A_1605, %max3A_1603 : vector<16xf32>
      %max3A_1608 = arith.constant 0.000000e+00 : f32
      %max3A_1609 = vector.broadcast %max3A_1608 : f32 to vector<16xf32>
      %max3A_1610 = arith.maximumf %sub3A_1607, %max3A_1609 : vector<16xf32>
      %sub3A_1611 = arith.subf %min3A_1606, %max3A_1604 : vector<16xf32>
      %max3A_1612 = arith.constant 0.000000e+00 : f32
      %max3A_1613 = vector.broadcast %max3A_1612 : f32 to vector<16xf32>
      %max3A_1614 = arith.maximumf %sub3A_1611, %max3A_1613 : vector<16xf32>
      %mul3A_1615 = arith.mulf %max3A_1610, %max3A_1614 : vector<16xf32>
      %sub3A_1616 = arith.subf %get3A_1600, %get3A_1596 : vector<16xf32>
      %sub3A_1617 = arith.subf %get3A_1602, %get3A_1598 : vector<16xf32>
      %mul3A_1618 = arith.mulf %sub3A_1616, %sub3A_1617 : vector<16xf32>
      %add3A_1619 = arith.addf %scan3A_797, %mul3A_1618 : vector<16xf32>
      %sub3A_1620 = arith.subf %add3A_1619, %mul3A_1615 : vector<16xf32>
      %add3A_1621 = arith.constant 9.99999993E-9 : f32
      %add3A_1622 = vector.broadcast %add3A_1621 : f32 to vector<16xf32>
      %add3A_1623 = arith.addf %sub3A_1620, %add3A_1622 : vector<16xf32>
      %div3A_1624 = arith.divf %mul3A_1615, %add3A_1623 : vector<16xf32>
      %get3A_1625 = arith.constant 224 : index
      %get3A_1626 = tpu.vector_load %arg15[%get3A_1625] {strides = array<i32>} : memref<320xi32, #tpu.memory_space<vmem>>, vector<16xi32>,
      %shift_right_arithmetic3A_1627 = arith.constant 13 : i32
      %shift_right_arithmetic3A_1628 = vector.broadcast %shift_right_arithmetic3A_1627 : i32 to vector<16xi32>
      %shift_right_arithmetic3A_1629 = arith.shrsi %get3A_1626, %shift_right_arithmetic3A_1628 : vector<16xi32>
      %eq3A_1630 = arith.cmpi eq, %shift_right_arithmetic3A_1629, %scan3A_796 : vector<16xi32>
      %gt3A_1631 = arith.constant 3.000000e-01 : f32
      %gt3A_1632 = vector.broadcast %gt3A_1631 : f32 to vector<16xf32>
      %gt3A_1633 = arith.cmpf ogt, %div3A_1624, %gt3A_1632 : vector<16xf32>
      %and3A_1634 = arith.andi %eq3A_1630, %gt3A_1633 : vector<16xi1>
      %eq3A_1635 = arith.cmpi eq, %get3A_1626, %scan3A_798 : vector<16xi32>
      %or3A_1636 = arith.ori %and3A_1634, %eq3A_1635 : vector<16xi1>
      %get3A_1637 = arith.constant 224 : index
      %get3A_1638 = tpu.vector_load %arg16[%get3A_1637] {strides = array<i32>} : memref<320xf32, #tpu.memory_space<vmem>>, vector<16xf32>,
      %jit3A_1639 = arith.constant -1.000000e+00 : f32
      %broadcast_in_dim3A_1640 = vector.broadcast %jit3A_1639 : f32 to vector<16xf32>
      %select_n3A_1641 = arith.select %or3A_1636, %broadcast_in_dim3A_1640, %get3A_1638 : vector<16xi1>, vector<16xf32>
      %swap3A_1642 = arith.constant 224 : index
      %swap3A_1643 = tpu.vector_load %arg16[%swap3A_1642] {strides = array<i32>} : memref<320xf32, #tpu.memory_space<vmem>>, vector<16xf32>,
      tpu.vector_store %arg16[%swap3A_1642], %select_n3A_1641 {strides = array<i32>} : memref<320xf32, #tpu.memory_space<vmem>>, vector<16xf32>,
      %gt3A_1644 = arith.cmpf ogt, %select_n3A_1641, %select_n3A_1425 : vector<16xf32>
      %eq3A_1645 = arith.cmpf oeq, %select_n3A_1641, %select_n3A_1425 : vector<16xf32>
      %lt3A_1646 = arith.cmpi slt, %get3A_1626, %select_n3A_1426 : vector<16xi32>
      %and3A_1647 = arith.andi %eq3A_1645, %lt3A_1646 : vector<16xi1>
      %or3A_1648 = arith.ori %gt3A_1644, %and3A_1647 : vector<16xi1>
      %select_n3A_1649 = arith.select %or3A_1648, %select_n3A_1641, %select_n3A_1425 : vector<16xi1>, vector<16xf32>
      %select_n3A_1650 = arith.select %or3A_1648, %get3A_1626, %select_n3A_1426 : vector<16xi1>, vector<16xi32>
      %get3A_1651 = arith.constant 240 : index
      %get3A_1652 = tpu.vector_load %arg11[%get3A_1651] {strides = array<i32>} : memref<320xf32, #tpu.memory_space<vmem>>, vector<16xf32>,
      %get3A_1653 = arith.constant 240 : index
      %get3A_1654 = tpu.vector_load %arg12[%get3A_1653] {strides = array<i32>} : memref<320xf32, #tpu.memory_space<vmem>>, vector<16xf32>,
      %get3A_1655 = arith.constant 240 : index
      %get3A_1656 = tpu.vector_load %arg13[%get3A_1655] {strides = array<i32>} : memref<320xf32, #tpu.memory_space<vmem>>, vector<16xf32>,
      %get3A_1657 = arith.constant 240 : index
      %get3A_1658 = tpu.vector_load %arg14[%get3A_1657] {strides = array<i32>} : memref<320xf32, #tpu.memory_space<vmem>>, vector<16xf32>,
      %max3A_1659 = arith.maximumf %scan3A_792, %get3A_1652 : vector<16xf32>
      %max3A_1660 = arith.maximumf %scan3A_793, %get3A_1654 : vector<16xf32>
      %min3A_1661 = arith.minimumf %scan3A_794, %get3A_1656 : vector<16xf32>
      %min3A_1662 = arith.minimumf %scan3A_795, %get3A_1658 : vector<16xf32>
      %sub3A_1663 = arith.subf %min3A_1661, %max3A_1659 : vector<16xf32>
      %max3A_1664 = arith.constant 0.000000e+00 : f32
      %max3A_1665 = vector.broadcast %max3A_1664 : f32 to vector<16xf32>
      %max3A_1666 = arith.maximumf %sub3A_1663, %max3A_1665 : vector<16xf32>
      %sub3A_1667 = arith.subf %min3A_1662, %max3A_1660 : vector<16xf32>
      %max3A_1668 = arith.constant 0.000000e+00 : f32
      %max3A_1669 = vector.broadcast %max3A_1668 : f32 to vector<16xf32>
      %max3A_1670 = arith.maximumf %sub3A_1667, %max3A_1669 : vector<16xf32>
      %mul3A_1671 = arith.mulf %max3A_1666, %max3A_1670 : vector<16xf32>
      %sub3A_1672 = arith.subf %get3A_1656, %get3A_1652 : vector<16xf32>
      %sub3A_1673 = arith.subf %get3A_1658, %get3A_1654 : vector<16xf32>
      %mul3A_1674 = arith.mulf %sub3A_1672, %sub3A_1673 : vector<16xf32>
      %add3A_1675 = arith.addf %scan3A_797, %mul3A_1674 : vector<16xf32>
      %sub3A_1676 = arith.subf %add3A_1675, %mul3A_1671 : vector<16xf32>
      %add3A_1677 = arith.constant 9.99999993E-9 : f32
      %add3A_1678 = vector.broadcast %add3A_1677 : f32 to vector<16xf32>
      %add3A_1679 = arith.addf %sub3A_1676, %add3A_1678 : vector<16xf32>
      %div3A_1680 = arith.divf %mul3A_1671, %add3A_1679 : vector<16xf32>
      %get3A_1681 = arith.constant 240 : index
      %get3A_1682 = tpu.vector_load %arg15[%get3A_1681] {strides = array<i32>} : memref<320xi32, #tpu.memory_space<vmem>>, vector<16xi32>,
      %shift_right_arithmetic3A_1683 = arith.constant 13 : i32
      %shift_right_arithmetic3A_1684 = vector.broadcast %shift_right_arithmetic3A_1683 : i32 to vector<16xi32>
      %shift_right_arithmetic3A_1685 = arith.shrsi %get3A_1682, %shift_right_arithmetic3A_1684 : vector<16xi32>
      %eq3A_1686 = arith.cmpi eq, %shift_right_arithmetic3A_1685, %scan3A_796 : vector<16xi32>
      %gt3A_1687 = arith.constant 3.000000e-01 : f32
      %gt3A_1688 = vector.broadcast %gt3A_1687 : f32 to vector<16xf32>
      %gt3A_1689 = arith.cmpf ogt, %div3A_1680, %gt3A_1688 : vector<16xf32>
      %and3A_1690 = arith.andi %eq3A_1686, %gt3A_1689 : vector<16xi1>
      %eq3A_1691 = arith.cmpi eq, %get3A_1682, %scan3A_798 : vector<16xi32>
      %or3A_1692 = arith.ori %and3A_1690, %eq3A_1691 : vector<16xi1>
      %get3A_1693 = arith.constant 240 : index
      %get3A_1694 = tpu.vector_load %arg16[%get3A_1693] {strides = array<i32>} : memref<320xf32, #tpu.memory_space<vmem>>, vector<16xf32>,
      %jit3A_1695 = arith.constant -1.000000e+00 : f32
      %broadcast_in_dim3A_1696 = vector.broadcast %jit3A_1695 : f32 to vector<16xf32>
      %select_n3A_1697 = arith.select %or3A_1692, %broadcast_in_dim3A_1696, %get3A_1694 : vector<16xi1>, vector<16xf32>
      %swap3A_1698 = arith.constant 240 : index
      %swap3A_1699 = tpu.vector_load %arg16[%swap3A_1698] {strides = array<i32>} : memref<320xf32, #tpu.memory_space<vmem>>, vector<16xf32>,
      tpu.vector_store %arg16[%swap3A_1698], %select_n3A_1697 {strides = array<i32>} : memref<320xf32, #tpu.memory_space<vmem>>, vector<16xf32>,
      %gt3A_1700 = arith.cmpf ogt, %select_n3A_1697, %select_n3A_1481 : vector<16xf32>
      %eq3A_1701 = arith.cmpf oeq, %select_n3A_1697, %select_n3A_1481 : vector<16xf32>
      %lt3A_1702 = arith.cmpi slt, %get3A_1682, %select_n3A_1482 : vector<16xi32>
      %and3A_1703 = arith.andi %eq3A_1701, %lt3A_1702 : vector<16xi1>
      %or3A_1704 = arith.ori %gt3A_1700, %and3A_1703 : vector<16xi1>
      %select_n3A_1705 = arith.select %or3A_1704, %select_n3A_1697, %select_n3A_1481 : vector<16xi1>, vector<16xf32>
      %select_n3A_1706 = arith.select %or3A_1704, %get3A_1682, %select_n3A_1482 : vector<16xi1>, vector<16xi32>
      %get3A_1707 = arith.constant 256 : index
      %get3A_1708 = tpu.vector_load %arg11[%get3A_1707] {strides = array<i32>} : memref<320xf32, #tpu.memory_space<vmem>>, vector<16xf32>,
      %get3A_1709 = arith.constant 256 : index
      %get3A_1710 = tpu.vector_load %arg12[%get3A_1709] {strides = array<i32>} : memref<320xf32, #tpu.memory_space<vmem>>, vector<16xf32>,
      %get3A_1711 = arith.constant 256 : index
      %get3A_1712 = tpu.vector_load %arg13[%get3A_1711] {strides = array<i32>} : memref<320xf32, #tpu.memory_space<vmem>>, vector<16xf32>,
      %get3A_1713 = arith.constant 256 : index
      %get3A_1714 = tpu.vector_load %arg14[%get3A_1713] {strides = array<i32>} : memref<320xf32, #tpu.memory_space<vmem>>, vector<16xf32>,
      %max3A_1715 = arith.maximumf %scan3A_792, %get3A_1708 : vector<16xf32>
      %max3A_1716 = arith.maximumf %scan3A_793, %get3A_1710 : vector<16xf32>
      %min3A_1717 = arith.minimumf %scan3A_794, %get3A_1712 : vector<16xf32>
      %min3A_1718 = arith.minimumf %scan3A_795, %get3A_1714 : vector<16xf32>
      %sub3A_1719 = arith.subf %min3A_1717, %max3A_1715 : vector<16xf32>
      %max3A_1720 = arith.constant 0.000000e+00 : f32
      %max3A_1721 = vector.broadcast %max3A_1720 : f32 to vector<16xf32>
      %max3A_1722 = arith.maximumf %sub3A_1719, %max3A_1721 : vector<16xf32>
      %sub3A_1723 = arith.subf %min3A_1718, %max3A_1716 : vector<16xf32>
      %max3A_1724 = arith.constant 0.000000e+00 : f32
      %max3A_1725 = vector.broadcast %max3A_1724 : f32 to vector<16xf32>
      %max3A_1726 = arith.maximumf %sub3A_1723, %max3A_1725 : vector<16xf32>
      %mul3A_1727 = arith.mulf %max3A_1722, %max3A_1726 : vector<16xf32>
      %sub3A_1728 = arith.subf %get3A_1712, %get3A_1708 : vector<16xf32>
      %sub3A_1729 = arith.subf %get3A_1714, %get3A_1710 : vector<16xf32>
      %mul3A_1730 = arith.mulf %sub3A_1728, %sub3A_1729 : vector<16xf32>
      %add3A_1731 = arith.addf %scan3A_797, %mul3A_1730 : vector<16xf32>
      %sub3A_1732 = arith.subf %add3A_1731, %mul3A_1727 : vector<16xf32>
      %add3A_1733 = arith.constant 9.99999993E-9 : f32
      %add3A_1734 = vector.broadcast %add3A_1733 : f32 to vector<16xf32>
      %add3A_1735 = arith.addf %sub3A_1732, %add3A_1734 : vector<16xf32>
      %div3A_1736 = arith.divf %mul3A_1727, %add3A_1735 : vector<16xf32>
      %get3A_1737 = arith.constant 256 : index
      %get3A_1738 = tpu.vector_load %arg15[%get3A_1737] {strides = array<i32>} : memref<320xi32, #tpu.memory_space<vmem>>, vector<16xi32>,
      %shift_right_arithmetic3A_1739 = arith.constant 13 : i32
      %shift_right_arithmetic3A_1740 = vector.broadcast %shift_right_arithmetic3A_1739 : i32 to vector<16xi32>
      %shift_right_arithmetic3A_1741 = arith.shrsi %get3A_1738, %shift_right_arithmetic3A_1740 : vector<16xi32>
      %eq3A_1742 = arith.cmpi eq, %shift_right_arithmetic3A_1741, %scan3A_796 : vector<16xi32>
      %gt3A_1743 = arith.constant 3.000000e-01 : f32
      %gt3A_1744 = vector.broadcast %gt3A_1743 : f32 to vector<16xf32>
      %gt3A_1745 = arith.cmpf ogt, %div3A_1736, %gt3A_1744 : vector<16xf32>
      %and3A_1746 = arith.andi %eq3A_1742, %gt3A_1745 : vector<16xi1>
      %eq3A_1747 = arith.cmpi eq, %get3A_1738, %scan3A_798 : vector<16xi32>
      %or3A_1748 = arith.ori %and3A_1746, %eq3A_1747 : vector<16xi1>
      %get3A_1749 = arith.constant 256 : index
      %get3A_1750 = tpu.vector_load %arg16[%get3A_1749] {strides = array<i32>} : memref<320xf32, #tpu.memory_space<vmem>>, vector<16xf32>,
      %jit3A_1751 = arith.constant -1.000000e+00 : f32
      %broadcast_in_dim3A_1752 = vector.broadcast %jit3A_1751 : f32 to vector<16xf32>
      %select_n3A_1753 = arith.select %or3A_1748, %broadcast_in_dim3A_1752, %get3A_1750 : vector<16xi1>, vector<16xf32>
      %swap3A_1754 = arith.constant 256 : index
      %swap3A_1755 = tpu.vector_load %arg16[%swap3A_1754] {strides = array<i32>} : memref<320xf32, #tpu.memory_space<vmem>>, vector<16xf32>,
      tpu.vector_store %arg16[%swap3A_1754], %select_n3A_1753 {strides = array<i32>} : memref<320xf32, #tpu.memory_space<vmem>>, vector<16xf32>,
      %gt3A_1756 = arith.cmpf ogt, %select_n3A_1753, %select_n3A_1537 : vector<16xf32>
      %eq3A_1757 = arith.cmpf oeq, %select_n3A_1753, %select_n3A_1537 : vector<16xf32>
      %lt3A_1758 = arith.cmpi slt, %get3A_1738, %select_n3A_1538 : vector<16xi32>
      %and3A_1759 = arith.andi %eq3A_1757, %lt3A_1758 : vector<16xi1>
      %or3A_1760 = arith.ori %gt3A_1756, %and3A_1759 : vector<16xi1>
      %select_n3A_1761 = arith.select %or3A_1760, %select_n3A_1753, %select_n3A_1537 : vector<16xi1>, vector<16xf32>
      %select_n3A_1762 = arith.select %or3A_1760, %get3A_1738, %select_n3A_1538 : vector<16xi1>, vector<16xi32>
      %get3A_1763 = arith.constant 272 : index
      %get3A_1764 = tpu.vector_load %arg11[%get3A_1763] {strides = array<i32>} : memref<320xf32, #tpu.memory_space<vmem>>, vector<16xf32>,
      %get3A_1765 = arith.constant 272 : index
      %get3A_1766 = tpu.vector_load %arg12[%get3A_1765] {strides = array<i32>} : memref<320xf32, #tpu.memory_space<vmem>>, vector<16xf32>,
      %get3A_1767 = arith.constant 272 : index
      %get3A_1768 = tpu.vector_load %arg13[%get3A_1767] {strides = array<i32>} : memref<320xf32, #tpu.memory_space<vmem>>, vector<16xf32>,
      %get3A_1769 = arith.constant 272 : index
      %get3A_1770 = tpu.vector_load %arg14[%get3A_1769] {strides = array<i32>} : memref<320xf32, #tpu.memory_space<vmem>>, vector<16xf32>,
      %max3A_1771 = arith.maximumf %scan3A_792, %get3A_1764 : vector<16xf32>
      %max3A_1772 = arith.maximumf %scan3A_793, %get3A_1766 : vector<16xf32>
      %min3A_1773 = arith.minimumf %scan3A_794, %get3A_1768 : vector<16xf32>
      %min3A_1774 = arith.minimumf %scan3A_795, %get3A_1770 : vector<16xf32>
      %sub3A_1775 = arith.subf %min3A_1773, %max3A_1771 : vector<16xf32>
      %max3A_1776 = arith.constant 0.000000e+00 : f32
      %max3A_1777 = vector.broadcast %max3A_1776 : f32 to vector<16xf32>
      %max3A_1778 = arith.maximumf %sub3A_1775, %max3A_1777 : vector<16xf32>
      %sub3A_1779 = arith.subf %min3A_1774, %max3A_1772 : vector<16xf32>
      %max3A_1780 = arith.constant 0.000000e+00 : f32
      %max3A_1781 = vector.broadcast %max3A_1780 : f32 to vector<16xf32>
      %max3A_1782 = arith.maximumf %sub3A_1779, %max3A_1781 : vector<16xf32>
      %mul3A_1783 = arith.mulf %max3A_1778, %max3A_1782 : vector<16xf32>
      %sub3A_1784 = arith.subf %get3A_1768, %get3A_1764 : vector<16xf32>
      %sub3A_1785 = arith.subf %get3A_1770, %get3A_1766 : vector<16xf32>
      %mul3A_1786 = arith.mulf %sub3A_1784, %sub3A_1785 : vector<16xf32>
      %add3A_1787 = arith.addf %scan3A_797, %mul3A_1786 : vector<16xf32>
      %sub3A_1788 = arith.subf %add3A_1787, %mul3A_1783 : vector<16xf32>
      %add3A_1789 = arith.constant 9.99999993E-9 : f32
      %add3A_1790 = vector.broadcast %add3A_1789 : f32 to vector<16xf32>
      %add3A_1791 = arith.addf %sub3A_1788, %add3A_1790 : vector<16xf32>
      %div3A_1792 = arith.divf %mul3A_1783, %add3A_1791 : vector<16xf32>
      %get3A_1793 = arith.constant 272 : index
      %get3A_1794 = tpu.vector_load %arg15[%get3A_1793] {strides = array<i32>} : memref<320xi32, #tpu.memory_space<vmem>>, vector<16xi32>,
      %shift_right_arithmetic3A_1795 = arith.constant 13 : i32
      %shift_right_arithmetic3A_1796 = vector.broadcast %shift_right_arithmetic3A_1795 : i32 to vector<16xi32>
      %shift_right_arithmetic3A_1797 = arith.shrsi %get3A_1794, %shift_right_arithmetic3A_1796 : vector<16xi32>
      %eq3A_1798 = arith.cmpi eq, %shift_right_arithmetic3A_1797, %scan3A_796 : vector<16xi32>
      %gt3A_1799 = arith.constant 3.000000e-01 : f32
      %gt3A_1800 = vector.broadcast %gt3A_1799 : f32 to vector<16xf32>
      %gt3A_1801 = arith.cmpf ogt, %div3A_1792, %gt3A_1800 : vector<16xf32>
      %and3A_1802 = arith.andi %eq3A_1798, %gt3A_1801 : vector<16xi1>
      %eq3A_1803 = arith.cmpi eq, %get3A_1794, %scan3A_798 : vector<16xi32>
      %or3A_1804 = arith.ori %and3A_1802, %eq3A_1803 : vector<16xi1>
      %get3A_1805 = arith.constant 272 : index
      %get3A_1806 = tpu.vector_load %arg16[%get3A_1805] {strides = array<i32>} : memref<320xf32, #tpu.memory_space<vmem>>, vector<16xf32>,
      %jit3A_1807 = arith.constant -1.000000e+00 : f32
      %broadcast_in_dim3A_1808 = vector.broadcast %jit3A_1807 : f32 to vector<16xf32>
      %select_n3A_1809 = arith.select %or3A_1804, %broadcast_in_dim3A_1808, %get3A_1806 : vector<16xi1>, vector<16xf32>
      %swap3A_1810 = arith.constant 272 : index
      %swap3A_1811 = tpu.vector_load %arg16[%swap3A_1810] {strides = array<i32>} : memref<320xf32, #tpu.memory_space<vmem>>, vector<16xf32>,
      tpu.vector_store %arg16[%swap3A_1810], %select_n3A_1809 {strides = array<i32>} : memref<320xf32, #tpu.memory_space<vmem>>, vector<16xf32>,
      %gt3A_1812 = arith.cmpf ogt, %select_n3A_1809, %select_n3A_1593 : vector<16xf32>
      %eq3A_1813 = arith.cmpf oeq, %select_n3A_1809, %select_n3A_1593 : vector<16xf32>
      %lt3A_1814 = arith.cmpi slt, %get3A_1794, %select_n3A_1594 : vector<16xi32>
      %and3A_1815 = arith.andi %eq3A_1813, %lt3A_1814 : vector<16xi1>
      %or3A_1816 = arith.ori %gt3A_1812, %and3A_1815 : vector<16xi1>
      %select_n3A_1817 = arith.select %or3A_1816, %select_n3A_1809, %select_n3A_1593 : vector<16xi1>, vector<16xf32>
      %select_n3A_1818 = arith.select %or3A_1816, %get3A_1794, %select_n3A_1594 : vector<16xi1>, vector<16xi32>
      %get3A_1819 = arith.constant 288 : index
      %get3A_1820 = tpu.vector_load %arg11[%get3A_1819] {strides = array<i32>} : memref<320xf32, #tpu.memory_space<vmem>>, vector<16xf32>,
      %get3A_1821 = arith.constant 288 : index
      %get3A_1822 = tpu.vector_load %arg12[%get3A_1821] {strides = array<i32>} : memref<320xf32, #tpu.memory_space<vmem>>, vector<16xf32>,
      %get3A_1823 = arith.constant 288 : index
      %get3A_1824 = tpu.vector_load %arg13[%get3A_1823] {strides = array<i32>} : memref<320xf32, #tpu.memory_space<vmem>>, vector<16xf32>,
      %get3A_1825 = arith.constant 288 : index
      %get3A_1826 = tpu.vector_load %arg14[%get3A_1825] {strides = array<i32>} : memref<320xf32, #tpu.memory_space<vmem>>, vector<16xf32>,
      %max3A_1827 = arith.maximumf %scan3A_792, %get3A_1820 : vector<16xf32>
      %max3A_1828 = arith.maximumf %scan3A_793, %get3A_1822 : vector<16xf32>
      %min3A_1829 = arith.minimumf %scan3A_794, %get3A_1824 : vector<16xf32>
      %min3A_1830 = arith.minimumf %scan3A_795, %get3A_1826 : vector<16xf32>
      %sub3A_1831 = arith.subf %min3A_1829, %max3A_1827 : vector<16xf32>
      %max3A_1832 = arith.constant 0.000000e+00 : f32
      %max3A_1833 = vector.broadcast %max3A_1832 : f32 to vector<16xf32>
      %max3A_1834 = arith.maximumf %sub3A_1831, %max3A_1833 : vector<16xf32>
      %sub3A_1835 = arith.subf %min3A_1830, %max3A_1828 : vector<16xf32>
      %max3A_1836 = arith.constant 0.000000e+00 : f32
      %max3A_1837 = vector.broadcast %max3A_1836 : f32 to vector<16xf32>
      %max3A_1838 = arith.maximumf %sub3A_1835, %max3A_1837 : vector<16xf32>
      %mul3A_1839 = arith.mulf %max3A_1834, %max3A_1838 : vector<16xf32>
      %sub3A_1840 = arith.subf %get3A_1824, %get3A_1820 : vector<16xf32>
      %sub3A_1841 = arith.subf %get3A_1826, %get3A_1822 : vector<16xf32>
      %mul3A_1842 = arith.mulf %sub3A_1840, %sub3A_1841 : vector<16xf32>
      %add3A_1843 = arith.addf %scan3A_797, %mul3A_1842 : vector<16xf32>
      %sub3A_1844 = arith.subf %add3A_1843, %mul3A_1839 : vector<16xf32>
      %add3A_1845 = arith.constant 9.99999993E-9 : f32
      %add3A_1846 = vector.broadcast %add3A_1845 : f32 to vector<16xf32>
      %add3A_1847 = arith.addf %sub3A_1844, %add3A_1846 : vector<16xf32>
      %div3A_1848 = arith.divf %mul3A_1839, %add3A_1847 : vector<16xf32>
      %get3A_1849 = arith.constant 288 : index
      %get3A_1850 = tpu.vector_load %arg15[%get3A_1849] {strides = array<i32>} : memref<320xi32, #tpu.memory_space<vmem>>, vector<16xi32>,
      %shift_right_arithmetic3A_1851 = arith.constant 13 : i32
      %shift_right_arithmetic3A_1852 = vector.broadcast %shift_right_arithmetic3A_1851 : i32 to vector<16xi32>
      %shift_right_arithmetic3A_1853 = arith.shrsi %get3A_1850, %shift_right_arithmetic3A_1852 : vector<16xi32>
      %eq3A_1854 = arith.cmpi eq, %shift_right_arithmetic3A_1853, %scan3A_796 : vector<16xi32>
      %gt3A_1855 = arith.constant 3.000000e-01 : f32
      %gt3A_1856 = vector.broadcast %gt3A_1855 : f32 to vector<16xf32>
      %gt3A_1857 = arith.cmpf ogt, %div3A_1848, %gt3A_1856 : vector<16xf32>
      %and3A_1858 = arith.andi %eq3A_1854, %gt3A_1857 : vector<16xi1>
      %eq3A_1859 = arith.cmpi eq, %get3A_1850, %scan3A_798 : vector<16xi32>
      %or3A_1860 = arith.ori %and3A_1858, %eq3A_1859 : vector<16xi1>
      %get3A_1861 = arith.constant 288 : index
      %get3A_1862 = tpu.vector_load %arg16[%get3A_1861] {strides = array<i32>} : memref<320xf32, #tpu.memory_space<vmem>>, vector<16xf32>,
      %jit3A_1863 = arith.constant -1.000000e+00 : f32
      %broadcast_in_dim3A_1864 = vector.broadcast %jit3A_1863 : f32 to vector<16xf32>
      %select_n3A_1865 = arith.select %or3A_1860, %broadcast_in_dim3A_1864, %get3A_1862 : vector<16xi1>, vector<16xf32>
      %swap3A_1866 = arith.constant 288 : index
      %swap3A_1867 = tpu.vector_load %arg16[%swap3A_1866] {strides = array<i32>} : memref<320xf32, #tpu.memory_space<vmem>>, vector<16xf32>,
      tpu.vector_store %arg16[%swap3A_1866], %select_n3A_1865 {strides = array<i32>} : memref<320xf32, #tpu.memory_space<vmem>>, vector<16xf32>,
      %gt3A_1868 = arith.cmpf ogt, %select_n3A_1865, %select_n3A_1649 : vector<16xf32>
      %eq3A_1869 = arith.cmpf oeq, %select_n3A_1865, %select_n3A_1649 : vector<16xf32>
      %lt3A_1870 = arith.cmpi slt, %get3A_1850, %select_n3A_1650 : vector<16xi32>
      %and3A_1871 = arith.andi %eq3A_1869, %lt3A_1870 : vector<16xi1>
      %or3A_1872 = arith.ori %gt3A_1868, %and3A_1871 : vector<16xi1>
      %select_n3A_1873 = arith.select %or3A_1872, %select_n3A_1865, %select_n3A_1649 : vector<16xi1>, vector<16xf32>
      %select_n3A_1874 = arith.select %or3A_1872, %get3A_1850, %select_n3A_1650 : vector<16xi1>, vector<16xi32>
      %get3A_1875 = arith.constant 304 : index
      %get3A_1876 = tpu.vector_load %arg11[%get3A_1875] {strides = array<i32>} : memref<320xf32, #tpu.memory_space<vmem>>, vector<16xf32>,
      %get3A_1877 = arith.constant 304 : index
      %get3A_1878 = tpu.vector_load %arg12[%get3A_1877] {strides = array<i32>} : memref<320xf32, #tpu.memory_space<vmem>>, vector<16xf32>,
      %get3A_1879 = arith.constant 304 : index
      %get3A_1880 = tpu.vector_load %arg13[%get3A_1879] {strides = array<i32>} : memref<320xf32, #tpu.memory_space<vmem>>, vector<16xf32>,
      %get3A_1881 = arith.constant 304 : index
      %get3A_1882 = tpu.vector_load %arg14[%get3A_1881] {strides = array<i32>} : memref<320xf32, #tpu.memory_space<vmem>>, vector<16xf32>,
      %max3A_1883 = arith.maximumf %scan3A_792, %get3A_1876 : vector<16xf32>
      %max3A_1884 = arith.maximumf %scan3A_793, %get3A_1878 : vector<16xf32>
      %min3A_1885 = arith.minimumf %scan3A_794, %get3A_1880 : vector<16xf32>
      %min3A_1886 = arith.minimumf %scan3A_795, %get3A_1882 : vector<16xf32>
      %sub3A_1887 = arith.subf %min3A_1885, %max3A_1883 : vector<16xf32>
      %max3A_1888 = arith.constant 0.000000e+00 : f32
      %max3A_1889 = vector.broadcast %max3A_1888 : f32 to vector<16xf32>
      %max3A_1890 = arith.maximumf %sub3A_1887, %max3A_1889 : vector<16xf32>
      %sub3A_1891 = arith.subf %min3A_1886, %max3A_1884 : vector<16xf32>
      %max3A_1892 = arith.constant 0.000000e+00 : f32
      %max3A_1893 = vector.broadcast %max3A_1892 : f32 to vector<16xf32>
      %max3A_1894 = arith.maximumf %sub3A_1891, %max3A_1893 : vector<16xf32>
      %mul3A_1895 = arith.mulf %max3A_1890, %max3A_1894 : vector<16xf32>
      %sub3A_1896 = arith.subf %get3A_1880, %get3A_1876 : vector<16xf32>
      %sub3A_1897 = arith.subf %get3A_1882, %get3A_1878 : vector<16xf32>
      %mul3A_1898 = arith.mulf %sub3A_1896, %sub3A_1897 : vector<16xf32>
      %add3A_1899 = arith.addf %scan3A_797, %mul3A_1898 : vector<16xf32>
      %sub3A_1900 = arith.subf %add3A_1899, %mul3A_1895 : vector<16xf32>
      %add3A_1901 = arith.constant 9.99999993E-9 : f32
      %add3A_1902 = vector.broadcast %add3A_1901 : f32 to vector<16xf32>
      %add3A_1903 = arith.addf %sub3A_1900, %add3A_1902 : vector<16xf32>
      %div3A_1904 = arith.divf %mul3A_1895, %add3A_1903 : vector<16xf32>
      %get3A_1905 = arith.constant 304 : index
      %get3A_1906 = tpu.vector_load %arg15[%get3A_1905] {strides = array<i32>} : memref<320xi32, #tpu.memory_space<vmem>>, vector<16xi32>,
      %shift_right_arithmetic3A_1907 = arith.constant 13 : i32
      %shift_right_arithmetic3A_1908 = vector.broadcast %shift_right_arithmetic3A_1907 : i32 to vector<16xi32>
      %shift_right_arithmetic3A_1909 = arith.shrsi %get3A_1906, %shift_right_arithmetic3A_1908 : vector<16xi32>
      %eq3A_1910 = arith.cmpi eq, %shift_right_arithmetic3A_1909, %scan3A_796 : vector<16xi32>
      %gt3A_1911 = arith.constant 3.000000e-01 : f32
      %gt3A_1912 = vector.broadcast %gt3A_1911 : f32 to vector<16xf32>
      %gt3A_1913 = arith.cmpf ogt, %div3A_1904, %gt3A_1912 : vector<16xf32>
      %and3A_1914 = arith.andi %eq3A_1910, %gt3A_1913 : vector<16xi1>
      %eq3A_1915 = arith.cmpi eq, %get3A_1906, %scan3A_798 : vector<16xi32>
      %or3A_1916 = arith.ori %and3A_1914, %eq3A_1915 : vector<16xi1>
      %get3A_1917 = arith.constant 304 : index
      %get3A_1918 = tpu.vector_load %arg16[%get3A_1917] {strides = array<i32>} : memref<320xf32, #tpu.memory_space<vmem>>, vector<16xf32>,
      %jit3A_1919 = arith.constant -1.000000e+00 : f32
      %broadcast_in_dim3A_1920 = vector.broadcast %jit3A_1919 : f32 to vector<16xf32>
      %select_n3A_1921 = arith.select %or3A_1916, %broadcast_in_dim3A_1920, %get3A_1918 : vector<16xi1>, vector<16xf32>
      %swap3A_1922 = arith.constant 304 : index
      %swap3A_1923 = tpu.vector_load %arg16[%swap3A_1922] {strides = array<i32>} : memref<320xf32, #tpu.memory_space<vmem>>, vector<16xf32>,
      tpu.vector_store %arg16[%swap3A_1922], %select_n3A_1921 {strides = array<i32>} : memref<320xf32, #tpu.memory_space<vmem>>, vector<16xf32>,
      %gt3A_1924 = arith.cmpf ogt, %select_n3A_1921, %select_n3A_1705 : vector<16xf32>
      %eq3A_1925 = arith.cmpf oeq, %select_n3A_1921, %select_n3A_1705 : vector<16xf32>
      %lt3A_1926 = arith.cmpi slt, %get3A_1906, %select_n3A_1706 : vector<16xi32>
      %and3A_1927 = arith.andi %eq3A_1925, %lt3A_1926 : vector<16xi1>
      %or3A_1928 = arith.ori %gt3A_1924, %and3A_1927 : vector<16xi1>
      %select_n3A_1929 = arith.select %or3A_1928, %select_n3A_1921, %select_n3A_1705 : vector<16xi1>, vector<16xf32>
      %select_n3A_1930 = arith.select %or3A_1928, %get3A_1906, %select_n3A_1706 : vector<16xi1>, vector<16xi32>
      %gt3A_1931 = arith.cmpf ogt, %select_n3A_1817, %select_n3A_1761 : vector<16xf32>
      %eq3A_1932 = arith.cmpf oeq, %select_n3A_1817, %select_n3A_1761 : vector<16xf32>
      %lt3A_1933 = arith.cmpi slt, %select_n3A_1818, %select_n3A_1762 : vector<16xi32>
      %and3A_1934 = arith.andi %eq3A_1932, %lt3A_1933 : vector<16xi1>
      %or3A_1935 = arith.ori %gt3A_1931, %and3A_1934 : vector<16xi1>
      %select_n3A_1936 = arith.select %or3A_1935, %select_n3A_1817, %select_n3A_1761 : vector<16xi1>, vector<16xf32>
      %select_n3A_1937 = arith.select %or3A_1935, %select_n3A_1818, %select_n3A_1762 : vector<16xi1>, vector<16xi32>
      %gt3A_1938 = arith.cmpf ogt, %select_n3A_1929, %select_n3A_1873 : vector<16xf32>
      %eq3A_1939 = arith.cmpf oeq, %select_n3A_1929, %select_n3A_1873 : vector<16xf32>
      %lt3A_1940 = arith.cmpi slt, %select_n3A_1930, %select_n3A_1874 : vector<16xi32>
      %and3A_1941 = arith.andi %eq3A_1939, %lt3A_1940 : vector<16xi1>
      %or3A_1942 = arith.ori %gt3A_1938, %and3A_1941 : vector<16xi1>
      %select_n3A_1943 = arith.select %or3A_1942, %select_n3A_1929, %select_n3A_1873 : vector<16xi1>, vector<16xf32>
      %select_n3A_1944 = arith.select %or3A_1942, %select_n3A_1930, %select_n3A_1874 : vector<16xi1>, vector<16xi32>
      %gt3A_1945 = arith.cmpf ogt, %select_n3A_1943, %select_n3A_1936 : vector<16xf32>
      %eq3A_1946 = arith.cmpf oeq, %select_n3A_1943, %select_n3A_1936 : vector<16xf32>
      %lt3A_1947 = arith.cmpi slt, %select_n3A_1944, %select_n3A_1937 : vector<16xi32>
      %and3A_1948 = arith.andi %eq3A_1946, %lt3A_1947 : vector<16xi1>
      %or3A_1949 = arith.ori %gt3A_1945, %and3A_1948 : vector<16xi1>
      %select_n3A_1950 = arith.select %or3A_1949, %select_n3A_1943, %select_n3A_1936 : vector<16xi1>, vector<16xf32>
      %select_n3A_1951 = arith.select %or3A_1949, %select_n3A_1944, %select_n3A_1937 : vector<16xi1>, vector<16xi32>
      %reduce_max3A = arith.constant true
      %reduce_max3A_1952 = vector.broadcast %reduce_max3A : i1 to vector<16xi1>
      %reduce_max3A_1953 = tpu.scan <max>, %select_n3A_1950 masked %reduce_max3A_1952 : vector<16xf32>, vector<16xi1> -> vector<16xf32>
      %reduce_max3A_1954 = vector.extract %reduce_max3A_1953[15] : f32 from vector<16xf32>
      %eq3A_1955 = vector.broadcast %reduce_max3A_1954 : f32 to vector<16xf32>
      %eq3A_1956 = arith.cmpf oeq, %select_n3A_1950, %eq3A_1955 : vector<16xf32>
      %jit3A_1957 = arith.constant 268435456 : i32
      %broadcast_in_dim3A_1958 = vector.broadcast %jit3A_1957 : i32 to vector<16xi32>
      %select_n3A_1959 = arith.select %eq3A_1956, %select_n3A_1951, %broadcast_in_dim3A_1958 : vector<16xi1>, vector<16xi32>
      %reduce_min3A = arith.constant true
      %reduce_min3A_1960 = vector.broadcast %reduce_min3A : i1 to vector<16xi1>
      %reduce_min3A_1961 = arith.constant -2147483648 : i32
      %reduce_min3A_1962 = vector.broadcast %reduce_min3A_1961 : i32 to vector<16xi32>
      %reduce_min3A_1963 = arith.xori %select_n3A_1959, %reduce_min3A_1962 : vector<16xi32>
      %reduce_min3A_1964 = tpu.scan <min>, %reduce_min3A_1963 masked %reduce_min3A_1960 : vector<16xi32>, vector<16xi1> -> vector<16xi32>
      %reduce_min3A_1965 = arith.xori %reduce_min3A_1964, %reduce_min3A_1962 : vector<16xi32>
      %reduce_min3A_1966 = vector.extract %reduce_min3A_1965[15] : i32 from vector<16xi32>
      %add3A_1967 = vector.broadcast %reduce_min3A_1966 : i32 to vector<16xi32>
      %add3A_1968 = arith.addi %broadcast_in_dim3A_5, %add3A_1967 : vector<16xi32>
      %and3A_1969 = arith.constant 8191 : i32
      %and3A_1970 = vector.broadcast %and3A_1969 : i32 to vector<16xi32>
      %and3A_1971 = arith.andi %add3A_1968, %and3A_1970 : vector<16xi32>
      %sub3A_1972 = vector.broadcast %mul3A_0 : i32 to vector<16xi32>
      %sub3A_1973 = arith.subi %and3A_1971, %sub3A_1972 : vector<16xi32>
      %eq3A_1974 = arith.constant 0 : i32
      %eq3A_1975 = vector.broadcast %eq3A_1974 : i32 to vector<16xi32>
      %eq3A_1976 = arith.cmpi eq, %iota3A, %eq3A_1975 : vector<16xi32>
      %add3A_1977 = vector.broadcast %reduce_max3A_1954 : f32 to vector<16xf32>
      %add3A_1978 = arith.addf %broadcast_in_dim3A_3, %add3A_1977 : vector<16xf32>
      %eq3A_1979 = arith.constant 1 : i32
      %eq3A_1980 = vector.broadcast %eq3A_1979 : i32 to vector<16xi32>
      %eq3A_1981 = arith.cmpi eq, %iota3A, %eq3A_1980 : vector<16xi32>
      %bitcast3A = vector.bitcast %add3A_1968 : vector<16xi32> to vector<16xf32>
      %eq3A_1982 = arith.constant 2 : i32
      %eq3A_1983 = vector.broadcast %eq3A_1982 : i32 to vector<16xi32>
      %eq3A_1984 = arith.cmpi eq, %iota3A, %eq3A_1983 : vector<16xi32>
      %gather3A = tpu.vector_load_idx %arg11[%sub3A_1973] : memref<320xf32, #tpu.memory_space<vmem>>[vector<16xi32>], vector<16xf32>,
      %eq3A_1985 = arith.constant 3 : i32
      %eq3A_1986 = vector.broadcast %eq3A_1985 : i32 to vector<16xi32>
      %eq3A_1987 = arith.cmpi eq, %iota3A, %eq3A_1986 : vector<16xi32>
      %gather3A_1988 = tpu.vector_load_idx %arg12[%sub3A_1973] : memref<320xf32, #tpu.memory_space<vmem>>[vector<16xi32>], vector<16xf32>,
      %eq3A_1989 = arith.constant 4 : i32
      %eq3A_1990 = vector.broadcast %eq3A_1989 : i32 to vector<16xi32>
      %eq3A_1991 = arith.cmpi eq, %iota3A, %eq3A_1990 : vector<16xi32>
      %gather3A_1992 = tpu.vector_load_idx %arg13[%sub3A_1973] : memref<320xf32, #tpu.memory_space<vmem>>[vector<16xi32>], vector<16xf32>,
      %gather3A_1993 = tpu.vector_load_idx %arg14[%sub3A_1973] : memref<320xf32, #tpu.memory_space<vmem>>[vector<16xi32>], vector<16xf32>,
      %select_n3A_1994 = arith.select %eq3A_1991, %gather3A_1992, %gather3A_1993 : vector<16xi1>, vector<16xf32>
      %select_n3A_1995 = arith.select %eq3A_1987, %gather3A_1988, %select_n3A_1994 : vector<16xi1>, vector<16xf32>
      %select_n3A_1996 = arith.select %eq3A_1984, %gather3A, %select_n3A_1995 : vector<16xi1>, vector<16xf32>
      %select_n3A_1997 = arith.select %eq3A_1981, %bitcast3A, %select_n3A_1996 : vector<16xi1>, vector<16xf32>
      %select_n3A_1998 = arith.select %eq3A_1976, %add3A_1978, %select_n3A_1997 : vector<16xi1>, vector<16xf32>
      %swap3A_1999 = arith.constant 0 : index
      %swap3A_2000 = tpu.vector_load %arg20[%swap3A_1999] {strides = array<i32>} : memref<16xf32, #tpu.memory_space<vmem>>, vector<16xf32>,
      tpu.vector_store %arg20[%swap3A_1999], %select_n3A_1998 {strides = array<i32>} : memref<16xf32, #tpu.memory_space<vmem>>, vector<16xf32>,
      %and3A_2001 = arith.constant 1 : i32
      %and3A_2002 = arith.andi %scan3A_791, %and3A_2001 : i32
      %mul3A_2003 = arith.constant 16 : i32
      %mul3A_2004 = arith.muli %arg1, %mul3A_2003 : i32
      "tpu.region"() ({
        %run_scoped3A = tpu.sem_alloc : memref<!tpu.dma_semaphore, #tpu.memory_space<semaphore_mem>>
        %dma_start3A_2187 = tpu.memref_slice %arg22[%and3A_2002, %mul3A_2004] : memref<2x256xf32, #tpu.memory_space<vmem_shared>> -> memref<1x16xf32, #tpu.memory_space<vmem_shared>>
        %dma_start3A_2188 = tpu.memref_squeeze %dma_start3A_2187 : memref<1x16xf32, #tpu.memory_space<vmem_shared>> -> memref<16xf32, #tpu.memory_space<vmem_shared>>
        %dma_start3A_2189 = tpu.memref_slice %arg22[%and3A_2002, %mul3A_2004] : memref<2x256xf32, #tpu.memory_space<vmem_shared>> -> memref<1x16xf32, #tpu.memory_space<vmem_shared>>
        %dma_start3A_2190 = tpu.memref_squeeze %dma_start3A_2189 : memref<1x16xf32, #tpu.memory_space<vmem_shared>> -> memref<16xf32, #tpu.memory_space<vmem_shared>>
        tpu.enqueue_dma source(%arg20 : memref<16xf32, #tpu.memory_space<vmem>>) target(%dma_start3A_2190 : memref<16xf32, #tpu.memory_space<vmem_shared>>) target_semaphore(%run_scoped3A : memref<!tpu.dma_semaphore, #tpu.memory_space<semaphore_mem>>)
        %dma_wait3A_2191 = tpu.memref_slice %arg22[%and3A_2002, %mul3A_2004] : memref<2x256xf32, #tpu.memory_space<vmem_shared>> -> memref<1x16xf32, #tpu.memory_space<vmem_shared>>
        %dma_wait3A_2192 = tpu.memref_squeeze %dma_wait3A_2191 : memref<1x16xf32, #tpu.memory_space<vmem_shared>> -> memref<16xf32, #tpu.memory_space<vmem_shared>>
        %dma_wait3A_2193 = tpu.memref_slice %arg22[%and3A_2002, %mul3A_2004] : memref<2x256xf32, #tpu.memory_space<vmem_shared>> -> memref<1x16xf32, #tpu.memory_space<vmem_shared>>
        %dma_wait3A_2194 = tpu.memref_squeeze %dma_wait3A_2193 : memref<1x16xf32, #tpu.memory_space<vmem_shared>> -> memref<16xf32, #tpu.memory_space<vmem_shared>>
        tpu.wait_dma2 semaphore(%run_scoped3A : memref<!tpu.dma_semaphore, #tpu.memory_space<semaphore_mem>>) src(%arg20 : memref<16xf32, #tpu.memory_space<vmem>>) dst(%dma_wait3A_2194 : memref<16xf32, #tpu.memory_space<vmem_shared>>)
        tpu.yield
      }) : () -> ()
      %barrier3A = arith.constant 0 : index
      tpu.barrier barrier_id(%barrier3A)
      "tpu.region"() ({
        %run_scoped3A = tpu.sem_alloc : memref<!tpu.dma_semaphore, #tpu.memory_space<semaphore_mem>>
        %dma_start3A_2187 = arith.constant 0 : i32
        %dma_start3A_2188 = tpu.memref_slice %arg22[%and3A_2002, %dma_start3A_2187] : memref<2x256xf32, #tpu.memory_space<vmem_shared>> -> memref<1x256xf32, #tpu.memory_space<vmem_shared>>
        %dma_start3A_2189 = tpu.memref_squeeze %dma_start3A_2188 : memref<1x256xf32, #tpu.memory_space<vmem_shared>> -> memref<256xf32, #tpu.memory_space<vmem_shared>>
        %dma_start3A_2190 = arith.constant 0 : i32
        %dma_start3A_2191 = tpu.memref_slice %arg22[%and3A_2002, %dma_start3A_2190] : memref<2x256xf32, #tpu.memory_space<vmem_shared>> -> memref<1x256xf32, #tpu.memory_space<vmem_shared>>
        %dma_start3A_2192 = tpu.memref_squeeze %dma_start3A_2191 : memref<1x256xf32, #tpu.memory_space<vmem_shared>> -> memref<256xf32, #tpu.memory_space<vmem_shared>>
        tpu.enqueue_dma source(%dma_start3A_2192 : memref<256xf32, #tpu.memory_space<vmem_shared>>) target(%arg21 : memref<256xf32, #tpu.memory_space<vmem>>) target_semaphore(%run_scoped3A : memref<!tpu.dma_semaphore, #tpu.memory_space<semaphore_mem>>)
        %dma_wait3A_2193 = arith.constant 0 : i32
        %dma_wait3A_2194 = tpu.memref_slice %arg22[%and3A_2002, %dma_wait3A_2193] : memref<2x256xf32, #tpu.memory_space<vmem_shared>> -> memref<1x256xf32, #tpu.memory_space<vmem_shared>>
        %dma_wait3A_2195 = tpu.memref_squeeze %dma_wait3A_2194 : memref<1x256xf32, #tpu.memory_space<vmem_shared>> -> memref<256xf32, #tpu.memory_space<vmem_shared>>
        %dma_wait3A_2196 = arith.constant 0 : i32
        %dma_wait3A_2197 = tpu.memref_slice %arg22[%and3A_2002, %dma_wait3A_2196] : memref<2x256xf32, #tpu.memory_space<vmem_shared>> -> memref<1x256xf32, #tpu.memory_space<vmem_shared>>
        %dma_wait3A_2198 = tpu.memref_squeeze %dma_wait3A_2197 : memref<1x256xf32, #tpu.memory_space<vmem_shared>> -> memref<256xf32, #tpu.memory_space<vmem_shared>>
        tpu.wait_dma2 semaphore(%run_scoped3A : memref<!tpu.dma_semaphore, #tpu.memory_space<semaphore_mem>>) src(%dma_wait3A_2198 : memref<256xf32, #tpu.memory_space<vmem_shared>>) dst(%arg21 : memref<256xf32, #tpu.memory_space<vmem>>)
        tpu.yield
      }) : () -> ()
      %mul3A_2005 = arith.constant 16 : i32
      %mul3A_2006 = vector.broadcast %mul3A_2005 : i32 to vector<16xi32>
      %mul3A_2007 = arith.muli %iota3A, %mul3A_2006 : vector<16xi32>
      %gather3A_2008 = tpu.vector_load_idx %arg21[%mul3A_2007] : memref<256xf32, #tpu.memory_space<vmem>>[vector<16xi32>], vector<16xf32>,
      %mul3A_2009 = arith.constant 16 : i32
      %mul3A_2010 = vector.broadcast %mul3A_2009 : i32 to vector<16xi32>
      %mul3A_2011 = arith.muli %iota3A, %mul3A_2010 : vector<16xi32>
      %add3A_2012 = arith.constant 1 : i32
      %add3A_2013 = vector.broadcast %add3A_2012 : i32 to vector<16xi32>
      %add3A_2014 = arith.addi %mul3A_2011, %add3A_2013 : vector<16xi32>
      %gather3A_2015 = tpu.vector_load_idx %arg21[%add3A_2014] : memref<256xf32, #tpu.memory_space<vmem>>[vector<16xi32>], vector<16xf32>,
      %bitcast3A_2016 = vector.bitcast %gather3A_2015 : vector<16xf32> to vector<16xi32>
      %reduce_max3A_2017 = arith.constant true
      %reduce_max3A_2018 = vector.broadcast %reduce_max3A_2017 : i1 to vector<16xi1>
      %reduce_max3A_2019 = tpu.scan <max>, %gather3A_2008 masked %reduce_max3A_2018 : vector<16xf32>, vector<16xi1> -> vector<16xf32>
      %reduce_max3A_2020 = vector.extract %reduce_max3A_2019[15] : f32 from vector<16xf32>
      %eq3A_2021 = vector.broadcast %reduce_max3A_2020 : f32 to vector<16xf32>
      %eq3A_2022 = arith.cmpf oeq, %gather3A_2008, %eq3A_2021 : vector<16xf32>
      %jit3A_2023 = arith.constant 268435456 : i32
      %broadcast_in_dim3A_2024 = vector.broadcast %jit3A_2023 : i32 to vector<16xi32>
      %select_n3A_2025 = arith.select %eq3A_2022, %bitcast3A_2016, %broadcast_in_dim3A_2024 : vector<16xi1>, vector<16xi32>
      %reduce_min3A_2026 = arith.constant true
      %reduce_min3A_2027 = vector.broadcast %reduce_min3A_2026 : i1 to vector<16xi1>
      %reduce_min3A_2028 = arith.constant -2147483648 : i32
      %reduce_min3A_2029 = vector.broadcast %reduce_min3A_2028 : i32 to vector<16xi32>
      %reduce_min3A_2030 = arith.xori %select_n3A_2025, %reduce_min3A_2029 : vector<16xi32>
      %reduce_min3A_2031 = tpu.scan <min>, %reduce_min3A_2030 masked %reduce_min3A_2027 : vector<16xi32>, vector<16xi1> -> vector<16xi32>
      %reduce_min3A_2032 = arith.xori %reduce_min3A_2031, %reduce_min3A_2029 : vector<16xi32>
      %reduce_min3A_2033 = vector.extract %reduce_min3A_2032[15] : i32 from vector<16xi32>
      %add3A_2034 = vector.broadcast %reduce_min3A_2033 : i32 to vector<16xi32>
      %add3A_2035 = arith.addi %broadcast_in_dim3A_5, %add3A_2034 : vector<16xi32>
      %eq3A_2036 = arith.cmpi eq, %bitcast3A_2016, %add3A_2035 : vector<16xi32>
      %all_reduce_ffs3A = tpu.all_reduce %eq3A_2036 {dim = 0 : i64, kind = #tpu.reduction_kind<find_first_set>} : vector<16xi1> -> vector<16xi32>
      %add3A_2037 = arith.addi %broadcast_in_dim3A_5, %all_reduce_ffs3A : vector<16xi32>
      %mul3A_2038 = arith.constant 16 : i32
      %mul3A_2039 = vector.broadcast %mul3A_2038 : i32 to vector<16xi32>
      %mul3A_2040 = arith.muli %add3A_2037, %mul3A_2039 : vector<16xi32>
      %add3A_2041 = arith.constant 2 : i32
      %add3A_2042 = vector.broadcast %add3A_2041 : i32 to vector<16xi32>
      %add3A_2043 = arith.addi %mul3A_2040, %add3A_2042 : vector<16xi32>
      %gather3A_2044 = tpu.vector_load_idx %arg21[%add3A_2043] : memref<256xf32, #tpu.memory_space<vmem>>[vector<16xi32>], vector<16xf32>,
      %mul3A_2045 = arith.constant 16 : i32
      %mul3A_2046 = vector.broadcast %mul3A_2045 : i32 to vector<16xi32>
      %mul3A_2047 = arith.muli %add3A_2037, %mul3A_2046 : vector<16xi32>
      %add3A_2048 = arith.constant 3 : i32
      %add3A_2049 = vector.broadcast %add3A_2048 : i32 to vector<16xi32>
      %add3A_2050 = arith.addi %mul3A_2047, %add3A_2049 : vector<16xi32>
      %gather3A_2051 = tpu.vector_load_idx %arg21[%add3A_2050] : memref<256xf32, #tpu.memory_space<vmem>>[vector<16xi32>], vector<16xf32>,
      %mul3A_2052 = arith.constant 16 : i32
      %mul3A_2053 = vector.broadcast %mul3A_2052 : i32 to vector<16xi32>
      %mul3A_2054 = arith.muli %add3A_2037, %mul3A_2053 : vector<16xi32>
      %add3A_2055 = arith.constant 4 : i32
      %add3A_2056 = vector.broadcast %add3A_2055 : i32 to vector<16xi32>
      %add3A_2057 = arith.addi %mul3A_2054, %add3A_2056 : vector<16xi32>
      %gather3A_2058 = tpu.vector_load_idx %arg21[%add3A_2057] : memref<256xf32, #tpu.memory_space<vmem>>[vector<16xi32>], vector<16xf32>,
      %mul3A_2059 = arith.constant 16 : i32
      %mul3A_2060 = vector.broadcast %mul3A_2059 : i32 to vector<16xi32>
      %mul3A_2061 = arith.muli %add3A_2037, %mul3A_2060 : vector<16xi32>
      %add3A_2062 = arith.constant 5 : i32
      %add3A_2063 = vector.broadcast %add3A_2062 : i32 to vector<16xi32>
      %add3A_2064 = arith.addi %mul3A_2061, %add3A_2063 : vector<16xi32>
      %gather3A_2065 = tpu.vector_load_idx %arg21[%add3A_2064] : memref<256xf32, #tpu.memory_space<vmem>>[vector<16xi32>], vector<16xf32>,
      %shift_right_arithmetic3A_2066 = arith.constant 13 : i32
      %shift_right_arithmetic3A_2067 = vector.broadcast %shift_right_arithmetic3A_2066 : i32 to vector<16xi32>
      %shift_right_arithmetic3A_2068 = arith.shrsi %add3A_2035, %shift_right_arithmetic3A_2067 : vector<16xi32>
      %and3A_2069 = arith.constant 8191 : i32
      %and3A_2070 = vector.broadcast %and3A_2069 : i32 to vector<16xi32>
      %and3A_2071 = arith.andi %add3A_2035, %and3A_2070 : vector<16xi32>
      %add3A_2072 = vector.broadcast %reduce_max3A_2020 : f32 to vector<16xf32>
      %add3A_2073 = arith.addf %broadcast_in_dim3A_3, %add3A_2072 : vector<16xf32>
      %gt3A_2074 = arith.constant 0.000000e+00 : f32
      %gt3A_2075 = vector.broadcast %gt3A_2074 : f32 to vector<16xf32>
      %gt3A_2076 = arith.cmpf ogt, %add3A_2073, %gt3A_2075 : vector<16xf32>
      %sub3A_2077 = arith.subf %gather3A_2058, %gather3A_2044 : vector<16xf32>
      %sub3A_2078 = arith.subf %gather3A_2065, %gather3A_2051 : vector<16xf32>
      %mul3A_2079 = arith.mulf %sub3A_2077, %sub3A_2078 : vector<16xf32>
      %add3A_2080 = arith.constant 1.000000e+00 : f32
      %add3A_2081 = vector.broadcast %add3A_2080 : f32 to vector<16xf32>
      %add3A_2082 = arith.addf %broadcast_in_dim3A_3, %add3A_2081 : vector<16xf32>
      %select_n3A_2083 = arith.select %gt3A_2076, %add3A_2082, %broadcast_in_dim3A_3 : vector<16xi1>, vector<16xf32>
      %add3A_2084 = vector.broadcast %mul3A_2 : i32 to vector<16xi32>
      %add3A_2085 = arith.addi %and3A_2071, %add3A_2084 : vector<16xi32>
      %add3A_2086 = arith.constant 10240 : i32
      %add3A_2087 = vector.broadcast %add3A_2086 : i32 to vector<16xi32>
      %add3A_2088 = arith.addi %broadcast_in_dim3A_5, %add3A_2087 : vector<16xi32>
      %select_n3A_2089 = arith.select %gt3A_2076, %add3A_2085, %add3A_2088 : vector<16xi1>, vector<16xi32>
      %convert_element_type3A_2090 = arith.sitofp %select_n3A_2089 : vector<16xi32> to vector<16xf32>
      %convert_element_type3A_2091 = arith.sitofp %shift_right_arithmetic3A_2068 : vector<16xi32> to vector<16xf32>
      %eq3A_2092 = arith.constant 0 : i32
      %eq3A_2093 = vector.broadcast %eq3A_2092 : i32 to vector<16xi32>
      %eq3A_2094 = arith.cmpi eq, %iota3A, %eq3A_2093 : vector<16xi32>
      %add3A_2095 = arith.constant 1.000000e+00 : f32
      %add3A_2096 = vector.broadcast %add3A_2095 : f32 to vector<16xf32>
      %add3A_2097 = arith.addf %broadcast_in_dim3A_3, %add3A_2096 : vector<16xf32>
      %select_n3A_2098 = arith.select %eq3A_2094, %add3A_2097, %broadcast_in_dim3A_3 : vector<16xi1>, vector<16xf32>
      %eq3A_2099 = arith.constant 1 : i32
      %eq3A_2100 = vector.broadcast %eq3A_2099 : i32 to vector<16xi32>
      %eq3A_2101 = arith.cmpi eq, %iota3A, %eq3A_2100 : vector<16xi32>
      %add3A_2102 = arith.constant 1.000000e+00 : f32
      %add3A_2103 = vector.broadcast %add3A_2102 : f32 to vector<16xf32>
      %add3A_2104 = arith.addf %broadcast_in_dim3A_3, %add3A_2103 : vector<16xf32>
      %select_n3A_2105 = arith.select %eq3A_2101, %add3A_2104, %broadcast_in_dim3A_3 : vector<16xi1>, vector<16xf32>
      %eq3A_2106 = arith.constant 2 : i32
      %eq3A_2107 = vector.broadcast %eq3A_2106 : i32 to vector<16xi32>
      %eq3A_2108 = arith.cmpi eq, %iota3A, %eq3A_2107 : vector<16xi32>
      %add3A_2109 = arith.constant 1.000000e+00 : f32
      %add3A_2110 = vector.broadcast %add3A_2109 : f32 to vector<16xf32>
      %add3A_2111 = arith.addf %broadcast_in_dim3A_3, %add3A_2110 : vector<16xf32>
      %select_n3A_2112 = arith.select %eq3A_2108, %add3A_2111, %broadcast_in_dim3A_3 : vector<16xi1>, vector<16xf32>
      %eq3A_2113 = arith.constant 3 : i32
      %eq3A_2114 = vector.broadcast %eq3A_2113 : i32 to vector<16xi32>
      %eq3A_2115 = arith.cmpi eq, %iota3A, %eq3A_2114 : vector<16xi32>
      %add3A_2116 = arith.constant 1.000000e+00 : f32
      %add3A_2117 = vector.broadcast %add3A_2116 : f32 to vector<16xf32>
      %add3A_2118 = arith.addf %broadcast_in_dim3A_3, %add3A_2117 : vector<16xf32>
      %select_n3A_2119 = arith.select %eq3A_2115, %add3A_2118, %broadcast_in_dim3A_3 : vector<16xi1>, vector<16xf32>
      %eq3A_2120 = arith.constant 4 : i32
      %eq3A_2121 = vector.broadcast %eq3A_2120 : i32 to vector<16xi32>
      %eq3A_2122 = arith.cmpi eq, %iota3A, %eq3A_2121 : vector<16xi32>
      %add3A_2123 = arith.constant 1.000000e+00 : f32
      %add3A_2124 = vector.broadcast %add3A_2123 : f32 to vector<16xf32>
      %add3A_2125 = arith.addf %broadcast_in_dim3A_3, %add3A_2124 : vector<16xf32>
      %select_n3A_2126 = arith.select %eq3A_2122, %add3A_2125, %broadcast_in_dim3A_3 : vector<16xi1>, vector<16xf32>
      %eq3A_2127 = arith.constant 5 : i32
      %eq3A_2128 = vector.broadcast %eq3A_2127 : i32 to vector<16xi32>
      %eq3A_2129 = arith.cmpi eq, %iota3A, %eq3A_2128 : vector<16xi32>
      %add3A_2130 = arith.constant 1.000000e+00 : f32
      %add3A_2131 = vector.broadcast %add3A_2130 : f32 to vector<16xf32>
      %add3A_2132 = arith.addf %broadcast_in_dim3A_3, %add3A_2131 : vector<16xf32>
      %select_n3A_2133 = arith.select %eq3A_2129, %add3A_2132, %broadcast_in_dim3A_3 : vector<16xi1>, vector<16xf32>
      %eq3A_2134 = arith.constant 6 : i32
      %eq3A_2135 = vector.broadcast %eq3A_2134 : i32 to vector<16xi32>
      %eq3A_2136 = arith.cmpi eq, %iota3A, %eq3A_2135 : vector<16xi32>
      %add3A_2137 = arith.constant 1.000000e+00 : f32
      %add3A_2138 = vector.broadcast %add3A_2137 : f32 to vector<16xf32>
      %add3A_2139 = arith.addf %broadcast_in_dim3A_3, %add3A_2138 : vector<16xf32>
      %select_n3A_2140 = arith.select %eq3A_2136, %add3A_2139, %broadcast_in_dim3A_3 : vector<16xi1>, vector<16xf32>
      %eq3A_2141 = arith.constant 7 : i32
      %eq3A_2142 = vector.broadcast %eq3A_2141 : i32 to vector<16xi32>
      %eq3A_2143 = arith.cmpi eq, %iota3A, %eq3A_2142 : vector<16xi32>
      %add3A_2144 = arith.constant 1.000000e+00 : f32
      %add3A_2145 = vector.broadcast %add3A_2144 : f32 to vector<16xf32>
      %add3A_2146 = arith.addf %broadcast_in_dim3A_3, %add3A_2145 : vector<16xf32>
      %select_n3A_2147 = arith.select %eq3A_2143, %add3A_2146, %broadcast_in_dim3A_3 : vector<16xi1>, vector<16xf32>
      %eq3A_2148 = arith.constant 8 : i32
      %eq3A_2149 = vector.broadcast %eq3A_2148 : i32 to vector<16xi32>
      %eq3A_2150 = arith.cmpi eq, %iota3A, %eq3A_2149 : vector<16xi32>
      %add3A_2151 = arith.constant 1.000000e+00 : f32
      %add3A_2152 = vector.broadcast %add3A_2151 : f32 to vector<16xf32>
      %add3A_2153 = arith.addf %broadcast_in_dim3A_3, %add3A_2152 : vector<16xf32>
      %select_n3A_2154 = arith.select %eq3A_2150, %add3A_2153, %broadcast_in_dim3A_3 : vector<16xi1>, vector<16xf32>
      %eq3A_2155 = arith.constant 9 : i32
      %eq3A_2156 = vector.broadcast %eq3A_2155 : i32 to vector<16xi32>
      %eq3A_2157 = arith.cmpi eq, %iota3A, %eq3A_2156 : vector<16xi32>
      %add3A_2158 = arith.constant 1.000000e+00 : f32
      %add3A_2159 = vector.broadcast %add3A_2158 : f32 to vector<16xf32>
      %add3A_2160 = arith.addf %broadcast_in_dim3A_3, %add3A_2159 : vector<16xf32>
      %select_n3A_2161 = arith.select %eq3A_2157, %add3A_2160, %broadcast_in_dim3A_3 : vector<16xi1>, vector<16xf32>
      %mul3A_2162 = arith.mulf %select_n3A_2098, %gather3A_2044 : vector<16xf32>
      %mul3A_2163 = arith.mulf %select_n3A_2105, %gather3A_2051 : vector<16xf32>
      %add3A_2164 = arith.addf %mul3A_2162, %mul3A_2163 : vector<16xf32>
      %mul3A_2165 = arith.mulf %select_n3A_2112, %gather3A_2058 : vector<16xf32>
      %mul3A_2166 = arith.mulf %select_n3A_2119, %gather3A_2065 : vector<16xf32>
      %add3A_2167 = arith.addf %mul3A_2165, %mul3A_2166 : vector<16xf32>
      %add3A_2168 = arith.addf %add3A_2164, %add3A_2167 : vector<16xf32>
      %mul3A_2169 = arith.mulf %select_n3A_2133, %add3A_2073 : vector<16xf32>
      %mul3A_2170 = arith.mulf %select_n3A_2147, %convert_element_type3A_2091 : vector<16xf32>
      %add3A_2171 = arith.addf %mul3A_2169, %mul3A_2170 : vector<16xf32>
      %mul3A_2172 = arith.constant 1.000000e+00 : f32
      %mul3A_2173 = vector.broadcast %mul3A_2172 : f32 to vector<16xf32>
      %mul3A_2174 = arith.mulf %add3A_2171, %mul3A_2173 : vector<16xf32>
      %add3A_2175 = arith.addf %add3A_2168, %mul3A_2174 : vector<16xf32>
      %mul3A_2176 = arith.mulf %add3A_2175, %select_n3A_2083 : vector<16xf32>
      %add3A_2177 = arith.addf %select_n3A_2126, %select_n3A_2140 : vector<16xf32>
      %add3A_2178 = arith.addf %add3A_2177, %select_n3A_2154 : vector<16xf32>
      %mul3A_2179 = arith.mulf %add3A_2178, %select_n3A_2083 : vector<16xf32>
      %add3A_2180 = arith.addf %mul3A_2176, %mul3A_2179 : vector<16xf32>
      %mul3A_2181 = arith.mulf %select_n3A_2161, %convert_element_type3A_2090 : vector<16xf32>
      %add3A_2182 = arith.addf %add3A_2180, %mul3A_2181 : vector<16xf32>
      %mul3A_2183 = arith.constant 16 : i32
      %mul3A_2184 = arith.muli %scan3A_791, %mul3A_2183 : i32
      %swap3A_2185 = arith.index_cast %mul3A_2184 : i32 to index
      %swap3A_2186 = tpu.vector_load %arg17[%swap3A_2185] {strides = array<i32>} : memref<1792xf32, #tpu.memory_space<vmem>>, vector<16xf32>,
      tpu.vector_store %arg17[%swap3A_2185], %add3A_2182 {strides = array<i32>} : memref<1792xf32, #tpu.memory_space<vmem>>, vector<16xf32>,
      scf.yield %gather3A_2044, %gather3A_2051, %gather3A_2058, %gather3A_2065, %shift_right_arithmetic3A_2068, %mul3A_2079, %add3A_2035 : vector<16xf32>, vector<16xf32>, vector<16xf32>, vector<16xf32>, vector<16xi32>, vector<16xf32>, vector<16xi32>
    }
    %scan3A_787 = arith.constant 100 : i32
    %eq3A = arith.constant 0 : i32
    %eq3A_788 = arith.cmpi eq, %arg1, %eq3A : i32
    %convert_element_type3A_789 = arith.extui %eq3A_788 : i1 to i32
    %cond3A = arith.constant 0 : i32
    %cond3A_790 = arith.cmpi ne, %convert_element_type3A_789, %cond3A : i32
    scf.if %cond3A_790 {
      %add3A_791 = arith.constant 0 : i32
      %add3A_792 = vector.broadcast %add3A_791 : i32 to vector<16xi32>
      %add3A_793 = arith.addi %add3A_792, %iota3A : vector<16xi32>
      %mul3A_794 = arith.constant 16 : i32
      %mul3A_795 = vector.broadcast %mul3A_794 : i32 to vector<16xi32>
      %mul3A_796 = arith.muli %add3A_793, %mul3A_795 : vector<16xi32>
      %add3A_797 = arith.constant 9 : i32
      %add3A_798 = vector.broadcast %add3A_797 : i32 to vector<16xi32>
      %add3A_799 = arith.addi %mul3A_796, %add3A_798 : vector<16xi32>
      %gather3A = tpu.vector_load_idx %arg17[%add3A_799] : memref<1792xf32, #tpu.memory_space<vmem>>[vector<16xi32>], vector<16xf32>,
      %convert_element_type3A_800 = arith.fptosi %gather3A : vector<16xf32> to vector<16xi32>
      %swap3A = arith.constant 0 : index
      %swap3A_801 = tpu.vector_load %arg19[%swap3A] {strides = array<i32>} : memref<112xi32, #tpu.memory_space<vmem>>, vector<16xi32>,
      tpu.vector_store %arg19[%swap3A], %convert_element_type3A_800 {strides = array<i32>} : memref<112xi32, #tpu.memory_space<vmem>>, vector<16xi32>,
      %add3A_802 = arith.constant 16 : i32
      %add3A_803 = vector.broadcast %add3A_802 : i32 to vector<16xi32>
      %add3A_804 = arith.addi %add3A_803, %iota3A : vector<16xi32>
      %mul3A_805 = arith.constant 16 : i32
      %mul3A_806 = vector.broadcast %mul3A_805 : i32 to vector<16xi32>
      %mul3A_807 = arith.muli %add3A_804, %mul3A_806 : vector<16xi32>
      %add3A_808 = arith.constant 9 : i32
      %add3A_809 = vector.broadcast %add3A_808 : i32 to vector<16xi32>
      %add3A_810 = arith.addi %mul3A_807, %add3A_809 : vector<16xi32>
      %gather3A_811 = tpu.vector_load_idx %arg17[%add3A_810] : memref<1792xf32, #tpu.memory_space<vmem>>[vector<16xi32>], vector<16xf32>,
      %convert_element_type3A_812 = arith.fptosi %gather3A_811 : vector<16xf32> to vector<16xi32>
      %swap3A_813 = arith.constant 16 : index
      %swap3A_814 = tpu.vector_load %arg19[%swap3A_813] {strides = array<i32>} : memref<112xi32, #tpu.memory_space<vmem>>, vector<16xi32>,
      tpu.vector_store %arg19[%swap3A_813], %convert_element_type3A_812 {strides = array<i32>} : memref<112xi32, #tpu.memory_space<vmem>>, vector<16xi32>,
      %add3A_815 = arith.constant 32 : i32
      %add3A_816 = vector.broadcast %add3A_815 : i32 to vector<16xi32>
      %add3A_817 = arith.addi %add3A_816, %iota3A : vector<16xi32>
      %mul3A_818 = arith.constant 16 : i32
      %mul3A_819 = vector.broadcast %mul3A_818 : i32 to vector<16xi32>
      %mul3A_820 = arith.muli %add3A_817, %mul3A_819 : vector<16xi32>
      %add3A_821 = arith.constant 9 : i32
      %add3A_822 = vector.broadcast %add3A_821 : i32 to vector<16xi32>
      %add3A_823 = arith.addi %mul3A_820, %add3A_822 : vector<16xi32>
      %gather3A_824 = tpu.vector_load_idx %arg17[%add3A_823] : memref<1792xf32, #tpu.memory_space<vmem>>[vector<16xi32>], vector<16xf32>,
      %convert_element_type3A_825 = arith.fptosi %gather3A_824 : vector<16xf32> to vector<16xi32>
      %swap3A_826 = arith.constant 32 : index
      %swap3A_827 = tpu.vector_load %arg19[%swap3A_826] {strides = array<i32>} : memref<112xi32, #tpu.memory_space<vmem>>, vector<16xi32>,
      tpu.vector_store %arg19[%swap3A_826], %convert_element_type3A_825 {strides = array<i32>} : memref<112xi32, #tpu.memory_space<vmem>>, vector<16xi32>,
      %add3A_828 = arith.constant 48 : i32
      %add3A_829 = vector.broadcast %add3A_828 : i32 to vector<16xi32>
      %add3A_830 = arith.addi %add3A_829, %iota3A : vector<16xi32>
      %mul3A_831 = arith.constant 16 : i32
      %mul3A_832 = vector.broadcast %mul3A_831 : i32 to vector<16xi32>
      %mul3A_833 = arith.muli %add3A_830, %mul3A_832 : vector<16xi32>
      %add3A_834 = arith.constant 9 : i32
      %add3A_835 = vector.broadcast %add3A_834 : i32 to vector<16xi32>
      %add3A_836 = arith.addi %mul3A_833, %add3A_835 : vector<16xi32>
      %gather3A_837 = tpu.vector_load_idx %arg17[%add3A_836] : memref<1792xf32, #tpu.memory_space<vmem>>[vector<16xi32>], vector<16xf32>,
      %convert_element_type3A_838 = arith.fptosi %gather3A_837 : vector<16xf32> to vector<16xi32>
      %swap3A_839 = arith.constant 48 : index
      %swap3A_840 = tpu.vector_load %arg19[%swap3A_839] {strides = array<i32>} : memref<112xi32, #tpu.memory_space<vmem>>, vector<16xi32>,
      tpu.vector_store %arg19[%swap3A_839], %convert_element_type3A_838 {strides = array<i32>} : memref<112xi32, #tpu.memory_space<vmem>>, vector<16xi32>,
      %add3A_841 = arith.constant 64 : i32
      %add3A_842 = vector.broadcast %add3A_841 : i32 to vector<16xi32>
      %add3A_843 = arith.addi %add3A_842, %iota3A : vector<16xi32>
      %mul3A_844 = arith.constant 16 : i32
      %mul3A_845 = vector.broadcast %mul3A_844 : i32 to vector<16xi32>
      %mul3A_846 = arith.muli %add3A_843, %mul3A_845 : vector<16xi32>
      %add3A_847 = arith.constant 9 : i32
      %add3A_848 = vector.broadcast %add3A_847 : i32 to vector<16xi32>
      %add3A_849 = arith.addi %mul3A_846, %add3A_848 : vector<16xi32>
      %gather3A_850 = tpu.vector_load_idx %arg17[%add3A_849] : memref<1792xf32, #tpu.memory_space<vmem>>[vector<16xi32>], vector<16xf32>,
      %convert_element_type3A_851 = arith.fptosi %gather3A_850 : vector<16xf32> to vector<16xi32>
      %swap3A_852 = arith.constant 64 : index
      %swap3A_853 = tpu.vector_load %arg19[%swap3A_852] {strides = array<i32>} : memref<112xi32, #tpu.memory_space<vmem>>, vector<16xi32>,
      tpu.vector_store %arg19[%swap3A_852], %convert_element_type3A_851 {strides = array<i32>} : memref<112xi32, #tpu.memory_space<vmem>>, vector<16xi32>,
      %add3A_854 = arith.constant 80 : i32
      %add3A_855 = vector.broadcast %add3A_854 : i32 to vector<16xi32>
      %add3A_856 = arith.addi %add3A_855, %iota3A : vector<16xi32>
      %mul3A_857 = arith.constant 16 : i32
      %mul3A_858 = vector.broadcast %mul3A_857 : i32 to vector<16xi32>
      %mul3A_859 = arith.muli %add3A_856, %mul3A_858 : vector<16xi32>
      %add3A_860 = arith.constant 9 : i32
      %add3A_861 = vector.broadcast %add3A_860 : i32 to vector<16xi32>
      %add3A_862 = arith.addi %mul3A_859, %add3A_861 : vector<16xi32>
      %gather3A_863 = tpu.vector_load_idx %arg17[%add3A_862] : memref<1792xf32, #tpu.memory_space<vmem>>[vector<16xi32>], vector<16xf32>,
      %convert_element_type3A_864 = arith.fptosi %gather3A_863 : vector<16xf32> to vector<16xi32>
      %swap3A_865 = arith.constant 80 : index
      %swap3A_866 = tpu.vector_load %arg19[%swap3A_865] {strides = array<i32>} : memref<112xi32, #tpu.memory_space<vmem>>, vector<16xi32>,
      tpu.vector_store %arg19[%swap3A_865], %convert_element_type3A_864 {strides = array<i32>} : memref<112xi32, #tpu.memory_space<vmem>>, vector<16xi32>,
      %add3A_867 = arith.constant 96 : i32
      %add3A_868 = vector.broadcast %add3A_867 : i32 to vector<16xi32>
      %add3A_869 = arith.addi %add3A_868, %iota3A : vector<16xi32>
      %mul3A_870 = arith.constant 16 : i32
      %mul3A_871 = vector.broadcast %mul3A_870 : i32 to vector<16xi32>
      %mul3A_872 = arith.muli %add3A_869, %mul3A_871 : vector<16xi32>
      %add3A_873 = arith.constant 9 : i32
      %add3A_874 = vector.broadcast %add3A_873 : i32 to vector<16xi32>
      %add3A_875 = arith.addi %mul3A_872, %add3A_874 : vector<16xi32>
      %gather3A_876 = tpu.vector_load_idx %arg17[%add3A_875] : memref<1792xf32, #tpu.memory_space<vmem>>[vector<16xi32>], vector<16xf32>,
      %convert_element_type3A_877 = arith.fptosi %gather3A_876 : vector<16xf32> to vector<16xi32>
      %swap3A_878 = arith.constant 96 : index
      %swap3A_879 = tpu.vector_load %arg19[%swap3A_878] {strides = array<i32>} : memref<112xi32, #tpu.memory_space<vmem>>, vector<16xi32>,
      tpu.vector_store %arg19[%swap3A_878], %convert_element_type3A_877 {strides = array<i32>} : memref<112xi32, #tpu.memory_space<vmem>>, vector<16xi32>,
      %dma_start3A_880 = arith.constant 0 : i32
      %dma_start3A_881 = arith.constant 0 : i32
      %dma_start3A_882 = tpu.memref_slice %arg5[%dma_start3A_880, %dma_start3A_881] : memref<10248x32xf32, #tpu.memory_space<hbm>> -> memref<10248x32xf32, #tpu.memory_space<hbm>>
      tpu.enqueue_indirect_dma source(%dma_start3A_882 : memref<10248x32xf32, #tpu.memory_space<hbm>>) target(%arg18 : memref<112x32xf32, #tpu.memory_space<vmem>>) offsets(%arg19 : memref<112xi32, #tpu.memory_space<vmem>>) semaphore(%arg23 : memref<!tpu.dma_semaphore, #tpu.memory_space<semaphore_mem>>)
      %dma_wait3A_883 = arith.constant 0 : i32
      %dma_wait3A_884 = arith.constant 0 : i32
      %dma_wait3A_885 = tpu.memref_slice %arg5[%dma_wait3A_883, %dma_wait3A_884] : memref<10248x32xf32, #tpu.memory_space<hbm>> -> memref<10248x32xf32, #tpu.memory_space<hbm>>
      tpu.wait_indirect_dma semaphore(%arg23 : memref<!tpu.dma_semaphore, #tpu.memory_space<semaphore_mem>>) src(%dma_wait3A_885 : memref<10248x32xf32, #tpu.memory_space<hbm>>) dst(%arg18 : memref<112x32xf32, #tpu.memory_space<vmem>>)
      "tpu.region"() ({
        %run_scoped3A = tpu.sem_alloc : memref<!tpu.dma_semaphore, #tpu.memory_space<semaphore_mem>>
        %dma_start3A_886 = arith.constant 0 : i32
        %dma_start3A_887 = tpu.memref_slice %arg6[%arg0, %dma_start3A_886] : memref<2x1792xf32, #tpu.memory_space<hbm>> -> memref<1x1792xf32, #tpu.memory_space<hbm>>
        %dma_start3A_888 = tpu.memref_squeeze %dma_start3A_887 : memref<1x1792xf32, #tpu.memory_space<hbm>> -> memref<1792xf32, #tpu.memory_space<hbm>>
        %dma_start3A_889 = arith.constant 0 : i32
        %dma_start3A_890 = tpu.memref_slice %arg6[%arg0, %dma_start3A_889] : memref<2x1792xf32, #tpu.memory_space<hbm>> -> memref<1x1792xf32, #tpu.memory_space<hbm>>
        %dma_start3A_891 = tpu.memref_squeeze %dma_start3A_890 : memref<1x1792xf32, #tpu.memory_space<hbm>> -> memref<1792xf32, #tpu.memory_space<hbm>>
        tpu.enqueue_dma source(%arg17 : memref<1792xf32, #tpu.memory_space<vmem>>) target(%dma_start3A_891 : memref<1792xf32, #tpu.memory_space<hbm>>) target_semaphore(%run_scoped3A : memref<!tpu.dma_semaphore, #tpu.memory_space<semaphore_mem>>)
        %dma_wait3A_892 = arith.constant 0 : i32
        %dma_wait3A_893 = tpu.memref_slice %arg6[%arg0, %dma_wait3A_892] : memref<2x1792xf32, #tpu.memory_space<hbm>> -> memref<1x1792xf32, #tpu.memory_space<hbm>>
        %dma_wait3A_894 = tpu.memref_squeeze %dma_wait3A_893 : memref<1x1792xf32, #tpu.memory_space<hbm>> -> memref<1792xf32, #tpu.memory_space<hbm>>
        %dma_wait3A_895 = arith.constant 0 : i32
        %dma_wait3A_896 = tpu.memref_slice %arg6[%arg0, %dma_wait3A_895] : memref<2x1792xf32, #tpu.memory_space<hbm>> -> memref<1x1792xf32, #tpu.memory_space<hbm>>
        %dma_wait3A_897 = tpu.memref_squeeze %dma_wait3A_896 : memref<1x1792xf32, #tpu.memory_space<hbm>> -> memref<1792xf32, #tpu.memory_space<hbm>>
        tpu.wait_dma2 semaphore(%run_scoped3A : memref<!tpu.dma_semaphore, #tpu.memory_space<semaphore_mem>>) src(%arg17 : memref<1792xf32, #tpu.memory_space<vmem>>) dst(%dma_wait3A_897 : memref<1792xf32, #tpu.memory_space<hbm>>)
        tpu.yield
      }) : () -> ()
      "tpu.region"() ({
        %run_scoped3A = tpu.sem_alloc : memref<!tpu.dma_semaphore, #tpu.memory_space<semaphore_mem>>
        %dma_start3A_886 = arith.constant 0 : i32
        %dma_start3A_887 = arith.constant 0 : i32
        %dma_start3A_888 = tpu.memref_slice %arg7[%arg0, %dma_start3A_886, %dma_start3A_887] : memref<2x112x32xf32, #tpu.memory_space<hbm>> -> memref<1x112x32xf32, #tpu.memory_space<hbm>>
        %dma_start3A_889 = tpu.memref_squeeze %dma_start3A_888 : memref<1x112x32xf32, #tpu.memory_space<hbm>> -> memref<112x32xf32, #tpu.memory_space<hbm>>
        %dma_start3A_890 = arith.constant 0 : i32
        %dma_start3A_891 = arith.constant 0 : i32
        %dma_start3A_892 = tpu.memref_slice %arg7[%arg0, %dma_start3A_890, %dma_start3A_891] : memref<2x112x32xf32, #tpu.memory_space<hbm>> -> memref<1x112x32xf32, #tpu.memory_space<hbm>>
        %dma_start3A_893 = tpu.memref_squeeze %dma_start3A_892 : memref<1x112x32xf32, #tpu.memory_space<hbm>> -> memref<112x32xf32, #tpu.memory_space<hbm>>
        tpu.enqueue_dma source(%arg18 : memref<112x32xf32, #tpu.memory_space<vmem>>) target(%dma_start3A_893 : memref<112x32xf32, #tpu.memory_space<hbm>>) target_semaphore(%run_scoped3A : memref<!tpu.dma_semaphore, #tpu.memory_space<semaphore_mem>>)
        %dma_wait3A_894 = arith.constant 0 : i32
        %dma_wait3A_895 = arith.constant 0 : i32
        %dma_wait3A_896 = tpu.memref_slice %arg7[%arg0, %dma_wait3A_894, %dma_wait3A_895] : memref<2x112x32xf32, #tpu.memory_space<hbm>> -> memref<1x112x32xf32, #tpu.memory_space<hbm>>
        %dma_wait3A_897 = tpu.memref_squeeze %dma_wait3A_896 : memref<1x112x32xf32, #tpu.memory_space<hbm>> -> memref<112x32xf32, #tpu.memory_space<hbm>>
        %dma_wait3A_898 = arith.constant 0 : i32
        %dma_wait3A_899 = arith.constant 0 : i32
        %dma_wait3A_900 = tpu.memref_slice %arg7[%arg0, %dma_wait3A_898, %dma_wait3A_899] : memref<2x112x32xf32, #tpu.memory_space<hbm>> -> memref<1x112x32xf32, #tpu.memory_space<hbm>>
        %dma_wait3A_901 = tpu.memref_squeeze %dma_wait3A_900 : memref<1x112x32xf32, #tpu.memory_space<hbm>> -> memref<112x32xf32, #tpu.memory_space<hbm>>
        tpu.wait_dma2 semaphore(%run_scoped3A : memref<!tpu.dma_semaphore, #tpu.memory_space<semaphore_mem>>) src(%arg18 : memref<112x32xf32, #tpu.memory_space<vmem>>) dst(%dma_wait3A_901 : memref<112x32xf32, #tpu.memory_space<hbm>>)
        tpu.yield
      }) : () -> ()
    } else {
    }
    return
  }
}

</mosaic_0001>

<sc_bundles>
// kernel: kernel.3.cloned.1.call-start
scs
__scs_entry_jumppad:
0x0: {  	(pc) =	sbr.rel $0x88, $3  }
0x1: {  	(tag) =	ssettag $0x0;
	lr =	simm.s32 $0x1  }
0x2: {  	[smem:$0x3F9E] =	sst lr;
	_ =	strace $0xD0000000  }
0x3: {  	_ = 	snop  }
0x4: {  	_ = 	snop  }
0x5: {  	_ = 	snop  }
0x6: {  	_ = 	snop  }
0x7: {  	_ = 	snop  }
__scs_overlays_trampoline_lowered:
0x8: {  	[smem:$0x3FAD] =	sst s0  }
0x9: {  	[smem:$0x3FAE] =	sst s1  }
0xa: {  	[smem:$0x3FAF] =	sst s2  }
0xb: {  	[smem:$0x3FB0] =	sst s3  }
0xc: {  	[smem:$0x3FB1] =	sst s4  }
0xd: {  	[smem:$0x3FB2] =	sst s5  }
0xe: {  	[smem:$0x3FB3] =	sst s6  }
0xf: {  	[smem:$0x3FB4] =	sst s7  }
0x10: {  	[smem:$0x3FB5] =	sst s8  }
0x11: {  	[smem:$0x3FB6] =	sst s9;
	s0 =	simm.s32 @!p0 $0x0  }
0x12: {  	s1 =	sld [smem:$0x3F9C];
	s0 =	simm.s32 @p0 $0x1  }
0x13: {  	[smem:$0x3FB7] =	sst s0;
	s0 =	simm.s32 @!p1 $0x0  }
0x14: {  	s2 =	sld [smem:$0x3F9B];
	s0 =	simm.s32 @p1 $0x1  }
0x15: {  	[smem:$0x3FB8] =	sst s0;
	s0 =	simm.s32 @!p2 $0x0  }
0x16: {  	s3 =	sld [smem:$0x3FDB];
	s0 =	simm.s32 @p2 $0x1  }
0x17: {  	s4 =	simm.s32 $0x1BF5;
	[smem:$0x3FBA] =	sst s0  }
0x18: {  	s0 =	sld [smem:$0x3F9D];
	_ =	swait.ge [sflag:s4], $0x0  }
0x19: {  	s7 =	sld [smem:$0x3F9E]  }
0x1a: {  	s8 =	sadd.s32 $0xFFFFE003, lr  }
0x1b: {  	s9 =	sadd.s32 $0xFFFFFEF7, lr;
	s5 =	simm.s32 $0xFFFFFFFF;
	p2 =	slt.u32 s8, $0xFFFFF086  }
0x1c: {  	p1 =	slt.u32 s9, $0xF7A;
	s5 =	simm.s32 @!p2 $0x0  }
0x1d: {  	s5 =	simm.s32 @p1 $0x1;
	p0 =	seq.s32 s7, s2  }
0x1e: {  	s7 =	smul.u32 @!p0 $0xF7A, s2;
	p2 =	seq.s32 @!p0 s5, $0x0  }
0x1f: {  	s9 =	smul.u32 $0xF7A, s1;
	s8 =	simm.s32 @!p0 $0x1BF5;
	p2 =	por !p2, p0  }
0x20: {  	[sflag:s8] =	ssyncset.s32 @!p0 $0xFFFFF086;
	s6 =	sadd.s32 @!p0 s3, s7;
	s7 =	simm.s32 @!p0 $0x108  }
0x21: {  	s3 =	sadd.s32 s3, s9;
	s6 =	sadd.s32 @!p0 $0x88, s6;
	s7 =	simm.s32 @p2 $0x1082  }
0x22: {  	[simem:s7], [sflag:s8] =	dma.local @!p0 [hbm:s6], $0xF7A  }
0x23: {  	s9 =	sor.u32 $0xD0000000, s2;
	s6 =	simm.s32 $0x108;
	_ =	swait.ge @!p0 [sflag:s8], $0x0  }
0x24: {  	s3 =	sadd.s32 $0x88, s3;
	s6 =	simm.s32 @!p1 $0x1082;
	[sflag:s4] =	ssyncset.s32 $0xFFFFF086  }
0x25: {  	[simem:s6], [sflag:s4] =	dma.local [hbm:s3], $0xF7A  }
0x26: {  	[smem:$0x3F9E] =	sst s1;
	(tag) =	ssettag s2;
	_ =	strace s9  }
0x27: {  	s1 =	sld [smem:$0x3FAE]  }
0x28: {  	s2 =	sld [smem:$0x3FAF]  }
0x29: {  	s4 =	sld [smem:$0x3FB1]  }
0x2a: {  	p0 =	seq.s32 s5, $0x0;
	s5 =	sld [smem:$0x3FB2]  }
0x2b: {  	s6 =	sld [smem:$0x3FB3]  }
0x2c: {  	s7 =	sld [smem:$0x3FB4]  }
0x2d: {  	s3 =	simm.s32 $0x108;
	s8 =	sld [smem:$0x3FB5]  }
0x2e: {  	s3 =	simm.s32 @!p0 $0x1082;
	s9 =	sld [smem:$0x3FB6]  }
0x2f: {  	lr =	sadd.s32 s0, s3;
	s0 =	sld [smem:$0x3FAD]  }
0x30: {  	s3 =	sld [smem:$0x3FB0]  }
0x31: {  	[smem:$0x3FB9] =	sst s10  }
0x32: {  	s10 =	sld [smem:$0x3FB7];
	_ =	sdelay $0x3  }
0x33: {  	p0 =	seq.s32 s10, $0x1;
	s10 =	sld [smem:$0x3FB9];
	_ =	sdelay $0x3  }
0x34: {  	[smem:$0x3FB9] =	sst s10  }
0x35: {  	s10 =	sld [smem:$0x3FB8];
	_ =	sdelay $0x3  }
0x36: {  	p1 =	seq.s32 s10, $0x1;
	s10 =	sld [smem:$0x3FB9];
	_ =	sdelay $0x3  }
0x37: {  	[smem:$0x3FB9] =	sst s10  }
0x38: {  	s10 =	sld [smem:$0x3FBA]  }
0x39: {  	_ = 	snop;
	(pc) =	sbr.ind lr, $3  }
0x3a: {  	_ = 	snop  }
0x3b: {  	_ = 	snop  }
0x3c: {  	p2 =	seq.s32 s10, $0x1;
	s10 =	sld [smem:$0x3FB9]  }
0x3d: {  	_ =	shalt  }
0x3e: {  	_ =	shalt  }
0x3f: {  	_ =	shalt  }
0x40: {  	_ =	shalt  }
0x41: {  	_ =	shalt  }
0x42: {  	_ =	shalt  }
0x43: {  	_ =	shalt  }
0x44: {  	_ =	shalt  }
0x45: {  	_ =	shalt  }
0x46: {  	_ =	shalt  }
0x47: {  	_ =	shalt  }
0x48: {  	_ =	shalt  }
0x49: {  	_ =	shalt  }
0x4a: {  	_ =	shalt  }
0x4b: {  	_ =	shalt  }
0x4c: {  	_ =	shalt  }
0x4d: {  	_ =	shalt  }
0x4e: {  	_ =	shalt  }
0x4f: {  	_ =	shalt  }
0x50: {  	_ =	shalt  }
0x51: {  	_ =	shalt  }
0x52: {  	_ =	shalt  }
0x53: {  	_ =	shalt  }
0x54: {  	_ =	shalt  }
0x55: {  	_ =	shalt  }
0x56: {  	_ =	shalt  }
0x57: {  	_ =	shalt  }
0x58: {  	_ =	shalt  }
0x59: {  	_ =	shalt  }
0x5a: {  	_ =	shalt  }
0x5b: {  	_ =	shalt  }
0x5c: {  	_ =	shalt  }
0x5d: {  	_ =	shalt  }
0x5e: {  	_ =	shalt  }
0x5f: {  	_ =	shalt  }
0x60: {  	_ =	shalt  }
0x61: {  	_ =	shalt  }
0x62: {  	_ =	shalt  }
0x63: {  	_ =	shalt  }
0x64: {  	_ =	shalt  }
0x65: {  	_ =	shalt  }
0x66: {  	_ =	shalt  }
0x67: {  	_ =	shalt  }
0x68: {  	_ =	shalt  }
0x69: {  	_ =	shalt  }
0x6a: {  	_ =	shalt  }
0x6b: {  	_ =	shalt  }
0x6c: {  	_ =	shalt  }
0x6d: {  	_ =	shalt  }
0x6e: {  	_ =	shalt  }
0x6f: {  	_ =	shalt  }
0x70: {  	_ =	shalt  }
0x71: {  	_ =	shalt  }
0x72: {  	_ =	shalt  }
0x73: {  	_ =	shalt  }
0x74: {  	_ =	shalt  }
0x75: {  	_ =	shalt  }
0x76: {  	_ =	shalt  }
0x77: {  	_ =	shalt  }
0x78: {  	_ =	shalt  }
0x79: {  	_ =	shalt  }
0x7a: {  	_ =	shalt  }
0x7b: {  	_ =	shalt  }
0x7c: {  	_ =	shalt  }
0x7d: {  	_ =	shalt  }
0x7e: {  	_ =	shalt  }
0x7f: {  	_ =	shalt  }
0x80: {  	_ =	shalt  }
0x81: {  	_ =	shalt  }
0x82: {  	_ =	shalt  }
0x83: {  	_ =	shalt  }
0x84: {  	_ =	shalt  }
0x85: {  	_ =	shalt  }
0x86: {  	_ =	shalt  }
0x87: {  	_ =	shalt  }
.Lfunc_end0:
.L_simem_size_0:
called_computation_lowered:
.L_overlay_start_0:
0x88: {  	s2 =	sld [smem:$0x3FD9]  }
0x89: {  	s3 =	sld [smem:$0x3FFE];
	_ =	sdelay $0x1  }
0x8a: {  	s1 =	srdreg.scid  }
0x8b: {  	s0 =	sand.u32 $0x1, s1  }
0x8c: {  	s14 =	sshll.u32 s0, $0xA;
	s2 =	sadd.s32 s3, s2  }
0x8d: {  	s2 =	sadd.s32 s2, s14  }
0x8e: {  	[smem:$0x3FC5] =	sst s2  }
0x8f: {  	_ = 	snop  }
0x90: {  	s2 =	sld [smem:$0x3FD0];
	_ =	sdelay $0x2  }
0x91: {  	s15 =	simm.s32 $0xA;
	s4 =	simm.s32 $0x10  }
0x92: {  	[smem:s4], [sflag:s15] =	dma.local [hbm:s2], $0x1  }
0x93: {  	_ =	swait.eq [sflag:s15], $0x1  }
0x94: {  	[sflag:s15] =	ssyncset.done $0x0  }
0x95: {  	[sflag:s15] =	ssyncadd.s32 $0xFFFFFFFF  }
0x96: {  	s16 =	sld [smem:$0x13];
	(tm) =	ssettm $0x1  }
0x97: {  	s17 =	sld [smem:$0x3FFB];
	_ =	sdelay $0x3  }
0x98: {  	_ =	strace s17  }
0x99: {  	s3 =	sld [smem:$0x3FFC];
	_ =	sdelay $0x3  }
0x9a: {  	_ =	strace s3  }
0x9b: {  	s3 =	sld [smem:$0x3FFD];
	_ =	sdelay $0x3  }
0x9c: {  	_ =	strace s3  }
0x9d: {  	_ =	strace $0x8FFFFFFF  }
0x9e: {  	s18 =	sld [smem:$0x3FDB];
	_ =	sdelay $0x1  }
0x9f: {  	s19 =	simm.s32 $_scs_section_size  }
0xa0: {  	s5 =	simm.s32 $_size__tile_overlayer_lowered;
	s6 =	simm.s32 $_tile_overlayer_lowered  }
0xa1: {  	s22 =	simm.s32 $0x1BFF;
	s21 =	sshll.u32 s6, $0x1;
	s3 =	sadd.s32 s19, s18  }
0xa2: {  	s7 =	simm.s32 $0x0;
	s20 =	sshll.u32 s5, $0x1;
	s5 =	sadd.s32 s21, s3  }
0xa3: {  	[timem:s7], [sflag:s22] =	dma.local [hbm:s5], s20  }
0xa4: {  	_ =	swait.ge [sflag:s22], s20  }
0xa5: {  	s4 =	ssub.s32 $0x0, s20;
	[sflag:s22] =	ssyncset.done $0x0  }
0xa6: {  	[sflag:s22] =	ssyncadd.s32 s4;
	_ =	sdelay $0x1  }
0xa7: {  	s23 =	simm.s32 $0x1B8B  }
0xa8: {  	_ =	swait.ge [sflag:s23], $0x1  }
0xa9: {  	[sflag:s23] =	ssyncset.done $0x0  }
0xaa: {  	s25 =	simm.s32 $0x1B8E;
	s24 =	sld [smem:$0x3FFE];
	[sflag:s23] =	ssyncadd.s32 $0xFFFFFFFF  }
0xab: {  	s26 =	simm.s32 $execute0_lowered;
	[smem:$0x3FD2] =	sst s25  }
0xac: {  	s5 =	sshll.u32 s26, $0x1;
	_ =	strace $0x80000046;
	[dreg:$0x1] =	wrdreg $0xFFFFFFFF  }
0xad: {  	s28 =	simm.s32 $_size_execute0_lowered;
	s3 =	sadd.s32 s3, s5;
	[dreg:$0x0] =	wrdreg $0x0  }
0xae: {  	s5 =	sshll.u32 s28, $0x1;
	[dreg:$0x2] =	wrdreg s3  }
0xaf: {  	[dreg:$0x3] =	wrdreg s5  }
0xb0: {  	[dreg:$0x4] =	wrdreg $0xC0  }
0xb1: {  	_ =	task [dreg:s7], $0x5FFFF  }
0xb2: {  	[dreg:$0x1] =	wrdreg $0xFFFFFFFF  }
0xb3: {  	[dreg:$0x0] =	wrdreg $0x60  }
0xb4: {  	[dreg:$0x2] =	wrdreg s24  }
0xb5: {  	[dreg:$0x3] =	wrdreg s16  }
0xb6: {  	[dreg:$0x4] =	wrdreg $0x42400  }
0xb7: {  	[dreg:$0x5] =	wrdreg $0x9  }
0xb8: {  	_ =	task.clear_ibuf [dreg:s7], $0x6FFFF;
	_ =	strace $0x90000046  }
0xb9: {  	s29 =	simm.s32 $0x9;
	_ =	strace $0x80000048  }
0xba: {  	_ =	swait.ge [sflag:s29], $0x1  }
0xbb: {  	[sflag:s29] =	ssyncadd.s32 $0xFFFFFFFF  }
0xbc: {  	_ =	strace $0x90000048  }
0xbd: {  	_ =	sfence  }
0xbe: {  	s30 =	sld [smem:$0x0];
	_ =	sdelay $0x2  }
0xbf: {  	s31 =	sshll.u32 s1, $0xD;
	s1 =	sshrl.u32 s1, $0x2  }
0xc0: {  	s3 =	sand.u32 $0x4000, s31;
	s1 =	sadd.s32 s1, s30  }
0xc1: {  	s0 =	sor.u32 s3, s0;
	s1 =	sshll.u32 s1, $0x11  }
0xc2: {  	s0 =	sor.u32 s1, s0  }
0xc3: {  	s0 =	sadd.s32 $0x8F2B, s0  }
0xc4: {  	[sflag:s0] =	ssyncadd.remote.s32 $0x1  }
0xc5: {  	_ =	sfence.sel $0xFFFF  }
0xc6: {  	[dreg:$0x0] =	wrdreg $0xFFFFFFFF;
	(pc) =	sbr.abs _section_cstart, $3  }
0xc7: {  	[dreg:$0x1] =	wrdreg $0xFFFFFFFF  }
0xc8: {  	_ =	task.clear_ibuf [dreg:s7], $0x2FFFF;
	_ =	strace $0x9FFFFFFF  }
0xc9: {  	(tm) =	ssettm $0x7FFFFFFF  }
tec
execute0_lowered:
.L_overlay_start_1:
0x0: {  	(tag) =	ssettag $0x1  }
0x1: {  	s0 =	rddreg [dreg:$0x0]  }
0x2: {  	s2 =	rddreg [dreg:$0x1];
	s3 =	srdreg.scid  }
0x3: {  	s7 =	stileid.u32;
	s1 =	rddreg [dreg:$0x2];
	s4 =	sand.u32 $0x1, s3  }
0x4: {  	s23 =	smul.u32 $0x140, s7;
	s3 =	simm.s32 $0x0;
	s6 =	sadd.s32 $0x13000, s0  }
0x5: {  	s9 =	sadd.s32 $0x11C00, s0;
	s11 =	sadd.s32 $0x1000, s0;
	s8 =	smul.u32 $0x5000, s4  }
0x6: {  	p0 =	sne.s32 s7, $0x0;
	s5 =	smul.u32 $0x1A400, s4;
	[smem:$0x7FF] =	sst s3  }
0x7: {  	s16 =	smul.u32 $0x1C0, s4;
	_ =	strace $0x80000047;
	s8 =	sadd.s32 s23, s8  }
0x8: {  	[dreg:$0x4] =	wrdreg s11;
	s5 =	sadd.s32 s23, s5;
	s19 =	sshrl.u32 s8, $0x3  }
0x9: {  	s12 =	sadd.s32 s16, s0;
	s5 =	sshrl.u32 s5, $0x3;
	s13 =	sadd.s32 s6, s19  }
0xa: {  	s20 =	sadd.s32 $0x280, s19;
	s21 =	sadd.s32 s9, s19;
	[dreg:$0x5] =	wrdreg s13  }
0xb: {  	s10 =	sadd.s32 s5, s0;
	[dreg:$0x6] =	wrdreg s21;
	s22 =	sadd.s32 s6, s20  }
0xc: {  	s24 =	sadd.s32 $0x500, s19;
	s0 =	sadd.s32 s9, s20;
	[dreg:$0x7] =	wrdreg s22  }
0xd: {  	s5 =	sadd.s32 $0x780, s19;
	s25 =	sadd.s32 s6, s24;
	[dreg:$0x8] =	wrdreg s0  }
0xe: {  	s17 =	ssub.s32 $0x2, s4;
	s26 =	sadd.s32 s6, s5;
	[dreg:$0x9] =	wrdreg s25  }
0xf: {  	s18 =	sshrl.u32 s17, $0x1;
	s5 =	sadd.s32 s9, s5;
	[dreg:$0xb] =	wrdreg s26  }
0x10: {  	s11 =	smul.u32 $0x1400, s4;
	s6 =	sadd.s32 $0xB200, s10;
	[dreg:$0xc] =	wrdreg s5  }
0x11: {  	s8 =	ssub.s32 s17, s18;
	s13 =	sadd.s32 $0xB480, s10;
	[dreg:$0xd] =	wrdreg s6  }
0x12: {  	v0 =	vmov s11;
	s11 =	simm.s32 $0x2440;
	s14 =	sadd.s32 $0xB700, s10;
	[dreg:$0xe] =	wrdreg s13  }
0x13: {  	s8 =	smax.u32 s8, $0x1;
	s15 =	sadd.s32 $0xB980, s10;
	[dreg:$0xf] =	wrdreg s14  }
0x14: {  	s16 =	sadd.s32 $0xBC00, s10;
	s17 =	sadd.s32 $0xBE80, s10;
	[dreg:$0x10] =	wrdreg s15  }
0x15: {  	s18 =	sadd.s32 $0xC100, s10;
	s19 =	sadd.s32 $0xC380, s10;
	[dreg:$0x11] =	wrdreg s16  }
0x16: {  	s20 =	sadd.s32 $0xC600, s10;
	s21 =	sadd.s32 $0xC880, s10;
	[dreg:$0x12] =	wrdreg s17  }
0x17: {  	s28 =	sadd.s32 $0xD280, s10;
	s29 =	sadd.s32 $0xD500, s10;
	[dreg:$0x14] =	wrdreg s18  }
0x18: {  	s30 =	sadd.s32 $0xD780, s10;
	s31 =	sadd.s32 $0xDA00, s10;
	[dreg:$0x15] =	wrdreg s19  }
0x19: {  	s0 =	sadd.s32 s9, s24;
	s9 =	smul.u32 $0xE0, s4;
	[dreg:$0x16] =	wrdreg s20  }
0x1a: {  	[dreg:$0x17] =	wrdreg s21;
	s22 =	sadd.s32 $0xCB00, s10;
	s24 =	sadd.s32 $0xCD80, s10  }
0x1b: {  	v2 =	vimm.f32 $0.0e+00;
	v3 =	vimm.s32 $0x2800;
	v4 =	vlaneseq.u32;
	s26 =	sadd.s32 $0xD000, s10;
	s4 =	sadd.s32 $0xDF00, s10;
	s5 =	sadd.s32 $0xE180, s10  }
0x1c: {  	v5 =	vimm.s32 $0x2000;
	vm10 =	vmmov $0x1;
	vm0 =	vcmask $0x300;
	s6 =	sadd.s32 $0xE400, s10;
	s25 =	sshll.u32 s7, $0x6;
	s7 =	sadd.s32 $0x14400, s12  }
0x1d: {  	vm12 =	vcmask $0x704;
	vm1 =	vcmask $0xB08;
	vm13 =	vcmask $0xF0C;
	s12 =	simm.s32 $0x2580;
	s13 =	simm.s32 $0x26C0;
	s14 =	simm.s32 $0x2800  }
0x1e: {  	vm14 =	vcmask $0x1714;
	vm15 =	vcmask $0x1F1C;
	vm8 =	vcmask $0x2724;
	s15 =	simm.s32 $0x4130;
	s16 =	simm.s32 $0x2;
	[dreg:$0xa] =	wrdreg s0  }
0x1f: {  	v6 =	vmul.u32 $0x10, v4;
	v8 =	vsel vm0, $0x3F800000, v2;
	v9 =	vsel vm12, $0x3F800000, v2;
	s17 =	simm.s32 $0x4140;
	s18 =	simm.s32 $0x0;
	[dreg:$0x18] =	wrdreg s22  }
0x20: {  	v10 =	vsel vm1, $0x3F800000, v2;
	v11 =	vsel vm13, $0x3F800000, v2;
	v12 =	vsel vm14, $0x3F800000, v2;
	[dreg:$0x19] =	wrdreg s24;
	s0 =	sadd.s32 s2, s9;
	s9 =	sshrl.u32 s25, $0x2  }
0x21: {  	v13 =	vsel vm15, $0x3F800000, v2;
	v1 =	vmov s23;
	v7 =	vor.u32 $0x1, v6;
	[dreg:$0x13] =	wrdreg s0;
	s0 =	sadd.s32 $0xDC80, s10;
	s10 =	simm.s32 $0x1  }
.LBB2_1:
0x22: {  	s2 =	rddreg [dreg:$0x5]  }
0x23: {  	[tilespmem:s3], [sflag:$0x1] =	stream.linear.gather [hbm4b:s2+s3], $0x140, $0x38;
	[tilespmem:$0x4260] =	vst v63  }
0x24: {  	s20 =	rddreg [dreg:$0x6];
	s19 =	simm.s32 $0x500  }
0x25: {  	[tilespmem:s19], [sflag:$0x1] =	stream.linear.gather [hbm4b:s20+s3], $0x140, $0x38;
	[tilespmem:$0x4260] =	vst v63  }
0x26: {  	s21 =	rddreg [dreg:$0x7];
	s22 =	simm.s32 $0x140  }
0x27: {  	[tilespmem:s22], [sflag:$0x1] =	stream.linear.gather [hbm4b:s21+s3], $0x140, $0x38;
	[tilespmem:$0x4260] =	vst v63  }
0x28: {  	s24 =	rddreg [dreg:$0x8];
	s25 =	simm.s32 $0x640  }
0x29: {  	[tilespmem:s25], [sflag:$0x1] =	stream.linear.gather [hbm4b:s24+s3], $0x140, $0x38;
	[tilespmem:$0x4260] =	vst v63  }
0x2a: {  	s19 =	rddreg [dreg:$0x9];
	s20 =	simm.s32 $0x280  }
0x2b: {  	[tilespmem:s20], [sflag:$0x1] =	stream.linear.gather [hbm4b:s19+s3], $0x140, $0x38;
	[tilespmem:$0x4260] =	vst v63  }
0x2c: {  	s21 =	rddreg [dreg:$0xa];
	s22 =	simm.s32 $0x780  }
0x2d: {  	[tilespmem:s22], [sflag:$0x1] =	stream.linear.gather [hbm4b:s21+s3], $0x140, $0x38;
	[tilespmem:$0x4260] =	vst v63  }
0x2e: {  	s24 =	rddreg [dreg:$0xb];
	s25 =	simm.s32 $0x3C0  }
0x2f: {  	[tilespmem:s25], [sflag:$0x1] =	stream.linear.gather [hbm4b:s24+s3], $0x140, $0x38;
	[tilespmem:$0x4260] =	vst v63  }
0x30: {  	s19 =	rddreg [dreg:$0xc];
	s20 =	simm.s32 $0x8C0  }
0x31: {  	[tilespmem:s20], [sflag:$0x1] =	stream.linear.gather [hbm4b:s19+s3], $0x140, $0x38;
	[tilespmem:$0x4260] =	vst v63  }
0x32: {  	s21 =	rddreg [dreg:$0xd];
	s22 =	simm.s32 $0xA00  }
0x33: {  	[tilespmem:s22], [sflag:$0x1] =	stream.linear.gather [hbm4b:s21+s3], $0x140, $0x38;
	[tilespmem:$0x4260] =	vst v63  }
0x34: {  	s24 =	rddreg [dreg:$0xe];
	s25 =	simm.s32 $0xB40  }
0x35: {  	[tilespmem:s25], [sflag:$0x1] =	stream.linear.gather [hbm4b:s24+s3], $0x140, $0x38;
	[tilespmem:$0x4260] =	vst v63  }
0x36: {  	s19 =	rddreg [dreg:$0xf];
	s20 =	simm.s32 $0xC80  }
0x37: {  	[tilespmem:s20], [sflag:$0x1] =	stream.linear.gather [hbm4b:s19+s3], $0x140, $0x38;
	[tilespmem:$0x4260] =	vst v63  }
0x38: {  	s21 =	rddreg [dreg:$0x10];
	s22 =	simm.s32 $0xDC0  }
0x39: {  	[tilespmem:s22], [sflag:$0x1] =	stream.linear.gather [hbm4b:s21+s3], $0x140, $0x38;
	[tilespmem:$0x4260] =	vst v63  }
0x3a: {  	s24 =	rddreg [dreg:$0x11];
	s25 =	simm.s32 $0xF00  }
0x3b: {  	[tilespmem:s25], [sflag:$0x1] =	stream.linear.gather [hbm4b:s24+s3], $0x140, $0x38;
	[tilespmem:$0x4260] =	vst v63  }
0x3c: {  	s19 =	rddreg [dreg:$0x12];
	s20 =	simm.s32 $0x1040  }
0x3d: {  	[tilespmem:s20], [sflag:$0x1] =	stream.linear.gather [hbm4b:s19+s3], $0x140, $0x38;
	[tilespmem:$0x4260] =	vst v63  }
0x3e: {  	s21 =	rddreg [dreg:$0x14];
	s22 =	simm.s32 $0x1180  }
0x3f: {  	[tilespmem:s22], [sflag:$0x1] =	stream.linear.gather [hbm4b:s21+s3], $0x140, $0x38;
	[tilespmem:$0x4260] =	vst v63  }
0x40: {  	s24 =	rddreg [dreg:$0x15];
	s25 =	simm.s32 $0x12C0  }
0x41: {  	[tilespmem:s25], [sflag:$0x1] =	stream.linear.gather [hbm4b:s24+s3], $0x140, $0x38;
	[tilespmem:$0x4260] =	vst v63  }
0x42: {  	s19 =	rddreg [dreg:$0x16];
	s20 =	simm.s32 $0x1400  }
0x43: {  	[tilespmem:s20], [sflag:$0x1] =	stream.linear.gather [hbm4b:s19+s3], $0x140, $0x38;
	[tilespmem:$0x4260] =	vst v63  }
0x44: {  	s21 =	rddreg [dreg:$0x17];
	s22 =	simm.s32 $0x1540  }
0x45: {  	[tilespmem:s22], [sflag:$0x1] =	stream.linear.gather [hbm4b:s21+s3], $0x140, $0x38;
	[tilespmem:$0x4260] =	vst v63  }
0x46: {  	s24 =	rddreg [dreg:$0x18];
	s25 =	simm.s32 $0x1680  }
0x47: {  	[tilespmem:s25], [sflag:$0x1] =	stream.linear.gather [hbm4b:s24+s3], $0x140, $0x38;
	[tilespmem:$0x4260] =	vst v63  }
0x48: {  	s20 =	rddreg [dreg:$0x19];
	s21 =	simm.s32 $0x17C0  }
0x49: {  	[tilespmem:s21], [sflag:$0x1] =	stream.linear.gather [hbm4b:s20+s3], $0x140, $0x38;
	[tilespmem:$0x4260] =	vst v63  }
0x4a: {  	s22 =	simm.s32 $0x1900  }
0x4b: {  	[tilespmem:s22], [sflag:$0x1] =	stream.linear.gather [hbm4b:s26+s3], $0x140, $0x38;
	[tilespmem:$0x4260] =	vst v63  }
0x4c: {  	s24 =	simm.s32 $0x1A40  }
0x4d: {  	[tilespmem:s24], [sflag:$0x1] =	stream.linear.gather [hbm4b:s28+s3], $0x140, $0x38;
	[tilespmem:$0x4260] =	vst v63  }
0x4e: {  	s25 =	simm.s32 $0x1B80  }
0x4f: {  	[tilespmem:s25], [sflag:$0x1] =	stream.linear.gather [hbm4b:s29+s3], $0x140, $0x38;
	[tilespmem:$0x4260] =	vst v63  }
0x50: {  	s19 =	simm.s32 $0x1CC0  }
0x51: {  	[tilespmem:s19], [sflag:$0x1] =	stream.linear.gather [hbm4b:s30+s3], $0x140, $0x38;
	[tilespmem:$0x4260] =	vst v63  }
0x52: {  	s20 =	simm.s32 $0x1E00  }
0x53: {  	[tilespmem:s20], [sflag:$0x1] =	stream.linear.gather [hbm4b:s31+s3], $0x140, $0x38;
	[tilespmem:$0x4260] =	vst v63  }
0x54: {  	s21 =	simm.s32 $0x1F40  }
0x55: {  	[tilespmem:s21], [sflag:$0x1] =	stream.linear.gather [hbm4b:s0+s3], $0x140, $0x38;
	[tilespmem:$0x4260] =	vst v63  }
0x56: {  	s22 =	simm.s32 $0x2080  }
0x57: {  	[tilespmem:s22], [sflag:$0x1] =	stream.linear.gather [hbm4b:s4+s3], $0x140, $0x38;
	[tilespmem:$0x4260] =	vst v63  }
0x58: {  	s24 =	simm.s32 $0x21C0  }
0x59: {  	[tilespmem:s24], [sflag:$0x1] =	stream.linear.gather [hbm4b:s5+s3], $0x140, $0x38;
	[tilespmem:$0x4260] =	vst v63  }
0x5a: {  	s25 =	simm.s32 $0x2300  }
0x5b: {  	[tilespmem:s25], [sflag:$0x1] =	stream.linear.gather [hbm4b:s6+s3], $0x140, $0x38;
	[tilespmem:$0x4260] =	vst v63  }
0x5c: {  	_ =	swait.ge [sflag:s10], $0x140  }
0x5d: {  	[sflag:s10] =	ssyncset.done $0x0  }
0x5e: {  	[sflag:s10] =	ssyncadd.s32 $0xFFFFFEC0  }
0x5f: {  	_ =	swait.ge [sflag:s10], $0x140  }
0x60: {  	[sflag:s10] =	ssyncset.done $0x0  }
0x61: {  	[sflag:s10] =	ssyncadd.s32 $0xFFFFFEC0  }
0x62: {  	_ =	swait.ge [sflag:s10], $0x140  }
0x63: {  	[sflag:s10] =	ssyncset.done $0x0  }
0x64: {  	[sflag:s10] =	ssyncadd.s32 $0xFFFFFEC0  }
0x65: {  	_ =	swait.ge [sflag:s10], $0x140  }
0x66: {  	[sflag:s10] =	ssyncset.done $0x0  }
0x67: {  	[sflag:s10] =	ssyncadd.s32 $0xFFFFFEC0  }
0x68: {  	_ =	swait.ge [sflag:s10], $0x140  }
0x69: {  	[sflag:s10] =	ssyncset.done $0x0  }
0x6a: {  	[sflag:s10] =	ssyncadd.s32 $0xFFFFFEC0  }
0x6b: {  	_ =	swait.ge [sflag:s10], $0x140  }
0x6c: {  	[sflag:s10] =	ssyncset.done $0x0  }
0x6d: {  	[sflag:s10] =	ssyncadd.s32 $0xFFFFFEC0  }
0x6e: {  	_ =	swait.ge [sflag:s10], $0x140  }
0x6f: {  	[sflag:s10] =	ssyncset.done $0x0  }
0x70: {  	[sflag:s10] =	ssyncadd.s32 $0xFFFFFEC0  }
0x71: {  	_ =	swait.ge [sflag:s10], $0x140  }
0x72: {  	[sflag:s10] =	ssyncset.done $0x0  }
0x73: {  	[sflag:s10] =	ssyncadd.s32 $0xFFFFFEC0  }
0x74: {  	_ =	swait.ge [sflag:s10], $0x140  }
0x75: {  	[sflag:s10] =	ssyncset.done $0x0  }
0x76: {  	[sflag:s10] =	ssyncadd.s32 $0xFFFFFEC0  }
0x77: {  	_ =	swait.ge [sflag:s10], $0x140  }
0x78: {  	[sflag:s10] =	ssyncset.done $0x0  }
0x79: {  	[sflag:s10] =	ssyncadd.s32 $0xFFFFFEC0  }
0x7a: {  	_ =	swait.ge [sflag:s10], $0x140  }
0x7b: {  	[sflag:s10] =	ssyncset.done $0x0  }
0x7c: {  	[sflag:s10] =	ssyncadd.s32 $0xFFFFFEC0  }
0x7d: {  	_ =	swait.ge [sflag:s10], $0x140  }
0x7e: {  	[sflag:s10] =	ssyncset.done $0x0  }
0x7f: {  	[sflag:s10] =	ssyncadd.s32 $0xFFFFFEC0  }
0x80: {  	_ =	swait.ge [sflag:s10], $0x140  }
0x81: {  	[sflag:s10] =	ssyncset.done $0x0  }
0x82: {  	[sflag:s10] =	ssyncadd.s32 $0xFFFFFEC0  }
0x83: {  	_ =	swait.ge [sflag:s10], $0x140  }
0x84: {  	[sflag:s10] =	ssyncset.done $0x0  }
0x85: {  	[sflag:s10] =	ssyncadd.s32 $0xFFFFFEC0  }
0x86: {  	_ =	swait.ge [sflag:s10], $0x140  }
0x87: {  	[sflag:s10] =	ssyncset.done $0x0  }
0x88: {  	[sflag:s10] =	ssyncadd.s32 $0xFFFFFEC0  }
0x89: {  	_ =	swait.ge [sflag:s10], $0x140  }
0x8a: {  	[sflag:s10] =	ssyncset.done $0x0  }
0x8b: {  	[sflag:s10] =	ssyncadd.s32 $0xFFFFFEC0  }
0x8c: {  	_ =	swait.ge [sflag:s10], $0x140  }
0x8d: {  	[sflag:s10] =	ssyncset.done $0x0  }
0x8e: {  	[sflag:s10] =	ssyncadd.s32 $0xFFFFFEC0  }
0x8f: {  	_ =	swait.ge [sflag:s10], $0x140  }
0x90: {  	[sflag:s10] =	ssyncset.done $0x0  }
0x91: {  	[sflag:s10] =	ssyncadd.s32 $0xFFFFFEC0  }
0x92: {  	_ =	swait.ge [sflag:s10], $0x140  }
0x93: {  	[sflag:s10] =	ssyncset.done $0x0  }
0x94: {  	[sflag:s10] =	ssyncadd.s32 $0xFFFFFEC0  }
0x95: {  	_ =	swait.ge [sflag:s10], $0x140  }
0x96: {  	[sflag:s10] =	ssyncset.done $0x0  }
0x97: {  	[sflag:s10] =	ssyncadd.s32 $0xFFFFFEC0  }
0x98: {  	_ =	swait.ge [sflag:s10], $0x140  }
0x99: {  	[sflag:s10] =	ssyncset.done $0x0  }
0x9a: {  	[sflag:s10] =	ssyncadd.s32 $0xFFFFFEC0  }
0x9b: {  	_ =	swait.ge [sflag:s10], $0x140  }
0x9c: {  	[sflag:s10] =	ssyncset.done $0x0  }
0x9d: {  	[sflag:s10] =	ssyncadd.s32 $0xFFFFFEC0  }
0x9e: {  	_ =	swait.ge [sflag:s10], $0x140  }
0x9f: {  	[sflag:s10] =	ssyncset.done $0x0  }
0xa0: {  	[sflag:s10] =	ssyncadd.s32 $0xFFFFFEC0  }
0xa1: {  	_ =	swait.ge [sflag:s10], $0x140  }
0xa2: {  	[sflag:s10] =	ssyncset.done $0x0  }
0xa3: {  	[sflag:s10] =	ssyncadd.s32 $0xFFFFFEC0  }
0xa4: {  	_ =	swait.ge [sflag:s10], $0x140  }
0xa5: {  	[sflag:s10] =	ssyncset.done $0x0  }
0xa6: {  	[sflag:s10] =	ssyncadd.s32 $0xFFFFFEC0  }
0xa7: {  	_ =	swait.ge [sflag:s10], $0x140  }
0xa8: {  	[sflag:s10] =	ssyncset.done $0x0  }
0xa9: {  	[sflag:s10] =	ssyncadd.s32 $0xFFFFFEC0  }
0xaa: {  	_ =	swait.ge [sflag:s10], $0x140  }
0xab: {  	[sflag:s10] =	ssyncset.done $0x0  }
0xac: {  	[sflag:s10] =	ssyncadd.s32 $0xFFFFFEC0  }
0xad: {  	_ =	swait.ge [sflag:s10], $0x140  }
0xae: {  	[sflag:s10] =	ssyncset.done $0x0  }
0xaf: {  	[sflag:s10] =	ssyncadd.s32 $0xFFFFFEC0  }
0xb0: {  	_ =	swait.ge [sflag:s10], $0x140  }
0xb1: {  	[sflag:s10] =	ssyncset.done $0x0  }
0xb2: {  	s2 =	simm.s32 $0x40;
	s19 =	simm.s32 $0x0;
	[sflag:s10] =	ssyncadd.s32 $0xFFFFFEC0  }
.LBB2_2:
0xb3: {  	p1 =	sne.s32 s2, $0x1BC0;
	[tilespmem:s19+$0x2BC0] =	vst v2;
	s19 =	smov.u32 s2;
	s2 =	sadd.s32 $0x40, s2  }
.Ltmp0:
0xb4: {  	(pc) =	sbr.rel @p1 .LBB2_2-.Ltmp0, $2  }
0xb5: {  	_ =	sdelay $0x2  }
0xb6: {  	s19 =	sshra.s32 s19, $0x2  }
0xb7: {  	[tilespmem:s19+$0x2BC0] =	vst v2  }
0xb8: {  	[tilespmem:$0x40C0] =	vst v3  }
0xb9: {  	[tilespmem:$0x40D0] =	vst v3  }
0xba: {  	[tilespmem:$0x40E0] =	vst v3  }
0xbb: {  	[tilespmem:$0x40F0] =	vst v3  }
0xbc: {  	[tilespmem:$0x4100] =	vst v3  }
0xbd: {  	[tilespmem:$0x4110] =	vst v3  }
0xbe: {  	s20 =	simm.s32 $0x0;
	[tilespmem:$0x4120] =	vst v3  }
0xbf: {  	v41 =	vld [tilespmem:s20+$0xB40]  }
0xc0: {  	v40 =	vld [tilespmem:s20+$0xC80];
	_ =	sdelay $0x1  }
0xc1: {  	v39 =	vld [tilespmem:s20+$0xDC0];
	_ =	sdelay $0x1  }
0xc2: {  	v18 =	vld [tilespmem:s20+$0xF00]  }
0xc3: {  	vm7 =	vgt.f32 v40, v41  }
0xc4: {  	v38 =	vld [tilespmem:s20+$0x1040];
	v14 =	vsel vm7, v40, v41  }
0xc5: {  	vm11 =	vgt.f32 v39, v14  }
0xc6: {  	v37 =	vld [tilespmem:s20+$0x1180];
	v14 =	vsel vm11, v39, v14  }
0xc7: {  	vm12 =	vgt.f32 v18, v14  }
0xc8: {  	v36 =	vld [tilespmem:s20+$0x12C0];
	v14 =	vsel vm12, v18, v14  }
0xc9: {  	vm9 =	vgt.f32 v38, v14  }
0xca: {  	v17 =	vld [tilespmem:s20+$0x1400];
	v14 =	vsel vm9, v38, v14  }
0xcb: {  	v15 =	vld [tilespmem:s20+$0x280];
	vm3 =	vgt.f32 v37, v14  }
0xcc: {  	v35 =	vld [tilespmem:s20+$0x1540];
	v14 =	vsel vm3, v37, v14  }
0xcd: {  	v16 =	vld [tilespmem:s20+$0x3C0];
	vm0 =	vgt.f32 v36, v14  }
0xce: {  	v22 =	vld [tilespmem:s20+$0x1680];
	v14 =	vsel vm0, v36, v14  }
0xcf: {  	v19 =	vld [tilespmem:s20+$0x500];
	vm1 =	vgt.f32 v17, v14  }
0xd0: {  	v33 =	vld [tilespmem:s20+$0x17C0];
	v14 =	vsel vm1, v17, v14  }
0xd1: {  	v26 =	vld [tilespmem:s20+$0x640];
	vm2 =	vgt.f32 v35, v14  }
0xd2: {  	v25 =	vld [tilespmem:s20+$0x1900];
	v15 =	vmul.f32 $1.442695020e+00, v15;
	v14 =	vsel vm2, v35, v14  }
0xd3: {  	v30 =	vld [tilespmem:s20+$0x1A40];
	v16 =	vmul.f32 $1.442695020e+00, v16;
	vm4 =	vgt.f32 v22, v14  }
0xd4: {  	(erf) = vpow2.f32 v15;
	v15 =	vld [tilespmem:s20+$0x780];
	v14 =	vsel vm4, v22, v14  }
0xd5: {  	v27 =	vld [tilespmem:s20+$0x1B80];
	(erf) = vpow2.f32 v16;
	vm5 =	vgt.f32 v33, v14  }
0xd6: {  	v16 =	vld [tilespmem:s20+$0x8C0];
	v14 =	vsel vm5, v33, v14  }
0xd7: {  	vm6 =	vgt.f32 v25, v14  }
0xd8: {  	v24 =	vld [tilespmem:s20+$0x1CC0];
	v21 =	vsel vm7, $0x4000, v5;
	v14 =	vsel vm6, v25, v14  }
0xd9: {  	v20 =	vld [tilespmem:s20+$0x0];
	v21 =	vsel vm11, $0x6000, v21;
	v15 =	vsub.f32 v15, v19;
	vm7 =	vgt.f32 v30, v14  }
0xda: {  	v23 =	vld [tilespmem:s20+$0x1E00];
	v21 =	vsel vm12, $0x8000, v21;
	v14 =	vsel vm7, v30, v14  }
0xdb: {  	v28 =	vld [tilespmem:s20+$0x140];
	v16 =	vsub.f32 v16, v26;
	v32 =	vmul.f32 $5.000000000e-01, v15;
	vm11 =	vgt.f32 v27, v14  }
0xdc: {  	v31 =	vld [tilespmem:s20+$0x1F40];
	v29 =	vsel vm9, $0xA000, v21;
	v14 =	vsel vm11, v27, v14  }
0xdd: {  	v54 =	vmul.f32 $5.000000000e-01, v16;
	v21 =	vpop (erf);
	v19 =	vadd.f32 v32, v19;
	vm12 =	vgt.f32 v24, v14  }
0xde: {  	v34 =	vmul.f32 v15, v21;
	v42 =	vpop (erf);
	v15 =	vmul.f32 v15, v20;
	v21 =	vld [tilespmem:s20+$0x2080];
	v14 =	vsel vm12, v24, v14  }
0xdf: {  	v32 =	vadd.f32 v54, v26;
	v42 =	vmul.f32 v16, v42;
	vm13 =	vgt.f32 v23, v14  }
0xe0: {  	v20 =	vld [tilespmem:s20+$0x21C0];
	v16 =	vmul.f32 v16, v28;
	v28 =	vsel vm3, $0xC000, v29;
	v14 =	vsel vm13, v23, v14  }
0xe1: {  	v43 =	vld [tilespmem:s20+$0xA00];
	v34 =	vmul.f32 $5.000000000e-01, v34;
	v15 =	vadd.f32 v19, v15;
	vm15 =	vgt.f32 v31, v14  }
0xe2: {  	s21 =	simm.s32 $0x10;
	v19 =	vld [tilespmem:s20+$0x2300];
	v28 =	vsel vm0, $0xE000, v28;
	v42 =	vmul.f32 $5.000000000e-01, v42;
	v14 =	vsel vm15, v31, v14  }
0xe3: {  	v26 =	vld [tilespmem:s21+$0xB40];
	v44 =	vadd.f32 v32, v16;
	v29 =	vsub.f32 v15, v34;
	vm0 =	vgt.f32 v21, v14  }
0xe4: {  	v16 =	vld [tilespmem:s21+$0xC80];
	v28 =	vsel vm1, $0x10000, v28;
	v14 =	vsel vm0, v21, v14  }
0xe5: {  	v55 =	vsel vm2, $0x12000, v28;
	[tilespmem:s20+$0x2440] =	vst v29;
	v29 =	vsub.f32 v44, v42;
	vm1 =	vgt.f32 v20, v14  }
0xe6: {  	v32 =	vsel vm4, $0x14000, v55;
	v28 =	vld [tilespmem:s21+$0xDC0];
	v14 =	vsel vm1, v20, v14  }
0xe7: {  	v34 =	vadd.f32 v15, v34;
	v45 =	vld [tilespmem:s21+$0x280];
	[tilespmem:s20+$0x2580] =	vst v29;
	v29 =	vsel vm5, $0x16000, v32;
	vm9 =	vgt.f32 v19, v14  }
0xe8: {  	v42 =	vadd.f32 v44, v42;
	v46 =	vld [tilespmem:s21+$0x3C0];
	v15 =	vsel vm6, $0x18000, v29;
	v14 =	vsel vm9, v19, v14  }
0xe9: {  	vm2 =	vgt.f32 v16, v26;
	v32 =	vld [tilespmem:s21+$0x500];
	[tilespmem:s20+$0x26C0] =	vst v34;
	v29 =	vsel vm7, $0x1A000, v15;
	v15 =	vmax.f32 v43, v14  }
0xea: {  	v57 =	vsel vm2, v16, v26;
	v34 =	vld [tilespmem:s21+$0x640];
	v43 =	vsub.f32 v43, v15  }
0xeb: {  	vm14 =	vgt.f32 v28, v57;
	v56 =	vsel vm11, $0x1C000, v29;
	v29 =	vld [tilespmem:s21+$0xF00];
	[tilespmem:s20+$0x2800] =	vst v42  }
0xec: {  	v58 =	vsel vm14, v28, v57;
	v57 =	vld [tilespmem:s21+$0x780];
	v48 =	vsub.f32 v41, v15;
	v43 =	vmul.f32 $1.442695020e+00, v43  }
0xed: {  	v45 =	vmul.f32 $1.442695020e+00, v45;
	v47 =	vsel vm12, $0x1E000, v56  }
0xee: {  	v40 =	vsub.f32 v40, v15;
	v59 =	vmul.f32 $1.442695020e+00, v48;
	(erf) = vpow2.f32 v43  }
0xef: {  	v49 =	vmul.f32 $1.442695020e+00, v46;
	v47 =	vsel vm13, $0x20000, v47;
	(erf) = vpow2.f32 v45  }
0xf0: {  	v39 =	vsub.f32 v39, v15;
	v40 =	vmul.f32 $1.442695020e+00, v40;
	(erf) = vpow2.f32 v59  }
0xf1: {  	v60 =	vsel vm15, $0x22000, v47;
	v44 =	vsub.f32 v57, v32;
	v62 =	vsub.f32 v18, v15  }
0xf2: {  	v38 =	vsub.f32 v38, v15;
	v39 =	vmul.f32 $1.442695020e+00, v39;
	(erf) = vpow2.f32 v40  }
0xf3: {  	vm15 =	vgt.f32 v29, v58;
	v37 =	vsub.f32 v37, v15;
	v36 =	vsub.f32 v36, v15  }
0xf4: {  	v53 =	vsub.f32 v17, v15;
	v63 =	vmul.f32 $1.442695020e+00, v62;
	(erf) = vpow2.f32 v39  }
0xf5: {  	v42 =	vsel vm15, v29, v58;
	v35 =	vsub.f32 v35, v15;
	v58 =	vsub.f32 v22, v15  }
0xf6: {  	v33 =	vsub.f32 v33, v15;
	v38 =	vmul.f32 $1.442695020e+00, v38;
	(erf) = vpow2.f32 v63  }
0xf7: {  	v61 =	vsel vm0, $0x24000, v60;
	v30 =	vsub.f32 v30, v15;
	v24 =	vsub.f32 v24, v15;
	v50 =	vpop (erf)  }
0xf8: {  	v37 =	vmul.f32 $1.442695020e+00, v37;
	(erf) = vpow2.f32 v38;
	v46 =	vpop (erf);
	v40 =	vadd.f32 $0.0e+00, v50  }
0xf9: {  	v18 =	vsel vm1, $0x26000, v61;
	v23 =	vsub.f32 v23, v15;
	v31 =	vsub.f32 v31, v15;
	v54 =	vpop (erf)  }
0xfa: {  	v41 =	vld [tilespmem:s21+$0x1040];
	v36 =	vmul.f32 $1.442695020e+00, v36;
	(erf) = vpow2.f32 v37;
	v40 =	vadd.f32 v40, v54  }
0xfb: {  	v21 =	vsub.f32 v21, v15;
	v20 =	vsub.f32 v20, v15;
	(erf) = vpow2.f32 v49;
	v55 =	vpop (erf)  }
0xfc: {  	v56 =	vmul.f32 $1.442695020e+00, v53;
	v43 =	vld [tilespmem:s21+$0x1180];
	(erf) = vpow2.f32 v36;
	v37 =	vadd.f32 v40, v55  }
0xfd: {  	v19 =	vsub.f32 v19, v15;
	v14 =	vsub.f32 v14, v15;
	v48 =	vsel vm2, $0x4000, v5;
	v59 =	vpop (erf)  }
0xfe: {  	v35 =	vmul.f32 $1.442695020e+00, v35;
	v45 =	vld [tilespmem:s21+$0x12C0];
	(erf) = vpow2.f32 v56;
	v37 =	vadd.f32 v37, v59  }
0xff: {  	v61 =	vmul.f32 $1.442695020e+00, v58;
	v33 =	vmul.f32 $1.442695020e+00, v33;
	vm12 =	vgt.f32 v41, v42;
	v60 =	vpop (erf)  }
0x100: {  	v42 =	vsel vm12, v41, v42;
	(erf) = vpow2.f32 v35;
	v37 =	vadd.f32 v37, v60  }
0x101: {  	v39 =	vsel vm14, $0x6000, v48;
	vm13 =	vgt.f32 v43, v42;
	v63 =	vsub.f32 v25, v15;
	v48 =	vpop (erf)  }
0x102: {  	v17 =	vld [tilespmem:s21+$0x1400];
	v52 =	vsel vm13, v43, v42;
	(erf) = vpow2.f32 v61;
	v37 =	vadd.f32 v37, v48  }
0x103: {  	v53 =	vsub.f32 v27, v15;
	v30 =	vmul.f32 $1.442695020e+00, v30;
	vm14 =	vgt.f32 v45, v52;
	v49 =	vpop (erf)  }
0x104: {  	v50 =	vmul.f32 $1.442695020e+00, v63;
	(erf) = vpow2.f32 v33;
	v40 =	vpop (erf);
	v36 =	vadd.f32 v37, v49  }
0x105: {  	v22 =	vld [tilespmem:s21+$0x1540];
	v24 =	vmul.f32 $1.442695020e+00, v24;
	v51 =	vsel vm15, $0x8000, v39;
	v39 =	vsel vm14, v45, v52;
	v54 =	vpop (erf)  }
0x106: {  	v38 =	vsel vm12, $0xA000, v51;
	(erf) = vpow2.f32 v50;
	v36 =	vadd.f32 v36, v54  }
0x107: {  	v23 =	vmul.f32 $1.442695020e+00, v23;
	v25 =	vld [tilespmem:s21+$0x1680];
	vm15 =	vgt.f32 v17, v39;
	v38 =	vsel vm13, $0xC000, v38;
	v55 =	vpop (erf)  }
0x108: {  	v62 =	vld [tilespmem:s21+$0x8C0];
	v56 =	vmul.f32 $1.442695020e+00, v53;
	(erf) = vpow2.f32 v30;
	v35 =	vadd.f32 v36, v55  }
0x109: {  	v31 =	vmul.f32 $1.442695020e+00, v31;
	v39 =	vsel vm15, v17, v39;
	v38 =	vsel vm14, $0xE000, v38;
	v58 =	vpop (erf)  }
0x10a: {  	v27 =	vld [tilespmem:s21+$0x17C0];
	vm4 =	vgt.f32 v22, v39;
	(erf) = vpow2.f32 v56;
	v35 =	vadd.f32 v35, v58  }
0x10b: {  	v21 =	vmul.f32 $1.442695020e+00, v21;
	v51 =	vsel vm15, $0x10000, v38;
	v52 =	vsel vm4, v22, v39;
	v60 =	vpop (erf)  }
0x10c: {  	vm5 =	vgt.f32 v25, v52;
	v30 =	vld [tilespmem:s21+$0x1900];
	(erf) = vpow2.f32 v24;
	v35 =	vadd.f32 v35, v60  }
0x10d: {  	v42 =	vsub.f32 v62, v34;
	v57 =	vsel vm5, v25, v52;
	v33 =	vsel vm4, $0x12000, v51;
	v62 =	vpop (erf)  }
0x10e: {  	v24 =	vsel vm5, $0x14000, v33;
	v33 =	vld [tilespmem:s21+$0x1A40];
	(erf) = vpow2.f32 v23;
	v35 =	vadd.f32 v35, v62  }
0x10f: {  	v20 =	vmul.f32 $1.442695020e+00, v20;
	v19 =	vmul.f32 $1.442695020e+00, v19;
	vm12 =	vgt.f32 v27, v57;
	v63 =	vpop (erf)  }
0x110: {  	v61 =	vsel vm12, v27, v57;
	v36 =	vld [tilespmem:s21+$0x1B80];
	(erf) = vpow2.f32 v31;
	v35 =	vadd.f32 v35, v63  }
0x111: {  	v14 =	vmul.f32 $1.442695020e+00, v14;
	v59 =	vmul.f32 $5.000000000e-01, v44;
	vm13 =	vgt.f32 v30, v61;
	v47 =	vpop (erf)  }
0x112: {  	v48 =	vld [tilespmem:s21+$0x0];
	v24 =	vsel vm12, $0x16000, v24;
	v31 =	vsel vm13, v30, v61;
	v37 =	vadd.f32 v35, v47  }
0x113: {  	(erf) = vpow2.f32 v21;
	v21 =	vmul.f32 v44, v46;
	vm14 =	vgt.f32 v33, v31;
	v49 =	vpop (erf);
	v35 =	vld [tilespmem:s21+$0x1CC0]  }
0x114: {  	(erf) = vpow2.f32 v20;
	v31 =	vsel vm14, v33, v31;
	v46 =	vadd.f32 v37, v49  }
0x115: {  	v24 =	vsel vm13, $0x18000, v24;
	v51 =	vpop (erf);
	vm15 =	vgt.f32 v36, v31;
	(erf) = vpow2.f32 v19;
	v37 =	vld [tilespmem:s21+$0x1E00]  }
0x116: {  	v52 =	vld [tilespmem:s21+$0x140];
	v19 =	vsel vm14, $0x1A000, v24;
	v24 =	vsel vm15, v36, v31;
	v38 =	vadd.f32 v46, v51  }
0x117: {  	v50 =	vmul.f32 v42, v40;
	v40 =	vld [tilespmem:s21+$0x1F40];
	v53 =	vmul.f32 v44, v48;
	v31 =	vpop (erf)  }
0x118: {  	v23 =	vmul.f32 $5.000000000e-01, v42;
	vm4 =	vgt.f32 v35, v24;
	v31 =	vadd.f32 v38, v31  }
0x119: {  	v39 =	vld [tilespmem:s21+$0x2080];
	v20 =	vadd.f32 v59, v32;
	v54 =	vsel vm15, $0x1C000, v19;
	v19 =	vsel vm4, v35, v24;
	v24 =	vpop (erf)  }
0x11a: {  	v23 =	vadd.f32 v23, v34;
	vm5 =	vgt.f32 v37, v19;
	v24 =	vadd.f32 v31, v24  }
0x11b: {  	v38 =	vld [tilespmem:s21+$0x21C0];
	v31 =	vadd.f32 v20, v53;
	v20 =	vmul.f32 v42, v52;
	v55 =	vsel vm5, v37, v19  }
0x11c: {  	v56 =	vld [tilespmem:s21+$0xA00];
	v32 =	vmul.f32 $5.000000000e-01, v50;
	v21 =	vmul.f32 $5.000000000e-01, v21;
	v19 =	vpop (erf);
	vm12 =	vgt.f32 v40, v55  }
0x11d: {  	s22 =	simm.s32 $0x20;
	v34 =	vld [tilespmem:s21+$0x2300];
	v24 =	vadd.f32 v24, v19;
	v58 =	vadd.f32 v23, v20;
	v23 =	vsel vm12, v40, v55  }
0x11e: {  	v59 =	vsel vm4, $0x1E000, v54;
	v57 =	vsub.f32 v31, v21;
	v19 =	vld [tilespmem:s22+$0xB40];
	v15 =	vpop (erf);
	vm13 =	vgt.f32 v39, v23  }
0x11f: {  	v42 =	vsel vm5, $0x20000, v59;
	v20 =	vld [tilespmem:s22+$0xC80];
	v15 =	vadd.f32 v24, v15;
	v24 =	vsel vm13, v39, v23  }
0x120: {  	(erf) = vpow2.f32 v14;
	v42 =	vsel vm12, $0x22000, v42;
	[tilespmem:s21+$0x2440] =	vst v57;
	vm14 =	vgt.f32 v38, v24  }
0x121: {  	v14 =	vadd.f32 v31, v21;
	v60 =	vsub.f32 v58, v32;
	v23 =	vpop (erf);
	v47 =	vld [tilespmem:s22+$0x280];
	v24 =	vsel vm14, v38, v24  }
0x122: {  	v21 =	vsel vm13, $0x24000, v42;
	v15 =	vadd.f32 v15, v23;
	vm15 =	vgt.f32 v34, v24  }
0x123: {  	v61 =	vadd.f32 v58, v32;
	v23 =	vld [tilespmem:s22+$0xDC0];
	[tilespmem:s21+$0x2580] =	vst v60;
	v21 =	vsel vm14, $0x26000, v21;
	v31 =	vsel vm15, v34, v24  }
0x124: {  	v44 =	vld [tilespmem:s22+$0x3C0];
	vm4 =	vgt.f32 v20, v19;
	(erf) = vrcp.f32 v15;
	v32 =	vmax.f32 v56, v31  }
0x125: {  	v15 =	vsel vm9, $0x28000, v18;
	v18 =	vld [tilespmem:s22+$0x500];
	[tilespmem:s21+$0x26C0] =	vst v14;
	v14 =	vsel vm15, $0x28000, v21;
	v46 =	vsub.f32 v56, v32  }
0x126: {  	v49 =	vsel vm4, v20, v19;
	v50 =	vsel vm4, $0x4000, v5;
	v47 =	vmul.f32 $1.442695020e+00, v47  }
0x127: {  	v51 =	vsub.f32 v26, v32;
	v55 =	vsub.f32 v16, v32;
	v46 =	vmul.f32 $1.442695020e+00, v46  }
0x128: {  	v24 =	vld [tilespmem:s22+$0xF00];
	v16 =	vor.u32 s23, v4;
	v28 =	vsub.f32 v28, v32;
	v29 =	vsub.f32 v29, v32  }
0x129: {  	v21 =	vld [tilespmem:s22+$0x640];
	[tilespmem:s21+$0x2800] =	vst v61;
	v61 =	vsub.f32 v41, v32;
	v54 =	vmul.f32 $1.442695020e+00, v51;
	(erf) = vpow2.f32 v46  }
0x12a: {  	v45 =	vsub.f32 v45, v32;
	vm5 =	vgt.f32 v23, v49;
	(erf) = vpow2.f32 v47  }
0x12b: {  	v26 =	vld [tilespmem:s22+$0x1040];
	vm13 =	vlt.u32 v16, $0x1388;
	v57 =	vmul.f32 $1.442695020e+00, v55;
	(erf) = vpow2.f32 v54  }
0x12c: {  	v56 =	vpop (erf);
	v48 =	vmul.f32 $1.442695020e+00, v44;
	v62 =	vsel vm5, v23, v49;
	v28 =	vmul.f32 $1.442695020e+00, v28  }
0x12d: {  	v63 =	vsel vm5, $0x6000, v50;
	v52 =	vmul.f32 $1.442695020e+00, v29;
	v58 =	vpop (erf);
	(erf) = vpow2.f32 v57  }
0x12e: {  	v53 =	vmul.f32 $1.442695020e+00, v61;
	vm12 =	vgt.f32 v24, v62;
	v46 =	vld [tilespmem:s22+$0x1180];
	v60 =	vmul.f32 v58, v56  }
0x12f: {  	v42 =	vld [tilespmem:s22+$0x780];
	v59 =	vsel vm12, v24, v62;
	v44 =	vsel vm12, $0x8000, v63;
	(erf) = vpow2.f32 v28  }
0x130: {  	v41 =	vld [tilespmem:s22+$0x8C0];
	vm14 =	vgt.f32 v26, v59;
	v54 =	vsub.f32 v43, v32;
	vm15 =	vgt.f32 v60, $5.000000070e-02  }
0x131: {  	v47 =	vld [tilespmem:s22+$0x12C0];
	v49 =	vsel vm14, v26, v59;
	(erf) = vpow2.f32 v52;
	vm1 =	vmand vm13, vm15  }
0x132: {  	v29 =	vld [tilespmem:s22+$0x140];
	v44 =	vsel vm14, $0xA000, v44;
	v50 =	vmul.f32 $1.442695020e+00, v54;
	v62 =	vnsel vm1, $0xBF800000, v60;
	v63 =	vpop (erf)  }
0x133: {  	s19 =	simm.s32 $0x0;
	s24 =	simm.s32 $0xC0;
	s2 =	smov.u32 s23;
	v28 =	vld [tilespmem:s22+$0x0];
	vm9 =	vgt.f32 v46, v49;
	[tilespmem:s20+$0x2A80] =	vst v62;
	(erf) = vpow2.f32 v53;
	v43 =	vpop (erf);
	v51 =	vadd.f32 $0.0e+00, v63  }
.LBB2_4:
0x134: {  	p1 =	sne.s32 s24, $0x4C0;
	v49 =	vsel vm9, v46, v49;
	v52 =	vsel vm9, $0xC000, v44;
	v53 =	vsub.f32 v17, v32;
	v44 =	vpop (erf)  }
0x135: {  	v54 =	vmul.f32 $1.442695020e+00, v45;
	v17 =	vld [tilespmem:s22+$0x1400];
	v55 =	vadd.f32 v51, v44;
	(erf) = vpow2.f32 v50;
	v44 =	vmovc v46  }
0x136: {  	v46 =	vsub.f32 v22, v32;
	vm0 =	vgt.f32 v47, v49;
	(erf) = vpow2.f32 v48;
	v22 =	vpop (erf)  }
0x137: {  	v53 =	vmul.f32 $1.442695020e+00, v53;
	v45 =	vmovc v47;
	v48 =	vadd.f32 v55, v22;
	(erf) = vpow2.f32 v54  }
0x138: {  	v25 =	vsub.f32 v25, v32;
	v47 =	vsel vm0, v45, v49;
	v49 =	vsel vm0, $0xE000, v52;
	v51 =	vpop (erf)  }
0x139: {  	v46 =	vmul.f32 $1.442695020e+00, v46;
	v22 =	vld [tilespmem:s22+$0x1540];
	v48 =	vadd.f32 v48, v51;
	(erf) = vpow2.f32 v53  }
0x13a: {  	v42 =	vsub.f32 v42, v18;
	v27 =	vsub.f32 v27, v32;
	vm0 =	vgt.f32 v17, v47;
	v50 =	vpop (erf)  }
0x13b: {  	v48 =	vadd.f32 v48, v50;
	v50 =	vmul.f32 $1.442695020e+00, v25;
	(erf) = vpow2.f32 v46  }
0x13c: {  	v30 =	vsub.f32 v30, v32;
	v46 =	vsel vm0, v17, v47;
	v47 =	vsel vm0, $0x10000, v49;
	v49 =	vpop (erf)  }
0x13d: {  	v27 =	vmul.f32 $1.442695020e+00, v27;
	v25 =	vld [tilespmem:s22+$0x1680];
	v48 =	vadd.f32 v48, v49;
	(erf) = vpow2.f32 v50  }
0x13e: {  	v41 =	vsub.f32 v41, v21;
	v33 =	vsub.f32 v33, v32;
	vm0 =	vgt.f32 v22, v46;
	v49 =	vpop (erf)  }
0x13f: {  	v51 =	vmul.f32 $1.442695020e+00, v30;
	v50 =	vpop (erf);
	v48 =	vadd.f32 v48, v49;
	(erf) = vpow2.f32 v27  }
0x140: {  	v36 =	vsub.f32 v36, v32;
	v46 =	vsel vm0, v22, v46;
	v47 =	vsel vm0, $0x12000, v47;
	v49 =	vpop (erf)  }
0x141: {  	v33 =	vmul.f32 $1.442695020e+00, v33;
	v27 =	vld [tilespmem:s22+$0x17C0];
	v48 =	vadd.f32 v48, v49;
	(erf) = vpow2.f32 v51  }
0x142: {  	v35 =	vsub.f32 v35, v32;
	v49 =	vmul.f32 $5.000000000e-01, v42;
	vm0 =	vgt.f32 v25, v46;
	v30 =	vpop (erf)  }
0x143: {  	v36 =	vmul.f32 $1.442695020e+00, v36;
	v48 =	vadd.f32 v48, v30;
	(erf) = vpow2.f32 v33  }
0x144: {  	v37 =	vsub.f32 v37, v32;
	v33 =	vsel vm0, v25, v46;
	v46 =	vsel vm0, $0x14000, v47;
	v47 =	vpop (erf)  }
0x145: {  	v35 =	vmul.f32 $1.442695020e+00, v35;
	v30 =	vld [tilespmem:s22+$0x1900];
	v51 =	vadd.f32 v48, v47;
	(erf) = vpow2.f32 v36  }
0x146: {  	v48 =	vmul.f32 $5.000000000e-01, v41;
	v36 =	vsub.f32 v40, v32;
	vm0 =	vgt.f32 v27, v33;
	v40 =	vpop (erf)  }
0x147: {  	v37 =	vmul.f32 $1.442695020e+00, v37;
	v40 =	vadd.f32 v51, v40;
	(erf) = vpow2.f32 v35  }
0x148: {  	v39 =	vsub.f32 v39, v32;
	v35 =	vsel vm0, v27, v33;
	v46 =	vsel vm0, $0x16000, v46;
	v47 =	vpop (erf)  }
0x149: {  	v36 =	vmul.f32 $1.442695020e+00, v36;
	v33 =	vld [tilespmem:s22+$0x1A40];
	v40 =	vadd.f32 v40, v47;
	(erf) = vpow2.f32 v37  }
0x14a: {  	v43 =	vmul.f32 v42, v43;
	v37 =	vsub.f32 v38, v32;
	vm0 =	vgt.f32 v30, v35;
	v38 =	vpop (erf)  }
0x14b: {  	v51 =	vmul.f32 $1.442695020e+00, v39;
	v38 =	vadd.f32 v40, v38;
	(erf) = vpow2.f32 v36  }
0x14c: {  	v34 =	vsub.f32 v34, v32;
	v40 =	vsel vm0, v30, v35;
	v46 =	vsel vm0, $0x18000, v46;
	v36 =	vld [tilespmem:s22+$0x1B80];
	v35 =	vpop (erf)  }
0x14d: {  	v37 =	vmul.f32 $1.442695020e+00, v37;
	v38 =	vadd.f32 v38, v35;
	(erf) = vpow2.f32 v51  }
0x14e: {  	v18 =	vadd.f32 v49, v18;
	v47 =	vmul.f32 v41, v50;
	vm0 =	vgt.f32 v33, v40;
	v35 =	vld [tilespmem:s22+$0x1CC0];
	v39 =	vpop (erf)  }
0x14f: {  	v34 =	vmul.f32 $1.442695020e+00, v34;
	v38 =	vadd.f32 v38, v39;
	(erf) = vpow2.f32 v37  }
0x150: {  	v21 =	vadd.f32 v48, v21;
	v39 =	vsel vm0, v33, v40;
	v40 =	vsel vm0, $0x1A000, v46;
	v37 =	vld [tilespmem:s22+$0x1E00];
	v46 =	vpop (erf)  }
0x151: {  	vm0 =	vgt.f32 v36, v39;
	v38 =	vadd.f32 v38, v46;
	(erf) = vpow2.f32 v34  }
0x152: {  	v28 =	vmul.f32 v42, v28;
	v34 =	vsel vm0, v36, v39;
	v39 =	vsel vm0, $0x1C000, v40;
	v40 =	vld [tilespmem:s22+$0x1F40];
	v42 =	vpop (erf)  }
0x153: {  	v29 =	vmul.f32 v41, v29;
	vm0 =	vgt.f32 v35, v34;
	v38 =	vadd.f32 v38, v42  }
0x154: {  	v41 =	vmul.f32 $5.000000000e-01, v43;
	v34 =	vsel vm0, v35, v34;
	v48 =	vsel vm0, $0x1E000, v39;
	v39 =	vld [tilespmem:s22+$0x2080];
	v43 =	vpop (erf)  }
0x155: {  	v46 =	vmul.f32 $5.000000000e-01, v47;
	vm0 =	vgt.f32 v37, v34;
	v43 =	vadd.f32 v38, v43  }
0x156: {  	v18 =	vadd.f32 v18, v28;
	v28 =	vsel vm0, v37, v34;
	v34 =	vsel vm0, $0x20000, v48;
	v38 =	vld [tilespmem:s22+$0x21C0];
	v42 =	vpop (erf)  }
0x157: {  	v21 =	vadd.f32 v21, v29;
	vm0 =	vgt.f32 v40, v28;
	v29 =	vadd.f32 v43, v42  }
0x158: {  	v31 =	vsub.f32 v31, v32;
	v28 =	vsel vm0, v40, v28;
	v49 =	vsel vm0, $0x22000, v34;
	v34 =	vld [tilespmem:s22+$0x2300];
	v32 =	vpop (erf)  }
0x159: {  	s25 =	sshra.s32 s24, $0x2;
	v43 =	vsub.f32 v18, v41;
	vm0 =	vgt.f32 v39, v28;
	v47 =	vld [tilespmem:s22+$0xA00];
	v29 =	vadd.f32 v29, v32  }
0x15a: {  	v31 =	vmul.f32 $1.442695020e+00, v31;
	v48 =	vld [tilespmem:s25+$0xB40];
	v28 =	vsel vm0, v39, v28;
	v32 =	vsel vm0, $0x24000, v49;
	v42 =	vpop (erf)  }
0x15b: {  	v50 =	vsub.f32 v21, v46;
	v49 =	vld [tilespmem:s25+$0xC80];
	vm0 =	vgt.f32 v38, v28;
	[tilespmem:s22+$0x2440] =	vst v43;
	v29 =	vadd.f32 v29, v42  }
0x15c: {  	v42 =	vld [tilespmem:s25+$0x280];
	v28 =	vsel vm0, v38, v28;
	v32 =	vsel vm0, $0x26000, v32;
	(erf) = vpow2.f32 v31  }
0x15d: {  	v41 =	vadd.f32 v18, v41;
	v43 =	vld [tilespmem:s25+$0xDC0];
	vm0 =	vgt.f32 v34, v28;
	[tilespmem:s22+$0x2580] =	vst v50;
	(erf) = vrcp.f32 v29  }
0x15e: {  	v46 =	vadd.f32 v21, v46;
	v29 =	vld [tilespmem:s25+$0x3C0];
	v31 =	vsel vm0, v34, v28;
	v21 =	vsel vm0, $0x28000, v32  }
0x15f: {  	v16 =	vadd.s32 v16, v15;
	v15 =	vmovc v14;
	v18 =	vld [tilespmem:s25+$0x500];
	v32 =	vmax.f32 v47, v31;
	[tilespmem:s22+$0x26C0] =	vst v41;
	v14 =	vmov v21  }
0x160: {  	vm0 =	vgt.f32 v49, v48;
	v50 =	vld [tilespmem:s25+$0xF00];
	v28 =	vsub.f32 v47, v32;
	[tilespmem:s20+$0x2940] =	vst v16;
	s20 =	smov.u32 s21;
	s21 =	smov.u32 s22;
	s22 =	smov.u32 s25  }
0x161: {  	v21 =	vld [tilespmem:s22+$0x640];
	v16 =	vmul.f32 $1.442695020e+00, v42;
	v47 =	vsel vm0, v49, v48;
	v51 =	vsel vm0, $0x4000, v5;
	[tilespmem:s21+$0x2800] =	vst v46  }
0x162: {  	v46 =	vsub.f32 v19, v32;
	v19 =	vmovc v48;
	v42 =	vld [tilespmem:s22+$0x780];
	vm0 =	vgt.f32 v43, v47;
	v28 =	vmul.f32 $1.442695020e+00, v28  }
0x163: {  	v41 =	vld [tilespmem:s22+$0x8C0];
	v48 =	vmul.f32 $1.442695020e+00, v29;
	v47 =	vsel vm0, v43, v47;
	v51 =	vsel vm0, $0x6000, v51  }
0x164: {  	s2 =	sadd.s32 $0x10, s2;
	v53 =	vsub.f32 v20, v32;
	v20 =	vmovc v49;
	v46 =	vmul.f32 $1.442695020e+00, v46;
	v52 =	vld [tilespmem:s22+$0x1040];
	(erf) = vpow2.f32 v28  }
0x165: {  	v28 =	vld [tilespmem:s22+$0x0];
	vm0 =	vgt.f32 v50, v47;
	(erf) = vpow2.f32 v16;
	v16 =	vor.u32 s2, v4;
	v49 =	vpop (erf)  }
0x166: {  	v54 =	vsub.f32 v23, v32;
	v53 =	vmul.f32 $1.442695020e+00, v53;
	v29 =	vld [tilespmem:s22+$0x140];
	(erf) = vpow2.f32 v46;
	v23 =	vpop (erf)  }
0x167: {  	v47 =	vsel vm0, v50, v47;
	vm1 =	vlt.u32 v16, $0x1388;
	v55 =	vmul.f32 v23, v49;
	v23 =	vmovc v43  }
0x168: {  	v43 =	vmul.f32 $1.442695020e+00, v54;
	v49 =	vsub.f32 v24, v32;
	v24 =	vmovc v50;
	v46 =	vld [tilespmem:s22+$0x1180];
	(erf) = vpow2.f32 v53  }
0x169: {  	v50 =	vsub.f32 v26, v32;
	vm2 =	vgt.f32 v52, v47;
	vm3 =	vgt.f32 v55, $5.000000070e-02;
	v26 =	vmovc v52  }
.Ltmp1:
0x16a: {  	v52 =	vmul.f32 $1.442695020e+00, v49;
	(erf) = vpow2.f32 v43;
	vm1 =	vmand vm1, vm3;
	(pc) =	sbr.rel @p1 .LBB2_4-.Ltmp1, $4  }
0x16b: {  	v43 =	vsel vm0, $0x8000, v51;
	v49 =	vsel vm2, v26, v47;
	v54 =	vnsel vm1, $0xBF800000, v55  }
0x16c: {  	v53 =	vmul.f32 $1.442695020e+00, v50;
	v50 =	vsub.f32 v44, v32;
	v47 =	vld [tilespmem:s22+$0x12C0];
	(erf) = vpow2.f32 v52;
	[tilespmem:s20+$0x2A80] =	vst v54  }
0x16d: {  	v45 =	vsub.f32 v45, v32;
	v44 =	vsel vm2, $0xA000, v43;
	vm9 =	vgt.f32 v46, v49;
	v51 =	vpop (erf)  }
0x16e: {  	s24 =	sadd.s32 $0x40, s24;
	v50 =	vmul.f32 $1.442695020e+00, v50;
	v43 =	vpop (erf);
	v51 =	vadd.f32 $0.0e+00, v51;
	(erf) = vpow2.f32 v53  }
0x16f: {  	v17 =	vsub.f32 v17, v32;
	v52 =	vpop (erf)  }
0x170: {  	v45 =	vmul.f32 $1.442695020e+00, v45;
	v51 =	vadd.f32 v51, v52;
	(erf) = vpow2.f32 v50  }
0x171: {  	v49 =	vsel vm9, v46, v49;
	v62 =	vsub.f32 v22, v32;
	(erf) = vpow2.f32 v48;
	v63 =	vpop (erf)  }
0x172: {  	v17 =	vmul.f32 $1.442695020e+00, v17;
	v50 =	vadd.f32 v51, v63;
	(erf) = vpow2.f32 v45  }
0x173: {  	v52 =	vsub.f32 v25, v32;
	vm0 =	vgt.f32 v47, v49;
	v48 =	vmul.f32 $1.442695020e+00, v62;
	v53 =	vpop (erf)  }
0x174: {  	v22 =	vld [tilespmem:s22+$0x1400];
	v51 =	vimm.s32 $0x0;
	(erf) = vpow2.f32 v17;
	v50 =	vadd.f32 v50, v53  }
0x175: {  	v27 =	vsub.f32 v27, v32;
	v45 =	vsel vm0, $0xFFFFFFFF, v51;
	v17 =	vsel vm0, v47, v49;
	v54 =	vpop (erf)  }
0x176: {  	[tilespmem:$0x1FFF0] =	vst v45;
	v45 =	vmul.f32 $1.442695020e+00, v52;
	(erf) = vpow2.f32 v48;
	v49 =	vadd.f32 v50, v54  }
0x177: {  	v55 =	vpop (erf)  }
0x178: {  	v25 =	vld [tilespmem:s22+$0x1540];
	v56 =	vmul.f32 $1.442695020e+00, v27;
	(erf) = vpow2.f32 v45;
	v48 =	vadd.f32 v49, v55  }
0x179: {  	v30 =	vsub.f32 v30, v32;
	v33 =	vsub.f32 v33, v32;
	vm11 =	vgt.f32 v22, v17;
	v58 =	vpop (erf)  }
0x17a: {  	v27 =	vld [tilespmem:s22+$0x1680];
	v57 =	vsel vm11, v22, v17;
	(erf) = vpow2.f32 v56;
	v17 =	vpop (erf);
	v48 =	vadd.f32 v48, v58  }
0x17b: {  	v36 =	vsub.f32 v36, v32;
	v59 =	vmul.f32 $1.442695020e+00, v30;
	v60 =	vpop (erf)  }
0x17c: {  	v30 =	vld [tilespmem:s22+$0x17C0];
	v33 =	vmul.f32 $1.442695020e+00, v33;
	v48 =	vadd.f32 v48, v60  }
0x17d: {  	v36 =	vmul.f32 $1.442695020e+00, v36;
	vm12 =	vgt.f32 v25, v57;
	(erf) = vpow2.f32 v59;
	v61 =	vpop (erf)  }
0x17e: {  	v45 =	vsel vm12, v25, v57;
	(erf) = vpow2.f32 v33;
	v33 =	vld [tilespmem:s22+$0x1900];
	v48 =	vadd.f32 v48, v61  }
0x17f: {  	v35 =	vsub.f32 v35, v32;
	vm13 =	vgt.f32 v27, v45;
	v62 =	vpop (erf)  }
0x180: {  	v45 =	vsel vm13, v27, v45;
	(erf) = vpow2.f32 v36;
	v36 =	vld [tilespmem:s22+$0x1A40];
	v48 =	vadd.f32 v48, v62  }
0x181: {  	v37 =	vsub.f32 v37, v32;
	v35 =	vmul.f32 $1.442695020e+00, v35;
	vm14 =	vgt.f32 v30, v45;
	v63 =	vpop (erf)  }
0x182: {  	v40 =	vsub.f32 v40, v32;
	v49 =	vld [tilespmem:s22+$0x1B80];
	v45 =	vsel vm14, v30, v45;
	v48 =	vadd.f32 v48, v63  }
0x183: {  	v37 =	vmul.f32 $1.442695020e+00, v37;
	(erf) = vpow2.f32 v35;
	vm15 =	vgt.f32 v33, v45;
	v52 =	vpop (erf)  }
0x184: {  	v39 =	vsub.f32 v39, v32;
	v45 =	vsel vm15, v33, v45;
	v35 =	vadd.f32 v48, v52;
	v48 =	vld [tilespmem:s22+$0x1CC0]  }
0x185: {  	v40 =	vmul.f32 $1.442695020e+00, v40;
	(erf) = vpow2.f32 v37;
	vm0 =	vgt.f32 v36, v45  }
0x186: {  	v38 =	vsub.f32 v38, v32;
	v39 =	vmul.f32 $1.442695020e+00, v39;
	v53 =	vpop (erf);
	v54 =	vsel vm0, v36, v45;
	v45 =	vld [tilespmem:s22+$0x1E00]  }
0x187: {  	(erf) = vpow2.f32 v40;
	vm1 =	vgt.f32 v49, v54;
	v35 =	vadd.f32 v35, v53  }
0x188: {  	v34 =	vsub.f32 v34, v32;
	v38 =	vmul.f32 $1.442695020e+00, v38;
	v40 =	vld [tilespmem:s22+$0x1F40];
	v55 =	vpop (erf);
	v37 =	vsel vm1, v49, v54  }
0x189: {  	(erf) = vpow2.f32 v39;
	v35 =	vadd.f32 v35, v55;
	vm5 =	vgt.f32 v48, v37  }
0x18a: {  	v34 =	vmul.f32 $1.442695020e+00, v34;
	v39 =	vld [tilespmem:s22+$0x2080];
	v56 =	vpop (erf);
	v37 =	vsel vm5, v48, v37  }
0x18b: {  	(erf) = vpow2.f32 v38;
	v35 =	vadd.f32 v35, v56;
	vm6 =	vgt.f32 v45, v37  }
0x18c: {  	v50 =	vld [tilespmem:s22+$0x21C0];
	v57 =	vpop (erf);
	v37 =	vsel vm6, v45, v37  }
0x18d: {  	(erf) = vpow2.f32 v34;
	v35 =	vadd.f32 v35, v57;
	vm7 =	vgt.f32 v40, v37  }
0x18e: {  	v38 =	vld [tilespmem:s22+$0x2300];
	v58 =	vpop (erf);
	v37 =	vsel vm7, v40, v37  }
0x18f: {  	v34 =	vadd.f32 v35, v58;
	vm4 =	vgt.f32 v39, v37  }
0x190: {  	v60 =	vld [tilespmem:s22+$0xA00];
	v59 =	vpop (erf);
	v37 =	vsel vm4, v39, v37  }
0x191: {  	v34 =	vadd.f32 v34, v59;
	vm3 =	vgt.f32 v50, v37  }
0x192: {  	v61 =	vpop (erf);
	v37 =	vsel vm3, v50, v37  }
0x193: {  	v31 =	vsub.f32 v31, v32;
	v34 =	vadd.f32 v34, v61;
	vm2 =	vgt.f32 v38, v37  }
0x194: {  	v62 =	vpop (erf);
	v35 =	vsel vm2, v38, v37  }
0x195: {  	v31 =	vmul.f32 $1.442695020e+00, v31;
	v32 =	vadd.f32 v34, v62;
	v34 =	vmax.f32 v60, v35  }
0x196: {  	v63 =	vpop (erf);
	v51 =	vsub.f32 v60, v34  }
0x197: {  	(erf) = vpow2.f32 v31;
	v32 =	vadd.f32 v32, v63  }
0x198: {  	v19 =	vsub.f32 v19, v34;
	v52 =	vmul.f32 $1.442695020e+00, v51  }
0x199: {  	(erf) = vrcp.f32 v32  }
0x19a: {  	v20 =	vsub.f32 v20, v34;
	v19 =	vmul.f32 $1.442695020e+00, v19;
	(erf) = vpow2.f32 v52;
	_ =	sdelay $0x1  }
0x19b: {  	(erf) = vpow2.f32 v19;
	v19 =	vmul.f32 $1.442695020e+00, v20;
	v20 =	vsub.f32 v23, v34  }
0x19c: {  	v23 =	vsub.f32 v24, v34  }
0x19d: {  	v20 =	vmul.f32 $1.442695020e+00, v20;
	(erf) = vpow2.f32 v19  }
0x19e: {  	v23 =	vmul.f32 $1.442695020e+00, v23  }
0x19f: {  	v53 =	vsub.f32 v26, v34;
	v19 =	vpop (erf);
	(erf) = vpow2.f32 v20;
	_ =	sdelay $0x1  }
0x1a0: {  	v54 =	vsub.f32 v46, v34;
	v24 =	vmul.f32 $1.442695020e+00, v53;
	v20 =	vpop (erf);
	(erf) = vpow2.f32 v23  }
0x1a1: {  	v55 =	vsub.f32 v47, v34;
	v23 =	vpop (erf)  }
0x1a2: {  	v26 =	vmul.f32 $1.442695020e+00, v54;
	(erf) = vpow2.f32 v24;
	v23 =	vadd.f32 $0.0e+00, v23  }
0x1a3: {  	v22 =	vsub.f32 v22, v34;
	v56 =	vpop (erf)  }
0x1a4: {  	v57 =	vmul.f32 $1.442695020e+00, v55;
	(erf) = vpow2.f32 v26;
	v23 =	vadd.f32 v23, v56  }
0x1a5: {  	v22 =	vmul.f32 $1.442695020e+00, v22;
	v58 =	vpop (erf)  }
0x1a6: {  	v59 =	vsub.f32 v25, v34;
	(erf) = vpow2.f32 v57;
	v23 =	vadd.f32 v23, v58  }
0x1a7: {  	v60 =	vpop (erf);
	(erf) = vpow2.f32 v22;
	v22 =	vsub.f32 v27, v34  }
0x1a8: {  	v24 =	vmul.f32 $1.442695020e+00, v59;
	v23 =	vadd.f32 v23, v60  }
0x1a9: {  	v61 =	vpop (erf);
	v22 =	vmul.f32 $1.442695020e+00, v22  }
0x1aa: {  	v62 =	vsub.f32 v30, v34;
	(erf) = vpow2.f32 v24;
	v23 =	vadd.f32 v23, v61  }
0x1ab: {  	v30 =	vsub.f32 v33, v34;
	v63 =	vpop (erf)  }
0x1ac: {  	v25 =	vmul.f32 $1.442695020e+00, v62;
	(erf) = vpow2.f32 v22;
	v23 =	vadd.f32 v23, v63  }
0x1ad: {  	v24 =	vmul.f32 $1.442695020e+00, v30;
	v22 =	vpop (erf)  }
0x1ae: {  	(erf) = vpow2.f32 v25;
	v22 =	vadd.f32 v23, v22;
	v23 =	vsub.f32 v36, v34  }
0x1af: {  	v32 =	vsub.f32 v49, v34;
	v31 =	vpop (erf)  }
0x1b0: {  	(erf) = vpow2.f32 v24;
	v22 =	vadd.f32 v22, v31;
	v23 =	vmul.f32 $1.442695020e+00, v23  }
0x1b1: {  	v36 =	vsub.f32 v48, v34;
	v33 =	vpop (erf)  }
0x1b2: {  	v25 =	vmul.f32 $1.442695020e+00, v32;
	v22 =	vadd.f32 v22, v33;
	(erf) = vpow2.f32 v23  }
0x1b3: {  	v24 =	vmul.f32 $1.442695020e+00, v36;
	v37 =	vpop (erf)  }
0x1b4: {  	v23 =	vsub.f32 v45, v34;
	(erf) = vpow2.f32 v25;
	v22 =	vadd.f32 v22, v37  }
0x1b5: {  	v40 =	vsub.f32 v40, v34;
	v45 =	vpop (erf)  }
0x1b6: {  	v23 =	vmul.f32 $1.442695020e+00, v23;
	(erf) = vpow2.f32 v24;
	v22 =	vadd.f32 v22, v45  }
0x1b7: {  	v46 =	vsub.f32 v39, v34;
	v47 =	vpop (erf)  }
0x1b8: {  	v25 =	vmul.f32 $1.442695020e+00, v40;
	(erf) = vpow2.f32 v23;
	v22 =	vadd.f32 v22, v47  }
0x1b9: {  	v23 =	vsub.f32 v50, v34;
	v48 =	vpop (erf)  }
0x1ba: {  	v24 =	vmul.f32 $1.442695020e+00, v46;
	(erf) = vpow2.f32 v25;
	v22 =	vadd.f32 v22, v48  }
0x1bb: {  	v23 =	vmul.f32 $1.442695020e+00, v23;
	v50 =	vpop (erf)  }
0x1bc: {  	(erf) = vpow2.f32 v24;
	v22 =	vadd.f32 v22, v50  }
0x1bd: {  	v51 =	vpop (erf)  }
0x1be: {  	v22 =	vadd.f32 v22, v51  }
0x1bf: {  	(erf) = vpow2.f32 v23;
	v23 =	vpop (erf)  }
0x1c0: {  	v22 =	vadd.f32 v22, v23  }
0x1c1: {  	v49 =	vsub.f32 v38, v34;
	v23 =	vpop (erf)  }
0x1c2: {  	v22 =	vadd.f32 v22, v23  }
0x1c3: {  	v52 =	vmul.f32 $1.442695020e+00, v49;
	v23 =	vpop (erf)  }
0x1c4: {  	v22 =	vadd.f32 v22, v23  }
0x1c5: {  	(erf) = vpow2.f32 v52;
	v23 =	vpop (erf)  }
0x1c6: {  	v22 =	vadd.f32 v22, v23;
	v23 =	vld [tilespmem:$0x1FFF0];
	_ =	sdelay $0x1  }
0x1c7: {  	s2 =	sadd.s32 $0x10, s2  }
0x1c8: {  	v15 =	vadd.s32 v16, v15;
	v16 =	vor.u32 s2, v4  }
0x1c9: {  	v14 =	vadd.s32 v16, v14  }
0x1ca: {  	v53 =	vsel vm9, $0xC000, v44;
	v57 =	vsub.f32 v42, v18;
	vm9 =	vnez.u8 v23  }
0x1cb: {  	v54 =	vsub.f32 v35, v34;
	v58 =	vsub.f32 v41, v21;
	v55 =	vpop (erf);
	v23 =	vsel vm9, $0xE000, v53  }
0x1cc: {  	v59 =	vmul.f32 $5.000000000e-01, v57;
	v22 =	vadd.f32 v22, v55;
	v23 =	vsel vm11, $0x10000, v23  }
0x1cd: {  	v60 =	vmul.f32 v57, v43;
	v24 =	vmul.f32 $1.442695020e+00, v54;
	v56 =	vpop (erf);
	v23 =	vsel vm12, $0x12000, v23  }
0x1ce: {  	v18 =	vadd.f32 v59, v18;
	v22 =	vadd.f32 v22, v56;
	v23 =	vsel vm13, $0x14000, v23  }
0x1cf: {  	v17 =	vmul.f32 v58, v17;
	(erf) = vpow2.f32 v24;
	v23 =	vsel vm14, $0x16000, v23  }
0x1d0: {  	v61 =	vmul.f32 v57, v28;
	(erf) = vrcp.f32 v22;
	v23 =	vsel vm15, $0x18000, v23  }
0x1d1: {  	v19 =	vmul.f32 v20, v19;
	v22 =	vsel vm0, $0x1A000, v23;
	v23 =	vmul.f32 $5.000000000e-01, v58  }
0x1d2: {  	v62 =	vmul.f32 $5.000000000e-01, v60;
	v17 =	vmul.f32 $5.000000000e-01, v17;
	v18 =	vadd.f32 v18, v61  }
0x1d3: {  	vm9 =	vcmask $0x3F0C;
	v21 =	vadd.f32 v23, v21;
	v23 =	vmul.f32 v58, v29  }
0x1d4: {  	vm11 =	vcmask $0x3F08;
	vm12 =	vcmask $0x1310;
	vm13 =	vcmask $0x1B18  }
0x1d5: {  	v22 =	vsel vm1, $0x1C000, v22;
	v21 =	vadd.f32 v21, v23;
	v23 =	vsub.f32 v18, v62  }
0x1d6: {  	vm0 =	vlt.u32 v16, $0x1388;
	v22 =	vsel vm5, $0x1E000, v22;
	v18 =	vadd.f32 v18, v62  }
0x1d7: {  	vm1 =	vgt.f32 v19, $5.000000070e-02;
	v22 =	vsel vm6, $0x20000, v22;
	v63 =	vsub.f32 v21, v17;
	[tilespmem:s22+$0x2440] =	vst v23  }
0x1d8: {  	v20 =	vpop (erf);
	vm14 =	vcmask $0x2320;
	vm0 =	vmand vm0, vm1;
	v22 =	vsel vm7, $0x22000, v22;
	[tilespmem:s22+$0x26C0] =	vst v18  }
0x1d9: {  	vm6 =	vcmask $0x3F14;
	v22 =	vsel vm4, $0x24000, v22;
	v17 =	vadd.f32 v21, v17;
	[tilespmem:s22+$0x2580] =	vst v63;
	v21 =	vpop (erf)  }
0x1da: {  	s2 =	sadd.s32 $0x10, s2;
	vm7 =	vcmask $0x3F10;
	v18 =	vmul.f32 v21, v20;
	v20 =	vsel vm3, $0x26000, v22;
	[tilespmem:s20+$0x2940] =	vst v15  }
0x1db: {  	v15 =	vor.u32 s2, v4;
	v21 =	vimm.f32 $0.0e+00;
	[tilespmem:s22+$0x2800] =	vst v17;
	v17 =	vnsel vm0, $0xBF800000, v19  }
0x1dc: {  	vm0 =	vlt.u32 v15, $0x1388;
	v19 =	vsel vm2, $0x28000, v20;
	vm1 =	vgt.f32 v18, $5.000000070e-02;
	[tilespmem:s21+$0x2A80] =	vst v17  }
0x1dd: {  	v20 =	vimm.f32 $0.0e+00;
	[tilespmem:s21+$0x2940] =	vst v14;
	v16 =	vadd.s32 v15, v19;
	vm0 =	vmand vm0, vm1  }
0x1de: {  	v15 =	vimm.s32 $0xFFFFFFFF;
	v17 =	vimm.f32 $0.0e+00;
	[tilespmem:s22+$0x2940] =	vst v16;
	v14 =	vnsel vm0, $0xBF800000, v18  }
0x1df: {  	s20 =	simm.s32 $0x2BC0;
	v19 =	vimm.f32 $0.0e+00;
	v18 =	vimm.f32 $0.0e+00;
	[tilespmem:s22+$0x2A80] =	vst v14;
	v14 =	vimm.s32 $0xFFFFFFFF  }
.LBB2_6:
0x1e0: {  	v16 =	vld [tilespmem:$0x2440]  }
0x1e1: {  	v22 =	vld [tilespmem:$0x2580]  }
0x1e2: {  	v23 =	vld [tilespmem:$0x26C0]  }
0x1e3: {  	v24 =	vld [tilespmem:$0x2800];
	_ =	sdelay $0x2  }
0x1e4: {  	v63 =	vld [tilespmem:$0x2590]  }
0x1e5: {  	v33 =	vld [tilespmem:$0x26D0];
	v25 =	vmax.f32 v20, v16;
	v26 =	vmax.f32 v18, v22;
	v27 =	vmin.f32 v19, v23  }
0x1e6: {  	v34 =	vld [tilespmem:$0x2810];
	v28 =	vmin.f32 v17, v24;
	v16 =	vsub.f32 v23, v16;
	v22 =	vsub.f32 v24, v22  }
0x1e7: {  	v42 =	vld [tilespmem:$0x25A0];
	v23 =	vsub.f32 v27, v25;
	v62 =	vsub.f32 v28, v26  }
0x1e8: {  	v43 =	vld [tilespmem:$0x26E0];
	v16 =	vmul.f32 v22, v16  }
0x1e9: {  	v44 =	vld [tilespmem:$0x2820];
	v23 =	vmax.f32 v23, $0.0e+00;
	v24 =	vmax.f32 v62, $0.0e+00  }
0x1ea: {  	v22 =	vld [tilespmem:$0x2450];
	v23 =	vmul.f32 v24, v23;
	v16 =	vadd.f32 v16, v21;
	_ =	sdelay $0x1  }
0x1eb: {  	v45 =	vld [tilespmem:$0x2940];
	v36 =	vmax.f32 v18, v63;
	v16 =	vsub.f32 v16, v23  }
0x1ec: {  	v51 =	vld [tilespmem:$0x25B0];
	v29 =	vmin.f32 v19, v33;
	v30 =	vmin.f32 v17, v34;
	v37 =	vsub.f32 v34, v63  }
0x1ed: {  	v52 =	vld [tilespmem:$0x26F0];
	v47 =	vmax.f32 v18, v42;
	v31 =	vmin.f32 v19, v43;
	v16 =	vadd.f32 $9.999999930e-09, v16  }
0x1ee: {  	v54 =	vld [tilespmem:$0x2830];
	v32 =	vmin.f32 v17, v44;
	v35 =	vmax.f32 v20, v22;
	v22 =	vsub.f32 v33, v22  }
0x1ef: {  	v39 =	vsub.f32 v30, v36;
	v38 =	vsub.f32 v29, v35;
	(erf) = vrcp.f32 v16  }
0x1f0: {  	v49 =	vld [tilespmem:$0x2470];
	v48 =	vsub.f32 v44, v42;
	v55 =	vshra.s32 v45, $0xD;
	v16 =	vmul.f32 v37, v22  }
0x1f1: {  	v56 =	vmax.f32 v18, v51;
	v41 =	vmax.f32 v39, $0.0e+00;
	v22 =	vld [tilespmem:$0x2460];
	v40 =	vmax.f32 v38, $0.0e+00  }
0x1f2: {  	v57 =	vmin.f32 v19, v52;
	v42 =	vld [tilespmem:$0x2840];
	v24 =	vmul.f32 v41, v40;
	v16 =	vadd.f32 v16, v21  }
0x1f3: {  	v58 =	vsub.f32 v54, v51;
	vm2 =	vlt.s32 v45, $0x10000000;
	v30 =	vsub.f32 v32, v47;
	v41 =	vld [tilespmem:$0x2700]  }
0x1f4: {  	v63 =	vld [tilespmem:$0x2480];
	vm0 =	veq.s32 v55, v15;
	v33 =	vmin.f32 v17, v54;
	v16 =	vsub.f32 v16, v24  }
0x1f5: {  	v25 =	vsub.f32 v52, v49;
	v53 =	vmax.f32 v30, $0.0e+00;
	v30 =	vsub.f32 v33, v56;
	v33 =	vld [tilespmem:$0x2980]  }
0x1f6: {  	v44 =	vld [tilespmem:$0x2960];
	v46 =	vmax.f32 v20, v22;
	v22 =	vsub.f32 v43, v22;
	v16 =	vadd.f32 $9.999999930e-09, v16  }
0x1f7: {  	v36 =	vmin.f32 v17, v42;
	v30 =	vmax.f32 v30, $0.0e+00;
	v29 =	vsub.f32 v31, v46  }
0x1f8: {  	v35 =	vmin.f32 v19, v41;
	v22 =	vmul.f32 v48, v22;
	(erf) = vrcp.f32 v16;
	v50 =	vpop (erf)  }
0x1f9: {  	v31 =	vsub.f32 v41, v63;
	v16 =	vmax.f32 v29, $0.0e+00;
	v29 =	vld [tilespmem:$0x2950];
	v23 =	vmul.f32 v50, v23  }
0x1fa: {  	v41 =	vshra.s32 v33, $0xD;
	v27 =	vmul.f32 v53, v16;
	v16 =	vadd.f32 v22, v21;
	v22 =	vld [tilespmem:$0x2A80]  }
0x1fb: {  	v54 =	vld [tilespmem:$0x2490];
	v48 =	vmax.f32 v20, v63;
	v53 =	vshra.s32 v44, $0xD;
	vm1 =	vgt.f32 v23, $3.000000120e-01  }
0x1fc: {  	v23 =	vsub.f32 v16, v27;
	v16 =	vmax.f32 v20, v49;
	v49 =	vsub.f32 v35, v48  }
0x1fd: {  	vm0 =	vmand vm0, vm1;
	vm1 =	veq.s32 v45, v14;
	v59 =	vsub.f32 v57, v16  }
0x1fe: {  	v40 =	vshra.s32 v29, $0xD;
	v57 =	vld [tilespmem:$0x2710];
	vm0 =	vmor vm1, vm0;
	v23 =	vadd.f32 $9.999999930e-09, v23  }
0x1ff: {  	v55 =	vld [tilespmem:$0x25D0];
	v16 =	vsel vm0, $0xBF800000, v22;
	v22 =	vmul.f32 v58, v25;
	v61 =	vmax.f32 v59, $0.0e+00  }
0x200: {  	v58 =	vld [tilespmem:$0x2850];
	v59 =	vmax.f32 v20, v54;
	vm0 =	vgt.f32 v16, $-2.000000000e+00;
	v30 =	vmul.f32 v30, v61  }
0x201: {  	vm1 =	veq.f32 v16, $-2.000000000e+00;
	(erf) = vrcp.f32 v23;
	v23 =	vld [tilespmem:$0x25C0];
	v62 =	vpop (erf);
	v22 =	vadd.f32 v22, v21  }
0x202: {  	vm1 =	vmand vm2, vm1;
	vm2 =	veq.s32 v40, v15;
	v24 =	vmul.f32 v62, v24  }
0x203: {  	v60 =	vld [tilespmem:$0x2A90];
	vm0 =	vmor vm0, vm1;
	v38 =	vmin.f32 v19, v57;
	v22 =	vsub.f32 v22, v30  }
0x204: {  	v47 =	vld [tilespmem:$0x25E0];
	v26 =	vnsel vm0, $0xC0000000, v16;
	vm3 =	vgt.f32 v24, $3.000000120e-01;
	v24 =	vmax.f32 v49, $0.0e+00  }
0x205: {  	v40 =	vmin.f32 v17, v58;
	v61 =	vsub.f32 v58, v55;
	vm2 =	vmand vm2, vm3  }
0x206: {  	v63 =	vld [tilespmem:$0x24A0];
	vm3 =	veq.s32 v29, v14;
	v43 =	vadd.f32 $9.999999930e-09, v22;
	v34 =	vmax.f32 v18, v23  }
0x207: {  	v49 =	vld [tilespmem:$0x2720];
	v23 =	vsub.f32 v42, v23;
	vm1 =	vmor vm3, vm2;
	v50 =	vsub.f32 v36, v34  }
0x208: {  	vm3 =	vlt.s32 v29, $0x10000000;
	v22 =	vsel vm1, $0xBF800000, v60;
	(erf) = vrcp.f32 v43  }
0x209: {  	v23 =	vmul.f32 v23, v31;
	v60 =	vmax.f32 v18, v55;
	v55 =	vmax.f32 v18, v47  }
0x20a: {  	v31 =	vld [tilespmem:$0x2970];
	vm1 =	vgt.f32 v22, $-2.000000000e+00;
	vm2 =	veq.f32 v22, $-2.000000000e+00;
	v32 =	vmax.f32 v50, $0.0e+00  }
0x20b: {  	v51 =	vpop (erf);
	v32 =	vmul.f32 v32, v24;
	v23 =	vadd.f32 v23, v21;
	v24 =	vsub.f32 v57, v54  }
0x20c: {  	v54 =	vmax.f32 v20, v63;
	v42 =	vmin.f32 v19, v49;
	v27 =	vmul.f32 v51, v27  }
0x20d: {  	v50 =	vld [tilespmem:$0x2860];
	vm2 =	vmand vm3, vm2;
	vm3 =	veq.s32 v53, v15;
	v58 =	vsub.f32 v42, v54  }
0x20e: {  	v52 =	vld [tilespmem:$0x2AA0];
	v56 =	vsub.f32 v23, v32;
	v24 =	vmul.f32 v61, v24;
	vm4 =	vgt.f32 v27, $3.000000120e-01  }
0x20f: {  	v42 =	vld [tilespmem:$0x2990];
	v27 =	vnsel vm0, $0x10000000, v45;
	vm0 =	vmor vm1, vm2;
	v62 =	vshra.s32 v31, $0xD  }
0x210: {  	v61 =	vmax.f32 v58, $0.0e+00;
	vm3 =	vmand vm3, vm4;
	vm4 =	veq.s32 v44, v14  }
0x211: {  	v28 =	vnsel vm0, $0xC0000000, v22;
	v34 =	vadd.f32 $9.999999930e-09, v56;
	v48 =	vadd.f32 v24, v21  }
0x212: {  	v36 =	vnsel vm0, $0x10000000, v29;
	v43 =	vmin.f32 v17, v50;
	vm1 =	vmor vm4, vm3  }
0x213: {  	v56 =	vsub.f32 v50, v47;
	vm3 =	vlt.s32 v44, $0x10000000;
	v23 =	vsel vm1, $0xBF800000, v52  }
0x214: {  	vm5 =	vlt.s32 v42, v36;
	vm1 =	vgt.f32 v23, $-2.000000000e+00;
	vm2 =	veq.f32 v23, $-2.000000000e+00  }
0x215: {  	v39 =	vld [tilespmem:$0x2AB0];
	v37 =	vpop (erf);
	(erf) = vrcp.f32 v34;
	v34 =	vsub.f32 v38, v59;
	v59 =	vsub.f32 v43, v55  }
0x216: {  	v50 =	vld [tilespmem:$0x2870];
	vm2 =	vmand vm3, vm2;
	v30 =	vmul.f32 v37, v30;
	v37 =	vsub.f32 v40, v60  }
0x217: {  	v55 =	vld [tilespmem:$0x2600];
	vm3 =	veq.s32 v62, v15;
	v45 =	vmax.f32 v34, $0.0e+00;
	vm0 =	vmor vm1, vm2  }
0x218: {  	v60 =	vld [tilespmem:$0x24B0];
	v34 =	vsub.f32 v49, v63;
	v62 =	vmax.f32 v59, $0.0e+00;
	v59 =	vshra.s32 v42, $0xD  }
0x219: {  	v63 =	vld [tilespmem:$0x25F0];
	vm4 =	vgt.f32 v30, $3.000000120e-01;
	v46 =	vmax.f32 v37, $0.0e+00;
	v29 =	vnsel vm0, $0xC0000000, v23  }
0x21a: {  	v49 =	vld [tilespmem:$0x2730];
	v30 =	vnsel vm0, $0x10000000, v44;
	v37 =	vmul.f32 v62, v61;
	vm3 =	vmand vm3, vm4  }
0x21b: {  	v58 =	vld [tilespmem:$0x2880];
	vm4 =	veq.s32 v31, v14;
	v38 =	vmul.f32 v46, v45;
	v34 =	vmul.f32 v56, v34  }
0x21c: {  	v47 =	vld [tilespmem:$0x29A0];
	v46 =	vmin.f32 v17, v50;
	vm1 =	vmor vm4, vm3;
	vm3 =	vlt.s32 v31, $0x10000000  }
0x21d: {  	v62 =	vmax.f32 v18, v55;
	v24 =	vsel vm1, $0xBF800000, v39;
	v51 =	vsub.f32 v48, v38  }
0x21e: {  	vm1 =	veq.s32 v41, v15;
	v48 =	vadd.f32 v34, v21;
	vm0 =	veq.f32 v24, $-2.000000000e+00  }
0x21f: {  	vm4 =	vgt.f32 v24, $-2.000000000e+00;
	v44 =	vmax.f32 v18, v63;
	v35 =	vsub.f32 v49, v60  }
0x220: {  	v45 =	vmin.f32 v19, v49;
	v39 =	vsub.f32 v50, v63;
	v49 =	vsub.f32 v58, v55  }
0x221: {  	v55 =	vshra.s32 v47, $0xD;
	v53 =	vadd.f32 $9.999999930e-09, v51;
	vm0 =	vmand vm3, vm0  }
0x222: {  	v51 =	vmax.f32 v20, v60;
	v54 =	vsub.f32 v46, v44;
	v52 =	vpop (erf);
	vm0 =	vmor vm4, vm0  }
0x223: {  	v25 =	vmul.f32 v52, v32;
	(erf) = vrcp.f32 v53;
	v32 =	vsub.f32 v48, v37  }
0x224: {  	v57 =	vld [tilespmem:$0x2AC0];
	v35 =	vmul.f32 v39, v35;
	v34 =	vnsel vm0, $0xC0000000, v24;
	v53 =	vsub.f32 v45, v51  }
0x225: {  	v52 =	vld [tilespmem:$0x24C0];
	v31 =	vnsel vm0, $0x10000000, v31;
	v48 =	vmin.f32 v17, v58;
	v32 =	vadd.f32 $9.999999930e-09, v32  }
0x226: {  	v41 =	vmax.f32 v54, $0.0e+00;
	v50 =	vsub.f32 v48, v62;
	vm2 =	vgt.f32 v25, $3.000000120e-01  }
0x227: {  	vm1 =	vmand vm1, vm2;
	vm2 =	veq.s32 v33, v14;
	(erf) = vrcp.f32 v32  }
0x228: {  	v35 =	vadd.f32 v35, v21;
	vm1 =	vmor vm2, vm1;
	v32 =	vmax.f32 v53, $0.0e+00  }
0x229: {  	v43 =	vmax.f32 v50, $0.0e+00;
	v25 =	vsel vm1, $0xBF800000, v57;
	v57 =	vld [tilespmem:$0x2740];
	v41 =	vmul.f32 v41, v32  }
0x22a: {  	vm2 =	vlt.s32 v33, v27;
	v61 =	vmax.f32 v20, v52;
	vm1 =	veq.f32 v25, v26  }
0x22b: {  	v60 =	vld [tilespmem:$0x2AD0];
	vm3 =	vgt.f32 v25, v26;
	vm1 =	vmand vm2, vm1;
	v35 =	vsub.f32 v35, v41  }
0x22c: {  	v58 =	vld [tilespmem:$0x2890];
	vm0 =	vmor vm3, vm1;
	vm1 =	veq.s32 v59, v15;
	vm3 =	veq.s32 v55, v15;
	v56 =	vpop (erf)  }
0x22d: {  	v54 =	vld [tilespmem:$0x24D0];
	v32 =	vsel vm0, v25, v26;
	v35 =	vadd.f32 $9.999999930e-09, v35;
	v38 =	vmul.f32 v56, v38  }
0x22e: {  	v33 =	vsel vm0, v33, v27;
	v63 =	vmin.f32 v19, v57;
	v39 =	vsub.f32 v57, v52;
	v56 =	vld [tilespmem:$0x2610]  }
0x22f: {  	v57 =	vld [tilespmem:$0x2750];
	(erf) = vrcp.f32 v35;
	vm2 =	vgt.f32 v38, $3.000000120e-01;
	v38 =	vsub.f32 v63, v61  }
0x230: {  	v39 =	vmul.f32 v49, v39;
	vm1 =	vmand vm1, vm2;
	vm2 =	veq.s32 v42, v14;
	v51 =	vpop (erf)  }
0x231: {  	v63 =	vmin.f32 v17, v58;
	vm1 =	vmor vm2, vm1;
	v37 =	vmul.f32 v51, v37  }
0x232: {  	v38 =	vmax.f32 v38, $0.0e+00;
	v53 =	vadd.f32 v39, v21;
	v26 =	vsel vm1, $0xBF800000, v60  }
0x233: {  	v43 =	vmul.f32 v43, v38;
	v60 =	vmax.f32 v20, v54;
	v61 =	vmax.f32 v18, v56  }
0x234: {  	v52 =	vld [tilespmem:$0x2AE0];
	v62 =	vmin.f32 v19, v57;
	v38 =	vsub.f32 v57, v54;
	vm1 =	vgt.f32 v26, v28  }
0x235: {  	vm2 =	veq.f32 v26, v28;
	vm4 =	vgt.f32 v37, $3.000000120e-01;
	v40 =	vsub.f32 v63, v61  }
0x236: {  	v35 =	vsub.f32 v53, v43;
	vm3 =	vmand vm3, vm4;
	vm4 =	veq.s32 v47, v14  }
0x237: {  	v37 =	vld [tilespmem:$0x29B0];
	vm2 =	vmand vm5, vm2;
	vm5 =	vlt.s32 v47, v30;
	vm3 =	vmor vm4, vm3  }
0x238: {  	v55 =	vld [tilespmem:$0x2AF0];
	vm0 =	vmor vm1, vm2;
	v40 =	vmax.f32 v40, $0.0e+00;
	v59 =	vadd.f32 $9.999999930e-09, v35  }
0x239: {  	v57 =	vld [tilespmem:$0x24E0];
	v27 =	vsel vm3, $0xBF800000, v52;
	v35 =	vsel vm0, v26, v28;
	v52 =	vsub.f32 v58, v56  }
0x23a: {  	v28 =	vsub.f32 v62, v60;
	v36 =	vsel vm0, v42, v36;
	v60 =	vld [tilespmem:$0x2760];
	vm1 =	vgt.f32 v27, v29;
	v53 =	vpop (erf)  }
0x23b: {  	v62 =	vld [tilespmem:$0x28A0];
	vm2 =	veq.f32 v27, v29;
	(erf) = vrcp.f32 v59;
	v41 =	vmul.f32 v53, v41  }
0x23c: {  	v54 =	vshra.s32 v37, $0xD;
	v39 =	vmul.f32 v52, v38;
	v28 =	vmax.f32 v28, $0.0e+00;
	v38 =	vld [tilespmem:$0x29C0]  }
0x23d: {  	vm2 =	vmand vm5, vm2;
	v59 =	vld [tilespmem:$0x2620];
	vm3 =	veq.s32 v54, v15;
	v40 =	vmul.f32 v40, v28  }
0x23e: {  	v44 =	vld [tilespmem:$0x24F0];
	vm1 =	vmor vm1, vm2;
	v54 =	vmax.f32 v20, v57;
	vm4 =	vgt.f32 v41, $3.000000120e-01  }
0x23f: {  	v56 =	vadd.f32 v39, v21;
	vm3 =	vmand vm3, vm4;
	vm4 =	veq.s32 v37, v14  }
0x240: {  	v50 =	vmin.f32 v19, v60;
	v51 =	vmin.f32 v17, v62;
	vm3 =	vmor vm4, vm3  }
0x241: {  	v53 =	vld [tilespmem:$0x2640];
	v39 =	vsub.f32 v56, v40;
	v28 =	vsel vm3, $0xBF800000, v55;
	vm3 =	vlt.s32 v37, v31  }
0x242: {  	v61 =	vshra.s32 v38, $0xD;
	v49 =	vmax.f32 v18, v59;
	v42 =	vsub.f32 v62, v59  }
0x243: {  	v55 =	vsub.f32 v50, v54;
	v62 =	vmax.f32 v20, v44;
	vm0 =	vgt.f32 v28, v34  }
0x244: {  	v48 =	vld [tilespmem:$0x2630];
	v39 =	vadd.f32 $9.999999930e-09, v39;
	vm2 =	veq.f32 v28, v34;
	vm4 =	veq.s32 v61, v15  }
0x245: {  	v63 =	vld [tilespmem:$0x2B00];
	v56 =	vsub.f32 v51, v49;
	vm2 =	vmand vm3, vm2;
	v45 =	vmax.f32 v55, $0.0e+00;
	v58 =	vpop (erf)  }
0x246: {  	v55 =	vmax.f32 v18, v53;
	v41 =	vmul.f32 v58, v43;
	v43 =	vsub.f32 v60, v57;
	v57 =	vld [tilespmem:$0x2770]  }
0x247: {  	vm0 =	vmor vm0, vm2;
	v46 =	vmax.f32 v56, $0.0e+00;
	(erf) = vrcp.f32 v39;
	v58 =	vld [tilespmem:$0x28B0]  }
0x248: {  	v50 =	vld [tilespmem:$0x29E0];
	v39 =	vsel vm1, v27, v29;
	v45 =	vmul.f32 v46, v45;
	vm5 =	vgt.f32 v41, $3.000000120e-01  }
0x249: {  	v42 =	vmul.f32 v42, v43;
	vm3 =	vmand vm4, vm5;
	vm4 =	veq.s32 v38, v14  }
0x24a: {  	v34 =	vsel vm0, v28, v34;
	vm2 =	vmor vm4, vm3;
	vm4 =	vlt.s32 v38, v33  }
0x24b: {  	v41 =	vld [tilespmem:$0x29D0];
	v59 =	vadd.f32 v42, v21;
	v42 =	vsel vm1, v47, v30;
	v29 =	vsel vm2, $0xBF800000, v63  }
0x24c: {  	v63 =	vmax.f32 v18, v48;
	v52 =	vmin.f32 v19, v57;
	v54 =	vmin.f32 v17, v58  }
0x24d: {  	v43 =	vsub.f32 v57, v44;
	v56 =	vsub.f32 v58, v48;
	vm5 =	vlt.s32 v50, v42  }
0x24e: {  	v47 =	vld [tilespmem:$0x2500];
	vm2 =	vgt.f32 v29, v32;
	vm3 =	veq.f32 v29, v32;
	v46 =	vsub.f32 v59, v45  }
0x24f: {  	v48 =	vld [tilespmem:$0x2780];
	v57 =	vsub.f32 v52, v62;
	v58 =	vsub.f32 v54, v63;
	vm3 =	vmand vm4, vm3  }
0x250: {  	v59 =	vld [tilespmem:$0x28C0];
	v61 =	vshra.s32 v41, $0xD;
	v43 =	vmul.f32 v56, v43;
	vm4 =	vlt.s32 v41, v36  }
0x251: {  	vm1 =	vmor vm2, vm3;
	v60 =	vpop (erf);
	vm2 =	veq.s32 v61, v15;
	v61 =	vmax.f32 v58, $0.0e+00  }
0x252: {  	v30 =	vmul.f32 v60, v40;
	v60 =	vadd.f32 $9.999999930e-09, v46;
	v40 =	vmax.f32 v57, $0.0e+00  }
0x253: {  	v63 =	vadd.f32 v43, v21;
	v54 =	vmax.f32 v20, v47;
	v44 =	vmul.f32 v61, v40  }
0x254: {  	v62 =	vld [tilespmem:$0x2B10];
	v56 =	vmin.f32 v19, v48;
	v47 =	vsub.f32 v48, v47;
	vm3 =	vgt.f32 v30, $3.000000120e-01  }
0x255: {  	v46 =	vld [tilespmem:$0x2650];
	(erf) = vrcp.f32 v60;
	v57 =	vmin.f32 v17, v59;
	v58 =	vsub.f32 v59, v53  }
0x256: {  	v48 =	vld [tilespmem:$0x2510];
	v40 =	vsub.f32 v56, v54;
	vm2 =	vmand vm2, vm3;
	vm3 =	veq.s32 v41, v14  }
0x257: {  	v61 =	vld [tilespmem:$0x28D0];
	v43 =	vsub.f32 v57, v55;
	v59 =	vsub.f32 v63, v44;
	v63 =	vshra.s32 v50, $0xD  }
0x258: {  	vm2 =	vmor vm3, vm2;
	v47 =	vmul.f32 v58, v47;
	v40 =	vmax.f32 v40, $0.0e+00  }
0x259: {  	v30 =	vsel vm2, $0xBF800000, v62;
	v43 =	vmax.f32 v43, $0.0e+00;
	v49 =	vadd.f32 $9.999999930e-09, v59  }
0x25a: {  	v58 =	vmax.f32 v18, v46;
	v43 =	vmul.f32 v43, v40;
	v60 =	vadd.f32 v47, v21;
	v47 =	vld [tilespmem:$0x2790]  }
0x25b: {  	vm2 =	vgt.f32 v30, v35;
	vm3 =	veq.f32 v30, v35;
	(erf) = vrcp.f32 v49  }
0x25c: {  	v57 =	vmax.f32 v20, v48;
	v46 =	vsub.f32 v61, v46;
	vm3 =	vmand vm4, vm3  }
0x25d: {  	v51 =	vld [tilespmem:$0x29F0];
	v49 =	vsel vm0, v37, v31;
	v37 =	vsel vm1, v29, v32;
	v40 =	vsub.f32 v60, v43  }
0x25e: {  	vm0 =	vmor vm2, vm3;
	v60 =	vmin.f32 v17, v61;
	vm2 =	veq.s32 v63, v15  }
0x25f: {  	v40 =	vadd.f32 $9.999999930e-09, v40;
	v62 =	vpop (erf);
	v59 =	vmin.f32 v19, v47;
	v47 =	vsub.f32 v47, v48  }
0x260: {  	v48 =	vsel vm0, v41, v36;
	v31 =	vmul.f32 v62, v45;
	v45 =	vsub.f32 v59, v57  }
0x261: {  	v61 =	vld [tilespmem:$0x2B20];
	v62 =	vsub.f32 v60, v58;
	(erf) = vrcp.f32 v40;
	v40 =	vsel vm0, v30, v35  }
0x262: {  	v58 =	vshra.s32 v51, $0xD;
	v63 =	vmul.f32 v46, v47;
	vm3 =	vgt.f32 v31, $3.000000120e-01  }
0x263: {  	v52 =	vmax.f32 v45, $0.0e+00;
	v53 =	vmax.f32 v62, $0.0e+00;
	vm2 =	vmand vm2, vm3  }
0x264: {  	vm3 =	veq.s32 v50, v14;
	v45 =	vmul.f32 v53, v52;
	v46 =	vadd.f32 v63, v21;
	v63 =	vld [tilespmem:$0x28E0];
	v54 =	vpop (erf)  }
0x265: {  	v56 =	vld [tilespmem:$0x2B30];
	v47 =	vsel vm1, v38, v33;
	vm1 =	vmor vm3, vm2;
	v55 =	vmul.f32 v54, v44  }
0x266: {  	vm3 =	veq.s32 v58, v15;
	v31 =	vsel vm1, $0xBF800000, v61;
	v57 =	vsub.f32 v46, v45;
	v44 =	vld [tilespmem:$0x2A00]  }
0x267: {  	v46 =	vld [tilespmem:$0x2520];
	vm1 =	vgt.f32 v31, v39;
	vm2 =	veq.f32 v31, v39;
	vm4 =	vgt.f32 v55, $3.000000120e-01  }
0x268: {  	v59 =	vadd.f32 $9.999999930e-09, v57;
	vm2 =	vmand vm5, vm2;
	vm3 =	vmand vm3, vm4  }
0x269: {  	v41 =	vld [tilespmem:$0x2660];
	vm4 =	veq.s32 v51, v14;
	vm1 =	vmor vm1, vm2;
	v55 =	vmin.f32 v17, v63  }
0x26a: {  	v60 =	vld [tilespmem:$0x2B40];
	vm3 =	vmor vm4, vm3;
	(erf) = vrcp.f32 v59;
	v61 =	vpop (erf);
	v36 =	vsel vm1, v31, v39  }
0x26b: {  	v54 =	vld [tilespmem:$0x2530];
	v38 =	vsel vm1, v50, v42;
	v32 =	vsel vm3, $0xBF800000, v56;
	v33 =	vmul.f32 v61, v43  }
0x26c: {  	v43 =	vld [tilespmem:$0x27A0];
	vm3 =	vlt.s32 v51, v49;
	v62 =	vshra.s32 v44, $0xD;
	v58 =	vmax.f32 v20, v46  }
0x26d: {  	v42 =	vld [tilespmem:$0x2670];
	vm5 =	vlt.s32 v44, v47;
	vm0 =	vgt.f32 v32, v34;
	vm2 =	veq.f32 v32, v34  }
0x26e: {  	v61 =	vld [tilespmem:$0x28F0];
	vm2 =	vmand vm3, vm2;
	vm3 =	veq.s32 v62, v15;
	vm4 =	vgt.f32 v33, $3.000000120e-01  }
0x26f: {  	v53 =	vld [tilespmem:$0x2A10];
	vm0 =	vmor vm0, vm2;
	vm2 =	vmand vm3, vm4;
	vm3 =	veq.s32 v44, v14  }
0x270: {  	v50 =	vld [tilespmem:$0x27B0];
	v62 =	vmax.f32 v20, v54;
	v39 =	vsel vm0, v51, v49;
	vm1 =	vmor vm3, vm2  }
0x271: {  	v34 =	vsel vm0, v32, v34;
	v33 =	vsel vm1, $0xBF800000, v60;
	v59 =	vmin.f32 v19, v43  }
0x272: {  	v60 =	vmax.f32 v18, v41;
	v43 =	vsub.f32 v43, v46;
	v41 =	vsub.f32 v63, v41  }
0x273: {  	v63 =	vmax.f32 v18, v42;
	v57 =	vmin.f32 v17, v61;
	v42 =	vsub.f32 v61, v42  }
0x274: {  	v35 =	vsub.f32 v59, v58;
	vm1 =	vgt.f32 v33, v37;
	vm2 =	veq.f32 v33, v37  }
0x275: {  	v51 =	vsub.f32 v55, v60;
	v55 =	vshra.s32 v53, $0xD;
	v60 =	vmin.f32 v19, v50  }
0x276: {  	v50 =	vsub.f32 v50, v54;
	v41 =	vmul.f32 v41, v43;
	v61 =	vsub.f32 v60, v62  }
0x277: {  	v58 =	vld [tilespmem:$0x2540];
	v62 =	vsub.f32 v57, v63;
	vm3 =	veq.s32 v55, v15;
	vm2 =	vmand vm5, vm2  }
0x278: {  	v60 =	vld [tilespmem:$0x2900];
	v56 =	vpop (erf);
	v35 =	vmax.f32 v35, $0.0e+00;
	v51 =	vmax.f32 v51, $0.0e+00;
	v55 =	vmul.f32 v42, v50  }
0x279: {  	v63 =	vld [tilespmem:$0x2B50];
	vm2 =	vmor vm1, vm2;
	v45 =	vmul.f32 v56, v45;
	v51 =	vmul.f32 v51, v35  }
0x27a: {  	v50 =	vld [tilespmem:$0x27C0];
	v41 =	vadd.f32 v41, v21;
	v56 =	vmax.f32 v61, $0.0e+00;
	v57 =	vmax.f32 v62, $0.0e+00  }
0x27b: {  	v42 =	vld [tilespmem:$0x2680];
	v35 =	vadd.f32 v55, v21;
	vm4 =	vgt.f32 v45, $3.000000120e-01;
	v45 =	vmul.f32 v57, v56  }
0x27c: {  	v49 =	vld [tilespmem:$0x2690];
	v41 =	vsub.f32 v41, v51;
	vm3 =	vmand vm3, vm4;
	vm4 =	veq.s32 v53, v14  }
0x27d: {  	v62 =	vmax.f32 v20, v58;
	v54 =	vmin.f32 v17, v60;
	vm3 =	vmor vm4, vm3  }
0x27e: {  	v43 =	vld [tilespmem:$0x2A20];
	v59 =	vsub.f32 v35, v45;
	v41 =	vadd.f32 $9.999999930e-09, v41;
	vm4 =	vlt.s32 v53, v48  }
0x27f: {  	v56 =	vld [tilespmem:$0x27D0];
	v46 =	vsub.f32 v50, v58;
	v50 =	vmin.f32 v19, v50;
	v35 =	vsel vm3, $0xBF800000, v63  }
0x280: {  	v52 =	vld [tilespmem:$0x2550];
	v63 =	vsub.f32 v60, v42;
	v42 =	vmax.f32 v18, v42;
	v50 =	vsub.f32 v50, v62  }
0x281: {  	v62 =	vmax.f32 v18, v49;
	vm3 =	veq.f32 v35, v40;
	v61 =	vadd.f32 $9.999999930e-09, v59  }
0x282: {  	v60 =	vld [tilespmem:$0x2910];
	vm5 =	vgt.f32 v35, v40;
	(erf) = vrcp.f32 v41;
	v54 =	vsub.f32 v54, v42  }
0x283: {  	v41 =	vsel vm2, v44, v47;
	v44 =	vshra.s32 v43, $0xD;
	vm3 =	vmand vm4, vm3  }
0x284: {  	v46 =	vmul.f32 v63, v46;
	v63 =	vmin.f32 v19, v56;
	vm1 =	vmor vm5, vm3  }
0x285: {  	(erf) = vrcp.f32 v61;
	v61 =	vmax.f32 v20, v52;
	v52 =	vsub.f32 v56, v52  }
0x286: {  	v58 =	vld [tilespmem:$0x2560];
	v42 =	vsel vm1, v53, v48;
	v48 =	vmax.f32 v50, $0.0e+00;
	v50 =	vmax.f32 v54, $0.0e+00  }
0x287: {  	v46 =	vadd.f32 v46, v21;
	v54 =	vld [tilespmem:$0x27E0];
	v59 =	vmin.f32 v17, v60;
	v49 =	vsub.f32 v60, v49  }
0x288: {  	v56 =	vld [tilespmem:$0x26A0];
	v61 =	vsub.f32 v63, v61;
	v48 =	vmul.f32 v50, v48;
	v62 =	vsub.f32 v59, v62  }
0x289: {  	v37 =	vsel vm2, v33, v37;
	vm3 =	veq.s32 v44, v15;
	v63 =	vmul.f32 v49, v52;
	v49 =	vld [tilespmem:$0x2920]  }
0x28a: {  	v50 =	vmax.f32 v61, $0.0e+00;
	v46 =	vsub.f32 v46, v48;
	v52 =	vld [tilespmem:$0x2570];
	v57 =	vmax.f32 v62, $0.0e+00  }
0x28b: {  	v53 =	vmax.f32 v20, v58;
	v40 =	vsel vm1, v35, v40;
	v61 =	vld [tilespmem:$0x2930];
	v50 =	vmul.f32 v57, v50  }
0x28c: {  	v47 =	vld [tilespmem:$0x2A30];
	v44 =	vadd.f32 v63, v21;
	v46 =	vadd.f32 $9.999999930e-09, v46;
	v55 =	vmin.f32 v19, v54;
	v60 =	vpop (erf)  }
0x28d: {  	v54 =	vsub.f32 v54, v58;
	v53 =	vsub.f32 v55, v53;
	v51 =	vmul.f32 v60, v51  }
0x28e: {  	v57 =	vld [tilespmem:$0x26B0];
	v44 =	vsub.f32 v44, v50;
	v59 =	vpop (erf);
	v60 =	vmin.f32 v17, v49;
	(erf) = vrcp.f32 v46  }
0x28f: {  	v55 =	vld [tilespmem:$0x27F0];
	v62 =	vsub.f32 v49, v56;
	v63 =	vmax.f32 v53, $0.0e+00;
	v20 =	vmax.f32 v20, v52  }
0x290: {  	v17 =	vmin.f32 v17, v61;
	vm4 =	vgt.f32 v51, $3.000000120e-01;
	v45 =	vmul.f32 v59, v45  }
0x291: {  	v51 =	vshra.s32 v47, $0xD;
	v59 =	vmax.f32 v18, v56;
	v44 =	vadd.f32 $9.999999930e-09, v44  }
0x292: {  	vm5 =	veq.s32 v51, v15;
	v60 =	vsub.f32 v60, v59;
	v46 =	vmul.f32 v62, v54  }
0x293: {  	v53 =	vld [tilespmem:$0x2B60];
	v18 =	vmax.f32 v18, v57;
	vm3 =	vmand vm3, vm4;
	vm4 =	veq.s32 v43, v14  }
0x294: {  	v49 =	vld [tilespmem:$0x2A50];
	vm0 =	vgt.f32 v45, $3.000000120e-01;
	(erf) = vrcp.f32 v44;
	v19 =	vmin.f32 v19, v55  }
0x295: {  	v18 =	vsub.f32 v17, v18;
	vm2 =	vmor vm4, vm3;
	vm3 =	veq.s32 v47, v14  }
0x296: {  	v51 =	vmax.f32 v60, $0.0e+00;
	v19 =	vsub.f32 v19, v20;
	v20 =	vsub.f32 v55, v52  }
0x297: {  	v56 =	vld [tilespmem:$0x2B70];
	v55 =	vsub.f32 v61, v57;
	v46 =	vadd.f32 v46, v21;
	vm0 =	vmand vm5, vm0  }
0x298: {  	v59 =	vld [tilespmem:$0x2A70];
	v44 =	vmul.f32 v51, v63;
	v17 =	vsel vm2, $0xBF800000, v53;
	v18 =	vmax.f32 v18, $0.0e+00  }
0x299: {  	v45 =	vld [tilespmem:$0x2A40];
	vm0 =	vmor vm3, vm0;
	vm3 =	vlt.s32 v43, v38;
	v61 =	vshra.s32 v49, $0xD  }
0x29a: {  	vm1 =	vgt.f32 v17, v36;
	v20 =	vmul.f32 v55, v20;
	v19 =	vmax.f32 v19, $0.0e+00  }
0x29b: {  	vm2 =	veq.f32 v17, v36;
	v46 =	vsub.f32 v46, v44;
	v19 =	vmul.f32 v18, v19  }
0x29c: {  	v18 =	vsel vm0, $0xBF800000, v56;
	vm0 =	vmand vm3, vm2;
	v20 =	vadd.f32 v20, v21  }
0x29d: {  	vm3 =	vlt.s32 v47, v39;
	v63 =	vshra.s32 v59, $0xD;
	v21 =	vadd.f32 $9.999999930e-09, v46  }
0x29e: {  	vm2 =	veq.f32 v18, v34;
	v58 =	vshra.s32 v45, $0xD;
	v20 =	vsub.f32 v20, v19  }
0x29f: {  	vm0 =	vmor vm1, vm0;
	vm1 =	vgt.f32 v18, v34;
	v57 =	vpop (erf);
	(erf) = vrcp.f32 v21;
	v21 =	vld [tilespmem:$0x2A60]  }
0x2a0: {  	vm4 =	veq.s32 v58, v15;
	v46 =	vmul.f32 v57, v48;
	v20 =	vadd.f32 $9.999999930e-09, v20  }
0x2a1: {  	vm2 =	vmand vm3, vm2;
	vm3 =	veq.s32 v45, v14;
	v36 =	vsel vm0, v17, v36  }
0x2a2: {  	vm2 =	vmor vm1, vm2;
	vm1 =	vgt.f32 v46, $3.000000120e-01;
	v60 =	vpop (erf);
	(erf) = vrcp.f32 v20;
	v20 =	vld [tilespmem:$0x2B80]  }
0x2a3: {  	v53 =	vld [tilespmem:$0x2B90];
	vm1 =	vmand vm4, vm1;
	v46 =	vmul.f32 v60, v50;
	vm4 =	veq.s32 v61, v15  }
0x2a4: {  	vm3 =	vmor vm3, vm1;
	vm1 =	veq.s32 v63, v15;
	v62 =	vshra.s32 v21, $0xD  }
0x2a5: {  	vm5 =	veq.s32 v62, v15;
	v15 =	vsel vm0, v43, v38;
	vm0 =	vgt.f32 v46, $3.000000120e-01  }
0x2a6: {  	v52 =	vsel vm2, v47, v39;
	vm0 =	vmand vm4, vm0;
	vm4 =	veq.s32 v49, v14  }
0x2a7: {  	v34 =	vsel vm2, v18, v34;
	v20 =	vsel vm3, $0xBF800000, v20;
	vm4 =	vmor vm4, vm0  }
0x2a8: {  	vm3 =	vlt.s32 v45, v41;
	v54 =	vpop (erf);
	vm2 =	veq.f32 v20, v37;
	v39 =	vsel vm4, $0xBF800000, v53  }
0x2a9: {  	v55 =	vld [tilespmem:$0x2BA0];
	v43 =	vmul.f32 v54, v44;
	vm2 =	vmand vm3, vm2;
	vm3 =	vgt.f32 v20, v37  }
0x2aa: {  	vm4 =	vlt.s32 v49, v42;
	vm0 =	vmor vm3, vm2;
	vm3 =	veq.f32 v39, v40  }
0x2ab: {  	vm2 =	vgt.f32 v43, $3.000000120e-01;
	v56 =	vpop (erf);
	vm3 =	vmand vm4, vm3  }
0x2ac: {  	vm4 =	veq.s32 v21, v14;
	v19 =	vmul.f32 v56, v19;
	vm2 =	vmand vm5, vm2  }
0x2ad: {  	v57 =	vld [tilespmem:$0x2BB0];
	v41 =	vsel vm0, v45, v41;
	vm2 =	vmor vm4, vm2;
	vm4 =	veq.s32 v59, v14  }
0x2ae: {  	vm5 =	vgt.f32 v19, $3.000000120e-01;
	v14 =	vsel vm2, $0xBF800000, v55;
	vm2 =	vgt.f32 v39, v40  }
0x2af: {  	v37 =	vsel vm0, v20, v37;
	vm1 =	vmand vm1, vm5;
	vm2 =	vmor vm2, vm3  }
0x2b0: {  	vm3 =	vgt.f32 v14, v36;
	vm5 =	vlt.s32 v21, v15;
	vm1 =	vmor vm4, vm1  }
0x2b1: {  	vm4 =	veq.f32 v14, v36;
	v42 =	vsel vm2, v49, v42;
	v58 =	vsel vm2, v39, v40  }
0x2b2: {  	v19 =	vsel vm1, $0xBF800000, v57;
	vm1 =	vmand vm5, vm4;
	vm5 =	vlt.s32 v59, v52  }
0x2b3: {  	vm0 =	vgt.f32 v58, v37;
	vm2 =	vlt.s32 v42, v41;
	vm4 =	veq.f32 v19, v34  }
0x2b4: {  	vm1 =	vmor vm3, vm1;
	vm3 =	vmand vm5, vm4;
	vm4 =	vgt.f32 v19, v34  }
0x2b5: {  	v15 =	vsel vm1, v21, v15;
	v36 =	vsel vm1, v14, v36;
	vm3 =	vmor vm4, vm3  }
0x2b6: {  	vm1 =	veq.f32 v58, v37;
	v21 =	vsel vm3, v59, v52;
	v34 =	vsel vm3, v19, v34  }
0x2b7: {  	vm1 =	vmand vm1, vm2;
	vm2 =	veq.f32 v34, v36;
	vm3 =	vlt.s32 v21, v15  }
0x2b8: {  	vm0 =	vmor vm0, vm1;
	vm1 =	vmand vm2, vm3;
	vm2 =	vgt.f32 v34, v36  }
0x2b9: {  	v37 =	vsel vm0, v58, v37;
	vm1 =	vmor vm2, vm1  }
0x2ba: {  	v59 =	vsel vm0, v42, v41;
	v34 =	vsel vm1, v34, v36;
	v15 =	vsel vm1, v21, v15  }
0x2bb: {  	vm0 =	veq.f32 v34, v37;
	vm1 =	vlt.s32 v15, v59  }
0x2bc: {  	vm0 =	vmand vm0, vm1;
	vm1 =	vgt.f32 v34, v37  }
0x2bd: {  	vm0 =	vmor vm1, vm0  }
0x2be: {  	v21 =	vsel vm0, v34, v37  }
0x2bf: {  	(xrf0) =	vmax.scan.msk.f32 $0xffff, v21;
	_ =	sdelay $0x5  }
0x2c0: {  	v60, _, _ =	vpop (xrf0)  }
0x2c1: {  	v34 =	vbroadcast v60, $0xF  }
0x2c2: {  	v15 =	vsel vm0, v15, v59  }
0x2c3: {  	v15 =	vxor.u32 $0x80000000, v15;
	vm0 =	veq.f32 v21, v34  }
0x2c4: {  	v15 =	vnsel vm0, $0x90000000, v15  }
0x2c5: {  	(xrf0) =	vmin.scan.msk.u32 $0xffff, v15;
	_ =	sdelay $0x5  }
0x2c6: {  	v15, _, _ =	vpop (xrf0)  }
0x2c7: {  	(v2sf) =	vpush v15, $0xF;
	_ =	sdelay $0x4  }
0x2c8: {  	[tilespmem:$0x2A80] =	vst v16  }
0x2c9: {  	[tilespmem:$0x2A90] =	vst v22  }
0x2ca: {  	[tilespmem:$0x2AA0] =	vst v23  }
0x2cb: {  	[tilespmem:$0x2AB0] =	vst v24  }
0x2cc: {  	[tilespmem:$0x2AC0] =	vst v25  }
0x2cd: {  	[tilespmem:$0x2AD0] =	vst v26  }
0x2ce: {  	[tilespmem:$0x2AE0] =	vst v27  }
0x2cf: {  	[tilespmem:$0x2AF0] =	vst v28  }
0x2d0: {  	[tilespmem:$0x2B00] =	vst v29  }
0x2d1: {  	[tilespmem:$0x2B10] =	vst v30  }
0x2d2: {  	[tilespmem:$0x2B20] =	vst v31;
	s2 =	spop (v2sf)  }
0x2d3: {  	[tilespmem:$0x2B30] =	vst v32;
	s2 =	sxor.u32 $0x80000000, s2  }
0x2d4: {  	[tilespmem:$0x2B40] =	vst v33;
	v15 =	vmov s2  }
0x2d5: {  	[tilespmem:$0x2B50] =	vst v35;
	v16 =	vand.u32 $0x1FF8, v15  }
0x2d6: {  	[tilespmem:$0x2B60] =	vst v17;
	v17 =	vand.u32 $0x7, v15;
	v16 =	vsub.s32 v16, v1  }
0x2d7: {  	[tilespmem:$0x2B70] =	vst v18;
	v16 =	vor.u32 v17, v16  }
0x2d8: {  	[tilespmem:$0x2B80] =	vst v20  }
0x2d9: {  	[tilespmem:$0x2B90] =	vst v39  }
0x2da: {  	[tilespmem:$0x2BA0] =	vst v14  }
0x2db: {  	[tilespmem:$0x2BB0] =	vst v19  }
0x2dc: {  	v14 =	vld.idx.msk [tilespmem:v16+s13+$0x0], $0xffff  }
0x2dd: {  	v17 =	vld.idx.msk [tilespmem:v16+s14+$0x0], $0xffff  }
0x2de: {  	v18 =	vld.idx.msk [tilespmem:v16+s12+$0x0], $0xffff  }
0x2df: {  	v16 =	vld.idx.msk [tilespmem:v16+s11+$0x0], $0xffff;
	_ =	sdelay $0x2  }
0x2e0: {  	v14 =	vsel vm6, v17, v14  }
0x2e1: {  	v14 =	vsel vm7, v14, v18  }
0x2e2: {  	v17 =	vadd.f32 $0.0e+00, v34;
	v14 =	vsel vm9, v14, v16  }
0x2e3: {  	s24 =	sand.u32 $0x100, s19;
	v14 =	vsel vm11, v14, v15  }
0x2e4: {  	s2 =	sadd.s32 s24, s1;
	v14 =	vsel vm10, v17, v14  }
0x2e5: {  	s21 =	sadd.s32 s9, s2;
	[tilespmem:$0x4130] =	vst v14  }
0x2e6: {  	[spmem:s21] =	stream.linear.scatter [tilespmem:s15], [sflag:$0x2], $0x10, $0x38;
	[tilespmem:$0x4260] =	vst v63  }
0x2e7: {  	_ =	swait.ge [sflag:s16], $0x10  }
0x2e8: {  	[sflag:s16] =	ssyncset.done $0x0  }
0x2e9: {  	[sflag:s16] =	ssyncadd.s32 $0xFFFFFFF0  }
0x2ea: {  	[bflag:$0x0] =	sbarrier.arrive $0xFFFF  }
0x2eb: {  	[tilespmem:s17], [sflag:$0x2] =	stream.linear.gather [spmem:s2], $0x100, $0x38;
	[tilespmem:$0x4260] =	vst v63  }
0x2ec: {  	_ =	swait.ge [sflag:s16], $0x100  }
0x2ed: {  	[sflag:s16] =	ssyncset.done $0x0  }
0x2ee: {  	[sflag:s16] =	ssyncadd.s32 $0xFFFFFF00  }
0x2ef: {  	v14 =	vld.idx.msk [tilespmem:v6+s17+$0x0], $0xffff;
	_ =	sdelay $0x4  }
0x2f0: {  	(xrf0) =	vmax.scan.msk.f32 $0xffff, v14;
	_ =	sdelay $0x3  }
0x2f1: {  	v15 =	vld.idx.msk [tilespmem:v7+s17+$0x0], $0xffff;
	_ =	sdelay $0x1  }
0x2f2: {  	v16, _, _ =	vpop (xrf0)  }
0x2f3: {  	v16 =	vbroadcast v16, $0xF;
	_ =	sdelay $0x1  }
0x2f4: {  	vm0 =	veq.f32 v14, v16;
	v14 =	vxor.u32 $0x80000000, v15  }
0x2f5: {  	v14 =	vnsel vm0, $0x90000000, v14  }
0x2f6: {  	(xrf0) =	vmin.scan.msk.u32 $0xffff, v14;
	_ =	sdelay $0x5  }
0x2f7: {  	v14, _, _ =	vpop (xrf0)  }
0x2f8: {  	(v2sf) =	vpush v14, $0xF;
	_ =	sdelay $0xe  }
0x2f9: {  	s25 =	spop (v2sf)  }
0x2fa: {  	s2 =	sxor.u32 $0x80000000, s25  }
0x2fb: {  	v14 =	vmov s2  }
0x2fc: {  	vm0 =	veq.s32 v14, v15  }
0x2fd: {  	v15 =	vmctz.xlane vm0;
	_ =	sdelay $0x1  }
0x2fe: {  	v15 =	vshll.u32 v15, $0x4  }
0x2ff: {  	v17 =	vor.u32 $0x2, v15  }
0x300: {  	v18 =	vor.u32 $0x3, v15  }
0x301: {  	v19 =	vor.u32 $0x4, v15  }
0x302: {  	v15 =	vor.u32 $0x5, v15;
	_ =	sdelay $0x1  }
0x303: {  	v20 =	vld.idx.msk [tilespmem:v17+s17+$0x0], $0xffff  }
0x304: {  	v18 =	vld.idx.msk [tilespmem:v18+s17+$0x0], $0xffff  }
0x305: {  	v19 =	vld.idx.msk [tilespmem:v19+s17+$0x0], $0xffff  }
0x306: {  	v17 =	vld.idx.msk [tilespmem:v15+s17+$0x0], $0xffff;
	_ =	sdelay $0x1  }
0x307: {  	v15 =	vshra.s32 v14, $0xD  }
0x308: {  	v21 =	vcvt.s32.f32 v15  }
0x309: {  	v61 =	vadd.f32 $0.0e+00, v16;
	v22 =	vmul.f32 v8, v20;
	v23 =	vmul.f32 v9, v18  }
0x30a: {  	v62 =	vmul.f32 v10, v19;
	v63 =	vmul.f32 v11, v17  }
0x30b: {  	v24 =	vmul.f32 v12, v61  }
0x30c: {  	v21 =	vmul.f32 v13, v21;
	v22 =	vadd.f32 v23, v22;
	v23 =	vadd.f32 v63, v62;
	_ =	sdelay $0x1  }
0x30d: {  	v21 =	vadd.f32 v21, v24;
	v22 =	vadd.f32 v23, v22  }
0x30e: {  	vm0 =	vgt.f32 v16, $0.0e+00;
	v16 =	vsel vm12, $0x3F800000, v2;
	v23 =	vand.u32 $0x1FFF, v14  }
0x30f: {  	v16 =	vsel vm13, $0x3F800000, v16;
	v23 =	vadd.s32 v0, v23;
	v21 =	vadd.f32 v21, v22  }
0x310: {  	v16 =	vsel vm14, $0x3F800000, v16;
	v22 =	vsel vm0, $0x3F800000, v2;
	v23 =	vcvt.s32.f32 v23  }
0x311: {  	v16 =	vmul.f32 v16, v22;
	v21 =	vmul.f32 v21, v22;
	v22 =	vsel vm8, $0x3F800000, v2  }
0x312: {  	p1 =	sne.s32 s19, $0x6300;
	v22 =	vmul.f32 v22, v23  }
.Ltmp2:
0x313: {  	v16 =	vadd.f32 v21, v16;
	v21 =	vsel vm8, $0x46200000, v2;
	(pc) =	sbr.rel @p1 .LBB2_6-.Ltmp2, $3  }
0x314: {  	v21 =	vsel vm0, v22, v21;
	v22 =	vsub.f32 v17, v18  }
0x315: {  	v16 =	vadd.f32 v16, v21;
	v21 =	vsub.f32 v19, v20;
	_ =	sdelay $0x1  }
0x316: {  	s19 =	sadd.s32 $0x100, s19;
	[tilespmem:s20+$0x0] =	vst v16;
	v21 =	vmul.f32 v22, v21;
	s20 =	sadd.s32 $0x10, s20  }
0x317: {  	v14 =	vlaneseq.u32 @!p0  }
0x318: {  	v14 =	vmul.u32 @!p0 $0x10, v14;
	_ =	sdelay $0x1  }
0x319: {  	v15 =	vor.u32 @!p0 $0x9, v14;
	_ =	sdelay $0x3  }
0x31a: {  	s2 =	simm.s32 @!p0 $0x2BC0  }
0x31b: {  	v15 =	vld.idx.msk @!p0 [tilespmem:v15+s2+$0x0], $0xffff;
	_ =	sdelay $0x3  }
0x31c: {  	v16 =	vor.u32 @!p0 $0x109, v14  }
0x31d: {  	v15 =	vtrunc.f32 @!p0 v15  }
0x31e: {  	v15 =	vcvt.f32.s32 @!p0 v15;
	_ =	sdelay $0x1  }
0x31f: {  	[tilespmem:$0x40C0] =	vst @!p0 v15  }
0x320: {  	v15 =	vld.idx.msk @!p0 [tilespmem:v16+s2+$0x0], $0xffff;
	_ =	sdelay $0x3  }
0x321: {  	v16 =	vor.u32 @!p0 $0x209, v14  }
0x322: {  	v15 =	vtrunc.f32 @!p0 v15  }
0x323: {  	v15 =	vcvt.f32.s32 @!p0 v15;
	_ =	sdelay $0x1  }
0x324: {  	[tilespmem:$0x40D0] =	vst @!p0 v15  }
0x325: {  	v15 =	vld.idx.msk @!p0 [tilespmem:v16+s2+$0x0], $0xffff;
	_ =	sdelay $0x3  }
0x326: {  	v16 =	vor.u32 @!p0 $0x309, v14  }
0x327: {  	v15 =	vtrunc.f32 @!p0 v15  }
0x328: {  	v15 =	vcvt.f32.s32 @!p0 v15;
	_ =	sdelay $0x1  }
0x329: {  	[tilespmem:$0x40E0] =	vst @!p0 v15  }
0x32a: {  	v15 =	vld.idx.msk @!p0 [tilespmem:v16+s2+$0x0], $0xffff;
	_ =	sdelay $0x3  }
0x32b: {  	v16 =	vor.u32 @!p0 $0x409, v14  }
0x32c: {  	v15 =	vtrunc.f32 @!p0 v15  }
0x32d: {  	v15 =	vcvt.f32.s32 @!p0 v15;
	_ =	sdelay $0x1  }
0x32e: {  	[tilespmem:$0x40F0] =	vst @!p0 v15  }
0x32f: {  	v15 =	vld.idx.msk @!p0 [tilespmem:v16+s2+$0x0], $0xffff;
	_ =	sdelay $0x3  }
0x330: {  	v16 =	vor.u32 @!p0 $0x509, v14  }
0x331: {  	v15 =	vtrunc.f32 @!p0 v15  }
0x332: {  	v15 =	vcvt.f32.s32 @!p0 v15;
	_ =	sdelay $0x1  }
0x333: {  	[tilespmem:$0x4100] =	vst @!p0 v15  }
0x334: {  	v15 =	vld.idx.msk @!p0 [tilespmem:v16+s2+$0x0], $0xffff;
	_ =	sdelay $0x3  }
0x335: {  	v14 =	vor.u32 @!p0 $0x609, v14  }
0x336: {  	v15 =	vtrunc.f32 @!p0 v15  }
0x337: {  	v15 =	vcvt.f32.s32 @!p0 v15;
	_ =	sdelay $0x1  }
0x338: {  	[tilespmem:$0x4110] =	vst @!p0 v15  }
0x339: {  	v14 =	vld.idx.msk @!p0 [tilespmem:v14+s2+$0x0], $0xffff;
	_ =	sdelay $0x4  }
0x33a: {  	v14 =	vtrunc.f32 @!p0 v14  }
0x33b: {  	v14 =	vcvt.f32.s32 @!p0 v14  }
0x33c: {  	s19 =	simm.s32 @!p0 $0x70  }
0x33d: {  	s20 =	simm.s32 @!p0 $0x40C0;
	s21 =	simm.s32 @!p0 $0x32C0;
	s22 =	rddreg [dreg:$0x4];
	[tilespmem:$0x4120] =	vst @!p0 v14  }
0x33e: {  	[tilespmem:s21], [sflag:$0x1] =	stream.indirect.gather @!p0 [hbm4b:s22+s19], $0x20, s20, s19, $0xb8;
	[tilespmem:$0x4260] =	vst v63  }
0x33f: {  	s19 =	simm.s32 @!p0 $0x1  }
0x340: {  	_ =	swait.ge @!p0 [sflag:s19], $0xE00  }
0x341: {  	[sflag:s19] =	ssyncset.done @!p0 $0x0  }
0x342: {  	s20 =	rddreg [dreg:$0x13];
	[sflag:s19] =	ssyncadd.s32 @!p0 $0xFFFFF200;
	s19 =	simm.s32 @!p0 $0x0  }
0x343: {  	[hbm4b:s20+s19] =	stream.linear.scatter @!p0 [tilespmem:s2], [sflag:$0x2], $0x700, $0x38;
	[tilespmem:$0x4260] =	vst v63  }
0x344: {  	s2 =	simm.s32 @!p0 $0x2  }
0x345: {  	s18 =	sadd.s32 $0x1, s18;
	_ =	swait.ge @!p0 [sflag:s2], $0x700  }
0x346: {  	p1 =	sne.s32 s18, s8;
	[sflag:s2] =	ssyncset.done @!p0 $0x0  }
.Ltmp3:
0x347: {  	[sflag:s2] =	ssyncadd.s32 @!p0 $0xFFFFF900;
	(pc) =	sbr.rel @p1 .LBB2_1-.Ltmp3, $4  }
0x348: {  	[hbm4b:s7+s19] =	stream.linear.scatter @!p0 [tilespmem:s21], [sflag:$0x2], $0xE00, $0x38;
	[tilespmem:$0x4260] =	vst v63  }
0x349: {  	_ =	swait.ge @!p0 [sflag:s2], $0xE00  }
0x34a: {  	[sflag:s2] =	ssyncset.done @!p0 $0x0  }
0x34b: {  	[sflag:s2] =	ssyncadd.s32 @!p0 $0xFFFFF200  }
0x34c: {  	_ =	sfence.sel $0x180000  }
0x34d: {  	[bflag:$0x0] =	sbarrier.arrive $0xFFFF  }
0x34e: {  	_ =	strace $0x90000047  }
0x34f: {  	[bflag:$0x2] =	sbarrier.arrive $0xFFFF  }
0x350: {  	s0 =	rddreg [dreg:$0x3]  }
0x351: {  	s0 =	sadd.s32 @!p0 $0x100000, s0  }
0x352: {  	[sflag:s0] =	ssyncadd.tile.s32 @!p0 $0x1;
	_ =	shalt  }
.Lfunc_end2:
_tile_overlayer_lowered:
.L_overlay_start_2:
0x353: {  	(tag) =	ssettag $0x2  }
0x354: {  	s0 =	rddreg [dreg:$0x0];
	s2 =	stileid.u32  }
0x355: {  	s1 =	rddreg [dreg:$0x1];
	p0 =	sne.s32 s2, $0x0  }
0x356: {  	s3 =	rddreg [dreg:$0x2];
	[bflag:$0x3] =	sbarrier.arrive $0xFFFF;
	s2 =	simm.s32 @!p0 $0x1C02  }
0x357: {  	[timem:s3], [sflag:s2] =	dma.local @!p0 [hbm:s0], s1  }
0x358: {  	s0 =	simm.s32 @!p0 $0x2  }
0x359: {  	_ =	swait.ge @!p0 [sflag:s0], s1  }
0x35a: {  	s1 =	ssub.s32 @!p0 $0x0, s1;
	[sflag:s0] =	ssyncset.done @!p0 $0x0  }
0x35b: {  	[sflag:s0] =	ssyncadd.s32 @!p0 s1  }
0x35c: {  	[bflag:$0x3] =	sbarrier.arrive $0xFFFF  }
0x35d: {  	_ =	shalt  }

</sc_bundles>
